<compile_context>
chip_gen: v7x
topology: tpu7x:2x2x1
jax: 0.10.2.dev20260603
libtpu: 0.0.44.dev20260713+nightly
codegen_flags: <defaults>
</compile_context>

<pallas_src>
import functools

import jax
import jax.numpy as jnp
from jax import lax
from jax.experimental import pallas as pl
from jax.experimental.pallas import tpu as pltpu
from jax.experimental.pallas import tpu_sc as plsc

K = 5
DIST_THRESH = 0.1
N = 8192
D = 256
E = 128
KPAD = 8

SC_NC = 2
SC_NS = 16
SC_NW = SC_NC * SC_NS
QW = N // SC_NW



def _bf16(x):
    return x.astype(jnp.bfloat16)


def _embed_body(f_ref, w1_ref, b1_ref, w2_ref, b2_ref, out_ref):
    f = f_ref[0]
    h = lax.dot_general(_bf16(f), _bf16(w1_ref[...]), (((1,), (0,)), ((), ())),
                        preferred_element_type=jnp.float32)
    h = jnp.maximum(h + b1_ref[...], 0.0)
    a = lax.dot_general(_bf16(h), _bf16(w2_ref[...]), (((1,), (0,)), ((), ())),
                        preferred_element_type=jnp.float32)
    a = a + b2_ref[...]
    nrm = jnp.sqrt(jnp.sum(a * a, axis=-1, keepdims=True))
    a = a / (nrm + 1e-8)
    out_ref[0] = _bf16(a).astype(jnp.float32)


def _embed_call(feats):
    G = feats.shape[0]
    R = 512
    def run(f, w1, b1, w2, b2):
        return pl.pallas_call(
            _embed_body,
            grid=(G, N // R),
            in_specs=[
                pl.BlockSpec((1, R, D), lambda g, i: (g, i, 0)),
                pl.BlockSpec((D, E), lambda g, i: (0, 0)),
                pl.BlockSpec((1, E), lambda g, i: (0, 0)),
                pl.BlockSpec((E, E), lambda g, i: (0, 0)),
                pl.BlockSpec((1, E), lambda g, i: (0, 0)),
            ],
            out_specs=pl.BlockSpec((1, R, E), lambda g, i: (g, i, 0)),
            out_shape=jax.ShapeDtypeStruct((G, N, E), jnp.float32),
        )(f, w1, b1, w2, b2)
    return run



_TOP5_Q = 512


def _top5_body(x_ref, yT_ref, d_ref, i_ref):
    x = x_ref[0]
    y = yT_ref[0]
    x0 = x[:, 0:1]; x1 = x[:, 1:2]; x2 = x[:, 2:3]
    sx = (x0 * x0 + x1 * x1) + x2 * x2
    y0 = y[0:1, :]; y1 = y[1:2, :]; y2 = y[2:3, :]
    sy = (y0 * y0 + y1 * y1) + y2 * y2
    cross = lax.dot_general(_bf16(x), _bf16(y), (((1,), (0,)), ((), ())),
                            preferred_element_type=jnp.float32)
    d2 = (sx - 2.0 * cross) + sy
    key = jnp.maximum(d2, 0.0)
    Q = key.shape[0]
    NB = N // 128
    lane = lax.broadcasted_iota(jnp.int32, (Q, 128), 1)
    vals = [key[:, c * 128:(c + 1) * 128] for c in range(NB)]
    lt0 = [vals[2 * c + 1] < vals[2 * c] for c in range(NB // 2)]
    idxs = [jnp.where(lt0[c], 2 * c + 1, 2 * c) for c in range(NB // 2)]
    vals = [jnp.where(lt0[c], vals[2 * c + 1], vals[2 * c])
            for c in range(NB // 2)]
    while len(vals) > 1:
        nv, ni = [], []
        for a in range(0, len(vals), 2):
            lt = vals[a + 1] < vals[a]
            nv.append(jnp.where(lt, vals[a + 1], vals[a]))
            ni.append(jnp.where(lt, idxs[a + 1], idxs[a]))
        vals, idxs = nv, ni
    M = vals[0]
    J = idxs[0] * 128 + lane
    clss = []
    for k in range(K):
        m = jnp.min(M, axis=1, keepdims=True)
        jm = jnp.min(jnp.where(M == m, J, N), axis=1, keepdims=True)
        clss.append(jnp.bitwise_and(jm, 127))
        if k + 1 < K:
            M = jnp.where(J == jm, jnp.inf, M)
    lanemod8 = jnp.bitwise_and(lane, 7)
    cls128 = jnp.broadcast_to(clss[0], (Q, 128))
    for k in range(1, K):
        cls128 = jnp.where(lanemod8 == k, jnp.broadcast_to(clss[k], (Q, 128)),
                           cls128)
    padmask = lanemod8 >= K
    groupbase = jnp.bitwise_and(lane, 127 - 7) * 16
    NW_B = NB // 16
    Ws = []
    jcs = []
    for w in range(NW_B):
        W = None
        for g in range(16):
            c = w * 16 + g
            gat = jnp.take_along_axis(key[:, c * 128:(c + 1) * 128], cls128,
                                      axis=1)
            if W is None:
                W = gat
            else:
                W = jnp.where(jnp.bitwise_and(lane, 127 - 7) == g * 8, gat, W)
        Ws.append(jnp.where(padmask, jnp.inf, W))
        jcs.append(cls128 + (groupbase + w * 2048))
    work = jnp.concatenate(Ws, axis=1)
    jc = jnp.concatenate(jcs, axis=1)
    ms = []
    js = []
    for k in range(K):
        m = jnp.min(work, axis=1, keepdims=True)
        j = jnp.min(jnp.where(work == m, jc, N), axis=1, keepdims=True)
        ms.append(m)
        js.append(j)
        if k + 1 < K:
            work = jnp.where(jc == j, jnp.inf, work)
    d5 = jnp.concatenate(ms + [ms[-1]] * (KPAD - K), axis=1)
    j5 = jnp.concatenate(js + [js[-1]] * (KPAD - K), axis=1)
    d_ref[0] = jnp.sqrt(d5)
    i_ref[0] = j5


def _top5_call(xyz_t, xyz_t1T):
    B = xyz_t.shape[0]
    Q = _TOP5_Q
    return pl.pallas_call(
        _top5_body,
        grid=(B, N // Q),
        in_specs=[
            pl.BlockSpec((1, Q, 3), lambda b, i: (b, i, 0)),
            pl.BlockSpec((1, 3, N), lambda b, i: (b, 0, 0)),
        ],
        out_specs=[
            pl.BlockSpec((1, Q, KPAD), lambda b, i: (b, i, 0)),
            pl.BlockSpec((1, Q, KPAD), lambda b, i: (b, i, 0)),
        ],
        out_shape=[
            jax.ShapeDtypeStruct((B, N, KPAD), jnp.float32),
            jax.ShapeDtypeStruct((B, N, KPAD), jnp.int32),
        ],
    )(xyz_t, xyz_t1T)



def _sc_rescore_body(at_hbm, at1_hbm, knni_hbm, knnd_hbm, xyzt_hbm, xyz1_hbm,
                     idx_out, conf_out, sel_out, vel_out,
                     at_v, cand0_v, cand1_v, idxf_v, knndf_v,
                     idxk0, idxk1, idxk2, idxk3, idxk4, gidx_v,
                     sims0, sims1, sims2, sims3, sims4,
                     bi_v, conf_v, g0_v, g1_v, vel_v, sem0, sem1):
    idxk = (idxk0, idxk1, idxk2, idxk3, idxk4)
    sims = (sims0, sims1, sims2, sims3, sims4)
    cands = (cand0_v, cand1_v)
    sems = (sem0, sem1)
    wid = lax.axis_index("s") * SC_NC + lax.axis_index("c")
    iota16 = lax.iota(jnp.int32, 16)
    base = wid * QW
    pltpu.sync_copy(knni_hbm.at[pl.ds(base * KPAD, QW * KPAD)], idxf_v)
    pltpu.sync_copy(knnd_hbm.at[pl.ds(base * KPAD, QW * KPAD)], knndf_v)
    pltpu.sync_copy(at_hbm.at[pl.ds(base, QW)], at_v)

    def _build(c, carry):
        q16 = c * 16 + iota16
        for k in range(K):
            col = plsc.load_gather(idxf_v, [q16 * KPAD + k])
            idxk[k][pl.ds(c * 16, 16)] = col
        return carry
    lax.fori_loop(0, QW // 16, _build, 0)

    pltpu.async_copy(at1_hbm.at[idxk0], cand0_v, sem0)
    for k in range(K):
        cand_v = cands[k % 2]
        pltpu.make_async_copy(at1_hbm.at[idxk[k]], cand_v, sems[k % 2]).wait()
        if k + 1 < K:
            pltpu.async_copy(at1_hbm.at[idxk[k + 1]], cands[(k + 1) % 2],
                             sems[(k + 1) % 2])

        def _dot(i, carry, _k=k, _cand=cand_v):
            for q in (2 * i, 2 * i + 1):
                acc = at_v[q, pl.ds(0, 16)] * _cand[q, pl.ds(0, 16)]
                for c in range(1, E // 16):
                    acc = acc + (at_v[q, pl.ds(c * 16, 16)]
                                 * _cand[q, pl.ds(c * 16, 16)])
                s = jnp.sum(acc)
                plsc.store_scatter(sims[_k], [jnp.broadcast_to(q, (16,))],
                                   jnp.broadcast_to(s, (16,)),
                                   mask=iota16 == lax.rem(q, 16))
            return carry
        lax.fori_loop(0, QW // 2, _dot, 0)

    def _pick(c, carry):
        sl = pl.ds(c * 16, 16)
        best = sims[0][sl]
        bk = jnp.zeros((16,), jnp.int32)
        for k in range(1, K):
            s = sims[k][sl]
            gt = s > best
            best = jnp.where(gt, s, best)
            bk = jnp.where(gt, jnp.full((16,), k, jnp.int32), bk)
        flat = (c * 16 + iota16) * KPAD + bk
        bi = plsc.load_gather(idxf_v, [flat])
        bd = plsc.load_gather(knndf_v, [flat])
        conf = (0.5 * best + 0.5) * jnp.exp(-bd / DIST_THRESH)
        bi_v[sl] = bi
        conf_v[sl] = conf
        gidx_v[sl] = bi
        return carry
    lax.fori_loop(0, QW // 16, _pick, 0)

    pltpu.async_copy(xyz1_hbm.at[gidx_v], g1_v, sem0).wait()
    pltpu.sync_copy(xyzt_hbm.at[pl.ds(base, QW)], g0_v)

    def _vel(q, carry):
        vel_v[q] = g1_v[q] - g0_v[q]
        return carry
    lax.fori_loop(0, QW, _vel, 0)

    pltpu.sync_copy(bi_v, idx_out.at[pl.ds(base, QW)])
    pltpu.sync_copy(conf_v, conf_out.at[pl.ds(base, QW)])
    pltpu.sync_copy(g1_v, sel_out.at[pl.ds(base, QW)])
    pltpu.sync_copy(vel_v, vel_out.at[pl.ds(base, QW)])


def _sc_rescore(a_t, a_t1, knn_i, knn_d, xyzt_pad, xyz1_pad):
    mesh = plsc.VectorSubcoreMesh(core_axis_name="c", subcore_axis_name="s")
    fn = functools.partial(
        pl.kernel,
        out_type=(
            jax.ShapeDtypeStruct((N,), jnp.int32),
            jax.ShapeDtypeStruct((N,), jnp.float32),
            jax.ShapeDtypeStruct((N, 16), jnp.float32),
            jax.ShapeDtypeStruct((N, 16), jnp.float32),
        ),
        mesh=mesh,
        compiler_params=pltpu.CompilerParams(needs_layout_passes=False,
                                             use_tc_tiling_on_sc=False),
        scratch_types=[
            pltpu.VMEM((QW, E), jnp.float32),
            pltpu.VMEM((QW, E), jnp.float32),
            pltpu.VMEM((QW, E), jnp.float32),
            pltpu.VMEM((QW * KPAD,), jnp.int32),
            pltpu.VMEM((QW * KPAD,), jnp.float32),
            pltpu.VMEM((QW,), jnp.int32),
            pltpu.VMEM((QW,), jnp.int32),
            pltpu.VMEM((QW,), jnp.int32),
            pltpu.VMEM((QW,), jnp.int32),
            pltpu.VMEM((QW,), jnp.int32),
            pltpu.VMEM((QW,), jnp.int32),
            pltpu.VMEM((QW,), jnp.float32),
            pltpu.VMEM((QW,), jnp.float32),
            pltpu.VMEM((QW,), jnp.float32),
            pltpu.VMEM((QW,), jnp.float32),
            pltpu.VMEM((QW,), jnp.float32),
            pltpu.VMEM((QW,), jnp.int32),
            pltpu.VMEM((QW,), jnp.float32),
            pltpu.VMEM((QW, 16), jnp.float32),
            pltpu.VMEM((QW, 16), jnp.float32),
            pltpu.VMEM((QW, 16), jnp.float32),
            pltpu.SemaphoreType.DMA,
            pltpu.SemaphoreType.DMA,
        ],
    )(_sc_rescore_body)
    return fn(a_t, a_t1, knn_i, knn_d, xyzt_pad, xyz1_pad)



def kernel(voxel_xyz_t, voxel_xyz_t1, appearance_features_t,
           appearance_features_t1, W1, b1, W2, b2):
    B = voxel_xyz_t.shape[0]

    run_embed = _embed_call(appearance_features_t)
    a_t = run_embed(appearance_features_t, W1, b1.reshape(1, E), W2,
                    b2.reshape(1, E))
    a_t1 = run_embed(appearance_features_t1, W1, b1.reshape(1, E), W2,
                     b2.reshape(1, E))

    xyz_t1T = jnp.transpose(voxel_xyz_t1, (0, 2, 1))
    xyzt_pad = jnp.pad(voxel_xyz_t, ((0, 0), (0, 0), (0, 13)))
    xyz1_pad = jnp.pad(voxel_xyz_t1, ((0, 0), (0, 0), (0, 13)))

    outs = []
    for b in range(B):
        knn_d, knn_i = _top5_call(voxel_xyz_t[b:b + 1], xyz_t1T[b:b + 1])
        outs.append(_sc_rescore(
            a_t[b], a_t1[b], knn_i.reshape(N * KPAD), knn_d.reshape(N * KPAD),
            xyzt_pad[b], xyz1_pad[b]))

    idx_t1 = jnp.stack([o[0] for o in outs])
    conf = jnp.stack([o[1] for o in outs])
    xyz_m_t1 = jnp.stack([o[2] for o in outs])[..., :3]
    velocities = jnp.stack([o[3] for o in outs])[..., :3]

    matched_indices_t = jnp.broadcast_to(
        jnp.arange(N, dtype=jnp.int32)[None, :], (B, N))
    trajectories = jnp.stack([voxel_xyz_t, xyz_m_t1], axis=2)
    return matched_indices_t, idx_t1, conf, trajectories, velocities

# --- scband reference (transcript-rebuilt; emitter-appended) ---
"""Pipeline reference for scband-temporal-tracker-60705067761963 (READ-ONLY COPY).

The authoritative reference and input builder live on the scoring server;
editing this copy changes nothing except your own understanding.
"""

import jax, jax.numpy as jnp
import numpy as np

K = 5
DIST_THRESH = 0.1

def _extract(f, W1, b1, W2, b2):
    h = jnp.maximum(f @ W1 + b1, 0.0)
    a = h @ W2 + b2
    return a / (jnp.linalg.norm(a, axis=-1, keepdims=True) + 1e-8)

def setup_inputs(seed: int = 0):
    key = jax.random.key(seed)
    ks = jax.random.split(key, 8)
    B, N, D = 2, 8192, 256
    return {
        "voxel_xyz_t": jax.random.uniform(ks[0], (B, N, 3), dtype=jnp.float32) * 10.0,
        "voxel_xyz_t1": jax.random.uniform(ks[1], (B, N, 3), dtype=jnp.float32) * 10.0,
        "appearance_features_t": jax.random.normal(ks[2], (B, N, D), dtype=jnp.float32),
        "appearance_features_t1": jax.random.normal(ks[3], (B, N, D), dtype=jnp.float32),
        "W1": jax.random.normal(ks[4], (D, D // 2), dtype=jnp.float32) * (1.0 / np.sqrt(D)),
        "b1": jnp.zeros((D // 2,), dtype=jnp.float32),
        "W2": jax.random.normal(ks[5], (D // 2, 128), dtype=jnp.float32) * (1.0 / np.sqrt(D // 2)),
        "b2": jnp.zeros((128,), dtype=jnp.float32),
    }

def reference(voxel_xyz_t, voxel_xyz_t1, appearance_features_t, appearance_features_t1, W1, b1, W2, b2):
    B, N, _ = voxel_xyz_t.shape

    def per_batch(xyz_t, xyz_t1, feat_t, feat_t1):
        # pairwise euclidean distances (cdist)
        d2 = (jnp.sum(xyz_t ** 2, axis=-1, keepdims=True)
              - 2.0 * (xyz_t @ xyz_t1.T)
              + jnp.sum(xyz_t1 ** 2, axis=-1)[None, :])
        dist = jnp.sqrt(jnp.maximum(d2, 0.0))
        neg_knn_d, knn_idx = jax.lax.top_k(-dist, K)
        knn_d = -neg_knn_d
        # appearance embedding + cosine similarity over kNN candidates
        a_t = _extract(feat_t, W1, b1, W2, b2)
        a_t1 = _extract(feat_t1, W1, b1, W2, b2)
        cand = a_t1[knn_idx]  # [N, K, 128]
        sim = jnp.einsum('nd,nkd->nk', a_t, cand)
        best = jnp.argmax(sim, axis=1)
        idx_t1 = jnp.take_along_axis(knn_idx, best[:, None], axis=1)[:, 0]
        best_d = jnp.take_along_axis(knn_d, best[:, None], axis=1)[:, 0]
        best_sim = jnp.take_along_axis(sim, best[:, None], axis=1)[:, 0]
        conf = (0.5 * best_sim + 0.5) * jnp.exp(-best_d / DIST_THRESH)
        return idx_t1, conf

    idx_t1, conf = jax.vmap(per_batch)(voxel_xyz_t, voxel_xyz_t1, appearance_features_t, appearance_features_t1)
    matched_indices_t = jnp.broadcast_to(jnp.arange(N, dtype=jnp.int32)[None, :], (B, N))
    xyz_m_t = voxel_xyz_t
    xyz_m_t1 = jnp.take_along_axis(voxel_xyz_t1, idx_t1[..., None], axis=1)
    trajectories = jnp.stack([xyz_m_t, xyz_m_t1], axis=2)  # [B, N, 2, 3]
    velocities = xyz_m_t1 - xyz_m_t
    return matched_indices_t, idx_t1, conf, trajectories, velocities

if __name__ == "__main__":
    import jax
    _d = setup_inputs()
    print(jax.jit(kernel)(*tuple(_d.values())))

</pallas_src>

<mosaic_0001>
#map = affine_map<(d0, d1) -> (0, 0)>
#map1 = affine_map<(d0, d1) -> (0)>
module attributes {stable_mosaic.version = 14 : i64} {
  func.func @_sc_rescore_body(%arg0: i32, %arg1: i32, %arg2: memref<8192x128xf32, #tpu.memory_space<hbm>>, %arg3: memref<8192x128xf32, #tpu.memory_space<hbm>>, %arg4: memref<65536xi32, #tpu.memory_space<hbm>>, %arg5: memref<65536xf32, #tpu.memory_space<hbm>>, %arg6: memref<8192x16xf32, #tpu.memory_space<hbm>>, %arg7: memref<8192x16xf32, #tpu.memory_space<hbm>>, %arg8: memref<8192xi32, #tpu.memory_space<hbm>>, %arg9: memref<8192xf32, #tpu.memory_space<hbm>>, %arg10: memref<8192x16xf32, #tpu.memory_space<hbm>>, %arg11: memref<8192x16xf32, #tpu.memory_space<hbm>>, %arg12: memref<256x128xf32, #tpu.memory_space<vmem>>, %arg13: memref<256x128xf32, #tpu.memory_space<vmem>>, %arg14: memref<256x128xf32, #tpu.memory_space<vmem>>, %arg15: memref<2048xi32, #tpu.memory_space<vmem>>, %arg16: memref<2048xf32, #tpu.memory_space<vmem>>, %arg17: memref<256xi32, #tpu.memory_space<vmem>>, %arg18: memref<256xi32, #tpu.memory_space<vmem>>, %arg19: memref<256xi32, #tpu.memory_space<vmem>>, %arg20: memref<256xi32, #tpu.memory_space<vmem>>, %arg21: memref<256xi32, #tpu.memory_space<vmem>>, %arg22: memref<256xi32, #tpu.memory_space<vmem>>, %arg23: memref<256xf32, #tpu.memory_space<vmem>>, %arg24: memref<256xf32, #tpu.memory_space<vmem>>, %arg25: memref<256xf32, #tpu.memory_space<vmem>>, %arg26: memref<256xf32, #tpu.memory_space<vmem>>, %arg27: memref<256xf32, #tpu.memory_space<vmem>>, %arg28: memref<256xi32, #tpu.memory_space<vmem>>, %arg29: memref<256xf32, #tpu.memory_space<vmem>>, %arg30: memref<256x16xf32, #tpu.memory_space<vmem>>, %arg31: memref<256x16xf32, #tpu.memory_space<vmem>>, %arg32: memref<256x16xf32, #tpu.memory_space<vmem>>, %arg33: memref<!tpu.dma_semaphore, #tpu.memory_space<semaphore_mem>>, %arg34: memref<!tpu.dma_semaphore, #tpu.memory_space<semaphore_mem>>) attributes {dimension_semantics = [#tpu.dimension_semantics<core_parallel>, #tpu.dimension_semantics<subcore_parallel>], iteration_bounds = array<i64: 2, 16>, scalar_prefetch = 0 : i64, scratch_operands = 23 : i64, tpu.core_type = #tpu.core_type<sc_vector_subcore>, window_params = [{transform_indices = #map}, {transform_indices = #map}, {transform_indices = #map1}, {transform_indices = #map1}, {transform_indices = #map}, {transform_indices = #map}, {transform_indices = #map1}, {transform_indices = #map1}, {transform_indices = #map}, {transform_indices = #map}]} {
    %mul3A = arith.constant 2 : i32
    %mul3A_0 = arith.muli %arg1, %mul3A : i32
    %add3A = arith.addi %mul3A_0, %arg0 : i32
    %iota3A = tpu.iota {dimensions = array<i32: 0>} : vector<16xi32>
    %mul3A_1 = arith.constant 256 : i32
    %mul3A_2 = arith.muli %add3A, %mul3A_1 : i32
    %mul3A_3 = arith.constant 8 : i32
    %mul3A_4 = arith.muli %mul3A_2, %mul3A_3 : i32
    "tpu.region"() ({
      %run_scoped3A = tpu.sem_alloc : memref<!tpu.dma_semaphore, #tpu.memory_space<semaphore_mem>>
      %dma_start3A_88 = tpu.memref_slice %arg4[%mul3A_4] : memref<65536xi32, #tpu.memory_space<hbm>> -> memref<2048xi32, #tpu.memory_space<hbm>>
      %dma_start3A_89 = tpu.memref_slice %arg4[%mul3A_4] : memref<65536xi32, #tpu.memory_space<hbm>> -> memref<2048xi32, #tpu.memory_space<hbm>>
      tpu.enqueue_dma source(%dma_start3A_89 : memref<2048xi32, #tpu.memory_space<hbm>>) target(%arg15 : memref<2048xi32, #tpu.memory_space<vmem>>) target_semaphore(%run_scoped3A : memref<!tpu.dma_semaphore, #tpu.memory_space<semaphore_mem>>)
      %dma_wait3A_90 = tpu.memref_slice %arg4[%mul3A_4] : memref<65536xi32, #tpu.memory_space<hbm>> -> memref<2048xi32, #tpu.memory_space<hbm>>
      %dma_wait3A_91 = tpu.memref_slice %arg4[%mul3A_4] : memref<65536xi32, #tpu.memory_space<hbm>> -> memref<2048xi32, #tpu.memory_space<hbm>>
      tpu.wait_dma2 semaphore(%run_scoped3A : memref<!tpu.dma_semaphore, #tpu.memory_space<semaphore_mem>>) src(%dma_wait3A_91 : memref<2048xi32, #tpu.memory_space<hbm>>) dst(%arg15 : memref<2048xi32, #tpu.memory_space<vmem>>)
      tpu.yield
    }) : () -> ()
    %mul3A_5 = arith.constant 8 : i32
    %mul3A_6 = arith.muli %mul3A_2, %mul3A_5 : i32
    "tpu.region"() ({
      %run_scoped3A = tpu.sem_alloc : memref<!tpu.dma_semaphore, #tpu.memory_space<semaphore_mem>>
      %dma_start3A_88 = tpu.memref_slice %arg5[%mul3A_6] : memref<65536xf32, #tpu.memory_space<hbm>> -> memref<2048xf32, #tpu.memory_space<hbm>>
      %dma_start3A_89 = tpu.memref_slice %arg5[%mul3A_6] : memref<65536xf32, #tpu.memory_space<hbm>> -> memref<2048xf32, #tpu.memory_space<hbm>>
      tpu.enqueue_dma source(%dma_start3A_89 : memref<2048xf32, #tpu.memory_space<hbm>>) target(%arg16 : memref<2048xf32, #tpu.memory_space<vmem>>) target_semaphore(%run_scoped3A : memref<!tpu.dma_semaphore, #tpu.memory_space<semaphore_mem>>)
      %dma_wait3A_90 = tpu.memref_slice %arg5[%mul3A_6] : memref<65536xf32, #tpu.memory_space<hbm>> -> memref<2048xf32, #tpu.memory_space<hbm>>
      %dma_wait3A_91 = tpu.memref_slice %arg5[%mul3A_6] : memref<65536xf32, #tpu.memory_space<hbm>> -> memref<2048xf32, #tpu.memory_space<hbm>>
      tpu.wait_dma2 semaphore(%run_scoped3A : memref<!tpu.dma_semaphore, #tpu.memory_space<semaphore_mem>>) src(%dma_wait3A_91 : memref<2048xf32, #tpu.memory_space<hbm>>) dst(%arg16 : memref<2048xf32, #tpu.memory_space<vmem>>)
      tpu.yield
    }) : () -> ()
    "tpu.region"() ({
      %run_scoped3A = tpu.sem_alloc : memref<!tpu.dma_semaphore, #tpu.memory_space<semaphore_mem>>
      %dma_start3A_88 = arith.constant 0 : i32
      %dma_start3A_89 = tpu.memref_slice %arg2[%mul3A_2, %dma_start3A_88] : memref<8192x128xf32, #tpu.memory_space<hbm>> -> memref<256x128xf32, #tpu.memory_space<hbm>>
      %dma_start3A_90 = arith.constant 0 : i32
      %dma_start3A_91 = tpu.memref_slice %arg2[%mul3A_2, %dma_start3A_90] : memref<8192x128xf32, #tpu.memory_space<hbm>> -> memref<256x128xf32, #tpu.memory_space<hbm>>
      tpu.enqueue_dma source(%dma_start3A_91 : memref<256x128xf32, #tpu.memory_space<hbm>>) target(%arg12 : memref<256x128xf32, #tpu.memory_space<vmem>>) target_semaphore(%run_scoped3A : memref<!tpu.dma_semaphore, #tpu.memory_space<semaphore_mem>>)
      %dma_wait3A_92 = arith.constant 0 : i32
      %dma_wait3A_93 = tpu.memref_slice %arg2[%mul3A_2, %dma_wait3A_92] : memref<8192x128xf32, #tpu.memory_space<hbm>> -> memref<256x128xf32, #tpu.memory_space<hbm>>
      %dma_wait3A_94 = arith.constant 0 : i32
      %dma_wait3A_95 = tpu.memref_slice %arg2[%mul3A_2, %dma_wait3A_94] : memref<8192x128xf32, #tpu.memory_space<hbm>> -> memref<256x128xf32, #tpu.memory_space<hbm>>
      tpu.wait_dma2 semaphore(%run_scoped3A : memref<!tpu.dma_semaphore, #tpu.memory_space<semaphore_mem>>) src(%dma_wait3A_95 : memref<256x128xf32, #tpu.memory_space<hbm>>) dst(%arg12 : memref<256x128xf32, #tpu.memory_space<vmem>>)
      tpu.yield
    }) : () -> ()
    %scan3A = arith.constant 0 : i32
    %scan3A_7 = arith.constant 0 : i32
    %scan3A_8 = arith.constant 16 : i32
    %scan3A_9 = arith.addi %scan3A_7, %scan3A_8 : i32
    %scan3A_10 = arith.constant 1 : i32
    scf.for %scan3A_88 = %scan3A_7 to %scan3A_9 step %scan3A_10  : i32 {
      %mul3A_89 = arith.constant 16 : i32
      %mul3A_90 = arith.muli %scan3A_88, %mul3A_89 : i32
      %add3A_91 = vector.broadcast %mul3A_90 : i32 to vector<16xi32>
      %add3A_92 = arith.addi %add3A_91, %iota3A : vector<16xi32>
      %mul3A_93 = arith.constant 8 : i32
      %mul3A_94 = vector.broadcast %mul3A_93 : i32 to vector<16xi32>
      %mul3A_95 = arith.muli %add3A_92, %mul3A_94 : vector<16xi32>
      %add3A_96 = arith.constant 0 : i32
      %add3A_97 = vector.broadcast %add3A_96 : i32 to vector<16xi32>
      %add3A_98 = arith.addi %mul3A_95, %add3A_97 : vector<16xi32>
      %gather3A = tpu.vector_load_idx %arg15[%add3A_98] : memref<2048xi32, #tpu.memory_space<vmem>>[vector<16xi32>], vector<16xi32>,
      %mul3A_99 = arith.constant 16 : i32
      %mul3A_100 = arith.muli %scan3A_88, %mul3A_99 : i32
      %swap3A = arith.index_cast %mul3A_100 : i32 to index
      %swap3A_101 = tpu.vector_load %arg17[%swap3A] {strides = array<i32>} : memref<256xi32, #tpu.memory_space<vmem>>, vector<16xi32>,
      tpu.vector_store %arg17[%swap3A], %gather3A {strides = array<i32>} : memref<256xi32, #tpu.memory_space<vmem>>, vector<16xi32>,
      %mul3A_102 = arith.constant 8 : i32
      %mul3A_103 = vector.broadcast %mul3A_102 : i32 to vector<16xi32>
      %mul3A_104 = arith.muli %add3A_92, %mul3A_103 : vector<16xi32>
      %add3A_105 = arith.constant 1 : i32
      %add3A_106 = vector.broadcast %add3A_105 : i32 to vector<16xi32>
      %add3A_107 = arith.addi %mul3A_104, %add3A_106 : vector<16xi32>
      %gather3A_108 = tpu.vector_load_idx %arg15[%add3A_107] : memref<2048xi32, #tpu.memory_space<vmem>>[vector<16xi32>], vector<16xi32>,
      %mul3A_109 = arith.constant 16 : i32
      %mul3A_110 = arith.muli %scan3A_88, %mul3A_109 : i32
      %swap3A_111 = arith.index_cast %mul3A_110 : i32 to index
      %swap3A_112 = tpu.vector_load %arg18[%swap3A_111] {strides = array<i32>} : memref<256xi32, #tpu.memory_space<vmem>>, vector<16xi32>,
      tpu.vector_store %arg18[%swap3A_111], %gather3A_108 {strides = array<i32>} : memref<256xi32, #tpu.memory_space<vmem>>, vector<16xi32>,
      %mul3A_113 = arith.constant 8 : i32
      %mul3A_114 = vector.broadcast %mul3A_113 : i32 to vector<16xi32>
      %mul3A_115 = arith.muli %add3A_92, %mul3A_114 : vector<16xi32>
      %add3A_116 = arith.constant 2 : i32
      %add3A_117 = vector.broadcast %add3A_116 : i32 to vector<16xi32>
      %add3A_118 = arith.addi %mul3A_115, %add3A_117 : vector<16xi32>
      %gather3A_119 = tpu.vector_load_idx %arg15[%add3A_118] : memref<2048xi32, #tpu.memory_space<vmem>>[vector<16xi32>], vector<16xi32>,
      %mul3A_120 = arith.constant 16 : i32
      %mul3A_121 = arith.muli %scan3A_88, %mul3A_120 : i32
      %swap3A_122 = arith.index_cast %mul3A_121 : i32 to index
      %swap3A_123 = tpu.vector_load %arg19[%swap3A_122] {strides = array<i32>} : memref<256xi32, #tpu.memory_space<vmem>>, vector<16xi32>,
      tpu.vector_store %arg19[%swap3A_122], %gather3A_119 {strides = array<i32>} : memref<256xi32, #tpu.memory_space<vmem>>, vector<16xi32>,
      %mul3A_124 = arith.constant 8 : i32
      %mul3A_125 = vector.broadcast %mul3A_124 : i32 to vector<16xi32>
      %mul3A_126 = arith.muli %add3A_92, %mul3A_125 : vector<16xi32>
      %add3A_127 = arith.constant 3 : i32
      %add3A_128 = vector.broadcast %add3A_127 : i32 to vector<16xi32>
      %add3A_129 = arith.addi %mul3A_126, %add3A_128 : vector<16xi32>
      %gather3A_130 = tpu.vector_load_idx %arg15[%add3A_129] : memref<2048xi32, #tpu.memory_space<vmem>>[vector<16xi32>], vector<16xi32>,
      %mul3A_131 = arith.constant 16 : i32
      %mul3A_132 = arith.muli %scan3A_88, %mul3A_131 : i32
      %swap3A_133 = arith.index_cast %mul3A_132 : i32 to index
      %swap3A_134 = tpu.vector_load %arg20[%swap3A_133] {strides = array<i32>} : memref<256xi32, #tpu.memory_space<vmem>>, vector<16xi32>,
      tpu.vector_store %arg20[%swap3A_133], %gather3A_130 {strides = array<i32>} : memref<256xi32, #tpu.memory_space<vmem>>, vector<16xi32>,
      %mul3A_135 = arith.constant 8 : i32
      %mul3A_136 = vector.broadcast %mul3A_135 : i32 to vector<16xi32>
      %mul3A_137 = arith.muli %add3A_92, %mul3A_136 : vector<16xi32>
      %add3A_138 = arith.constant 4 : i32
      %add3A_139 = vector.broadcast %add3A_138 : i32 to vector<16xi32>
      %add3A_140 = arith.addi %mul3A_137, %add3A_139 : vector<16xi32>
      %gather3A_141 = tpu.vector_load_idx %arg15[%add3A_140] : memref<2048xi32, #tpu.memory_space<vmem>>[vector<16xi32>], vector<16xi32>,
      %mul3A_142 = arith.constant 16 : i32
      %mul3A_143 = arith.muli %scan3A_88, %mul3A_142 : i32
      %swap3A_144 = arith.index_cast %mul3A_143 : i32 to index
      %swap3A_145 = tpu.vector_load %arg21[%swap3A_144] {strides = array<i32>} : memref<256xi32, #tpu.memory_space<vmem>>, vector<16xi32>,
      tpu.vector_store %arg21[%swap3A_144], %gather3A_141 {strides = array<i32>} : memref<256xi32, #tpu.memory_space<vmem>>, vector<16xi32>,
    }
    %scan3A_11 = arith.constant 16 : i32
    %dma_start3A = arith.constant 0 : i32
    %dma_start3A_12 = arith.constant 0 : i32
    %dma_start3A_13 = tpu.memref_slice %arg3[%dma_start3A, %dma_start3A_12] : memref<8192x128xf32, #tpu.memory_space<hbm>> -> memref<8192x128xf32, #tpu.memory_space<hbm>>
    tpu.enqueue_indirect_dma source(%dma_start3A_13 : memref<8192x128xf32, #tpu.memory_space<hbm>>) target(%arg13 : memref<256x128xf32, #tpu.memory_space<vmem>>) offsets(%arg17 : memref<256xi32, #tpu.memory_space<vmem>>) semaphore(%arg33 : memref<!tpu.dma_semaphore, #tpu.memory_space<semaphore_mem>>)
    %dma_wait3A = arith.constant 0 : i32
    %dma_wait3A_14 = arith.constant 0 : i32
    %dma_wait3A_15 = tpu.memref_slice %arg3[%dma_wait3A, %dma_wait3A_14] : memref<8192x128xf32, #tpu.memory_space<hbm>> -> memref<8192x128xf32, #tpu.memory_space<hbm>>
    tpu.wait_indirect_dma semaphore(%arg33 : memref<!tpu.dma_semaphore, #tpu.memory_space<semaphore_mem>>) src(%dma_wait3A_15 : memref<8192x128xf32, #tpu.memory_space<hbm>>) dst(%arg13 : memref<256x128xf32, #tpu.memory_space<vmem>>)
    %dma_start3A_16 = arith.constant 0 : i32
    %dma_start3A_17 = arith.constant 0 : i32
    %dma_start3A_18 = tpu.memref_slice %arg3[%dma_start3A_16, %dma_start3A_17] : memref<8192x128xf32, #tpu.memory_space<hbm>> -> memref<8192x128xf32, #tpu.memory_space<hbm>>
    tpu.enqueue_indirect_dma source(%dma_start3A_18 : memref<8192x128xf32, #tpu.memory_space<hbm>>) target(%arg14 : memref<256x128xf32, #tpu.memory_space<vmem>>) offsets(%arg18 : memref<256xi32, #tpu.memory_space<vmem>>) semaphore(%arg34 : memref<!tpu.dma_semaphore, #tpu.memory_space<semaphore_mem>>)
    %scan3A_19 = arith.constant 0 : i32
    %scan3A_20 = arith.constant 0 : i32
    %scan3A_21 = arith.constant 128 : i32
    %scan3A_22 = arith.addi %scan3A_20, %scan3A_21 : i32
    %scan3A_23 = arith.constant 1 : i32
    scf.for %scan3A_88 = %scan3A_20 to %scan3A_22 step %scan3A_23  : i32 {
      %mul3A_89 = arith.constant 2 : i32
      %mul3A_90 = arith.muli %mul3A_89, %scan3A_88 : i32
      %mul3A_91 = arith.constant 2 : i32
      %mul3A_92 = arith.muli %mul3A_91, %scan3A_88 : i32
      %add3A_93 = arith.constant 1 : i32
      %add3A_94 = arith.addi %mul3A_92, %add3A_93 : i32
      %get3A = arith.index_cast %mul3A_90 : i32 to index
      %get3A_95 = arith.constant 0 : index
      %get3A_96 = tpu.vector_load %arg12[%get3A, %get3A_95] {strides = array<i32>} : memref<256x128xf32, #tpu.memory_space<vmem>>, vector<16xf32>,
      %get3A_97 = arith.index_cast %mul3A_90 : i32 to index
      %get3A_98 = arith.constant 0 : index
      %get3A_99 = tpu.vector_load %arg13[%get3A_97, %get3A_98] {strides = array<i32>} : memref<256x128xf32, #tpu.memory_space<vmem>>, vector<16xf32>,
      %mul3A_100 = arith.mulf %get3A_96, %get3A_99 : vector<16xf32>
      %get3A_101 = arith.index_cast %mul3A_90 : i32 to index
      %get3A_102 = arith.constant 16 : index
      %get3A_103 = tpu.vector_load %arg12[%get3A_101, %get3A_102] {strides = array<i32>} : memref<256x128xf32, #tpu.memory_space<vmem>>, vector<16xf32>,
      %get3A_104 = arith.index_cast %mul3A_90 : i32 to index
      %get3A_105 = arith.constant 16 : index
      %get3A_106 = tpu.vector_load %arg13[%get3A_104, %get3A_105] {strides = array<i32>} : memref<256x128xf32, #tpu.memory_space<vmem>>, vector<16xf32>,
      %mul3A_107 = arith.mulf %get3A_103, %get3A_106 : vector<16xf32>
      %add3A_108 = arith.addf %mul3A_100, %mul3A_107 : vector<16xf32>
      %get3A_109 = arith.index_cast %mul3A_90 : i32 to index
      %get3A_110 = arith.constant 32 : index
      %get3A_111 = tpu.vector_load %arg12[%get3A_109, %get3A_110] {strides = array<i32>} : memref<256x128xf32, #tpu.memory_space<vmem>>, vector<16xf32>,
      %get3A_112 = arith.index_cast %mul3A_90 : i32 to index
      %get3A_113 = arith.constant 32 : index
      %get3A_114 = tpu.vector_load %arg13[%get3A_112, %get3A_113] {strides = array<i32>} : memref<256x128xf32, #tpu.memory_space<vmem>>, vector<16xf32>,
      %mul3A_115 = arith.mulf %get3A_111, %get3A_114 : vector<16xf32>
      %add3A_116 = arith.addf %add3A_108, %mul3A_115 : vector<16xf32>
      %get3A_117 = arith.index_cast %mul3A_90 : i32 to index
      %get3A_118 = arith.constant 48 : index
      %get3A_119 = tpu.vector_load %arg12[%get3A_117, %get3A_118] {strides = array<i32>} : memref<256x128xf32, #tpu.memory_space<vmem>>, vector<16xf32>,
      %get3A_120 = arith.index_cast %mul3A_90 : i32 to index
      %get3A_121 = arith.constant 48 : index
      %get3A_122 = tpu.vector_load %arg13[%get3A_120, %get3A_121] {strides = array<i32>} : memref<256x128xf32, #tpu.memory_space<vmem>>, vector<16xf32>,
      %mul3A_123 = arith.mulf %get3A_119, %get3A_122 : vector<16xf32>
      %add3A_124 = arith.addf %add3A_116, %mul3A_123 : vector<16xf32>
      %get3A_125 = arith.index_cast %mul3A_90 : i32 to index
      %get3A_126 = arith.constant 64 : index
      %get3A_127 = tpu.vector_load %arg12[%get3A_125, %get3A_126] {strides = array<i32>} : memref<256x128xf32, #tpu.memory_space<vmem>>, vector<16xf32>,
      %get3A_128 = arith.index_cast %mul3A_90 : i32 to index
      %get3A_129 = arith.constant 64 : index
      %get3A_130 = tpu.vector_load %arg13[%get3A_128, %get3A_129] {strides = array<i32>} : memref<256x128xf32, #tpu.memory_space<vmem>>, vector<16xf32>,
      %mul3A_131 = arith.mulf %get3A_127, %get3A_130 : vector<16xf32>
      %add3A_132 = arith.addf %add3A_124, %mul3A_131 : vector<16xf32>
      %get3A_133 = arith.index_cast %mul3A_90 : i32 to index
      %get3A_134 = arith.constant 80 : index
      %get3A_135 = tpu.vector_load %arg12[%get3A_133, %get3A_134] {strides = array<i32>} : memref<256x128xf32, #tpu.memory_space<vmem>>, vector<16xf32>,
      %get3A_136 = arith.index_cast %mul3A_90 : i32 to index
      %get3A_137 = arith.constant 80 : index
      %get3A_138 = tpu.vector_load %arg13[%get3A_136, %get3A_137] {strides = array<i32>} : memref<256x128xf32, #tpu.memory_space<vmem>>, vector<16xf32>,
      %mul3A_139 = arith.mulf %get3A_135, %get3A_138 : vector<16xf32>
      %add3A_140 = arith.addf %add3A_132, %mul3A_139 : vector<16xf32>
      %get3A_141 = arith.index_cast %mul3A_90 : i32 to index
      %get3A_142 = arith.constant 96 : index
      %get3A_143 = tpu.vector_load %arg12[%get3A_141, %get3A_142] {strides = array<i32>} : memref<256x128xf32, #tpu.memory_space<vmem>>, vector<16xf32>,
      %get3A_144 = arith.index_cast %mul3A_90 : i32 to index
      %get3A_145 = arith.constant 96 : index
      %get3A_146 = tpu.vector_load %arg13[%get3A_144, %get3A_145] {strides = array<i32>} : memref<256x128xf32, #tpu.memory_space<vmem>>, vector<16xf32>,
      %mul3A_147 = arith.mulf %get3A_143, %get3A_146 : vector<16xf32>
      %add3A_148 = arith.addf %add3A_140, %mul3A_147 : vector<16xf32>
      %get3A_149 = arith.index_cast %mul3A_90 : i32 to index
      %get3A_150 = arith.constant 112 : index
      %get3A_151 = tpu.vector_load %arg12[%get3A_149, %get3A_150] {strides = array<i32>} : memref<256x128xf32, #tpu.memory_space<vmem>>, vector<16xf32>,
      %get3A_152 = arith.index_cast %mul3A_90 : i32 to index
      %get3A_153 = arith.constant 112 : index
      %get3A_154 = tpu.vector_load %arg13[%get3A_152, %get3A_153] {strides = array<i32>} : memref<256x128xf32, #tpu.memory_space<vmem>>, vector<16xf32>,
      %mul3A_155 = arith.mulf %get3A_151, %get3A_154 : vector<16xf32>
      %add3A_156 = arith.addf %add3A_148, %mul3A_155 : vector<16xf32>
      %reduce_sum3A = arith.constant true
      %reduce_sum3A_157 = vector.broadcast %reduce_sum3A : i1 to vector<16xi1>
      %reduce_sum3A_158 = tpu.scan <sum>, %add3A_156 masked %reduce_sum3A_157 : vector<16xf32>, vector<16xi1> -> vector<16xf32>
      %reduce_sum3A_159 = vector.extract %reduce_sum3A_158[15] : f32 from vector<16xf32>
      %broadcast_in_dim3A = vector.broadcast %mul3A_90 : i32 to vector<16xi32>
      %broadcast_in_dim3A_160 = vector.broadcast %reduce_sum3A_159 : f32 to vector<16xf32>
      %rem3A = arith.constant 16 : i32
      %rem3A_161 = arith.remsi %mul3A_90, %rem3A : i32
      %eq3A = vector.broadcast %rem3A_161 : i32 to vector<16xi32>
      %eq3A_162 = arith.cmpi eq, %iota3A, %eq3A : vector<16xi32>
      tpu.vector_store_idx %arg23[%broadcast_in_dim3A], %broadcast_in_dim3A_160 masked %eq3A_162 : memref<256xf32, #tpu.memory_space<vmem>>[vector<16xi32>], vector<16xf32>, vector<16xi1>
      %get3A_163 = arith.index_cast %add3A_94 : i32 to index
      %get3A_164 = arith.constant 0 : index
      %get3A_165 = tpu.vector_load %arg12[%get3A_163, %get3A_164] {strides = array<i32>} : memref<256x128xf32, #tpu.memory_space<vmem>>, vector<16xf32>,
      %get3A_166 = arith.index_cast %add3A_94 : i32 to index
      %get3A_167 = arith.constant 0 : index
      %get3A_168 = tpu.vector_load %arg13[%get3A_166, %get3A_167] {strides = array<i32>} : memref<256x128xf32, #tpu.memory_space<vmem>>, vector<16xf32>,
      %mul3A_169 = arith.mulf %get3A_165, %get3A_168 : vector<16xf32>
      %get3A_170 = arith.index_cast %add3A_94 : i32 to index
      %get3A_171 = arith.constant 16 : index
      %get3A_172 = tpu.vector_load %arg12[%get3A_170, %get3A_171] {strides = array<i32>} : memref<256x128xf32, #tpu.memory_space<vmem>>, vector<16xf32>,
      %get3A_173 = arith.index_cast %add3A_94 : i32 to index
      %get3A_174 = arith.constant 16 : index
      %get3A_175 = tpu.vector_load %arg13[%get3A_173, %get3A_174] {strides = array<i32>} : memref<256x128xf32, #tpu.memory_space<vmem>>, vector<16xf32>,
      %mul3A_176 = arith.mulf %get3A_172, %get3A_175 : vector<16xf32>
      %add3A_177 = arith.addf %mul3A_169, %mul3A_176 : vector<16xf32>
      %get3A_178 = arith.index_cast %add3A_94 : i32 to index
      %get3A_179 = arith.constant 32 : index
      %get3A_180 = tpu.vector_load %arg12[%get3A_178, %get3A_179] {strides = array<i32>} : memref<256x128xf32, #tpu.memory_space<vmem>>, vector<16xf32>,
      %get3A_181 = arith.index_cast %add3A_94 : i32 to index
      %get3A_182 = arith.constant 32 : index
      %get3A_183 = tpu.vector_load %arg13[%get3A_181, %get3A_182] {strides = array<i32>} : memref<256x128xf32, #tpu.memory_space<vmem>>, vector<16xf32>,
      %mul3A_184 = arith.mulf %get3A_180, %get3A_183 : vector<16xf32>
      %add3A_185 = arith.addf %add3A_177, %mul3A_184 : vector<16xf32>
      %get3A_186 = arith.index_cast %add3A_94 : i32 to index
      %get3A_187 = arith.constant 48 : index
      %get3A_188 = tpu.vector_load %arg12[%get3A_186, %get3A_187] {strides = array<i32>} : memref<256x128xf32, #tpu.memory_space<vmem>>, vector<16xf32>,
      %get3A_189 = arith.index_cast %add3A_94 : i32 to index
      %get3A_190 = arith.constant 48 : index
      %get3A_191 = tpu.vector_load %arg13[%get3A_189, %get3A_190] {strides = array<i32>} : memref<256x128xf32, #tpu.memory_space<vmem>>, vector<16xf32>,
      %mul3A_192 = arith.mulf %get3A_188, %get3A_191 : vector<16xf32>
      %add3A_193 = arith.addf %add3A_185, %mul3A_192 : vector<16xf32>
      %get3A_194 = arith.index_cast %add3A_94 : i32 to index
      %get3A_195 = arith.constant 64 : index
      %get3A_196 = tpu.vector_load %arg12[%get3A_194, %get3A_195] {strides = array<i32>} : memref<256x128xf32, #tpu.memory_space<vmem>>, vector<16xf32>,
      %get3A_197 = arith.index_cast %add3A_94 : i32 to index
      %get3A_198 = arith.constant 64 : index
      %get3A_199 = tpu.vector_load %arg13[%get3A_197, %get3A_198] {strides = array<i32>} : memref<256x128xf32, #tpu.memory_space<vmem>>, vector<16xf32>,
      %mul3A_200 = arith.mulf %get3A_196, %get3A_199 : vector<16xf32>
      %add3A_201 = arith.addf %add3A_193, %mul3A_200 : vector<16xf32>
      %get3A_202 = arith.index_cast %add3A_94 : i32 to index
      %get3A_203 = arith.constant 80 : index
      %get3A_204 = tpu.vector_load %arg12[%get3A_202, %get3A_203] {strides = array<i32>} : memref<256x128xf32, #tpu.memory_space<vmem>>, vector<16xf32>,
      %get3A_205 = arith.index_cast %add3A_94 : i32 to index
      %get3A_206 = arith.constant 80 : index
      %get3A_207 = tpu.vector_load %arg13[%get3A_205, %get3A_206] {strides = array<i32>} : memref<256x128xf32, #tpu.memory_space<vmem>>, vector<16xf32>,
      %mul3A_208 = arith.mulf %get3A_204, %get3A_207 : vector<16xf32>
      %add3A_209 = arith.addf %add3A_201, %mul3A_208 : vector<16xf32>
      %get3A_210 = arith.index_cast %add3A_94 : i32 to index
      %get3A_211 = arith.constant 96 : index
      %get3A_212 = tpu.vector_load %arg12[%get3A_210, %get3A_211] {strides = array<i32>} : memref<256x128xf32, #tpu.memory_space<vmem>>, vector<16xf32>,
      %get3A_213 = arith.index_cast %add3A_94 : i32 to index
      %get3A_214 = arith.constant 96 : index
      %get3A_215 = tpu.vector_load %arg13[%get3A_213, %get3A_214] {strides = array<i32>} : memref<256x128xf32, #tpu.memory_space<vmem>>, vector<16xf32>,
      %mul3A_216 = arith.mulf %get3A_212, %get3A_215 : vector<16xf32>
      %add3A_217 = arith.addf %add3A_209, %mul3A_216 : vector<16xf32>
      %get3A_218 = arith.index_cast %add3A_94 : i32 to index
      %get3A_219 = arith.constant 112 : index
      %get3A_220 = tpu.vector_load %arg12[%get3A_218, %get3A_219] {strides = array<i32>} : memref<256x128xf32, #tpu.memory_space<vmem>>, vector<16xf32>,
      %get3A_221 = arith.index_cast %add3A_94 : i32 to index
      %get3A_222 = arith.constant 112 : index
      %get3A_223 = tpu.vector_load %arg13[%get3A_221, %get3A_222] {strides = array<i32>} : memref<256x128xf32, #tpu.memory_space<vmem>>, vector<16xf32>,
      %mul3A_224 = arith.mulf %get3A_220, %get3A_223 : vector<16xf32>
      %add3A_225 = arith.addf %add3A_217, %mul3A_224 : vector<16xf32>
      %reduce_sum3A_226 = arith.constant true
      %reduce_sum3A_227 = vector.broadcast %reduce_sum3A_226 : i1 to vector<16xi1>
      %reduce_sum3A_228 = tpu.scan <sum>, %add3A_225 masked %reduce_sum3A_227 : vector<16xf32>, vector<16xi1> -> vector<16xf32>
      %reduce_sum3A_229 = vector.extract %reduce_sum3A_228[15] : f32 from vector<16xf32>
      %broadcast_in_dim3A_230 = vector.broadcast %add3A_94 : i32 to vector<16xi32>
      %broadcast_in_dim3A_231 = vector.broadcast %reduce_sum3A_229 : f32 to vector<16xf32>
      %rem3A_232 = arith.constant 16 : i32
      %rem3A_233 = arith.remsi %add3A_94, %rem3A_232 : i32
      %eq3A_234 = vector.broadcast %rem3A_233 : i32 to vector<16xi32>
      %eq3A_235 = arith.cmpi eq, %iota3A, %eq3A_234 : vector<16xi32>
      tpu.vector_store_idx %arg23[%broadcast_in_dim3A_230], %broadcast_in_dim3A_231 masked %eq3A_235 : memref<256xf32, #tpu.memory_space<vmem>>[vector<16xi32>], vector<16xf32>, vector<16xi1>
    }
    %scan3A_24 = arith.constant 128 : i32
    %dma_wait3A_25 = arith.constant 0 : i32
    %dma_wait3A_26 = arith.constant 0 : i32
    %dma_wait3A_27 = tpu.memref_slice %arg3[%dma_wait3A_25, %dma_wait3A_26] : memref<8192x128xf32, #tpu.memory_space<hbm>> -> memref<8192x128xf32, #tpu.memory_space<hbm>>
    tpu.wait_indirect_dma semaphore(%arg34 : memref<!tpu.dma_semaphore, #tpu.memory_space<semaphore_mem>>) src(%dma_wait3A_27 : memref<8192x128xf32, #tpu.memory_space<hbm>>) dst(%arg14 : memref<256x128xf32, #tpu.memory_space<vmem>>)
    %dma_start3A_28 = arith.constant 0 : i32
    %dma_start3A_29 = arith.constant 0 : i32
    %dma_start3A_30 = tpu.memref_slice %arg3[%dma_start3A_28, %dma_start3A_29] : memref<8192x128xf32, #tpu.memory_space<hbm>> -> memref<8192x128xf32, #tpu.memory_space<hbm>>
    tpu.enqueue_indirect_dma source(%dma_start3A_30 : memref<8192x128xf32, #tpu.memory_space<hbm>>) target(%arg13 : memref<256x128xf32, #tpu.memory_space<vmem>>) offsets(%arg19 : memref<256xi32, #tpu.memory_space<vmem>>) semaphore(%arg33 : memref<!tpu.dma_semaphore, #tpu.memory_space<semaphore_mem>>)
    %scan3A_31 = arith.constant 0 : i32
    %scan3A_32 = arith.constant 0 : i32
    %scan3A_33 = arith.constant 128 : i32
    %scan3A_34 = arith.addi %scan3A_32, %scan3A_33 : i32
    %scan3A_35 = arith.constant 1 : i32
    scf.for %scan3A_88 = %scan3A_32 to %scan3A_34 step %scan3A_35  : i32 {
      %mul3A_89 = arith.constant 2 : i32
      %mul3A_90 = arith.muli %mul3A_89, %scan3A_88 : i32
      %mul3A_91 = arith.constant 2 : i32
      %mul3A_92 = arith.muli %mul3A_91, %scan3A_88 : i32
      %add3A_93 = arith.constant 1 : i32
      %add3A_94 = arith.addi %mul3A_92, %add3A_93 : i32
      %get3A = arith.index_cast %mul3A_90 : i32 to index
      %get3A_95 = arith.constant 0 : index
      %get3A_96 = tpu.vector_load %arg12[%get3A, %get3A_95] {strides = array<i32>} : memref<256x128xf32, #tpu.memory_space<vmem>>, vector<16xf32>,
      %get3A_97 = arith.index_cast %mul3A_90 : i32 to index
      %get3A_98 = arith.constant 0 : index
      %get3A_99 = tpu.vector_load %arg14[%get3A_97, %get3A_98] {strides = array<i32>} : memref<256x128xf32, #tpu.memory_space<vmem>>, vector<16xf32>,
      %mul3A_100 = arith.mulf %get3A_96, %get3A_99 : vector<16xf32>
      %get3A_101 = arith.index_cast %mul3A_90 : i32 to index
      %get3A_102 = arith.constant 16 : index
      %get3A_103 = tpu.vector_load %arg12[%get3A_101, %get3A_102] {strides = array<i32>} : memref<256x128xf32, #tpu.memory_space<vmem>>, vector<16xf32>,
      %get3A_104 = arith.index_cast %mul3A_90 : i32 to index
      %get3A_105 = arith.constant 16 : index
      %get3A_106 = tpu.vector_load %arg14[%get3A_104, %get3A_105] {strides = array<i32>} : memref<256x128xf32, #tpu.memory_space<vmem>>, vector<16xf32>,
      %mul3A_107 = arith.mulf %get3A_103, %get3A_106 : vector<16xf32>
      %add3A_108 = arith.addf %mul3A_100, %mul3A_107 : vector<16xf32>
      %get3A_109 = arith.index_cast %mul3A_90 : i32 to index
      %get3A_110 = arith.constant 32 : index
      %get3A_111 = tpu.vector_load %arg12[%get3A_109, %get3A_110] {strides = array<i32>} : memref<256x128xf32, #tpu.memory_space<vmem>>, vector<16xf32>,
      %get3A_112 = arith.index_cast %mul3A_90 : i32 to index
      %get3A_113 = arith.constant 32 : index
      %get3A_114 = tpu.vector_load %arg14[%get3A_112, %get3A_113] {strides = array<i32>} : memref<256x128xf32, #tpu.memory_space<vmem>>, vector<16xf32>,
      %mul3A_115 = arith.mulf %get3A_111, %get3A_114 : vector<16xf32>
      %add3A_116 = arith.addf %add3A_108, %mul3A_115 : vector<16xf32>
      %get3A_117 = arith.index_cast %mul3A_90 : i32 to index
      %get3A_118 = arith.constant 48 : index
      %get3A_119 = tpu.vector_load %arg12[%get3A_117, %get3A_118] {strides = array<i32>} : memref<256x128xf32, #tpu.memory_space<vmem>>, vector<16xf32>,
      %get3A_120 = arith.index_cast %mul3A_90 : i32 to index
      %get3A_121 = arith.constant 48 : index
      %get3A_122 = tpu.vector_load %arg14[%get3A_120, %get3A_121] {strides = array<i32>} : memref<256x128xf32, #tpu.memory_space<vmem>>, vector<16xf32>,
      %mul3A_123 = arith.mulf %get3A_119, %get3A_122 : vector<16xf32>
      %add3A_124 = arith.addf %add3A_116, %mul3A_123 : vector<16xf32>
      %get3A_125 = arith.index_cast %mul3A_90 : i32 to index
      %get3A_126 = arith.constant 64 : index
      %get3A_127 = tpu.vector_load %arg12[%get3A_125, %get3A_126] {strides = array<i32>} : memref<256x128xf32, #tpu.memory_space<vmem>>, vector<16xf32>,
      %get3A_128 = arith.index_cast %mul3A_90 : i32 to index
      %get3A_129 = arith.constant 64 : index
      %get3A_130 = tpu.vector_load %arg14[%get3A_128, %get3A_129] {strides = array<i32>} : memref<256x128xf32, #tpu.memory_space<vmem>>, vector<16xf32>,
      %mul3A_131 = arith.mulf %get3A_127, %get3A_130 : vector<16xf32>
      %add3A_132 = arith.addf %add3A_124, %mul3A_131 : vector<16xf32>
      %get3A_133 = arith.index_cast %mul3A_90 : i32 to index
      %get3A_134 = arith.constant 80 : index
      %get3A_135 = tpu.vector_load %arg12[%get3A_133, %get3A_134] {strides = array<i32>} : memref<256x128xf32, #tpu.memory_space<vmem>>, vector<16xf32>,
      %get3A_136 = arith.index_cast %mul3A_90 : i32 to index
      %get3A_137 = arith.constant 80 : index
      %get3A_138 = tpu.vector_load %arg14[%get3A_136, %get3A_137] {strides = array<i32>} : memref<256x128xf32, #tpu.memory_space<vmem>>, vector<16xf32>,
      %mul3A_139 = arith.mulf %get3A_135, %get3A_138 : vector<16xf32>
      %add3A_140 = arith.addf %add3A_132, %mul3A_139 : vector<16xf32>
      %get3A_141 = arith.index_cast %mul3A_90 : i32 to index
      %get3A_142 = arith.constant 96 : index
      %get3A_143 = tpu.vector_load %arg12[%get3A_141, %get3A_142] {strides = array<i32>} : memref<256x128xf32, #tpu.memory_space<vmem>>, vector<16xf32>,
      %get3A_144 = arith.index_cast %mul3A_90 : i32 to index
      %get3A_145 = arith.constant 96 : index
      %get3A_146 = tpu.vector_load %arg14[%get3A_144, %get3A_145] {strides = array<i32>} : memref<256x128xf32, #tpu.memory_space<vmem>>, vector<16xf32>,
      %mul3A_147 = arith.mulf %get3A_143, %get3A_146 : vector<16xf32>
      %add3A_148 = arith.addf %add3A_140, %mul3A_147 : vector<16xf32>
      %get3A_149 = arith.index_cast %mul3A_90 : i32 to index
      %get3A_150 = arith.constant 112 : index
      %get3A_151 = tpu.vector_load %arg12[%get3A_149, %get3A_150] {strides = array<i32>} : memref<256x128xf32, #tpu.memory_space<vmem>>, vector<16xf32>,
      %get3A_152 = arith.index_cast %mul3A_90 : i32 to index
      %get3A_153 = arith.constant 112 : index
      %get3A_154 = tpu.vector_load %arg14[%get3A_152, %get3A_153] {strides = array<i32>} : memref<256x128xf32, #tpu.memory_space<vmem>>, vector<16xf32>,
      %mul3A_155 = arith.mulf %get3A_151, %get3A_154 : vector<16xf32>
      %add3A_156 = arith.addf %add3A_148, %mul3A_155 : vector<16xf32>
      %reduce_sum3A = arith.constant true
      %reduce_sum3A_157 = vector.broadcast %reduce_sum3A : i1 to vector<16xi1>
      %reduce_sum3A_158 = tpu.scan <sum>, %add3A_156 masked %reduce_sum3A_157 : vector<16xf32>, vector<16xi1> -> vector<16xf32>
      %reduce_sum3A_159 = vector.extract %reduce_sum3A_158[15] : f32 from vector<16xf32>
      %broadcast_in_dim3A = vector.broadcast %mul3A_90 : i32 to vector<16xi32>
      %broadcast_in_dim3A_160 = vector.broadcast %reduce_sum3A_159 : f32 to vector<16xf32>
      %rem3A = arith.constant 16 : i32
      %rem3A_161 = arith.remsi %mul3A_90, %rem3A : i32
      %eq3A = vector.broadcast %rem3A_161 : i32 to vector<16xi32>
      %eq3A_162 = arith.cmpi eq, %iota3A, %eq3A : vector<16xi32>
      tpu.vector_store_idx %arg24[%broadcast_in_dim3A], %broadcast_in_dim3A_160 masked %eq3A_162 : memref<256xf32, #tpu.memory_space<vmem>>[vector<16xi32>], vector<16xf32>, vector<16xi1>
      %get3A_163 = arith.index_cast %add3A_94 : i32 to index
      %get3A_164 = arith.constant 0 : index
      %get3A_165 = tpu.vector_load %arg12[%get3A_163, %get3A_164] {strides = array<i32>} : memref<256x128xf32, #tpu.memory_space<vmem>>, vector<16xf32>,
      %get3A_166 = arith.index_cast %add3A_94 : i32 to index
      %get3A_167 = arith.constant 0 : index
      %get3A_168 = tpu.vector_load %arg14[%get3A_166, %get3A_167] {strides = array<i32>} : memref<256x128xf32, #tpu.memory_space<vmem>>, vector<16xf32>,
      %mul3A_169 = arith.mulf %get3A_165, %get3A_168 : vector<16xf32>
      %get3A_170 = arith.index_cast %add3A_94 : i32 to index
      %get3A_171 = arith.constant 16 : index
      %get3A_172 = tpu.vector_load %arg12[%get3A_170, %get3A_171] {strides = array<i32>} : memref<256x128xf32, #tpu.memory_space<vmem>>, vector<16xf32>,
      %get3A_173 = arith.index_cast %add3A_94 : i32 to index
      %get3A_174 = arith.constant 16 : index
      %get3A_175 = tpu.vector_load %arg14[%get3A_173, %get3A_174] {strides = array<i32>} : memref<256x128xf32, #tpu.memory_space<vmem>>, vector<16xf32>,
      %mul3A_176 = arith.mulf %get3A_172, %get3A_175 : vector<16xf32>
      %add3A_177 = arith.addf %mul3A_169, %mul3A_176 : vector<16xf32>
      %get3A_178 = arith.index_cast %add3A_94 : i32 to index
      %get3A_179 = arith.constant 32 : index
      %get3A_180 = tpu.vector_load %arg12[%get3A_178, %get3A_179] {strides = array<i32>} : memref<256x128xf32, #tpu.memory_space<vmem>>, vector<16xf32>,
      %get3A_181 = arith.index_cast %add3A_94 : i32 to index
      %get3A_182 = arith.constant 32 : index
      %get3A_183 = tpu.vector_load %arg14[%get3A_181, %get3A_182] {strides = array<i32>} : memref<256x128xf32, #tpu.memory_space<vmem>>, vector<16xf32>,
      %mul3A_184 = arith.mulf %get3A_180, %get3A_183 : vector<16xf32>
      %add3A_185 = arith.addf %add3A_177, %mul3A_184 : vector<16xf32>
      %get3A_186 = arith.index_cast %add3A_94 : i32 to index
      %get3A_187 = arith.constant 48 : index
      %get3A_188 = tpu.vector_load %arg12[%get3A_186, %get3A_187] {strides = array<i32>} : memref<256x128xf32, #tpu.memory_space<vmem>>, vector<16xf32>,
      %get3A_189 = arith.index_cast %add3A_94 : i32 to index
      %get3A_190 = arith.constant 48 : index
      %get3A_191 = tpu.vector_load %arg14[%get3A_189, %get3A_190] {strides = array<i32>} : memref<256x128xf32, #tpu.memory_space<vmem>>, vector<16xf32>,
      %mul3A_192 = arith.mulf %get3A_188, %get3A_191 : vector<16xf32>
      %add3A_193 = arith.addf %add3A_185, %mul3A_192 : vector<16xf32>
      %get3A_194 = arith.index_cast %add3A_94 : i32 to index
      %get3A_195 = arith.constant 64 : index
      %get3A_196 = tpu.vector_load %arg12[%get3A_194, %get3A_195] {strides = array<i32>} : memref<256x128xf32, #tpu.memory_space<vmem>>, vector<16xf32>,
      %get3A_197 = arith.index_cast %add3A_94 : i32 to index
      %get3A_198 = arith.constant 64 : index
      %get3A_199 = tpu.vector_load %arg14[%get3A_197, %get3A_198] {strides = array<i32>} : memref<256x128xf32, #tpu.memory_space<vmem>>, vector<16xf32>,
      %mul3A_200 = arith.mulf %get3A_196, %get3A_199 : vector<16xf32>
      %add3A_201 = arith.addf %add3A_193, %mul3A_200 : vector<16xf32>
      %get3A_202 = arith.index_cast %add3A_94 : i32 to index
      %get3A_203 = arith.constant 80 : index
      %get3A_204 = tpu.vector_load %arg12[%get3A_202, %get3A_203] {strides = array<i32>} : memref<256x128xf32, #tpu.memory_space<vmem>>, vector<16xf32>,
      %get3A_205 = arith.index_cast %add3A_94 : i32 to index
      %get3A_206 = arith.constant 80 : index
      %get3A_207 = tpu.vector_load %arg14[%get3A_205, %get3A_206] {strides = array<i32>} : memref<256x128xf32, #tpu.memory_space<vmem>>, vector<16xf32>,
      %mul3A_208 = arith.mulf %get3A_204, %get3A_207 : vector<16xf32>
      %add3A_209 = arith.addf %add3A_201, %mul3A_208 : vector<16xf32>
      %get3A_210 = arith.index_cast %add3A_94 : i32 to index
      %get3A_211 = arith.constant 96 : index
      %get3A_212 = tpu.vector_load %arg12[%get3A_210, %get3A_211] {strides = array<i32>} : memref<256x128xf32, #tpu.memory_space<vmem>>, vector<16xf32>,
      %get3A_213 = arith.index_cast %add3A_94 : i32 to index
      %get3A_214 = arith.constant 96 : index
      %get3A_215 = tpu.vector_load %arg14[%get3A_213, %get3A_214] {strides = array<i32>} : memref<256x128xf32, #tpu.memory_space<vmem>>, vector<16xf32>,
      %mul3A_216 = arith.mulf %get3A_212, %get3A_215 : vector<16xf32>
      %add3A_217 = arith.addf %add3A_209, %mul3A_216 : vector<16xf32>
      %get3A_218 = arith.index_cast %add3A_94 : i32 to index
      %get3A_219 = arith.constant 112 : index
      %get3A_220 = tpu.vector_load %arg12[%get3A_218, %get3A_219] {strides = array<i32>} : memref<256x128xf32, #tpu.memory_space<vmem>>, vector<16xf32>,
      %get3A_221 = arith.index_cast %add3A_94 : i32 to index
      %get3A_222 = arith.constant 112 : index
      %get3A_223 = tpu.vector_load %arg14[%get3A_221, %get3A_222] {strides = array<i32>} : memref<256x128xf32, #tpu.memory_space<vmem>>, vector<16xf32>,
      %mul3A_224 = arith.mulf %get3A_220, %get3A_223 : vector<16xf32>
      %add3A_225 = arith.addf %add3A_217, %mul3A_224 : vector<16xf32>
      %reduce_sum3A_226 = arith.constant true
      %reduce_sum3A_227 = vector.broadcast %reduce_sum3A_226 : i1 to vector<16xi1>
      %reduce_sum3A_228 = tpu.scan <sum>, %add3A_225 masked %reduce_sum3A_227 : vector<16xf32>, vector<16xi1> -> vector<16xf32>
      %reduce_sum3A_229 = vector.extract %reduce_sum3A_228[15] : f32 from vector<16xf32>
      %broadcast_in_dim3A_230 = vector.broadcast %add3A_94 : i32 to vector<16xi32>
      %broadcast_in_dim3A_231 = vector.broadcast %reduce_sum3A_229 : f32 to vector<16xf32>
      %rem3A_232 = arith.constant 16 : i32
      %rem3A_233 = arith.remsi %add3A_94, %rem3A_232 : i32
      %eq3A_234 = vector.broadcast %rem3A_233 : i32 to vector<16xi32>
      %eq3A_235 = arith.cmpi eq, %iota3A, %eq3A_234 : vector<16xi32>
      tpu.vector_store_idx %arg24[%broadcast_in_dim3A_230], %broadcast_in_dim3A_231 masked %eq3A_235 : memref<256xf32, #tpu.memory_space<vmem>>[vector<16xi32>], vector<16xf32>, vector<16xi1>
    }
    %scan3A_36 = arith.constant 128 : i32
    %dma_wait3A_37 = arith.constant 0 : i32
    %dma_wait3A_38 = arith.constant 0 : i32
    %dma_wait3A_39 = tpu.memref_slice %arg3[%dma_wait3A_37, %dma_wait3A_38] : memref<8192x128xf32, #tpu.memory_space<hbm>> -> memref<8192x128xf32, #tpu.memory_space<hbm>>
    tpu.wait_indirect_dma semaphore(%arg33 : memref<!tpu.dma_semaphore, #tpu.memory_space<semaphore_mem>>) src(%dma_wait3A_39 : memref<8192x128xf32, #tpu.memory_space<hbm>>) dst(%arg13 : memref<256x128xf32, #tpu.memory_space<vmem>>)
    %dma_start3A_40 = arith.constant 0 : i32
    %dma_start3A_41 = arith.constant 0 : i32
    %dma_start3A_42 = tpu.memref_slice %arg3[%dma_start3A_40, %dma_start3A_41] : memref<8192x128xf32, #tpu.memory_space<hbm>> -> memref<8192x128xf32, #tpu.memory_space<hbm>>
    tpu.enqueue_indirect_dma source(%dma_start3A_42 : memref<8192x128xf32, #tpu.memory_space<hbm>>) target(%arg14 : memref<256x128xf32, #tpu.memory_space<vmem>>) offsets(%arg20 : memref<256xi32, #tpu.memory_space<vmem>>) semaphore(%arg34 : memref<!tpu.dma_semaphore, #tpu.memory_space<semaphore_mem>>)
    %scan3A_43 = arith.constant 0 : i32
    %scan3A_44 = arith.constant 0 : i32
    %scan3A_45 = arith.constant 128 : i32
    %scan3A_46 = arith.addi %scan3A_44, %scan3A_45 : i32
    %scan3A_47 = arith.constant 1 : i32
    scf.for %scan3A_88 = %scan3A_44 to %scan3A_46 step %scan3A_47  : i32 {
      %mul3A_89 = arith.constant 2 : i32
      %mul3A_90 = arith.muli %mul3A_89, %scan3A_88 : i32
      %mul3A_91 = arith.constant 2 : i32
      %mul3A_92 = arith.muli %mul3A_91, %scan3A_88 : i32
      %add3A_93 = arith.constant 1 : i32
      %add3A_94 = arith.addi %mul3A_92, %add3A_93 : i32
      %get3A = arith.index_cast %mul3A_90 : i32 to index
      %get3A_95 = arith.constant 0 : index
      %get3A_96 = tpu.vector_load %arg12[%get3A, %get3A_95] {strides = array<i32>} : memref<256x128xf32, #tpu.memory_space<vmem>>, vector<16xf32>,
      %get3A_97 = arith.index_cast %mul3A_90 : i32 to index
      %get3A_98 = arith.constant 0 : index
      %get3A_99 = tpu.vector_load %arg13[%get3A_97, %get3A_98] {strides = array<i32>} : memref<256x128xf32, #tpu.memory_space<vmem>>, vector<16xf32>,
      %mul3A_100 = arith.mulf %get3A_96, %get3A_99 : vector<16xf32>
      %get3A_101 = arith.index_cast %mul3A_90 : i32 to index
      %get3A_102 = arith.constant 16 : index
      %get3A_103 = tpu.vector_load %arg12[%get3A_101, %get3A_102] {strides = array<i32>} : memref<256x128xf32, #tpu.memory_space<vmem>>, vector<16xf32>,
      %get3A_104 = arith.index_cast %mul3A_90 : i32 to index
      %get3A_105 = arith.constant 16 : index
      %get3A_106 = tpu.vector_load %arg13[%get3A_104, %get3A_105] {strides = array<i32>} : memref<256x128xf32, #tpu.memory_space<vmem>>, vector<16xf32>,
      %mul3A_107 = arith.mulf %get3A_103, %get3A_106 : vector<16xf32>
      %add3A_108 = arith.addf %mul3A_100, %mul3A_107 : vector<16xf32>
      %get3A_109 = arith.index_cast %mul3A_90 : i32 to index
      %get3A_110 = arith.constant 32 : index
      %get3A_111 = tpu.vector_load %arg12[%get3A_109, %get3A_110] {strides = array<i32>} : memref<256x128xf32, #tpu.memory_space<vmem>>, vector<16xf32>,
      %get3A_112 = arith.index_cast %mul3A_90 : i32 to index
      %get3A_113 = arith.constant 32 : index
      %get3A_114 = tpu.vector_load %arg13[%get3A_112, %get3A_113] {strides = array<i32>} : memref<256x128xf32, #tpu.memory_space<vmem>>, vector<16xf32>,
      %mul3A_115 = arith.mulf %get3A_111, %get3A_114 : vector<16xf32>
      %add3A_116 = arith.addf %add3A_108, %mul3A_115 : vector<16xf32>
      %get3A_117 = arith.index_cast %mul3A_90 : i32 to index
      %get3A_118 = arith.constant 48 : index
      %get3A_119 = tpu.vector_load %arg12[%get3A_117, %get3A_118] {strides = array<i32>} : memref<256x128xf32, #tpu.memory_space<vmem>>, vector<16xf32>,
      %get3A_120 = arith.index_cast %mul3A_90 : i32 to index
      %get3A_121 = arith.constant 48 : index
      %get3A_122 = tpu.vector_load %arg13[%get3A_120, %get3A_121] {strides = array<i32>} : memref<256x128xf32, #tpu.memory_space<vmem>>, vector<16xf32>,
      %mul3A_123 = arith.mulf %get3A_119, %get3A_122 : vector<16xf32>
      %add3A_124 = arith.addf %add3A_116, %mul3A_123 : vector<16xf32>
      %get3A_125 = arith.index_cast %mul3A_90 : i32 to index
      %get3A_126 = arith.constant 64 : index
      %get3A_127 = tpu.vector_load %arg12[%get3A_125, %get3A_126] {strides = array<i32>} : memref<256x128xf32, #tpu.memory_space<vmem>>, vector<16xf32>,
      %get3A_128 = arith.index_cast %mul3A_90 : i32 to index
      %get3A_129 = arith.constant 64 : index
      %get3A_130 = tpu.vector_load %arg13[%get3A_128, %get3A_129] {strides = array<i32>} : memref<256x128xf32, #tpu.memory_space<vmem>>, vector<16xf32>,
      %mul3A_131 = arith.mulf %get3A_127, %get3A_130 : vector<16xf32>
      %add3A_132 = arith.addf %add3A_124, %mul3A_131 : vector<16xf32>
      %get3A_133 = arith.index_cast %mul3A_90 : i32 to index
      %get3A_134 = arith.constant 80 : index
      %get3A_135 = tpu.vector_load %arg12[%get3A_133, %get3A_134] {strides = array<i32>} : memref<256x128xf32, #tpu.memory_space<vmem>>, vector<16xf32>,
      %get3A_136 = arith.index_cast %mul3A_90 : i32 to index
      %get3A_137 = arith.constant 80 : index
      %get3A_138 = tpu.vector_load %arg13[%get3A_136, %get3A_137] {strides = array<i32>} : memref<256x128xf32, #tpu.memory_space<vmem>>, vector<16xf32>,
      %mul3A_139 = arith.mulf %get3A_135, %get3A_138 : vector<16xf32>
      %add3A_140 = arith.addf %add3A_132, %mul3A_139 : vector<16xf32>
      %get3A_141 = arith.index_cast %mul3A_90 : i32 to index
      %get3A_142 = arith.constant 96 : index
      %get3A_143 = tpu.vector_load %arg12[%get3A_141, %get3A_142] {strides = array<i32>} : memref<256x128xf32, #tpu.memory_space<vmem>>, vector<16xf32>,
      %get3A_144 = arith.index_cast %mul3A_90 : i32 to index
      %get3A_145 = arith.constant 96 : index
      %get3A_146 = tpu.vector_load %arg13[%get3A_144, %get3A_145] {strides = array<i32>} : memref<256x128xf32, #tpu.memory_space<vmem>>, vector<16xf32>,
      %mul3A_147 = arith.mulf %get3A_143, %get3A_146 : vector<16xf32>
      %add3A_148 = arith.addf %add3A_140, %mul3A_147 : vector<16xf32>
      %get3A_149 = arith.index_cast %mul3A_90 : i32 to index
      %get3A_150 = arith.constant 112 : index
      %get3A_151 = tpu.vector_load %arg12[%get3A_149, %get3A_150] {strides = array<i32>} : memref<256x128xf32, #tpu.memory_space<vmem>>, vector<16xf32>,
      %get3A_152 = arith.index_cast %mul3A_90 : i32 to index
      %get3A_153 = arith.constant 112 : index
      %get3A_154 = tpu.vector_load %arg13[%get3A_152, %get3A_153] {strides = array<i32>} : memref<256x128xf32, #tpu.memory_space<vmem>>, vector<16xf32>,
      %mul3A_155 = arith.mulf %get3A_151, %get3A_154 : vector<16xf32>
      %add3A_156 = arith.addf %add3A_148, %mul3A_155 : vector<16xf32>
      %reduce_sum3A = arith.constant true
      %reduce_sum3A_157 = vector.broadcast %reduce_sum3A : i1 to vector<16xi1>
      %reduce_sum3A_158 = tpu.scan <sum>, %add3A_156 masked %reduce_sum3A_157 : vector<16xf32>, vector<16xi1> -> vector<16xf32>
      %reduce_sum3A_159 = vector.extract %reduce_sum3A_158[15] : f32 from vector<16xf32>
      %broadcast_in_dim3A = vector.broadcast %mul3A_90 : i32 to vector<16xi32>
      %broadcast_in_dim3A_160 = vector.broadcast %reduce_sum3A_159 : f32 to vector<16xf32>
      %rem3A = arith.constant 16 : i32
      %rem3A_161 = arith.remsi %mul3A_90, %rem3A : i32
      %eq3A = vector.broadcast %rem3A_161 : i32 to vector<16xi32>
      %eq3A_162 = arith.cmpi eq, %iota3A, %eq3A : vector<16xi32>
      tpu.vector_store_idx %arg25[%broadcast_in_dim3A], %broadcast_in_dim3A_160 masked %eq3A_162 : memref<256xf32, #tpu.memory_space<vmem>>[vector<16xi32>], vector<16xf32>, vector<16xi1>
      %get3A_163 = arith.index_cast %add3A_94 : i32 to index
      %get3A_164 = arith.constant 0 : index
      %get3A_165 = tpu.vector_load %arg12[%get3A_163, %get3A_164] {strides = array<i32>} : memref<256x128xf32, #tpu.memory_space<vmem>>, vector<16xf32>,
      %get3A_166 = arith.index_cast %add3A_94 : i32 to index
      %get3A_167 = arith.constant 0 : index
      %get3A_168 = tpu.vector_load %arg13[%get3A_166, %get3A_167] {strides = array<i32>} : memref<256x128xf32, #tpu.memory_space<vmem>>, vector<16xf32>,
      %mul3A_169 = arith.mulf %get3A_165, %get3A_168 : vector<16xf32>
      %get3A_170 = arith.index_cast %add3A_94 : i32 to index
      %get3A_171 = arith.constant 16 : index
      %get3A_172 = tpu.vector_load %arg12[%get3A_170, %get3A_171] {strides = array<i32>} : memref<256x128xf32, #tpu.memory_space<vmem>>, vector<16xf32>,
      %get3A_173 = arith.index_cast %add3A_94 : i32 to index
      %get3A_174 = arith.constant 16 : index
      %get3A_175 = tpu.vector_load %arg13[%get3A_173, %get3A_174] {strides = array<i32>} : memref<256x128xf32, #tpu.memory_space<vmem>>, vector<16xf32>,
      %mul3A_176 = arith.mulf %get3A_172, %get3A_175 : vector<16xf32>
      %add3A_177 = arith.addf %mul3A_169, %mul3A_176 : vector<16xf32>
      %get3A_178 = arith.index_cast %add3A_94 : i32 to index
      %get3A_179 = arith.constant 32 : index
      %get3A_180 = tpu.vector_load %arg12[%get3A_178, %get3A_179] {strides = array<i32>} : memref<256x128xf32, #tpu.memory_space<vmem>>, vector<16xf32>,
      %get3A_181 = arith.index_cast %add3A_94 : i32 to index
      %get3A_182 = arith.constant 32 : index
      %get3A_183 = tpu.vector_load %arg13[%get3A_181, %get3A_182] {strides = array<i32>} : memref<256x128xf32, #tpu.memory_space<vmem>>, vector<16xf32>,
      %mul3A_184 = arith.mulf %get3A_180, %get3A_183 : vector<16xf32>
      %add3A_185 = arith.addf %add3A_177, %mul3A_184 : vector<16xf32>
      %get3A_186 = arith.index_cast %add3A_94 : i32 to index
      %get3A_187 = arith.constant 48 : index
      %get3A_188 = tpu.vector_load %arg12[%get3A_186, %get3A_187] {strides = array<i32>} : memref<256x128xf32, #tpu.memory_space<vmem>>, vector<16xf32>,
      %get3A_189 = arith.index_cast %add3A_94 : i32 to index
      %get3A_190 = arith.constant 48 : index
      %get3A_191 = tpu.vector_load %arg13[%get3A_189, %get3A_190] {strides = array<i32>} : memref<256x128xf32, #tpu.memory_space<vmem>>, vector<16xf32>,
      %mul3A_192 = arith.mulf %get3A_188, %get3A_191 : vector<16xf32>
      %add3A_193 = arith.addf %add3A_185, %mul3A_192 : vector<16xf32>
      %get3A_194 = arith.index_cast %add3A_94 : i32 to index
      %get3A_195 = arith.constant 64 : index
      %get3A_196 = tpu.vector_load %arg12[%get3A_194, %get3A_195] {strides = array<i32>} : memref<256x128xf32, #tpu.memory_space<vmem>>, vector<16xf32>,
      %get3A_197 = arith.index_cast %add3A_94 : i32 to index
      %get3A_198 = arith.constant 64 : index
      %get3A_199 = tpu.vector_load %arg13[%get3A_197, %get3A_198] {strides = array<i32>} : memref<256x128xf32, #tpu.memory_space<vmem>>, vector<16xf32>,
      %mul3A_200 = arith.mulf %get3A_196, %get3A_199 : vector<16xf32>
      %add3A_201 = arith.addf %add3A_193, %mul3A_200 : vector<16xf32>
      %get3A_202 = arith.index_cast %add3A_94 : i32 to index
      %get3A_203 = arith.constant 80 : index
      %get3A_204 = tpu.vector_load %arg12[%get3A_202, %get3A_203] {strides = array<i32>} : memref<256x128xf32, #tpu.memory_space<vmem>>, vector<16xf32>,
      %get3A_205 = arith.index_cast %add3A_94 : i32 to index
      %get3A_206 = arith.constant 80 : index
      %get3A_207 = tpu.vector_load %arg13[%get3A_205, %get3A_206] {strides = array<i32>} : memref<256x128xf32, #tpu.memory_space<vmem>>, vector<16xf32>,
      %mul3A_208 = arith.mulf %get3A_204, %get3A_207 : vector<16xf32>
      %add3A_209 = arith.addf %add3A_201, %mul3A_208 : vector<16xf32>
      %get3A_210 = arith.index_cast %add3A_94 : i32 to index
      %get3A_211 = arith.constant 96 : index
      %get3A_212 = tpu.vector_load %arg12[%get3A_210, %get3A_211] {strides = array<i32>} : memref<256x128xf32, #tpu.memory_space<vmem>>, vector<16xf32>,
      %get3A_213 = arith.index_cast %add3A_94 : i32 to index
      %get3A_214 = arith.constant 96 : index
      %get3A_215 = tpu.vector_load %arg13[%get3A_213, %get3A_214] {strides = array<i32>} : memref<256x128xf32, #tpu.memory_space<vmem>>, vector<16xf32>,
      %mul3A_216 = arith.mulf %get3A_212, %get3A_215 : vector<16xf32>
      %add3A_217 = arith.addf %add3A_209, %mul3A_216 : vector<16xf32>
      %get3A_218 = arith.index_cast %add3A_94 : i32 to index
      %get3A_219 = arith.constant 112 : index
      %get3A_220 = tpu.vector_load %arg12[%get3A_218, %get3A_219] {strides = array<i32>} : memref<256x128xf32, #tpu.memory_space<vmem>>, vector<16xf32>,
      %get3A_221 = arith.index_cast %add3A_94 : i32 to index
      %get3A_222 = arith.constant 112 : index
      %get3A_223 = tpu.vector_load %arg13[%get3A_221, %get3A_222] {strides = array<i32>} : memref<256x128xf32, #tpu.memory_space<vmem>>, vector<16xf32>,
      %mul3A_224 = arith.mulf %get3A_220, %get3A_223 : vector<16xf32>
      %add3A_225 = arith.addf %add3A_217, %mul3A_224 : vector<16xf32>
      %reduce_sum3A_226 = arith.constant true
      %reduce_sum3A_227 = vector.broadcast %reduce_sum3A_226 : i1 to vector<16xi1>
      %reduce_sum3A_228 = tpu.scan <sum>, %add3A_225 masked %reduce_sum3A_227 : vector<16xf32>, vector<16xi1> -> vector<16xf32>
      %reduce_sum3A_229 = vector.extract %reduce_sum3A_228[15] : f32 from vector<16xf32>
      %broadcast_in_dim3A_230 = vector.broadcast %add3A_94 : i32 to vector<16xi32>
      %broadcast_in_dim3A_231 = vector.broadcast %reduce_sum3A_229 : f32 to vector<16xf32>
      %rem3A_232 = arith.constant 16 : i32
      %rem3A_233 = arith.remsi %add3A_94, %rem3A_232 : i32
      %eq3A_234 = vector.broadcast %rem3A_233 : i32 to vector<16xi32>
      %eq3A_235 = arith.cmpi eq, %iota3A, %eq3A_234 : vector<16xi32>
      tpu.vector_store_idx %arg25[%broadcast_in_dim3A_230], %broadcast_in_dim3A_231 masked %eq3A_235 : memref<256xf32, #tpu.memory_space<vmem>>[vector<16xi32>], vector<16xf32>, vector<16xi1>
    }
    %scan3A_48 = arith.constant 128 : i32
    %dma_wait3A_49 = arith.constant 0 : i32
    %dma_wait3A_50 = arith.constant 0 : i32
    %dma_wait3A_51 = tpu.memref_slice %arg3[%dma_wait3A_49, %dma_wait3A_50] : memref<8192x128xf32, #tpu.memory_space<hbm>> -> memref<8192x128xf32, #tpu.memory_space<hbm>>
    tpu.wait_indirect_dma semaphore(%arg34 : memref<!tpu.dma_semaphore, #tpu.memory_space<semaphore_mem>>) src(%dma_wait3A_51 : memref<8192x128xf32, #tpu.memory_space<hbm>>) dst(%arg14 : memref<256x128xf32, #tpu.memory_space<vmem>>)
    %dma_start3A_52 = arith.constant 0 : i32
    %dma_start3A_53 = arith.constant 0 : i32
    %dma_start3A_54 = tpu.memref_slice %arg3[%dma_start3A_52, %dma_start3A_53] : memref<8192x128xf32, #tpu.memory_space<hbm>> -> memref<8192x128xf32, #tpu.memory_space<hbm>>
    tpu.enqueue_indirect_dma source(%dma_start3A_54 : memref<8192x128xf32, #tpu.memory_space<hbm>>) target(%arg13 : memref<256x128xf32, #tpu.memory_space<vmem>>) offsets(%arg21 : memref<256xi32, #tpu.memory_space<vmem>>) semaphore(%arg33 : memref<!tpu.dma_semaphore, #tpu.memory_space<semaphore_mem>>)
    %scan3A_55 = arith.constant 0 : i32
    %scan3A_56 = arith.constant 0 : i32
    %scan3A_57 = arith.constant 128 : i32
    %scan3A_58 = arith.addi %scan3A_56, %scan3A_57 : i32
    %scan3A_59 = arith.constant 1 : i32
    scf.for %scan3A_88 = %scan3A_56 to %scan3A_58 step %scan3A_59  : i32 {
      %mul3A_89 = arith.constant 2 : i32
      %mul3A_90 = arith.muli %mul3A_89, %scan3A_88 : i32
      %mul3A_91 = arith.constant 2 : i32
      %mul3A_92 = arith.muli %mul3A_91, %scan3A_88 : i32
      %add3A_93 = arith.constant 1 : i32
      %add3A_94 = arith.addi %mul3A_92, %add3A_93 : i32
      %get3A = arith.index_cast %mul3A_90 : i32 to index
      %get3A_95 = arith.constant 0 : index
      %get3A_96 = tpu.vector_load %arg12[%get3A, %get3A_95] {strides = array<i32>} : memref<256x128xf32, #tpu.memory_space<vmem>>, vector<16xf32>,
      %get3A_97 = arith.index_cast %mul3A_90 : i32 to index
      %get3A_98 = arith.constant 0 : index
      %get3A_99 = tpu.vector_load %arg14[%get3A_97, %get3A_98] {strides = array<i32>} : memref<256x128xf32, #tpu.memory_space<vmem>>, vector<16xf32>,
      %mul3A_100 = arith.mulf %get3A_96, %get3A_99 : vector<16xf32>
      %get3A_101 = arith.index_cast %mul3A_90 : i32 to index
      %get3A_102 = arith.constant 16 : index
      %get3A_103 = tpu.vector_load %arg12[%get3A_101, %get3A_102] {strides = array<i32>} : memref<256x128xf32, #tpu.memory_space<vmem>>, vector<16xf32>,
      %get3A_104 = arith.index_cast %mul3A_90 : i32 to index
      %get3A_105 = arith.constant 16 : index
      %get3A_106 = tpu.vector_load %arg14[%get3A_104, %get3A_105] {strides = array<i32>} : memref<256x128xf32, #tpu.memory_space<vmem>>, vector<16xf32>,
      %mul3A_107 = arith.mulf %get3A_103, %get3A_106 : vector<16xf32>
      %add3A_108 = arith.addf %mul3A_100, %mul3A_107 : vector<16xf32>
      %get3A_109 = arith.index_cast %mul3A_90 : i32 to index
      %get3A_110 = arith.constant 32 : index
      %get3A_111 = tpu.vector_load %arg12[%get3A_109, %get3A_110] {strides = array<i32>} : memref<256x128xf32, #tpu.memory_space<vmem>>, vector<16xf32>,
      %get3A_112 = arith.index_cast %mul3A_90 : i32 to index
      %get3A_113 = arith.constant 32 : index
      %get3A_114 = tpu.vector_load %arg14[%get3A_112, %get3A_113] {strides = array<i32>} : memref<256x128xf32, #tpu.memory_space<vmem>>, vector<16xf32>,
      %mul3A_115 = arith.mulf %get3A_111, %get3A_114 : vector<16xf32>
      %add3A_116 = arith.addf %add3A_108, %mul3A_115 : vector<16xf32>
      %get3A_117 = arith.index_cast %mul3A_90 : i32 to index
      %get3A_118 = arith.constant 48 : index
      %get3A_119 = tpu.vector_load %arg12[%get3A_117, %get3A_118] {strides = array<i32>} : memref<256x128xf32, #tpu.memory_space<vmem>>, vector<16xf32>,
      %get3A_120 = arith.index_cast %mul3A_90 : i32 to index
      %get3A_121 = arith.constant 48 : index
      %get3A_122 = tpu.vector_load %arg14[%get3A_120, %get3A_121] {strides = array<i32>} : memref<256x128xf32, #tpu.memory_space<vmem>>, vector<16xf32>,
      %mul3A_123 = arith.mulf %get3A_119, %get3A_122 : vector<16xf32>
      %add3A_124 = arith.addf %add3A_116, %mul3A_123 : vector<16xf32>
      %get3A_125 = arith.index_cast %mul3A_90 : i32 to index
      %get3A_126 = arith.constant 64 : index
      %get3A_127 = tpu.vector_load %arg12[%get3A_125, %get3A_126] {strides = array<i32>} : memref<256x128xf32, #tpu.memory_space<vmem>>, vector<16xf32>,
      %get3A_128 = arith.index_cast %mul3A_90 : i32 to index
      %get3A_129 = arith.constant 64 : index
      %get3A_130 = tpu.vector_load %arg14[%get3A_128, %get3A_129] {strides = array<i32>} : memref<256x128xf32, #tpu.memory_space<vmem>>, vector<16xf32>,
      %mul3A_131 = arith.mulf %get3A_127, %get3A_130 : vector<16xf32>
      %add3A_132 = arith.addf %add3A_124, %mul3A_131 : vector<16xf32>
      %get3A_133 = arith.index_cast %mul3A_90 : i32 to index
      %get3A_134 = arith.constant 80 : index
      %get3A_135 = tpu.vector_load %arg12[%get3A_133, %get3A_134] {strides = array<i32>} : memref<256x128xf32, #tpu.memory_space<vmem>>, vector<16xf32>,
      %get3A_136 = arith.index_cast %mul3A_90 : i32 to index
      %get3A_137 = arith.constant 80 : index
      %get3A_138 = tpu.vector_load %arg14[%get3A_136, %get3A_137] {strides = array<i32>} : memref<256x128xf32, #tpu.memory_space<vmem>>, vector<16xf32>,
      %mul3A_139 = arith.mulf %get3A_135, %get3A_138 : vector<16xf32>
      %add3A_140 = arith.addf %add3A_132, %mul3A_139 : vector<16xf32>
      %get3A_141 = arith.index_cast %mul3A_90 : i32 to index
      %get3A_142 = arith.constant 96 : index
      %get3A_143 = tpu.vector_load %arg12[%get3A_141, %get3A_142] {strides = array<i32>} : memref<256x128xf32, #tpu.memory_space<vmem>>, vector<16xf32>,
      %get3A_144 = arith.index_cast %mul3A_90 : i32 to index
      %get3A_145 = arith.constant 96 : index
      %get3A_146 = tpu.vector_load %arg14[%get3A_144, %get3A_145] {strides = array<i32>} : memref<256x128xf32, #tpu.memory_space<vmem>>, vector<16xf32>,
      %mul3A_147 = arith.mulf %get3A_143, %get3A_146 : vector<16xf32>
      %add3A_148 = arith.addf %add3A_140, %mul3A_147 : vector<16xf32>
      %get3A_149 = arith.index_cast %mul3A_90 : i32 to index
      %get3A_150 = arith.constant 112 : index
      %get3A_151 = tpu.vector_load %arg12[%get3A_149, %get3A_150] {strides = array<i32>} : memref<256x128xf32, #tpu.memory_space<vmem>>, vector<16xf32>,
      %get3A_152 = arith.index_cast %mul3A_90 : i32 to index
      %get3A_153 = arith.constant 112 : index
      %get3A_154 = tpu.vector_load %arg14[%get3A_152, %get3A_153] {strides = array<i32>} : memref<256x128xf32, #tpu.memory_space<vmem>>, vector<16xf32>,
      %mul3A_155 = arith.mulf %get3A_151, %get3A_154 : vector<16xf32>
      %add3A_156 = arith.addf %add3A_148, %mul3A_155 : vector<16xf32>
      %reduce_sum3A = arith.constant true
      %reduce_sum3A_157 = vector.broadcast %reduce_sum3A : i1 to vector<16xi1>
      %reduce_sum3A_158 = tpu.scan <sum>, %add3A_156 masked %reduce_sum3A_157 : vector<16xf32>, vector<16xi1> -> vector<16xf32>
      %reduce_sum3A_159 = vector.extract %reduce_sum3A_158[15] : f32 from vector<16xf32>
      %broadcast_in_dim3A = vector.broadcast %mul3A_90 : i32 to vector<16xi32>
      %broadcast_in_dim3A_160 = vector.broadcast %reduce_sum3A_159 : f32 to vector<16xf32>
      %rem3A = arith.constant 16 : i32
      %rem3A_161 = arith.remsi %mul3A_90, %rem3A : i32
      %eq3A = vector.broadcast %rem3A_161 : i32 to vector<16xi32>
      %eq3A_162 = arith.cmpi eq, %iota3A, %eq3A : vector<16xi32>
      tpu.vector_store_idx %arg26[%broadcast_in_dim3A], %broadcast_in_dim3A_160 masked %eq3A_162 : memref<256xf32, #tpu.memory_space<vmem>>[vector<16xi32>], vector<16xf32>, vector<16xi1>
      %get3A_163 = arith.index_cast %add3A_94 : i32 to index
      %get3A_164 = arith.constant 0 : index
      %get3A_165 = tpu.vector_load %arg12[%get3A_163, %get3A_164] {strides = array<i32>} : memref<256x128xf32, #tpu.memory_space<vmem>>, vector<16xf32>,
      %get3A_166 = arith.index_cast %add3A_94 : i32 to index
      %get3A_167 = arith.constant 0 : index
      %get3A_168 = tpu.vector_load %arg14[%get3A_166, %get3A_167] {strides = array<i32>} : memref<256x128xf32, #tpu.memory_space<vmem>>, vector<16xf32>,
      %mul3A_169 = arith.mulf %get3A_165, %get3A_168 : vector<16xf32>
      %get3A_170 = arith.index_cast %add3A_94 : i32 to index
      %get3A_171 = arith.constant 16 : index
      %get3A_172 = tpu.vector_load %arg12[%get3A_170, %get3A_171] {strides = array<i32>} : memref<256x128xf32, #tpu.memory_space<vmem>>, vector<16xf32>,
      %get3A_173 = arith.index_cast %add3A_94 : i32 to index
      %get3A_174 = arith.constant 16 : index
      %get3A_175 = tpu.vector_load %arg14[%get3A_173, %get3A_174] {strides = array<i32>} : memref<256x128xf32, #tpu.memory_space<vmem>>, vector<16xf32>,
      %mul3A_176 = arith.mulf %get3A_172, %get3A_175 : vector<16xf32>
      %add3A_177 = arith.addf %mul3A_169, %mul3A_176 : vector<16xf32>
      %get3A_178 = arith.index_cast %add3A_94 : i32 to index
      %get3A_179 = arith.constant 32 : index
      %get3A_180 = tpu.vector_load %arg12[%get3A_178, %get3A_179] {strides = array<i32>} : memref<256x128xf32, #tpu.memory_space<vmem>>, vector<16xf32>,
      %get3A_181 = arith.index_cast %add3A_94 : i32 to index
      %get3A_182 = arith.constant 32 : index
      %get3A_183 = tpu.vector_load %arg14[%get3A_181, %get3A_182] {strides = array<i32>} : memref<256x128xf32, #tpu.memory_space<vmem>>, vector<16xf32>,
      %mul3A_184 = arith.mulf %get3A_180, %get3A_183 : vector<16xf32>
      %add3A_185 = arith.addf %add3A_177, %mul3A_184 : vector<16xf32>
      %get3A_186 = arith.index_cast %add3A_94 : i32 to index
      %get3A_187 = arith.constant 48 : index
      %get3A_188 = tpu.vector_load %arg12[%get3A_186, %get3A_187] {strides = array<i32>} : memref<256x128xf32, #tpu.memory_space<vmem>>, vector<16xf32>,
      %get3A_189 = arith.index_cast %add3A_94 : i32 to index
      %get3A_190 = arith.constant 48 : index
      %get3A_191 = tpu.vector_load %arg14[%get3A_189, %get3A_190] {strides = array<i32>} : memref<256x128xf32, #tpu.memory_space<vmem>>, vector<16xf32>,
      %mul3A_192 = arith.mulf %get3A_188, %get3A_191 : vector<16xf32>
      %add3A_193 = arith.addf %add3A_185, %mul3A_192 : vector<16xf32>
      %get3A_194 = arith.index_cast %add3A_94 : i32 to index
      %get3A_195 = arith.constant 64 : index
      %get3A_196 = tpu.vector_load %arg12[%get3A_194, %get3A_195] {strides = array<i32>} : memref<256x128xf32, #tpu.memory_space<vmem>>, vector<16xf32>,
      %get3A_197 = arith.index_cast %add3A_94 : i32 to index
      %get3A_198 = arith.constant 64 : index
      %get3A_199 = tpu.vector_load %arg14[%get3A_197, %get3A_198] {strides = array<i32>} : memref<256x128xf32, #tpu.memory_space<vmem>>, vector<16xf32>,
      %mul3A_200 = arith.mulf %get3A_196, %get3A_199 : vector<16xf32>
      %add3A_201 = arith.addf %add3A_193, %mul3A_200 : vector<16xf32>
      %get3A_202 = arith.index_cast %add3A_94 : i32 to index
      %get3A_203 = arith.constant 80 : index
      %get3A_204 = tpu.vector_load %arg12[%get3A_202, %get3A_203] {strides = array<i32>} : memref<256x128xf32, #tpu.memory_space<vmem>>, vector<16xf32>,
      %get3A_205 = arith.index_cast %add3A_94 : i32 to index
      %get3A_206 = arith.constant 80 : index
      %get3A_207 = tpu.vector_load %arg14[%get3A_205, %get3A_206] {strides = array<i32>} : memref<256x128xf32, #tpu.memory_space<vmem>>, vector<16xf32>,
      %mul3A_208 = arith.mulf %get3A_204, %get3A_207 : vector<16xf32>
      %add3A_209 = arith.addf %add3A_201, %mul3A_208 : vector<16xf32>
      %get3A_210 = arith.index_cast %add3A_94 : i32 to index
      %get3A_211 = arith.constant 96 : index
      %get3A_212 = tpu.vector_load %arg12[%get3A_210, %get3A_211] {strides = array<i32>} : memref<256x128xf32, #tpu.memory_space<vmem>>, vector<16xf32>,
      %get3A_213 = arith.index_cast %add3A_94 : i32 to index
      %get3A_214 = arith.constant 96 : index
      %get3A_215 = tpu.vector_load %arg14[%get3A_213, %get3A_214] {strides = array<i32>} : memref<256x128xf32, #tpu.memory_space<vmem>>, vector<16xf32>,
      %mul3A_216 = arith.mulf %get3A_212, %get3A_215 : vector<16xf32>
      %add3A_217 = arith.addf %add3A_209, %mul3A_216 : vector<16xf32>
      %get3A_218 = arith.index_cast %add3A_94 : i32 to index
      %get3A_219 = arith.constant 112 : index
      %get3A_220 = tpu.vector_load %arg12[%get3A_218, %get3A_219] {strides = array<i32>} : memref<256x128xf32, #tpu.memory_space<vmem>>, vector<16xf32>,
      %get3A_221 = arith.index_cast %add3A_94 : i32 to index
      %get3A_222 = arith.constant 112 : index
      %get3A_223 = tpu.vector_load %arg14[%get3A_221, %get3A_222] {strides = array<i32>} : memref<256x128xf32, #tpu.memory_space<vmem>>, vector<16xf32>,
      %mul3A_224 = arith.mulf %get3A_220, %get3A_223 : vector<16xf32>
      %add3A_225 = arith.addf %add3A_217, %mul3A_224 : vector<16xf32>
      %reduce_sum3A_226 = arith.constant true
      %reduce_sum3A_227 = vector.broadcast %reduce_sum3A_226 : i1 to vector<16xi1>
      %reduce_sum3A_228 = tpu.scan <sum>, %add3A_225 masked %reduce_sum3A_227 : vector<16xf32>, vector<16xi1> -> vector<16xf32>
      %reduce_sum3A_229 = vector.extract %reduce_sum3A_228[15] : f32 from vector<16xf32>
      %broadcast_in_dim3A_230 = vector.broadcast %add3A_94 : i32 to vector<16xi32>
      %broadcast_in_dim3A_231 = vector.broadcast %reduce_sum3A_229 : f32 to vector<16xf32>
      %rem3A_232 = arith.constant 16 : i32
      %rem3A_233 = arith.remsi %add3A_94, %rem3A_232 : i32
      %eq3A_234 = vector.broadcast %rem3A_233 : i32 to vector<16xi32>
      %eq3A_235 = arith.cmpi eq, %iota3A, %eq3A_234 : vector<16xi32>
      tpu.vector_store_idx %arg26[%broadcast_in_dim3A_230], %broadcast_in_dim3A_231 masked %eq3A_235 : memref<256xf32, #tpu.memory_space<vmem>>[vector<16xi32>], vector<16xf32>, vector<16xi1>
    }
    %scan3A_60 = arith.constant 128 : i32
    %dma_wait3A_61 = arith.constant 0 : i32
    %dma_wait3A_62 = arith.constant 0 : i32
    %dma_wait3A_63 = tpu.memref_slice %arg3[%dma_wait3A_61, %dma_wait3A_62] : memref<8192x128xf32, #tpu.memory_space<hbm>> -> memref<8192x128xf32, #tpu.memory_space<hbm>>
    tpu.wait_indirect_dma semaphore(%arg33 : memref<!tpu.dma_semaphore, #tpu.memory_space<semaphore_mem>>) src(%dma_wait3A_63 : memref<8192x128xf32, #tpu.memory_space<hbm>>) dst(%arg13 : memref<256x128xf32, #tpu.memory_space<vmem>>)
    %scan3A_64 = arith.constant 0 : i32
    %scan3A_65 = arith.constant 0 : i32
    %scan3A_66 = arith.constant 128 : i32
    %scan3A_67 = arith.addi %scan3A_65, %scan3A_66 : i32
    %scan3A_68 = arith.constant 1 : i32
    scf.for %scan3A_88 = %scan3A_65 to %scan3A_67 step %scan3A_68  : i32 {
      %mul3A_89 = arith.constant 2 : i32
      %mul3A_90 = arith.muli %mul3A_89, %scan3A_88 : i32
      %mul3A_91 = arith.constant 2 : i32
      %mul3A_92 = arith.muli %mul3A_91, %scan3A_88 : i32
      %add3A_93 = arith.constant 1 : i32
      %add3A_94 = arith.addi %mul3A_92, %add3A_93 : i32
      %get3A = arith.index_cast %mul3A_90 : i32 to index
      %get3A_95 = arith.constant 0 : index
      %get3A_96 = tpu.vector_load %arg12[%get3A, %get3A_95] {strides = array<i32>} : memref<256x128xf32, #tpu.memory_space<vmem>>, vector<16xf32>,
      %get3A_97 = arith.index_cast %mul3A_90 : i32 to index
      %get3A_98 = arith.constant 0 : index
      %get3A_99 = tpu.vector_load %arg13[%get3A_97, %get3A_98] {strides = array<i32>} : memref<256x128xf32, #tpu.memory_space<vmem>>, vector<16xf32>,
      %mul3A_100 = arith.mulf %get3A_96, %get3A_99 : vector<16xf32>
      %get3A_101 = arith.index_cast %mul3A_90 : i32 to index
      %get3A_102 = arith.constant 16 : index
      %get3A_103 = tpu.vector_load %arg12[%get3A_101, %get3A_102] {strides = array<i32>} : memref<256x128xf32, #tpu.memory_space<vmem>>, vector<16xf32>,
      %get3A_104 = arith.index_cast %mul3A_90 : i32 to index
      %get3A_105 = arith.constant 16 : index
      %get3A_106 = tpu.vector_load %arg13[%get3A_104, %get3A_105] {strides = array<i32>} : memref<256x128xf32, #tpu.memory_space<vmem>>, vector<16xf32>,
      %mul3A_107 = arith.mulf %get3A_103, %get3A_106 : vector<16xf32>
      %add3A_108 = arith.addf %mul3A_100, %mul3A_107 : vector<16xf32>
      %get3A_109 = arith.index_cast %mul3A_90 : i32 to index
      %get3A_110 = arith.constant 32 : index
      %get3A_111 = tpu.vector_load %arg12[%get3A_109, %get3A_110] {strides = array<i32>} : memref<256x128xf32, #tpu.memory_space<vmem>>, vector<16xf32>,
      %get3A_112 = arith.index_cast %mul3A_90 : i32 to index
      %get3A_113 = arith.constant 32 : index
      %get3A_114 = tpu.vector_load %arg13[%get3A_112, %get3A_113] {strides = array<i32>} : memref<256x128xf32, #tpu.memory_space<vmem>>, vector<16xf32>,
      %mul3A_115 = arith.mulf %get3A_111, %get3A_114 : vector<16xf32>
      %add3A_116 = arith.addf %add3A_108, %mul3A_115 : vector<16xf32>
      %get3A_117 = arith.index_cast %mul3A_90 : i32 to index
      %get3A_118 = arith.constant 48 : index
      %get3A_119 = tpu.vector_load %arg12[%get3A_117, %get3A_118] {strides = array<i32>} : memref<256x128xf32, #tpu.memory_space<vmem>>, vector<16xf32>,
      %get3A_120 = arith.index_cast %mul3A_90 : i32 to index
      %get3A_121 = arith.constant 48 : index
      %get3A_122 = tpu.vector_load %arg13[%get3A_120, %get3A_121] {strides = array<i32>} : memref<256x128xf32, #tpu.memory_space<vmem>>, vector<16xf32>,
      %mul3A_123 = arith.mulf %get3A_119, %get3A_122 : vector<16xf32>
      %add3A_124 = arith.addf %add3A_116, %mul3A_123 : vector<16xf32>
      %get3A_125 = arith.index_cast %mul3A_90 : i32 to index
      %get3A_126 = arith.constant 64 : index
      %get3A_127 = tpu.vector_load %arg12[%get3A_125, %get3A_126] {strides = array<i32>} : memref<256x128xf32, #tpu.memory_space<vmem>>, vector<16xf32>,
      %get3A_128 = arith.index_cast %mul3A_90 : i32 to index
      %get3A_129 = arith.constant 64 : index
      %get3A_130 = tpu.vector_load %arg13[%get3A_128, %get3A_129] {strides = array<i32>} : memref<256x128xf32, #tpu.memory_space<vmem>>, vector<16xf32>,
      %mul3A_131 = arith.mulf %get3A_127, %get3A_130 : vector<16xf32>
      %add3A_132 = arith.addf %add3A_124, %mul3A_131 : vector<16xf32>
      %get3A_133 = arith.index_cast %mul3A_90 : i32 to index
      %get3A_134 = arith.constant 80 : index
      %get3A_135 = tpu.vector_load %arg12[%get3A_133, %get3A_134] {strides = array<i32>} : memref<256x128xf32, #tpu.memory_space<vmem>>, vector<16xf32>,
      %get3A_136 = arith.index_cast %mul3A_90 : i32 to index
      %get3A_137 = arith.constant 80 : index
      %get3A_138 = tpu.vector_load %arg13[%get3A_136, %get3A_137] {strides = array<i32>} : memref<256x128xf32, #tpu.memory_space<vmem>>, vector<16xf32>,
      %mul3A_139 = arith.mulf %get3A_135, %get3A_138 : vector<16xf32>
      %add3A_140 = arith.addf %add3A_132, %mul3A_139 : vector<16xf32>
      %get3A_141 = arith.index_cast %mul3A_90 : i32 to index
      %get3A_142 = arith.constant 96 : index
      %get3A_143 = tpu.vector_load %arg12[%get3A_141, %get3A_142] {strides = array<i32>} : memref<256x128xf32, #tpu.memory_space<vmem>>, vector<16xf32>,
      %get3A_144 = arith.index_cast %mul3A_90 : i32 to index
      %get3A_145 = arith.constant 96 : index
      %get3A_146 = tpu.vector_load %arg13[%get3A_144, %get3A_145] {strides = array<i32>} : memref<256x128xf32, #tpu.memory_space<vmem>>, vector<16xf32>,
      %mul3A_147 = arith.mulf %get3A_143, %get3A_146 : vector<16xf32>
      %add3A_148 = arith.addf %add3A_140, %mul3A_147 : vector<16xf32>
      %get3A_149 = arith.index_cast %mul3A_90 : i32 to index
      %get3A_150 = arith.constant 112 : index
      %get3A_151 = tpu.vector_load %arg12[%get3A_149, %get3A_150] {strides = array<i32>} : memref<256x128xf32, #tpu.memory_space<vmem>>, vector<16xf32>,
      %get3A_152 = arith.index_cast %mul3A_90 : i32 to index
      %get3A_153 = arith.constant 112 : index
      %get3A_154 = tpu.vector_load %arg13[%get3A_152, %get3A_153] {strides = array<i32>} : memref<256x128xf32, #tpu.memory_space<vmem>>, vector<16xf32>,
      %mul3A_155 = arith.mulf %get3A_151, %get3A_154 : vector<16xf32>
      %add3A_156 = arith.addf %add3A_148, %mul3A_155 : vector<16xf32>
      %reduce_sum3A = arith.constant true
      %reduce_sum3A_157 = vector.broadcast %reduce_sum3A : i1 to vector<16xi1>
      %reduce_sum3A_158 = tpu.scan <sum>, %add3A_156 masked %reduce_sum3A_157 : vector<16xf32>, vector<16xi1> -> vector<16xf32>
      %reduce_sum3A_159 = vector.extract %reduce_sum3A_158[15] : f32 from vector<16xf32>
      %broadcast_in_dim3A = vector.broadcast %mul3A_90 : i32 to vector<16xi32>
      %broadcast_in_dim3A_160 = vector.broadcast %reduce_sum3A_159 : f32 to vector<16xf32>
      %rem3A = arith.constant 16 : i32
      %rem3A_161 = arith.remsi %mul3A_90, %rem3A : i32
      %eq3A = vector.broadcast %rem3A_161 : i32 to vector<16xi32>
      %eq3A_162 = arith.cmpi eq, %iota3A, %eq3A : vector<16xi32>
      tpu.vector_store_idx %arg27[%broadcast_in_dim3A], %broadcast_in_dim3A_160 masked %eq3A_162 : memref<256xf32, #tpu.memory_space<vmem>>[vector<16xi32>], vector<16xf32>, vector<16xi1>
      %get3A_163 = arith.index_cast %add3A_94 : i32 to index
      %get3A_164 = arith.constant 0 : index
      %get3A_165 = tpu.vector_load %arg12[%get3A_163, %get3A_164] {strides = array<i32>} : memref<256x128xf32, #tpu.memory_space<vmem>>, vector<16xf32>,
      %get3A_166 = arith.index_cast %add3A_94 : i32 to index
      %get3A_167 = arith.constant 0 : index
      %get3A_168 = tpu.vector_load %arg13[%get3A_166, %get3A_167] {strides = array<i32>} : memref<256x128xf32, #tpu.memory_space<vmem>>, vector<16xf32>,
      %mul3A_169 = arith.mulf %get3A_165, %get3A_168 : vector<16xf32>
      %get3A_170 = arith.index_cast %add3A_94 : i32 to index
      %get3A_171 = arith.constant 16 : index
      %get3A_172 = tpu.vector_load %arg12[%get3A_170, %get3A_171] {strides = array<i32>} : memref<256x128xf32, #tpu.memory_space<vmem>>, vector<16xf32>,
      %get3A_173 = arith.index_cast %add3A_94 : i32 to index
      %get3A_174 = arith.constant 16 : index
      %get3A_175 = tpu.vector_load %arg13[%get3A_173, %get3A_174] {strides = array<i32>} : memref<256x128xf32, #tpu.memory_space<vmem>>, vector<16xf32>,
      %mul3A_176 = arith.mulf %get3A_172, %get3A_175 : vector<16xf32>
      %add3A_177 = arith.addf %mul3A_169, %mul3A_176 : vector<16xf32>
      %get3A_178 = arith.index_cast %add3A_94 : i32 to index
      %get3A_179 = arith.constant 32 : index
      %get3A_180 = tpu.vector_load %arg12[%get3A_178, %get3A_179] {strides = array<i32>} : memref<256x128xf32, #tpu.memory_space<vmem>>, vector<16xf32>,
      %get3A_181 = arith.index_cast %add3A_94 : i32 to index
      %get3A_182 = arith.constant 32 : index
      %get3A_183 = tpu.vector_load %arg13[%get3A_181, %get3A_182] {strides = array<i32>} : memref<256x128xf32, #tpu.memory_space<vmem>>, vector<16xf32>,
      %mul3A_184 = arith.mulf %get3A_180, %get3A_183 : vector<16xf32>
      %add3A_185 = arith.addf %add3A_177, %mul3A_184 : vector<16xf32>
      %get3A_186 = arith.index_cast %add3A_94 : i32 to index
      %get3A_187 = arith.constant 48 : index
      %get3A_188 = tpu.vector_load %arg12[%get3A_186, %get3A_187] {strides = array<i32>} : memref<256x128xf32, #tpu.memory_space<vmem>>, vector<16xf32>,
      %get3A_189 = arith.index_cast %add3A_94 : i32 to index
      %get3A_190 = arith.constant 48 : index
      %get3A_191 = tpu.vector_load %arg13[%get3A_189, %get3A_190] {strides = array<i32>} : memref<256x128xf32, #tpu.memory_space<vmem>>, vector<16xf32>,
      %mul3A_192 = arith.mulf %get3A_188, %get3A_191 : vector<16xf32>
      %add3A_193 = arith.addf %add3A_185, %mul3A_192 : vector<16xf32>
      %get3A_194 = arith.index_cast %add3A_94 : i32 to index
      %get3A_195 = arith.constant 64 : index
      %get3A_196 = tpu.vector_load %arg12[%get3A_194, %get3A_195] {strides = array<i32>} : memref<256x128xf32, #tpu.memory_space<vmem>>, vector<16xf32>,
      %get3A_197 = arith.index_cast %add3A_94 : i32 to index
      %get3A_198 = arith.constant 64 : index
      %get3A_199 = tpu.vector_load %arg13[%get3A_197, %get3A_198] {strides = array<i32>} : memref<256x128xf32, #tpu.memory_space<vmem>>, vector<16xf32>,
      %mul3A_200 = arith.mulf %get3A_196, %get3A_199 : vector<16xf32>
      %add3A_201 = arith.addf %add3A_193, %mul3A_200 : vector<16xf32>
      %get3A_202 = arith.index_cast %add3A_94 : i32 to index
      %get3A_203 = arith.constant 80 : index
      %get3A_204 = tpu.vector_load %arg12[%get3A_202, %get3A_203] {strides = array<i32>} : memref<256x128xf32, #tpu.memory_space<vmem>>, vector<16xf32>,
      %get3A_205 = arith.index_cast %add3A_94 : i32 to index
      %get3A_206 = arith.constant 80 : index
      %get3A_207 = tpu.vector_load %arg13[%get3A_205, %get3A_206] {strides = array<i32>} : memref<256x128xf32, #tpu.memory_space<vmem>>, vector<16xf32>,
      %mul3A_208 = arith.mulf %get3A_204, %get3A_207 : vector<16xf32>
      %add3A_209 = arith.addf %add3A_201, %mul3A_208 : vector<16xf32>
      %get3A_210 = arith.index_cast %add3A_94 : i32 to index
      %get3A_211 = arith.constant 96 : index
      %get3A_212 = tpu.vector_load %arg12[%get3A_210, %get3A_211] {strides = array<i32>} : memref<256x128xf32, #tpu.memory_space<vmem>>, vector<16xf32>,
      %get3A_213 = arith.index_cast %add3A_94 : i32 to index
      %get3A_214 = arith.constant 96 : index
      %get3A_215 = tpu.vector_load %arg13[%get3A_213, %get3A_214] {strides = array<i32>} : memref<256x128xf32, #tpu.memory_space<vmem>>, vector<16xf32>,
      %mul3A_216 = arith.mulf %get3A_212, %get3A_215 : vector<16xf32>
      %add3A_217 = arith.addf %add3A_209, %mul3A_216 : vector<16xf32>
      %get3A_218 = arith.index_cast %add3A_94 : i32 to index
      %get3A_219 = arith.constant 112 : index
      %get3A_220 = tpu.vector_load %arg12[%get3A_218, %get3A_219] {strides = array<i32>} : memref<256x128xf32, #tpu.memory_space<vmem>>, vector<16xf32>,
      %get3A_221 = arith.index_cast %add3A_94 : i32 to index
      %get3A_222 = arith.constant 112 : index
      %get3A_223 = tpu.vector_load %arg13[%get3A_221, %get3A_222] {strides = array<i32>} : memref<256x128xf32, #tpu.memory_space<vmem>>, vector<16xf32>,
      %mul3A_224 = arith.mulf %get3A_220, %get3A_223 : vector<16xf32>
      %add3A_225 = arith.addf %add3A_217, %mul3A_224 : vector<16xf32>
      %reduce_sum3A_226 = arith.constant true
      %reduce_sum3A_227 = vector.broadcast %reduce_sum3A_226 : i1 to vector<16xi1>
      %reduce_sum3A_228 = tpu.scan <sum>, %add3A_225 masked %reduce_sum3A_227 : vector<16xf32>, vector<16xi1> -> vector<16xf32>
      %reduce_sum3A_229 = vector.extract %reduce_sum3A_228[15] : f32 from vector<16xf32>
      %broadcast_in_dim3A_230 = vector.broadcast %add3A_94 : i32 to vector<16xi32>
      %broadcast_in_dim3A_231 = vector.broadcast %reduce_sum3A_229 : f32 to vector<16xf32>
      %rem3A_232 = arith.constant 16 : i32
      %rem3A_233 = arith.remsi %add3A_94, %rem3A_232 : i32
      %eq3A_234 = vector.broadcast %rem3A_233 : i32 to vector<16xi32>
      %eq3A_235 = arith.cmpi eq, %iota3A, %eq3A_234 : vector<16xi32>
      tpu.vector_store_idx %arg27[%broadcast_in_dim3A_230], %broadcast_in_dim3A_231 masked %eq3A_235 : memref<256xf32, #tpu.memory_space<vmem>>[vector<16xi32>], vector<16xf32>, vector<16xi1>
    }
    %scan3A_69 = arith.constant 128 : i32
    %scan3A_70 = arith.constant 0 : i32
    %scan3A_71 = arith.constant 0 : i32
    %scan3A_72 = arith.constant 16 : i32
    %scan3A_73 = arith.addi %scan3A_71, %scan3A_72 : i32
    %scan3A_74 = arith.constant 1 : i32
    scf.for %scan3A_88 = %scan3A_71 to %scan3A_73 step %scan3A_74  : i32 {
      %mul3A_89 = arith.constant 16 : i32
      %mul3A_90 = arith.muli %scan3A_88, %mul3A_89 : i32
      %get3A = arith.index_cast %mul3A_90 : i32 to index
      %get3A_91 = tpu.vector_load %arg23[%get3A] {strides = array<i32>} : memref<256xf32, #tpu.memory_space<vmem>>, vector<16xf32>,
      %broadcast_in_dim3A = arith.constant 0 : i32
      %broadcast_in_dim3A_92 = vector.broadcast %broadcast_in_dim3A : i32 to vector<16xi32>
      %get3A_93 = arith.index_cast %mul3A_90 : i32 to index
      %get3A_94 = tpu.vector_load %arg24[%get3A_93] {strides = array<i32>} : memref<256xf32, #tpu.memory_space<vmem>>, vector<16xf32>,
      %gt3A = arith.cmpf ogt, %get3A_94, %get3A_91 : vector<16xf32>
      %select_n3A = arith.select %gt3A, %get3A_94, %get3A_91 : vector<16xi1>, vector<16xf32>
      %broadcast_in_dim3A_95 = arith.constant 1 : i32
      %broadcast_in_dim3A_96 = vector.broadcast %broadcast_in_dim3A_95 : i32 to vector<16xi32>
      %select_n3A_97 = arith.select %gt3A, %broadcast_in_dim3A_96, %broadcast_in_dim3A_92 : vector<16xi1>, vector<16xi32>
      %get3A_98 = arith.index_cast %mul3A_90 : i32 to index
      %get3A_99 = tpu.vector_load %arg25[%get3A_98] {strides = array<i32>} : memref<256xf32, #tpu.memory_space<vmem>>, vector<16xf32>,
      %gt3A_100 = arith.cmpf ogt, %get3A_99, %select_n3A : vector<16xf32>
      %select_n3A_101 = arith.select %gt3A_100, %get3A_99, %select_n3A : vector<16xi1>, vector<16xf32>
      %broadcast_in_dim3A_102 = arith.constant 2 : i32
      %broadcast_in_dim3A_103 = vector.broadcast %broadcast_in_dim3A_102 : i32 to vector<16xi32>
      %select_n3A_104 = arith.select %gt3A_100, %broadcast_in_dim3A_103, %select_n3A_97 : vector<16xi1>, vector<16xi32>
      %get3A_105 = arith.index_cast %mul3A_90 : i32 to index
      %get3A_106 = tpu.vector_load %arg26[%get3A_105] {strides = array<i32>} : memref<256xf32, #tpu.memory_space<vmem>>, vector<16xf32>,
      %gt3A_107 = arith.cmpf ogt, %get3A_106, %select_n3A_101 : vector<16xf32>
      %select_n3A_108 = arith.select %gt3A_107, %get3A_106, %select_n3A_101 : vector<16xi1>, vector<16xf32>
      %broadcast_in_dim3A_109 = arith.constant 3 : i32
      %broadcast_in_dim3A_110 = vector.broadcast %broadcast_in_dim3A_109 : i32 to vector<16xi32>
      %select_n3A_111 = arith.select %gt3A_107, %broadcast_in_dim3A_110, %select_n3A_104 : vector<16xi1>, vector<16xi32>
      %get3A_112 = arith.index_cast %mul3A_90 : i32 to index
      %get3A_113 = tpu.vector_load %arg27[%get3A_112] {strides = array<i32>} : memref<256xf32, #tpu.memory_space<vmem>>, vector<16xf32>,
      %gt3A_114 = arith.cmpf ogt, %get3A_113, %select_n3A_108 : vector<16xf32>
      %select_n3A_115 = arith.select %gt3A_114, %get3A_113, %select_n3A_108 : vector<16xi1>, vector<16xf32>
      %broadcast_in_dim3A_116 = arith.constant 4 : i32
      %broadcast_in_dim3A_117 = vector.broadcast %broadcast_in_dim3A_116 : i32 to vector<16xi32>
      %select_n3A_118 = arith.select %gt3A_114, %broadcast_in_dim3A_117, %select_n3A_111 : vector<16xi1>, vector<16xi32>
      %mul3A_119 = arith.constant 16 : i32
      %mul3A_120 = arith.muli %scan3A_88, %mul3A_119 : i32
      %add3A_121 = vector.broadcast %mul3A_120 : i32 to vector<16xi32>
      %add3A_122 = arith.addi %add3A_121, %iota3A : vector<16xi32>
      %mul3A_123 = arith.constant 8 : i32
      %mul3A_124 = vector.broadcast %mul3A_123 : i32 to vector<16xi32>
      %mul3A_125 = arith.muli %add3A_122, %mul3A_124 : vector<16xi32>
      %add3A_126 = arith.addi %mul3A_125, %select_n3A_118 : vector<16xi32>
      %gather3A = tpu.vector_load_idx %arg15[%add3A_126] : memref<2048xi32, #tpu.memory_space<vmem>>[vector<16xi32>], vector<16xi32>,
      %gather3A_127 = tpu.vector_load_idx %arg16[%add3A_126] : memref<2048xf32, #tpu.memory_space<vmem>>[vector<16xi32>], vector<16xf32>,
      %mul3A_128 = arith.constant 5.000000e-01 : f32
      %mul3A_129 = vector.broadcast %mul3A_128 : f32 to vector<16xf32>
      %mul3A_130 = arith.mulf %mul3A_129, %select_n3A_115 : vector<16xf32>
      %add3A_131 = arith.constant 5.000000e-01 : f32
      %add3A_132 = vector.broadcast %add3A_131 : f32 to vector<16xf32>
      %add3A_133 = arith.addf %mul3A_130, %add3A_132 : vector<16xf32>
      %neg3A = arith.constant 0.000000e+00 : f32
      %neg3A_134 = vector.broadcast %neg3A : f32 to vector<16xf32>
      %neg3A_135 = arith.subf %neg3A_134, %gather3A_127 : vector<16xf32>
      %div3A = arith.constant 1.000000e-01 : f32
      %div3A_136 = vector.broadcast %div3A : f32 to vector<16xf32>
      %div3A_137 = arith.divf %neg3A_135, %div3A_136 : vector<16xf32>
      %exp3A = math.exp %div3A_137 : vector<16xf32>
      %mul3A_138 = arith.mulf %add3A_133, %exp3A : vector<16xf32>
      %swap3A = arith.index_cast %mul3A_90 : i32 to index
      %swap3A_139 = tpu.vector_load %arg28[%swap3A] {strides = array<i32>} : memref<256xi32, #tpu.memory_space<vmem>>, vector<16xi32>,
      tpu.vector_store %arg28[%swap3A], %gather3A {strides = array<i32>} : memref<256xi32, #tpu.memory_space<vmem>>, vector<16xi32>,
      %swap3A_140 = arith.index_cast %mul3A_90 : i32 to index
      %swap3A_141 = tpu.vector_load %arg29[%swap3A_140] {strides = array<i32>} : memref<256xf32, #tpu.memory_space<vmem>>, vector<16xf32>,
      tpu.vector_store %arg29[%swap3A_140], %mul3A_138 {strides = array<i32>} : memref<256xf32, #tpu.memory_space<vmem>>, vector<16xf32>,
      %swap3A_142 = arith.index_cast %mul3A_90 : i32 to index
      %swap3A_143 = tpu.vector_load %arg22[%swap3A_142] {strides = array<i32>} : memref<256xi32, #tpu.memory_space<vmem>>, vector<16xi32>,
      tpu.vector_store %arg22[%swap3A_142], %gather3A {strides = array<i32>} : memref<256xi32, #tpu.memory_space<vmem>>, vector<16xi32>,
    }
    %scan3A_75 = arith.constant 16 : i32
    %dma_start3A_76 = arith.constant 0 : i32
    %dma_start3A_77 = arith.constant 0 : i32
    %dma_start3A_78 = tpu.memref_slice %arg7[%dma_start3A_76, %dma_start3A_77] : memref<8192x16xf32, #tpu.memory_space<hbm>> -> memref<8192x16xf32, #tpu.memory_space<hbm>>
    tpu.enqueue_indirect_dma source(%dma_start3A_78 : memref<8192x16xf32, #tpu.memory_space<hbm>>) target(%arg31 : memref<256x16xf32, #tpu.memory_space<vmem>>) offsets(%arg22 : memref<256xi32, #tpu.memory_space<vmem>>) semaphore(%arg33 : memref<!tpu.dma_semaphore, #tpu.memory_space<semaphore_mem>>)
    %dma_wait3A_79 = arith.constant 0 : i32
    %dma_wait3A_80 = arith.constant 0 : i32
    %dma_wait3A_81 = tpu.memref_slice %arg7[%dma_wait3A_79, %dma_wait3A_80] : memref<8192x16xf32, #tpu.memory_space<hbm>> -> memref<8192x16xf32, #tpu.memory_space<hbm>>
    tpu.wait_indirect_dma semaphore(%arg33 : memref<!tpu.dma_semaphore, #tpu.memory_space<semaphore_mem>>) src(%dma_wait3A_81 : memref<8192x16xf32, #tpu.memory_space<hbm>>) dst(%arg31 : memref<256x16xf32, #tpu.memory_space<vmem>>)
    "tpu.region"() ({
      %run_scoped3A = tpu.sem_alloc : memref<!tpu.dma_semaphore, #tpu.memory_space<semaphore_mem>>
      %dma_start3A_88 = arith.constant 0 : i32
      %dma_start3A_89 = tpu.memref_slice %arg6[%mul3A_2, %dma_start3A_88] : memref<8192x16xf32, #tpu.memory_space<hbm>> -> memref<256x16xf32, #tpu.memory_space<hbm>>
      %dma_start3A_90 = arith.constant 0 : i32
      %dma_start3A_91 = tpu.memref_slice %arg6[%mul3A_2, %dma_start3A_90] : memref<8192x16xf32, #tpu.memory_space<hbm>> -> memref<256x16xf32, #tpu.memory_space<hbm>>
      tpu.enqueue_dma source(%dma_start3A_91 : memref<256x16xf32, #tpu.memory_space<hbm>>) target(%arg30 : memref<256x16xf32, #tpu.memory_space<vmem>>) target_semaphore(%run_scoped3A : memref<!tpu.dma_semaphore, #tpu.memory_space<semaphore_mem>>)
      %dma_wait3A_92 = arith.constant 0 : i32
      %dma_wait3A_93 = tpu.memref_slice %arg6[%mul3A_2, %dma_wait3A_92] : memref<8192x16xf32, #tpu.memory_space<hbm>> -> memref<256x16xf32, #tpu.memory_space<hbm>>
      %dma_wait3A_94 = arith.constant 0 : i32
      %dma_wait3A_95 = tpu.memref_slice %arg6[%mul3A_2, %dma_wait3A_94] : memref<8192x16xf32, #tpu.memory_space<hbm>> -> memref<256x16xf32, #tpu.memory_space<hbm>>
      tpu.wait_dma2 semaphore(%run_scoped3A : memref<!tpu.dma_semaphore, #tpu.memory_space<semaphore_mem>>) src(%dma_wait3A_95 : memref<256x16xf32, #tpu.memory_space<hbm>>) dst(%arg30 : memref<256x16xf32, #tpu.memory_space<vmem>>)
      tpu.yield
    }) : () -> ()
    %scan3A_82 = arith.constant 0 : i32
    %scan3A_83 = arith.constant 0 : i32
    %scan3A_84 = arith.constant 256 : i32
    %scan3A_85 = arith.addi %scan3A_83, %scan3A_84 : i32
    %scan3A_86 = arith.constant 1 : i32
    scf.for %scan3A_88 = %scan3A_83 to %scan3A_85 step %scan3A_86  : i32 {
      %get3A = arith.index_cast %scan3A_88 : i32 to index
      %get3A_89 = arith.constant 0 : index
      %get3A_90 = tpu.vector_load %arg31[%get3A, %get3A_89] {strides = array<i32>} : memref<256x16xf32, #tpu.memory_space<vmem>>, vector<16xf32>,
      %get3A_91 = arith.index_cast %scan3A_88 : i32 to index
      %get3A_92 = arith.constant 0 : index
      %get3A_93 = tpu.vector_load %arg30[%get3A_91, %get3A_92] {strides = array<i32>} : memref<256x16xf32, #tpu.memory_space<vmem>>, vector<16xf32>,
      %sub3A = arith.subf %get3A_90, %get3A_93 : vector<16xf32>
      %swap3A = arith.index_cast %scan3A_88 : i32 to index
      %swap3A_94 = arith.constant 0 : index
      %swap3A_95 = tpu.vector_load %arg32[%swap3A, %swap3A_94] {strides = array<i32>} : memref<256x16xf32, #tpu.memory_space<vmem>>, vector<16xf32>,
      tpu.vector_store %arg32[%swap3A, %swap3A_94], %sub3A {strides = array<i32>} : memref<256x16xf32, #tpu.memory_space<vmem>>, vector<16xf32>,
    }
    %scan3A_87 = arith.constant 256 : i32
    "tpu.region"() ({
      %run_scoped3A = tpu.sem_alloc : memref<!tpu.dma_semaphore, #tpu.memory_space<semaphore_mem>>
      %dma_start3A_88 = tpu.memref_slice %arg8[%mul3A_2] : memref<8192xi32, #tpu.memory_space<hbm>> -> memref<256xi32, #tpu.memory_space<hbm>>
      %dma_start3A_89 = tpu.memref_slice %arg8[%mul3A_2] : memref<8192xi32, #tpu.memory_space<hbm>> -> memref<256xi32, #tpu.memory_space<hbm>>
      tpu.enqueue_dma source(%arg28 : memref<256xi32, #tpu.memory_space<vmem>>) target(%dma_start3A_89 : memref<256xi32, #tpu.memory_space<hbm>>) target_semaphore(%run_scoped3A : memref<!tpu.dma_semaphore, #tpu.memory_space<semaphore_mem>>)
      %dma_wait3A_90 = tpu.memref_slice %arg8[%mul3A_2] : memref<8192xi32, #tpu.memory_space<hbm>> -> memref<256xi32, #tpu.memory_space<hbm>>
      %dma_wait3A_91 = tpu.memref_slice %arg8[%mul3A_2] : memref<8192xi32, #tpu.memory_space<hbm>> -> memref<256xi32, #tpu.memory_space<hbm>>
      tpu.wait_dma2 semaphore(%run_scoped3A : memref<!tpu.dma_semaphore, #tpu.memory_space<semaphore_mem>>) src(%arg28 : memref<256xi32, #tpu.memory_space<vmem>>) dst(%dma_wait3A_91 : memref<256xi32, #tpu.memory_space<hbm>>)
      tpu.yield
    }) : () -> ()
    "tpu.region"() ({
      %run_scoped3A = tpu.sem_alloc : memref<!tpu.dma_semaphore, #tpu.memory_space<semaphore_mem>>
      %dma_start3A_88 = tpu.memref_slice %arg9[%mul3A_2] : memref<8192xf32, #tpu.memory_space<hbm>> -> memref<256xf32, #tpu.memory_space<hbm>>
      %dma_start3A_89 = tpu.memref_slice %arg9[%mul3A_2] : memref<8192xf32, #tpu.memory_space<hbm>> -> memref<256xf32, #tpu.memory_space<hbm>>
      tpu.enqueue_dma source(%arg29 : memref<256xf32, #tpu.memory_space<vmem>>) target(%dma_start3A_89 : memref<256xf32, #tpu.memory_space<hbm>>) target_semaphore(%run_scoped3A : memref<!tpu.dma_semaphore, #tpu.memory_space<semaphore_mem>>)
      %dma_wait3A_90 = tpu.memref_slice %arg9[%mul3A_2] : memref<8192xf32, #tpu.memory_space<hbm>> -> memref<256xf32, #tpu.memory_space<hbm>>
      %dma_wait3A_91 = tpu.memref_slice %arg9[%mul3A_2] : memref<8192xf32, #tpu.memory_space<hbm>> -> memref<256xf32, #tpu.memory_space<hbm>>
      tpu.wait_dma2 semaphore(%run_scoped3A : memref<!tpu.dma_semaphore, #tpu.memory_space<semaphore_mem>>) src(%arg29 : memref<256xf32, #tpu.memory_space<vmem>>) dst(%dma_wait3A_91 : memref<256xf32, #tpu.memory_space<hbm>>)
      tpu.yield
    }) : () -> ()
    "tpu.region"() ({
      %run_scoped3A = tpu.sem_alloc : memref<!tpu.dma_semaphore, #tpu.memory_space<semaphore_mem>>
      %dma_start3A_88 = arith.constant 0 : i32
      %dma_start3A_89 = tpu.memref_slice %arg10[%mul3A_2, %dma_start3A_88] : memref<8192x16xf32, #tpu.memory_space<hbm>> -> memref<256x16xf32, #tpu.memory_space<hbm>>
      %dma_start3A_90 = arith.constant 0 : i32
      %dma_start3A_91 = tpu.memref_slice %arg10[%mul3A_2, %dma_start3A_90] : memref<8192x16xf32, #tpu.memory_space<hbm>> -> memref<256x16xf32, #tpu.memory_space<hbm>>
      tpu.enqueue_dma source(%arg31 : memref<256x16xf32, #tpu.memory_space<vmem>>) target(%dma_start3A_91 : memref<256x16xf32, #tpu.memory_space<hbm>>) target_semaphore(%run_scoped3A : memref<!tpu.dma_semaphore, #tpu.memory_space<semaphore_mem>>)
      %dma_wait3A_92 = arith.constant 0 : i32
      %dma_wait3A_93 = tpu.memref_slice %arg10[%mul3A_2, %dma_wait3A_92] : memref<8192x16xf32, #tpu.memory_space<hbm>> -> memref<256x16xf32, #tpu.memory_space<hbm>>
      %dma_wait3A_94 = arith.constant 0 : i32
      %dma_wait3A_95 = tpu.memref_slice %arg10[%mul3A_2, %dma_wait3A_94] : memref<8192x16xf32, #tpu.memory_space<hbm>> -> memref<256x16xf32, #tpu.memory_space<hbm>>
      tpu.wait_dma2 semaphore(%run_scoped3A : memref<!tpu.dma_semaphore, #tpu.memory_space<semaphore_mem>>) src(%arg31 : memref<256x16xf32, #tpu.memory_space<vmem>>) dst(%dma_wait3A_95 : memref<256x16xf32, #tpu.memory_space<hbm>>)
      tpu.yield
    }) : () -> ()
    "tpu.region"() ({
      %run_scoped3A = tpu.sem_alloc : memref<!tpu.dma_semaphore, #tpu.memory_space<semaphore_mem>>
      %dma_start3A_88 = arith.constant 0 : i32
      %dma_start3A_89 = tpu.memref_slice %arg11[%mul3A_2, %dma_start3A_88] : memref<8192x16xf32, #tpu.memory_space<hbm>> -> memref<256x16xf32, #tpu.memory_space<hbm>>
      %dma_start3A_90 = arith.constant 0 : i32
      %dma_start3A_91 = tpu.memref_slice %arg11[%mul3A_2, %dma_start3A_90] : memref<8192x16xf32, #tpu.memory_space<hbm>> -> memref<256x16xf32, #tpu.memory_space<hbm>>
      tpu.enqueue_dma source(%arg32 : memref<256x16xf32, #tpu.memory_space<vmem>>) target(%dma_start3A_91 : memref<256x16xf32, #tpu.memory_space<hbm>>) target_semaphore(%run_scoped3A : memref<!tpu.dma_semaphore, #tpu.memory_space<semaphore_mem>>)
      %dma_wait3A_92 = arith.constant 0 : i32
      %dma_wait3A_93 = tpu.memref_slice %arg11[%mul3A_2, %dma_wait3A_92] : memref<8192x16xf32, #tpu.memory_space<hbm>> -> memref<256x16xf32, #tpu.memory_space<hbm>>
      %dma_wait3A_94 = arith.constant 0 : i32
      %dma_wait3A_95 = tpu.memref_slice %arg11[%mul3A_2, %dma_wait3A_94] : memref<8192x16xf32, #tpu.memory_space<hbm>> -> memref<256x16xf32, #tpu.memory_space<hbm>>
      tpu.wait_dma2 semaphore(%run_scoped3A : memref<!tpu.dma_semaphore, #tpu.memory_space<semaphore_mem>>) src(%arg32 : memref<256x16xf32, #tpu.memory_space<vmem>>) dst(%dma_wait3A_95 : memref<256x16xf32, #tpu.memory_space<hbm>>)
      tpu.yield
    }) : () -> ()
    return
  }
}

#map = affine_map<(d0, d1) -> (0, 0)>
#map1 = affine_map<(d0, d1) -> (0)>
module attributes {stable_mosaic.version = 14 : i64} {
  func.func @_sc_rescore_body(%arg0: i32, %arg1: i32, %arg2: memref<8192x128xf32, #tpu.memory_space<hbm>>, %arg3: memref<8192x128xf32, #tpu.memory_space<hbm>>, %arg4: memref<65536xi32, #tpu.memory_space<hbm>>, %arg5: memref<65536xf32, #tpu.memory_space<hbm>>, %arg6: memref<8192x16xf32, #tpu.memory_space<hbm>>, %arg7: memref<8192x16xf32, #tpu.memory_space<hbm>>, %arg8: memref<8192xi32, #tpu.memory_space<hbm>>, %arg9: memref<8192xf32, #tpu.memory_space<hbm>>, %arg10: memref<8192x16xf32, #tpu.memory_space<hbm>>, %arg11: memref<8192x16xf32, #tpu.memory_space<hbm>>, %arg12: memref<256x128xf32, #tpu.memory_space<vmem>>, %arg13: memref<256x128xf32, #tpu.memory_space<vmem>>, %arg14: memref<256x128xf32, #tpu.memory_space<vmem>>, %arg15: memref<2048xi32, #tpu.memory_space<vmem>>, %arg16: memref<2048xf32, #tpu.memory_space<vmem>>, %arg17: memref<256xi32, #tpu.memory_space<vmem>>, %arg18: memref<256xi32, #tpu.memory_space<vmem>>, %arg19: memref<256xi32, #tpu.memory_space<vmem>>, %arg20: memref<256xi32, #tpu.memory_space<vmem>>, %arg21: memref<256xi32, #tpu.memory_space<vmem>>, %arg22: memref<256xi32, #tpu.memory_space<vmem>>, %arg23: memref<256xf32, #tpu.memory_space<vmem>>, %arg24: memref<256xf32, #tpu.memory_space<vmem>>, %arg25: memref<256xf32, #tpu.memory_space<vmem>>, %arg26: memref<256xf32, #tpu.memory_space<vmem>>, %arg27: memref<256xf32, #tpu.memory_space<vmem>>, %arg28: memref<256xi32, #tpu.memory_space<vmem>>, %arg29: memref<256xf32, #tpu.memory_space<vmem>>, %arg30: memref<256x16xf32, #tpu.memory_space<vmem>>, %arg31: memref<256x16xf32, #tpu.memory_space<vmem>>, %arg32: memref<256x16xf32, #tpu.memory_space<vmem>>, %arg33: memref<!tpu.dma_semaphore, #tpu.memory_space<semaphore_mem>>, %arg34: memref<!tpu.dma_semaphore, #tpu.memory_space<semaphore_mem>>) attributes {dimension_semantics = [#tpu.dimension_semantics<core_parallel>, #tpu.dimension_semantics<subcore_parallel>], iteration_bounds = array<i64: 2, 16>, scalar_prefetch = 0 : i64, scratch_operands = 23 : i64, tpu.core_type = #tpu.core_type<sc_vector_subcore>, window_params = [{transform_indices = #map}, {transform_indices = #map}, {transform_indices = #map1}, {transform_indices = #map1}, {transform_indices = #map}, {transform_indices = #map}, {transform_indices = #map1}, {transform_indices = #map1}, {transform_indices = #map}, {transform_indices = #map}]} {
    %mul3A = arith.constant 2 : i32
    %mul3A_0 = arith.muli %arg1, %mul3A : i32
    %add3A = arith.addi %mul3A_0, %arg0 : i32
    %iota3A = tpu.iota {dimensions = array<i32: 0>} : vector<16xi32>
    %mul3A_1 = arith.constant 256 : i32
    %mul3A_2 = arith.muli %add3A, %mul3A_1 : i32
    %mul3A_3 = arith.constant 8 : i32
    %mul3A_4 = arith.muli %mul3A_2, %mul3A_3 : i32
    "tpu.region"() ({
      %run_scoped3A = tpu.sem_alloc : memref<!tpu.dma_semaphore, #tpu.memory_space<semaphore_mem>>
      %dma_start3A_88 = tpu.memref_slice %arg4[%mul3A_4] : memref<65536xi32, #tpu.memory_space<hbm>> -> memref<2048xi32, #tpu.memory_space<hbm>>
      %dma_start3A_89 = tpu.memref_slice %arg4[%mul3A_4] : memref<65536xi32, #tpu.memory_space<hbm>> -> memref<2048xi32, #tpu.memory_space<hbm>>
      tpu.enqueue_dma source(%dma_start3A_89 : memref<2048xi32, #tpu.memory_space<hbm>>) target(%arg15 : memref<2048xi32, #tpu.memory_space<vmem>>) target_semaphore(%run_scoped3A : memref<!tpu.dma_semaphore, #tpu.memory_space<semaphore_mem>>)
      %dma_wait3A_90 = tpu.memref_slice %arg4[%mul3A_4] : memref<65536xi32, #tpu.memory_space<hbm>> -> memref<2048xi32, #tpu.memory_space<hbm>>
      %dma_wait3A_91 = tpu.memref_slice %arg4[%mul3A_4] : memref<65536xi32, #tpu.memory_space<hbm>> -> memref<2048xi32, #tpu.memory_space<hbm>>
      tpu.wait_dma2 semaphore(%run_scoped3A : memref<!tpu.dma_semaphore, #tpu.memory_space<semaphore_mem>>) src(%dma_wait3A_91 : memref<2048xi32, #tpu.memory_space<hbm>>) dst(%arg15 : memref<2048xi32, #tpu.memory_space<vmem>>)
      tpu.yield
    }) : () -> ()
    %mul3A_5 = arith.constant 8 : i32
    %mul3A_6 = arith.muli %mul3A_2, %mul3A_5 : i32
    "tpu.region"() ({
      %run_scoped3A = tpu.sem_alloc : memref<!tpu.dma_semaphore, #tpu.memory_space<semaphore_mem>>
      %dma_start3A_88 = tpu.memref_slice %arg5[%mul3A_6] : memref<65536xf32, #tpu.memory_space<hbm>> -> memref<2048xf32, #tpu.memory_space<hbm>>
      %dma_start3A_89 = tpu.memref_slice %arg5[%mul3A_6] : memref<65536xf32, #tpu.memory_space<hbm>> -> memref<2048xf32, #tpu.memory_space<hbm>>
      tpu.enqueue_dma source(%dma_start3A_89 : memref<2048xf32, #tpu.memory_space<hbm>>) target(%arg16 : memref<2048xf32, #tpu.memory_space<vmem>>) target_semaphore(%run_scoped3A : memref<!tpu.dma_semaphore, #tpu.memory_space<semaphore_mem>>)
      %dma_wait3A_90 = tpu.memref_slice %arg5[%mul3A_6] : memref<65536xf32, #tpu.memory_space<hbm>> -> memref<2048xf32, #tpu.memory_space<hbm>>
      %dma_wait3A_91 = tpu.memref_slice %arg5[%mul3A_6] : memref<65536xf32, #tpu.memory_space<hbm>> -> memref<2048xf32, #tpu.memory_space<hbm>>
      tpu.wait_dma2 semaphore(%run_scoped3A : memref<!tpu.dma_semaphore, #tpu.memory_space<semaphore_mem>>) src(%dma_wait3A_91 : memref<2048xf32, #tpu.memory_space<hbm>>) dst(%arg16 : memref<2048xf32, #tpu.memory_space<vmem>>)
      tpu.yield
    }) : () -> ()
    "tpu.region"() ({
      %run_scoped3A = tpu.sem_alloc : memref<!tpu.dma_semaphore, #tpu.memory_space<semaphore_mem>>
      %dma_start3A_88 = arith.constant 0 : i32
      %dma_start3A_89 = tpu.memref_slice %arg2[%mul3A_2, %dma_start3A_88] : memref<8192x128xf32, #tpu.memory_space<hbm>> -> memref<256x128xf32, #tpu.memory_space<hbm>>
      %dma_start3A_90 = arith.constant 0 : i32
      %dma_start3A_91 = tpu.memref_slice %arg2[%mul3A_2, %dma_start3A_90] : memref<8192x128xf32, #tpu.memory_space<hbm>> -> memref<256x128xf32, #tpu.memory_space<hbm>>
      tpu.enqueue_dma source(%dma_start3A_91 : memref<256x128xf32, #tpu.memory_space<hbm>>) target(%arg12 : memref<256x128xf32, #tpu.memory_space<vmem>>) target_semaphore(%run_scoped3A : memref<!tpu.dma_semaphore, #tpu.memory_space<semaphore_mem>>)
      %dma_wait3A_92 = arith.constant 0 : i32
      %dma_wait3A_93 = tpu.memref_slice %arg2[%mul3A_2, %dma_wait3A_92] : memref<8192x128xf32, #tpu.memory_space<hbm>> -> memref<256x128xf32, #tpu.memory_space<hbm>>
      %dma_wait3A_94 = arith.constant 0 : i32
      %dma_wait3A_95 = tpu.memref_slice %arg2[%mul3A_2, %dma_wait3A_94] : memref<8192x128xf32, #tpu.memory_space<hbm>> -> memref<256x128xf32, #tpu.memory_space<hbm>>
      tpu.wait_dma2 semaphore(%run_scoped3A : memref<!tpu.dma_semaphore, #tpu.memory_space<semaphore_mem>>) src(%dma_wait3A_95 : memref<256x128xf32, #tpu.memory_space<hbm>>) dst(%arg12 : memref<256x128xf32, #tpu.memory_space<vmem>>)
      tpu.yield
    }) : () -> ()
    %scan3A = arith.constant 0 : i32
    %scan3A_7 = arith.constant 0 : i32
    %scan3A_8 = arith.constant 16 : i32
    %scan3A_9 = arith.addi %scan3A_7, %scan3A_8 : i32
    %scan3A_10 = arith.constant 1 : i32
    scf.for %scan3A_88 = %scan3A_7 to %scan3A_9 step %scan3A_10  : i32 {
      %mul3A_89 = arith.constant 16 : i32
      %mul3A_90 = arith.muli %scan3A_88, %mul3A_89 : i32
      %add3A_91 = vector.broadcast %mul3A_90 : i32 to vector<16xi32>
      %add3A_92 = arith.addi %add3A_91, %iota3A : vector<16xi32>
      %mul3A_93 = arith.constant 8 : i32
      %mul3A_94 = vector.broadcast %mul3A_93 : i32 to vector<16xi32>
      %mul3A_95 = arith.muli %add3A_92, %mul3A_94 : vector<16xi32>
      %add3A_96 = arith.constant 0 : i32
      %add3A_97 = vector.broadcast %add3A_96 : i32 to vector<16xi32>
      %add3A_98 = arith.addi %mul3A_95, %add3A_97 : vector<16xi32>
      %gather3A = tpu.vector_load_idx %arg15[%add3A_98] : memref<2048xi32, #tpu.memory_space<vmem>>[vector<16xi32>], vector<16xi32>,
      %mul3A_99 = arith.constant 16 : i32
      %mul3A_100 = arith.muli %scan3A_88, %mul3A_99 : i32
      %swap3A = arith.index_cast %mul3A_100 : i32 to index
      %swap3A_101 = tpu.vector_load %arg17[%swap3A] {strides = array<i32>} : memref<256xi32, #tpu.memory_space<vmem>>, vector<16xi32>,
      tpu.vector_store %arg17[%swap3A], %gather3A {strides = array<i32>} : memref<256xi32, #tpu.memory_space<vmem>>, vector<16xi32>,
      %mul3A_102 = arith.constant 8 : i32
      %mul3A_103 = vector.broadcast %mul3A_102 : i32 to vector<16xi32>
      %mul3A_104 = arith.muli %add3A_92, %mul3A_103 : vector<16xi32>
      %add3A_105 = arith.constant 1 : i32
      %add3A_106 = vector.broadcast %add3A_105 : i32 to vector<16xi32>
      %add3A_107 = arith.addi %mul3A_104, %add3A_106 : vector<16xi32>
      %gather3A_108 = tpu.vector_load_idx %arg15[%add3A_107] : memref<2048xi32, #tpu.memory_space<vmem>>[vector<16xi32>], vector<16xi32>,
      %mul3A_109 = arith.constant 16 : i32
      %mul3A_110 = arith.muli %scan3A_88, %mul3A_109 : i32
      %swap3A_111 = arith.index_cast %mul3A_110 : i32 to index
      %swap3A_112 = tpu.vector_load %arg18[%swap3A_111] {strides = array<i32>} : memref<256xi32, #tpu.memory_space<vmem>>, vector<16xi32>,
      tpu.vector_store %arg18[%swap3A_111], %gather3A_108 {strides = array<i32>} : memref<256xi32, #tpu.memory_space<vmem>>, vector<16xi32>,
      %mul3A_113 = arith.constant 8 : i32
      %mul3A_114 = vector.broadcast %mul3A_113 : i32 to vector<16xi32>
      %mul3A_115 = arith.muli %add3A_92, %mul3A_114 : vector<16xi32>
      %add3A_116 = arith.constant 2 : i32
      %add3A_117 = vector.broadcast %add3A_116 : i32 to vector<16xi32>
      %add3A_118 = arith.addi %mul3A_115, %add3A_117 : vector<16xi32>
      %gather3A_119 = tpu.vector_load_idx %arg15[%add3A_118] : memref<2048xi32, #tpu.memory_space<vmem>>[vector<16xi32>], vector<16xi32>,
      %mul3A_120 = arith.constant 16 : i32
      %mul3A_121 = arith.muli %scan3A_88, %mul3A_120 : i32
      %swap3A_122 = arith.index_cast %mul3A_121 : i32 to index
      %swap3A_123 = tpu.vector_load %arg19[%swap3A_122] {strides = array<i32>} : memref<256xi32, #tpu.memory_space<vmem>>, vector<16xi32>,
      tpu.vector_store %arg19[%swap3A_122], %gather3A_119 {strides = array<i32>} : memref<256xi32, #tpu.memory_space<vmem>>, vector<16xi32>,
      %mul3A_124 = arith.constant 8 : i32
      %mul3A_125 = vector.broadcast %mul3A_124 : i32 to vector<16xi32>
      %mul3A_126 = arith.muli %add3A_92, %mul3A_125 : vector<16xi32>
      %add3A_127 = arith.constant 3 : i32
      %add3A_128 = vector.broadcast %add3A_127 : i32 to vector<16xi32>
      %add3A_129 = arith.addi %mul3A_126, %add3A_128 : vector<16xi32>
      %gather3A_130 = tpu.vector_load_idx %arg15[%add3A_129] : memref<2048xi32, #tpu.memory_space<vmem>>[vector<16xi32>], vector<16xi32>,
      %mul3A_131 = arith.constant 16 : i32
      %mul3A_132 = arith.muli %scan3A_88, %mul3A_131 : i32
      %swap3A_133 = arith.index_cast %mul3A_132 : i32 to index
      %swap3A_134 = tpu.vector_load %arg20[%swap3A_133] {strides = array<i32>} : memref<256xi32, #tpu.memory_space<vmem>>, vector<16xi32>,
      tpu.vector_store %arg20[%swap3A_133], %gather3A_130 {strides = array<i32>} : memref<256xi32, #tpu.memory_space<vmem>>, vector<16xi32>,
      %mul3A_135 = arith.constant 8 : i32
      %mul3A_136 = vector.broadcast %mul3A_135 : i32 to vector<16xi32>
      %mul3A_137 = arith.muli %add3A_92, %mul3A_136 : vector<16xi32>
      %add3A_138 = arith.constant 4 : i32
      %add3A_139 = vector.broadcast %add3A_138 : i32 to vector<16xi32>
      %add3A_140 = arith.addi %mul3A_137, %add3A_139 : vector<16xi32>
      %gather3A_141 = tpu.vector_load_idx %arg15[%add3A_140] : memref<2048xi32, #tpu.memory_space<vmem>>[vector<16xi32>], vector<16xi32>,
      %mul3A_142 = arith.constant 16 : i32
      %mul3A_143 = arith.muli %scan3A_88, %mul3A_142 : i32
      %swap3A_144 = arith.index_cast %mul3A_143 : i32 to index
      %swap3A_145 = tpu.vector_load %arg21[%swap3A_144] {strides = array<i32>} : memref<256xi32, #tpu.memory_space<vmem>>, vector<16xi32>,
      tpu.vector_store %arg21[%swap3A_144], %gather3A_141 {strides = array<i32>} : memref<256xi32, #tpu.memory_space<vmem>>, vector<16xi32>,
    }
    %scan3A_11 = arith.constant 16 : i32
    %dma_start3A = arith.constant 0 : i32
    %dma_start3A_12 = arith.constant 0 : i32
    %dma_start3A_13 = tpu.memref_slice %arg3[%dma_start3A, %dma_start3A_12] : memref<8192x128xf32, #tpu.memory_space<hbm>> -> memref<8192x128xf32, #tpu.memory_space<hbm>>
    tpu.enqueue_indirect_dma source(%dma_start3A_13 : memref<8192x128xf32, #tpu.memory_space<hbm>>) target(%arg13 : memref<256x128xf32, #tpu.memory_space<vmem>>) offsets(%arg17 : memref<256xi32, #tpu.memory_space<vmem>>) semaphore(%arg33 : memref<!tpu.dma_semaphore, #tpu.memory_space<semaphore_mem>>)
    %dma_wait3A = arith.constant 0 : i32
    %dma_wait3A_14 = arith.constant 0 : i32
    %dma_wait3A_15 = tpu.memref_slice %arg3[%dma_wait3A, %dma_wait3A_14] : memref<8192x128xf32, #tpu.memory_space<hbm>> -> memref<8192x128xf32, #tpu.memory_space<hbm>>
    tpu.wait_indirect_dma semaphore(%arg33 : memref<!tpu.dma_semaphore, #tpu.memory_space<semaphore_mem>>) src(%dma_wait3A_15 : memref<8192x128xf32, #tpu.memory_space<hbm>>) dst(%arg13 : memref<256x128xf32, #tpu.memory_space<vmem>>)
    %dma_start3A_16 = arith.constant 0 : i32
    %dma_start3A_17 = arith.constant 0 : i32
    %dma_start3A_18 = tpu.memref_slice %arg3[%dma_start3A_16, %dma_start3A_17] : memref<8192x128xf32, #tpu.memory_space<hbm>> -> memref<8192x128xf32, #tpu.memory_space<hbm>>
    tpu.enqueue_indirect_dma source(%dma_start3A_18 : memref<8192x128xf32, #tpu.memory_space<hbm>>) target(%arg14 : memref<256x128xf32, #tpu.memory_space<vmem>>) offsets(%arg18 : memref<256xi32, #tpu.memory_space<vmem>>) semaphore(%arg34 : memref<!tpu.dma_semaphore, #tpu.memory_space<semaphore_mem>>)
    %scan3A_19 = arith.constant 0 : i32
    %scan3A_20 = arith.constant 0 : i32
    %scan3A_21 = arith.constant 128 : i32
    %scan3A_22 = arith.addi %scan3A_20, %scan3A_21 : i32
    %scan3A_23 = arith.constant 1 : i32
    scf.for %scan3A_88 = %scan3A_20 to %scan3A_22 step %scan3A_23  : i32 {
      %mul3A_89 = arith.constant 2 : i32
      %mul3A_90 = arith.muli %mul3A_89, %scan3A_88 : i32
      %mul3A_91 = arith.constant 2 : i32
      %mul3A_92 = arith.muli %mul3A_91, %scan3A_88 : i32
      %add3A_93 = arith.constant 1 : i32
      %add3A_94 = arith.addi %mul3A_92, %add3A_93 : i32
      %get3A = arith.index_cast %mul3A_90 : i32 to index
      %get3A_95 = arith.constant 0 : index
      %get3A_96 = tpu.vector_load %arg12[%get3A, %get3A_95] {strides = array<i32>} : memref<256x128xf32, #tpu.memory_space<vmem>>, vector<16xf32>,
      %get3A_97 = arith.index_cast %mul3A_90 : i32 to index
      %get3A_98 = arith.constant 0 : index
      %get3A_99 = tpu.vector_load %arg13[%get3A_97, %get3A_98] {strides = array<i32>} : memref<256x128xf32, #tpu.memory_space<vmem>>, vector<16xf32>,
      %mul3A_100 = arith.mulf %get3A_96, %get3A_99 : vector<16xf32>
      %get3A_101 = arith.index_cast %mul3A_90 : i32 to index
      %get3A_102 = arith.constant 16 : index
      %get3A_103 = tpu.vector_load %arg12[%get3A_101, %get3A_102] {strides = array<i32>} : memref<256x128xf32, #tpu.memory_space<vmem>>, vector<16xf32>,
      %get3A_104 = arith.index_cast %mul3A_90 : i32 to index
      %get3A_105 = arith.constant 16 : index
      %get3A_106 = tpu.vector_load %arg13[%get3A_104, %get3A_105] {strides = array<i32>} : memref<256x128xf32, #tpu.memory_space<vmem>>, vector<16xf32>,
      %mul3A_107 = arith.mulf %get3A_103, %get3A_106 : vector<16xf32>
      %add3A_108 = arith.addf %mul3A_100, %mul3A_107 : vector<16xf32>
      %get3A_109 = arith.index_cast %mul3A_90 : i32 to index
      %get3A_110 = arith.constant 32 : index
      %get3A_111 = tpu.vector_load %arg12[%get3A_109, %get3A_110] {strides = array<i32>} : memref<256x128xf32, #tpu.memory_space<vmem>>, vector<16xf32>,
      %get3A_112 = arith.index_cast %mul3A_90 : i32 to index
      %get3A_113 = arith.constant 32 : index
      %get3A_114 = tpu.vector_load %arg13[%get3A_112, %get3A_113] {strides = array<i32>} : memref<256x128xf32, #tpu.memory_space<vmem>>, vector<16xf32>,
      %mul3A_115 = arith.mulf %get3A_111, %get3A_114 : vector<16xf32>
      %add3A_116 = arith.addf %add3A_108, %mul3A_115 : vector<16xf32>
      %get3A_117 = arith.index_cast %mul3A_90 : i32 to index
      %get3A_118 = arith.constant 48 : index
      %get3A_119 = tpu.vector_load %arg12[%get3A_117, %get3A_118] {strides = array<i32>} : memref<256x128xf32, #tpu.memory_space<vmem>>, vector<16xf32>,
      %get3A_120 = arith.index_cast %mul3A_90 : i32 to index
      %get3A_121 = arith.constant 48 : index
      %get3A_122 = tpu.vector_load %arg13[%get3A_120, %get3A_121] {strides = array<i32>} : memref<256x128xf32, #tpu.memory_space<vmem>>, vector<16xf32>,
      %mul3A_123 = arith.mulf %get3A_119, %get3A_122 : vector<16xf32>
      %add3A_124 = arith.addf %add3A_116, %mul3A_123 : vector<16xf32>
      %get3A_125 = arith.index_cast %mul3A_90 : i32 to index
      %get3A_126 = arith.constant 64 : index
      %get3A_127 = tpu.vector_load %arg12[%get3A_125, %get3A_126] {strides = array<i32>} : memref<256x128xf32, #tpu.memory_space<vmem>>, vector<16xf32>,
      %get3A_128 = arith.index_cast %mul3A_90 : i32 to index
      %get3A_129 = arith.constant 64 : index
      %get3A_130 = tpu.vector_load %arg13[%get3A_128, %get3A_129] {strides = array<i32>} : memref<256x128xf32, #tpu.memory_space<vmem>>, vector<16xf32>,
      %mul3A_131 = arith.mulf %get3A_127, %get3A_130 : vector<16xf32>
      %add3A_132 = arith.addf %add3A_124, %mul3A_131 : vector<16xf32>
      %get3A_133 = arith.index_cast %mul3A_90 : i32 to index
      %get3A_134 = arith.constant 80 : index
      %get3A_135 = tpu.vector_load %arg12[%get3A_133, %get3A_134] {strides = array<i32>} : memref<256x128xf32, #tpu.memory_space<vmem>>, vector<16xf32>,
      %get3A_136 = arith.index_cast %mul3A_90 : i32 to index
      %get3A_137 = arith.constant 80 : index
      %get3A_138 = tpu.vector_load %arg13[%get3A_136, %get3A_137] {strides = array<i32>} : memref<256x128xf32, #tpu.memory_space<vmem>>, vector<16xf32>,
      %mul3A_139 = arith.mulf %get3A_135, %get3A_138 : vector<16xf32>
      %add3A_140 = arith.addf %add3A_132, %mul3A_139 : vector<16xf32>
      %get3A_141 = arith.index_cast %mul3A_90 : i32 to index
      %get3A_142 = arith.constant 96 : index
      %get3A_143 = tpu.vector_load %arg12[%get3A_141, %get3A_142] {strides = array<i32>} : memref<256x128xf32, #tpu.memory_space<vmem>>, vector<16xf32>,
      %get3A_144 = arith.index_cast %mul3A_90 : i32 to index
      %get3A_145 = arith.constant 96 : index
      %get3A_146 = tpu.vector_load %arg13[%get3A_144, %get3A_145] {strides = array<i32>} : memref<256x128xf32, #tpu.memory_space<vmem>>, vector<16xf32>,
      %mul3A_147 = arith.mulf %get3A_143, %get3A_146 : vector<16xf32>
      %add3A_148 = arith.addf %add3A_140, %mul3A_147 : vector<16xf32>
      %get3A_149 = arith.index_cast %mul3A_90 : i32 to index
      %get3A_150 = arith.constant 112 : index
      %get3A_151 = tpu.vector_load %arg12[%get3A_149, %get3A_150] {strides = array<i32>} : memref<256x128xf32, #tpu.memory_space<vmem>>, vector<16xf32>,
      %get3A_152 = arith.index_cast %mul3A_90 : i32 to index
      %get3A_153 = arith.constant 112 : index
      %get3A_154 = tpu.vector_load %arg13[%get3A_152, %get3A_153] {strides = array<i32>} : memref<256x128xf32, #tpu.memory_space<vmem>>, vector<16xf32>,
      %mul3A_155 = arith.mulf %get3A_151, %get3A_154 : vector<16xf32>
      %add3A_156 = arith.addf %add3A_148, %mul3A_155 : vector<16xf32>
      %reduce_sum3A = arith.constant true
      %reduce_sum3A_157 = vector.broadcast %reduce_sum3A : i1 to vector<16xi1>
      %reduce_sum3A_158 = tpu.scan <sum>, %add3A_156 masked %reduce_sum3A_157 : vector<16xf32>, vector<16xi1> -> vector<16xf32>
      %reduce_sum3A_159 = vector.extract %reduce_sum3A_158[15] : f32 from vector<16xf32>
      %broadcast_in_dim3A = vector.broadcast %mul3A_90 : i32 to vector<16xi32>
      %broadcast_in_dim3A_160 = vector.broadcast %reduce_sum3A_159 : f32 to vector<16xf32>
      %rem3A = arith.constant 16 : i32
      %rem3A_161 = arith.remsi %mul3A_90, %rem3A : i32
      %eq3A = vector.broadcast %rem3A_161 : i32 to vector<16xi32>
      %eq3A_162 = arith.cmpi eq, %iota3A, %eq3A : vector<16xi32>
      tpu.vector_store_idx %arg23[%broadcast_in_dim3A], %broadcast_in_dim3A_160 masked %eq3A_162 : memref<256xf32, #tpu.memory_space<vmem>>[vector<16xi32>], vector<16xf32>, vector<16xi1>
      %get3A_163 = arith.index_cast %add3A_94 : i32 to index
      %get3A_164 = arith.constant 0 : index
      %get3A_165 = tpu.vector_load %arg12[%get3A_163, %get3A_164] {strides = array<i32>} : memref<256x128xf32, #tpu.memory_space<vmem>>, vector<16xf32>,
      %get3A_166 = arith.index_cast %add3A_94 : i32 to index
      %get3A_167 = arith.constant 0 : index
      %get3A_168 = tpu.vector_load %arg13[%get3A_166, %get3A_167] {strides = array<i32>} : memref<256x128xf32, #tpu.memory_space<vmem>>, vector<16xf32>,
      %mul3A_169 = arith.mulf %get3A_165, %get3A_168 : vector<16xf32>
      %get3A_170 = arith.index_cast %add3A_94 : i32 to index
      %get3A_171 = arith.constant 16 : index
      %get3A_172 = tpu.vector_load %arg12[%get3A_170, %get3A_171] {strides = array<i32>} : memref<256x128xf32, #tpu.memory_space<vmem>>, vector<16xf32>,
      %get3A_173 = arith.index_cast %add3A_94 : i32 to index
      %get3A_174 = arith.constant 16 : index
      %get3A_175 = tpu.vector_load %arg13[%get3A_173, %get3A_174] {strides = array<i32>} : memref<256x128xf32, #tpu.memory_space<vmem>>, vector<16xf32>,
      %mul3A_176 = arith.mulf %get3A_172, %get3A_175 : vector<16xf32>
      %add3A_177 = arith.addf %mul3A_169, %mul3A_176 : vector<16xf32>
      %get3A_178 = arith.index_cast %add3A_94 : i32 to index
      %get3A_179 = arith.constant 32 : index
      %get3A_180 = tpu.vector_load %arg12[%get3A_178, %get3A_179] {strides = array<i32>} : memref<256x128xf32, #tpu.memory_space<vmem>>, vector<16xf32>,
      %get3A_181 = arith.index_cast %add3A_94 : i32 to index
      %get3A_182 = arith.constant 32 : index
      %get3A_183 = tpu.vector_load %arg13[%get3A_181, %get3A_182] {strides = array<i32>} : memref<256x128xf32, #tpu.memory_space<vmem>>, vector<16xf32>,
      %mul3A_184 = arith.mulf %get3A_180, %get3A_183 : vector<16xf32>
      %add3A_185 = arith.addf %add3A_177, %mul3A_184 : vector<16xf32>
      %get3A_186 = arith.index_cast %add3A_94 : i32 to index
      %get3A_187 = arith.constant 48 : index
      %get3A_188 = tpu.vector_load %arg12[%get3A_186, %get3A_187] {strides = array<i32>} : memref<256x128xf32, #tpu.memory_space<vmem>>, vector<16xf32>,
      %get3A_189 = arith.index_cast %add3A_94 : i32 to index
      %get3A_190 = arith.constant 48 : index
      %get3A_191 = tpu.vector_load %arg13[%get3A_189, %get3A_190] {strides = array<i32>} : memref<256x128xf32, #tpu.memory_space<vmem>>, vector<16xf32>,
      %mul3A_192 = arith.mulf %get3A_188, %get3A_191 : vector<16xf32>
      %add3A_193 = arith.addf %add3A_185, %mul3A_192 : vector<16xf32>
      %get3A_194 = arith.index_cast %add3A_94 : i32 to index
      %get3A_195 = arith.constant 64 : index
      %get3A_196 = tpu.vector_load %arg12[%get3A_194, %get3A_195] {strides = array<i32>} : memref<256x128xf32, #tpu.memory_space<vmem>>, vector<16xf32>,
      %get3A_197 = arith.index_cast %add3A_94 : i32 to index
      %get3A_198 = arith.constant 64 : index
      %get3A_199 = tpu.vector_load %arg13[%get3A_197, %get3A_198] {strides = array<i32>} : memref<256x128xf32, #tpu.memory_space<vmem>>, vector<16xf32>,
      %mul3A_200 = arith.mulf %get3A_196, %get3A_199 : vector<16xf32>
      %add3A_201 = arith.addf %add3A_193, %mul3A_200 : vector<16xf32>
      %get3A_202 = arith.index_cast %add3A_94 : i32 to index
      %get3A_203 = arith.constant 80 : index
      %get3A_204 = tpu.vector_load %arg12[%get3A_202, %get3A_203] {strides = array<i32>} : memref<256x128xf32, #tpu.memory_space<vmem>>, vector<16xf32>,
      %get3A_205 = arith.index_cast %add3A_94 : i32 to index
      %get3A_206 = arith.constant 80 : index
      %get3A_207 = tpu.vector_load %arg13[%get3A_205, %get3A_206] {strides = array<i32>} : memref<256x128xf32, #tpu.memory_space<vmem>>, vector<16xf32>,
      %mul3A_208 = arith.mulf %get3A_204, %get3A_207 : vector<16xf32>
      %add3A_209 = arith.addf %add3A_201, %mul3A_208 : vector<16xf32>
      %get3A_210 = arith.index_cast %add3A_94 : i32 to index
      %get3A_211 = arith.constant 96 : index
      %get3A_212 = tpu.vector_load %arg12[%get3A_210, %get3A_211] {strides = array<i32>} : memref<256x128xf32, #tpu.memory_space<vmem>>, vector<16xf32>,
      %get3A_213 = arith.index_cast %add3A_94 : i32 to index
      %get3A_214 = arith.constant 96 : index
      %get3A_215 = tpu.vector_load %arg13[%get3A_213, %get3A_214] {strides = array<i32>} : memref<256x128xf32, #tpu.memory_space<vmem>>, vector<16xf32>,
      %mul3A_216 = arith.mulf %get3A_212, %get3A_215 : vector<16xf32>
      %add3A_217 = arith.addf %add3A_209, %mul3A_216 : vector<16xf32>
      %get3A_218 = arith.index_cast %add3A_94 : i32 to index
      %get3A_219 = arith.constant 112 : index
      %get3A_220 = tpu.vector_load %arg12[%get3A_218, %get3A_219] {strides = array<i32>} : memref<256x128xf32, #tpu.memory_space<vmem>>, vector<16xf32>,
      %get3A_221 = arith.index_cast %add3A_94 : i32 to index
      %get3A_222 = arith.constant 112 : index
      %get3A_223 = tpu.vector_load %arg13[%get3A_221, %get3A_222] {strides = array<i32>} : memref<256x128xf32, #tpu.memory_space<vmem>>, vector<16xf32>,
      %mul3A_224 = arith.mulf %get3A_220, %get3A_223 : vector<16xf32>
      %add3A_225 = arith.addf %add3A_217, %mul3A_224 : vector<16xf32>
      %reduce_sum3A_226 = arith.constant true
      %reduce_sum3A_227 = vector.broadcast %reduce_sum3A_226 : i1 to vector<16xi1>
      %reduce_sum3A_228 = tpu.scan <sum>, %add3A_225 masked %reduce_sum3A_227 : vector<16xf32>, vector<16xi1> -> vector<16xf32>
      %reduce_sum3A_229 = vector.extract %reduce_sum3A_228[15] : f32 from vector<16xf32>
      %broadcast_in_dim3A_230 = vector.broadcast %add3A_94 : i32 to vector<16xi32>
      %broadcast_in_dim3A_231 = vector.broadcast %reduce_sum3A_229 : f32 to vector<16xf32>
      %rem3A_232 = arith.constant 16 : i32
      %rem3A_233 = arith.remsi %add3A_94, %rem3A_232 : i32
      %eq3A_234 = vector.broadcast %rem3A_233 : i32 to vector<16xi32>
      %eq3A_235 = arith.cmpi eq, %iota3A, %eq3A_234 : vector<16xi32>
      tpu.vector_store_idx %arg23[%broadcast_in_dim3A_230], %broadcast_in_dim3A_231 masked %eq3A_235 : memref<256xf32, #tpu.memory_space<vmem>>[vector<16xi32>], vector<16xf32>, vector<16xi1>
    }
    %scan3A_24 = arith.constant 128 : i32
    %dma_wait3A_25 = arith.constant 0 : i32
    %dma_wait3A_26 = arith.constant 0 : i32
    %dma_wait3A_27 = tpu.memref_slice %arg3[%dma_wait3A_25, %dma_wait3A_26] : memref<8192x128xf32, #tpu.memory_space<hbm>> -> memref<8192x128xf32, #tpu.memory_space<hbm>>
    tpu.wait_indirect_dma semaphore(%arg34 : memref<!tpu.dma_semaphore, #tpu.memory_space<semaphore_mem>>) src(%dma_wait3A_27 : memref<8192x128xf32, #tpu.memory_space<hbm>>) dst(%arg14 : memref<256x128xf32, #tpu.memory_space<vmem>>)
    %dma_start3A_28 = arith.constant 0 : i32
    %dma_start3A_29 = arith.constant 0 : i32
    %dma_start3A_30 = tpu.memref_slice %arg3[%dma_start3A_28, %dma_start3A_29] : memref<8192x128xf32, #tpu.memory_space<hbm>> -> memref<8192x128xf32, #tpu.memory_space<hbm>>
    tpu.enqueue_indirect_dma source(%dma_start3A_30 : memref<8192x128xf32, #tpu.memory_space<hbm>>) target(%arg13 : memref<256x128xf32, #tpu.memory_space<vmem>>) offsets(%arg19 : memref<256xi32, #tpu.memory_space<vmem>>) semaphore(%arg33 : memref<!tpu.dma_semaphore, #tpu.memory_space<semaphore_mem>>)
    %scan3A_31 = arith.constant 0 : i32
    %scan3A_32 = arith.constant 0 : i32
    %scan3A_33 = arith.constant 128 : i32
    %scan3A_34 = arith.addi %scan3A_32, %scan3A_33 : i32
    %scan3A_35 = arith.constant 1 : i32
    scf.for %scan3A_88 = %scan3A_32 to %scan3A_34 step %scan3A_35  : i32 {
      %mul3A_89 = arith.constant 2 : i32
      %mul3A_90 = arith.muli %mul3A_89, %scan3A_88 : i32
      %mul3A_91 = arith.constant 2 : i32
      %mul3A_92 = arith.muli %mul3A_91, %scan3A_88 : i32
      %add3A_93 = arith.constant 1 : i32
      %add3A_94 = arith.addi %mul3A_92, %add3A_93 : i32
      %get3A = arith.index_cast %mul3A_90 : i32 to index
      %get3A_95 = arith.constant 0 : index
      %get3A_96 = tpu.vector_load %arg12[%get3A, %get3A_95] {strides = array<i32>} : memref<256x128xf32, #tpu.memory_space<vmem>>, vector<16xf32>,
      %get3A_97 = arith.index_cast %mul3A_90 : i32 to index
      %get3A_98 = arith.constant 0 : index
      %get3A_99 = tpu.vector_load %arg14[%get3A_97, %get3A_98] {strides = array<i32>} : memref<256x128xf32, #tpu.memory_space<vmem>>, vector<16xf32>,
      %mul3A_100 = arith.mulf %get3A_96, %get3A_99 : vector<16xf32>
      %get3A_101 = arith.index_cast %mul3A_90 : i32 to index
      %get3A_102 = arith.constant 16 : index
      %get3A_103 = tpu.vector_load %arg12[%get3A_101, %get3A_102] {strides = array<i32>} : memref<256x128xf32, #tpu.memory_space<vmem>>, vector<16xf32>,
      %get3A_104 = arith.index_cast %mul3A_90 : i32 to index
      %get3A_105 = arith.constant 16 : index
      %get3A_106 = tpu.vector_load %arg14[%get3A_104, %get3A_105] {strides = array<i32>} : memref<256x128xf32, #tpu.memory_space<vmem>>, vector<16xf32>,
      %mul3A_107 = arith.mulf %get3A_103, %get3A_106 : vector<16xf32>
      %add3A_108 = arith.addf %mul3A_100, %mul3A_107 : vector<16xf32>
      %get3A_109 = arith.index_cast %mul3A_90 : i32 to index
      %get3A_110 = arith.constant 32 : index
      %get3A_111 = tpu.vector_load %arg12[%get3A_109, %get3A_110] {strides = array<i32>} : memref<256x128xf32, #tpu.memory_space<vmem>>, vector<16xf32>,
      %get3A_112 = arith.index_cast %mul3A_90 : i32 to index
      %get3A_113 = arith.constant 32 : index
      %get3A_114 = tpu.vector_load %arg14[%get3A_112, %get3A_113] {strides = array<i32>} : memref<256x128xf32, #tpu.memory_space<vmem>>, vector<16xf32>,
      %mul3A_115 = arith.mulf %get3A_111, %get3A_114 : vector<16xf32>
      %add3A_116 = arith.addf %add3A_108, %mul3A_115 : vector<16xf32>
      %get3A_117 = arith.index_cast %mul3A_90 : i32 to index
      %get3A_118 = arith.constant 48 : index
      %get3A_119 = tpu.vector_load %arg12[%get3A_117, %get3A_118] {strides = array<i32>} : memref<256x128xf32, #tpu.memory_space<vmem>>, vector<16xf32>,
      %get3A_120 = arith.index_cast %mul3A_90 : i32 to index
      %get3A_121 = arith.constant 48 : index
      %get3A_122 = tpu.vector_load %arg14[%get3A_120, %get3A_121] {strides = array<i32>} : memref<256x128xf32, #tpu.memory_space<vmem>>, vector<16xf32>,
      %mul3A_123 = arith.mulf %get3A_119, %get3A_122 : vector<16xf32>
      %add3A_124 = arith.addf %add3A_116, %mul3A_123 : vector<16xf32>
      %get3A_125 = arith.index_cast %mul3A_90 : i32 to index
      %get3A_126 = arith.constant 64 : index
      %get3A_127 = tpu.vector_load %arg12[%get3A_125, %get3A_126] {strides = array<i32>} : memref<256x128xf32, #tpu.memory_space<vmem>>, vector<16xf32>,
      %get3A_128 = arith.index_cast %mul3A_90 : i32 to index
      %get3A_129 = arith.constant 64 : index
      %get3A_130 = tpu.vector_load %arg14[%get3A_128, %get3A_129] {strides = array<i32>} : memref<256x128xf32, #tpu.memory_space<vmem>>, vector<16xf32>,
      %mul3A_131 = arith.mulf %get3A_127, %get3A_130 : vector<16xf32>
      %add3A_132 = arith.addf %add3A_124, %mul3A_131 : vector<16xf32>
      %get3A_133 = arith.index_cast %mul3A_90 : i32 to index
      %get3A_134 = arith.constant 80 : index
      %get3A_135 = tpu.vector_load %arg12[%get3A_133, %get3A_134] {strides = array<i32>} : memref<256x128xf32, #tpu.memory_space<vmem>>, vector<16xf32>,
      %get3A_136 = arith.index_cast %mul3A_90 : i32 to index
      %get3A_137 = arith.constant 80 : index
      %get3A_138 = tpu.vector_load %arg14[%get3A_136, %get3A_137] {strides = array<i32>} : memref<256x128xf32, #tpu.memory_space<vmem>>, vector<16xf32>,
      %mul3A_139 = arith.mulf %get3A_135, %get3A_138 : vector<16xf32>
      %add3A_140 = arith.addf %add3A_132, %mul3A_139 : vector<16xf32>
      %get3A_141 = arith.index_cast %mul3A_90 : i32 to index
      %get3A_142 = arith.constant 96 : index
      %get3A_143 = tpu.vector_load %arg12[%get3A_141, %get3A_142] {strides = array<i32>} : memref<256x128xf32, #tpu.memory_space<vmem>>, vector<16xf32>,
      %get3A_144 = arith.index_cast %mul3A_90 : i32 to index
      %get3A_145 = arith.constant 96 : index
      %get3A_146 = tpu.vector_load %arg14[%get3A_144, %get3A_145] {strides = array<i32>} : memref<256x128xf32, #tpu.memory_space<vmem>>, vector<16xf32>,
      %mul3A_147 = arith.mulf %get3A_143, %get3A_146 : vector<16xf32>
      %add3A_148 = arith.addf %add3A_140, %mul3A_147 : vector<16xf32>
      %get3A_149 = arith.index_cast %mul3A_90 : i32 to index
      %get3A_150 = arith.constant 112 : index
      %get3A_151 = tpu.vector_load %arg12[%get3A_149, %get3A_150] {strides = array<i32>} : memref<256x128xf32, #tpu.memory_space<vmem>>, vector<16xf32>,
      %get3A_152 = arith.index_cast %mul3A_90 : i32 to index
      %get3A_153 = arith.constant 112 : index
      %get3A_154 = tpu.vector_load %arg14[%get3A_152, %get3A_153] {strides = array<i32>} : memref<256x128xf32, #tpu.memory_space<vmem>>, vector<16xf32>,
      %mul3A_155 = arith.mulf %get3A_151, %get3A_154 : vector<16xf32>
      %add3A_156 = arith.addf %add3A_148, %mul3A_155 : vector<16xf32>
      %reduce_sum3A = arith.constant true
      %reduce_sum3A_157 = vector.broadcast %reduce_sum3A : i1 to vector<16xi1>
      %reduce_sum3A_158 = tpu.scan <sum>, %add3A_156 masked %reduce_sum3A_157 : vector<16xf32>, vector<16xi1> -> vector<16xf32>
      %reduce_sum3A_159 = vector.extract %reduce_sum3A_158[15] : f32 from vector<16xf32>
      %broadcast_in_dim3A = vector.broadcast %mul3A_90 : i32 to vector<16xi32>
      %broadcast_in_dim3A_160 = vector.broadcast %reduce_sum3A_159 : f32 to vector<16xf32>
      %rem3A = arith.constant 16 : i32
      %rem3A_161 = arith.remsi %mul3A_90, %rem3A : i32
      %eq3A = vector.broadcast %rem3A_161 : i32 to vector<16xi32>
      %eq3A_162 = arith.cmpi eq, %iota3A, %eq3A : vector<16xi32>
      tpu.vector_store_idx %arg24[%broadcast_in_dim3A], %broadcast_in_dim3A_160 masked %eq3A_162 : memref<256xf32, #tpu.memory_space<vmem>>[vector<16xi32>], vector<16xf32>, vector<16xi1>
      %get3A_163 = arith.index_cast %add3A_94 : i32 to index
      %get3A_164 = arith.constant 0 : index
      %get3A_165 = tpu.vector_load %arg12[%get3A_163, %get3A_164] {strides = array<i32>} : memref<256x128xf32, #tpu.memory_space<vmem>>, vector<16xf32>,
      %get3A_166 = arith.index_cast %add3A_94 : i32 to index
      %get3A_167 = arith.constant 0 : index
      %get3A_168 = tpu.vector_load %arg14[%get3A_166, %get3A_167] {strides = array<i32>} : memref<256x128xf32, #tpu.memory_space<vmem>>, vector<16xf32>,
      %mul3A_169 = arith.mulf %get3A_165, %get3A_168 : vector<16xf32>
      %get3A_170 = arith.index_cast %add3A_94 : i32 to index
      %get3A_171 = arith.constant 16 : index
      %get3A_172 = tpu.vector_load %arg12[%get3A_170, %get3A_171] {strides = array<i32>} : memref<256x128xf32, #tpu.memory_space<vmem>>, vector<16xf32>,
      %get3A_173 = arith.index_cast %add3A_94 : i32 to index
      %get3A_174 = arith.constant 16 : index
      %get3A_175 = tpu.vector_load %arg14[%get3A_173, %get3A_174] {strides = array<i32>} : memref<256x128xf32, #tpu.memory_space<vmem>>, vector<16xf32>,
      %mul3A_176 = arith.mulf %get3A_172, %get3A_175 : vector<16xf32>
      %add3A_177 = arith.addf %mul3A_169, %mul3A_176 : vector<16xf32>
      %get3A_178 = arith.index_cast %add3A_94 : i32 to index
      %get3A_179 = arith.constant 32 : index
      %get3A_180 = tpu.vector_load %arg12[%get3A_178, %get3A_179] {strides = array<i32>} : memref<256x128xf32, #tpu.memory_space<vmem>>, vector<16xf32>,
      %get3A_181 = arith.index_cast %add3A_94 : i32 to index
      %get3A_182 = arith.constant 32 : index
      %get3A_183 = tpu.vector_load %arg14[%get3A_181, %get3A_182] {strides = array<i32>} : memref<256x128xf32, #tpu.memory_space<vmem>>, vector<16xf32>,
      %mul3A_184 = arith.mulf %get3A_180, %get3A_183 : vector<16xf32>
      %add3A_185 = arith.addf %add3A_177, %mul3A_184 : vector<16xf32>
      %get3A_186 = arith.index_cast %add3A_94 : i32 to index
      %get3A_187 = arith.constant 48 : index
      %get3A_188 = tpu.vector_load %arg12[%get3A_186, %get3A_187] {strides = array<i32>} : memref<256x128xf32, #tpu.memory_space<vmem>>, vector<16xf32>,
      %get3A_189 = arith.index_cast %add3A_94 : i32 to index
      %get3A_190 = arith.constant 48 : index
      %get3A_191 = tpu.vector_load %arg14[%get3A_189, %get3A_190] {strides = array<i32>} : memref<256x128xf32, #tpu.memory_space<vmem>>, vector<16xf32>,
      %mul3A_192 = arith.mulf %get3A_188, %get3A_191 : vector<16xf32>
      %add3A_193 = arith.addf %add3A_185, %mul3A_192 : vector<16xf32>
      %get3A_194 = arith.index_cast %add3A_94 : i32 to index
      %get3A_195 = arith.constant 64 : index
      %get3A_196 = tpu.vector_load %arg12[%get3A_194, %get3A_195] {strides = array<i32>} : memref<256x128xf32, #tpu.memory_space<vmem>>, vector<16xf32>,
      %get3A_197 = arith.index_cast %add3A_94 : i32 to index
      %get3A_198 = arith.constant 64 : index
      %get3A_199 = tpu.vector_load %arg14[%get3A_197, %get3A_198] {strides = array<i32>} : memref<256x128xf32, #tpu.memory_space<vmem>>, vector<16xf32>,
      %mul3A_200 = arith.mulf %get3A_196, %get3A_199 : vector<16xf32>
      %add3A_201 = arith.addf %add3A_193, %mul3A_200 : vector<16xf32>
      %get3A_202 = arith.index_cast %add3A_94 : i32 to index
      %get3A_203 = arith.constant 80 : index
      %get3A_204 = tpu.vector_load %arg12[%get3A_202, %get3A_203] {strides = array<i32>} : memref<256x128xf32, #tpu.memory_space<vmem>>, vector<16xf32>,
      %get3A_205 = arith.index_cast %add3A_94 : i32 to index
      %get3A_206 = arith.constant 80 : index
      %get3A_207 = tpu.vector_load %arg14[%get3A_205, %get3A_206] {strides = array<i32>} : memref<256x128xf32, #tpu.memory_space<vmem>>, vector<16xf32>,
      %mul3A_208 = arith.mulf %get3A_204, %get3A_207 : vector<16xf32>
      %add3A_209 = arith.addf %add3A_201, %mul3A_208 : vector<16xf32>
      %get3A_210 = arith.index_cast %add3A_94 : i32 to index
      %get3A_211 = arith.constant 96 : index
      %get3A_212 = tpu.vector_load %arg12[%get3A_210, %get3A_211] {strides = array<i32>} : memref<256x128xf32, #tpu.memory_space<vmem>>, vector<16xf32>,
      %get3A_213 = arith.index_cast %add3A_94 : i32 to index
      %get3A_214 = arith.constant 96 : index
      %get3A_215 = tpu.vector_load %arg14[%get3A_213, %get3A_214] {strides = array<i32>} : memref<256x128xf32, #tpu.memory_space<vmem>>, vector<16xf32>,
      %mul3A_216 = arith.mulf %get3A_212, %get3A_215 : vector<16xf32>
      %add3A_217 = arith.addf %add3A_209, %mul3A_216 : vector<16xf32>
      %get3A_218 = arith.index_cast %add3A_94 : i32 to index
      %get3A_219 = arith.constant 112 : index
      %get3A_220 = tpu.vector_load %arg12[%get3A_218, %get3A_219] {strides = array<i32>} : memref<256x128xf32, #tpu.memory_space<vmem>>, vector<16xf32>,
      %get3A_221 = arith.index_cast %add3A_94 : i32 to index
      %get3A_222 = arith.constant 112 : index
      %get3A_223 = tpu.vector_load %arg14[%get3A_221, %get3A_222] {strides = array<i32>} : memref<256x128xf32, #tpu.memory_space<vmem>>, vector<16xf32>,
      %mul3A_224 = arith.mulf %get3A_220, %get3A_223 : vector<16xf32>
      %add3A_225 = arith.addf %add3A_217, %mul3A_224 : vector<16xf32>
      %reduce_sum3A_226 = arith.constant true
      %reduce_sum3A_227 = vector.broadcast %reduce_sum3A_226 : i1 to vector<16xi1>
      %reduce_sum3A_228 = tpu.scan <sum>, %add3A_225 masked %reduce_sum3A_227 : vector<16xf32>, vector<16xi1> -> vector<16xf32>
      %reduce_sum3A_229 = vector.extract %reduce_sum3A_228[15] : f32 from vector<16xf32>
      %broadcast_in_dim3A_230 = vector.broadcast %add3A_94 : i32 to vector<16xi32>
      %broadcast_in_dim3A_231 = vector.broadcast %reduce_sum3A_229 : f32 to vector<16xf32>
      %rem3A_232 = arith.constant 16 : i32
      %rem3A_233 = arith.remsi %add3A_94, %rem3A_232 : i32
      %eq3A_234 = vector.broadcast %rem3A_233 : i32 to vector<16xi32>
      %eq3A_235 = arith.cmpi eq, %iota3A, %eq3A_234 : vector<16xi32>
      tpu.vector_store_idx %arg24[%broadcast_in_dim3A_230], %broadcast_in_dim3A_231 masked %eq3A_235 : memref<256xf32, #tpu.memory_space<vmem>>[vector<16xi32>], vector<16xf32>, vector<16xi1>
    }
    %scan3A_36 = arith.constant 128 : i32
    %dma_wait3A_37 = arith.constant 0 : i32
    %dma_wait3A_38 = arith.constant 0 : i32
    %dma_wait3A_39 = tpu.memref_slice %arg3[%dma_wait3A_37, %dma_wait3A_38] : memref<8192x128xf32, #tpu.memory_space<hbm>> -> memref<8192x128xf32, #tpu.memory_space<hbm>>
    tpu.wait_indirect_dma semaphore(%arg33 : memref<!tpu.dma_semaphore, #tpu.memory_space<semaphore_mem>>) src(%dma_wait3A_39 : memref<8192x128xf32, #tpu.memory_space<hbm>>) dst(%arg13 : memref<256x128xf32, #tpu.memory_space<vmem>>)
    %dma_start3A_40 = arith.constant 0 : i32
    %dma_start3A_41 = arith.constant 0 : i32
    %dma_start3A_42 = tpu.memref_slice %arg3[%dma_start3A_40, %dma_start3A_41] : memref<8192x128xf32, #tpu.memory_space<hbm>> -> memref<8192x128xf32, #tpu.memory_space<hbm>>
    tpu.enqueue_indirect_dma source(%dma_start3A_42 : memref<8192x128xf32, #tpu.memory_space<hbm>>) target(%arg14 : memref<256x128xf32, #tpu.memory_space<vmem>>) offsets(%arg20 : memref<256xi32, #tpu.memory_space<vmem>>) semaphore(%arg34 : memref<!tpu.dma_semaphore, #tpu.memory_space<semaphore_mem>>)
    %scan3A_43 = arith.constant 0 : i32
    %scan3A_44 = arith.constant 0 : i32
    %scan3A_45 = arith.constant 128 : i32
    %scan3A_46 = arith.addi %scan3A_44, %scan3A_45 : i32
    %scan3A_47 = arith.constant 1 : i32
    scf.for %scan3A_88 = %scan3A_44 to %scan3A_46 step %scan3A_47  : i32 {
      %mul3A_89 = arith.constant 2 : i32
      %mul3A_90 = arith.muli %mul3A_89, %scan3A_88 : i32
      %mul3A_91 = arith.constant 2 : i32
      %mul3A_92 = arith.muli %mul3A_91, %scan3A_88 : i32
      %add3A_93 = arith.constant 1 : i32
      %add3A_94 = arith.addi %mul3A_92, %add3A_93 : i32
      %get3A = arith.index_cast %mul3A_90 : i32 to index
      %get3A_95 = arith.constant 0 : index
      %get3A_96 = tpu.vector_load %arg12[%get3A, %get3A_95] {strides = array<i32>} : memref<256x128xf32, #tpu.memory_space<vmem>>, vector<16xf32>,
      %get3A_97 = arith.index_cast %mul3A_90 : i32 to index
      %get3A_98 = arith.constant 0 : index
      %get3A_99 = tpu.vector_load %arg13[%get3A_97, %get3A_98] {strides = array<i32>} : memref<256x128xf32, #tpu.memory_space<vmem>>, vector<16xf32>,
      %mul3A_100 = arith.mulf %get3A_96, %get3A_99 : vector<16xf32>
      %get3A_101 = arith.index_cast %mul3A_90 : i32 to index
      %get3A_102 = arith.constant 16 : index
      %get3A_103 = tpu.vector_load %arg12[%get3A_101, %get3A_102] {strides = array<i32>} : memref<256x128xf32, #tpu.memory_space<vmem>>, vector<16xf32>,
      %get3A_104 = arith.index_cast %mul3A_90 : i32 to index
      %get3A_105 = arith.constant 16 : index
      %get3A_106 = tpu.vector_load %arg13[%get3A_104, %get3A_105] {strides = array<i32>} : memref<256x128xf32, #tpu.memory_space<vmem>>, vector<16xf32>,
      %mul3A_107 = arith.mulf %get3A_103, %get3A_106 : vector<16xf32>
      %add3A_108 = arith.addf %mul3A_100, %mul3A_107 : vector<16xf32>
      %get3A_109 = arith.index_cast %mul3A_90 : i32 to index
      %get3A_110 = arith.constant 32 : index
      %get3A_111 = tpu.vector_load %arg12[%get3A_109, %get3A_110] {strides = array<i32>} : memref<256x128xf32, #tpu.memory_space<vmem>>, vector<16xf32>,
      %get3A_112 = arith.index_cast %mul3A_90 : i32 to index
      %get3A_113 = arith.constant 32 : index
      %get3A_114 = tpu.vector_load %arg13[%get3A_112, %get3A_113] {strides = array<i32>} : memref<256x128xf32, #tpu.memory_space<vmem>>, vector<16xf32>,
      %mul3A_115 = arith.mulf %get3A_111, %get3A_114 : vector<16xf32>
      %add3A_116 = arith.addf %add3A_108, %mul3A_115 : vector<16xf32>
      %get3A_117 = arith.index_cast %mul3A_90 : i32 to index
      %get3A_118 = arith.constant 48 : index
      %get3A_119 = tpu.vector_load %arg12[%get3A_117, %get3A_118] {strides = array<i32>} : memref<256x128xf32, #tpu.memory_space<vmem>>, vector<16xf32>,
      %get3A_120 = arith.index_cast %mul3A_90 : i32 to index
      %get3A_121 = arith.constant 48 : index
      %get3A_122 = tpu.vector_load %arg13[%get3A_120, %get3A_121] {strides = array<i32>} : memref<256x128xf32, #tpu.memory_space<vmem>>, vector<16xf32>,
      %mul3A_123 = arith.mulf %get3A_119, %get3A_122 : vector<16xf32>
      %add3A_124 = arith.addf %add3A_116, %mul3A_123 : vector<16xf32>
      %get3A_125 = arith.index_cast %mul3A_90 : i32 to index
      %get3A_126 = arith.constant 64 : index
      %get3A_127 = tpu.vector_load %arg12[%get3A_125, %get3A_126] {strides = array<i32>} : memref<256x128xf32, #tpu.memory_space<vmem>>, vector<16xf32>,
      %get3A_128 = arith.index_cast %mul3A_90 : i32 to index
      %get3A_129 = arith.constant 64 : index
      %get3A_130 = tpu.vector_load %arg13[%get3A_128, %get3A_129] {strides = array<i32>} : memref<256x128xf32, #tpu.memory_space<vmem>>, vector<16xf32>,
      %mul3A_131 = arith.mulf %get3A_127, %get3A_130 : vector<16xf32>
      %add3A_132 = arith.addf %add3A_124, %mul3A_131 : vector<16xf32>
      %get3A_133 = arith.index_cast %mul3A_90 : i32 to index
      %get3A_134 = arith.constant 80 : index
      %get3A_135 = tpu.vector_load %arg12[%get3A_133, %get3A_134] {strides = array<i32>} : memref<256x128xf32, #tpu.memory_space<vmem>>, vector<16xf32>,
      %get3A_136 = arith.index_cast %mul3A_90 : i32 to index
      %get3A_137 = arith.constant 80 : index
      %get3A_138 = tpu.vector_load %arg13[%get3A_136, %get3A_137] {strides = array<i32>} : memref<256x128xf32, #tpu.memory_space<vmem>>, vector<16xf32>,
      %mul3A_139 = arith.mulf %get3A_135, %get3A_138 : vector<16xf32>
      %add3A_140 = arith.addf %add3A_132, %mul3A_139 : vector<16xf32>
      %get3A_141 = arith.index_cast %mul3A_90 : i32 to index
      %get3A_142 = arith.constant 96 : index
      %get3A_143 = tpu.vector_load %arg12[%get3A_141, %get3A_142] {strides = array<i32>} : memref<256x128xf32, #tpu.memory_space<vmem>>, vector<16xf32>,
      %get3A_144 = arith.index_cast %mul3A_90 : i32 to index
      %get3A_145 = arith.constant 96 : index
      %get3A_146 = tpu.vector_load %arg13[%get3A_144, %get3A_145] {strides = array<i32>} : memref<256x128xf32, #tpu.memory_space<vmem>>, vector<16xf32>,
      %mul3A_147 = arith.mulf %get3A_143, %get3A_146 : vector<16xf32>
      %add3A_148 = arith.addf %add3A_140, %mul3A_147 : vector<16xf32>
      %get3A_149 = arith.index_cast %mul3A_90 : i32 to index
      %get3A_150 = arith.constant 112 : index
      %get3A_151 = tpu.vector_load %arg12[%get3A_149, %get3A_150] {strides = array<i32>} : memref<256x128xf32, #tpu.memory_space<vmem>>, vector<16xf32>,
      %get3A_152 = arith.index_cast %mul3A_90 : i32 to index
      %get3A_153 = arith.constant 112 : index
      %get3A_154 = tpu.vector_load %arg13[%get3A_152, %get3A_153] {strides = array<i32>} : memref<256x128xf32, #tpu.memory_space<vmem>>, vector<16xf32>,
      %mul3A_155 = arith.mulf %get3A_151, %get3A_154 : vector<16xf32>
      %add3A_156 = arith.addf %add3A_148, %mul3A_155 : vector<16xf32>
      %reduce_sum3A = arith.constant true
      %reduce_sum3A_157 = vector.broadcast %reduce_sum3A : i1 to vector<16xi1>
      %reduce_sum3A_158 = tpu.scan <sum>, %add3A_156 masked %reduce_sum3A_157 : vector<16xf32>, vector<16xi1> -> vector<16xf32>
      %reduce_sum3A_159 = vector.extract %reduce_sum3A_158[15] : f32 from vector<16xf32>
      %broadcast_in_dim3A = vector.broadcast %mul3A_90 : i32 to vector<16xi32>
      %broadcast_in_dim3A_160 = vector.broadcast %reduce_sum3A_159 : f32 to vector<16xf32>
      %rem3A = arith.constant 16 : i32
      %rem3A_161 = arith.remsi %mul3A_90, %rem3A : i32
      %eq3A = vector.broadcast %rem3A_161 : i32 to vector<16xi32>
      %eq3A_162 = arith.cmpi eq, %iota3A, %eq3A : vector<16xi32>
      tpu.vector_store_idx %arg25[%broadcast_in_dim3A], %broadcast_in_dim3A_160 masked %eq3A_162 : memref<256xf32, #tpu.memory_space<vmem>>[vector<16xi32>], vector<16xf32>, vector<16xi1>
      %get3A_163 = arith.index_cast %add3A_94 : i32 to index
      %get3A_164 = arith.constant 0 : index
      %get3A_165 = tpu.vector_load %arg12[%get3A_163, %get3A_164] {strides = array<i32>} : memref<256x128xf32, #tpu.memory_space<vmem>>, vector<16xf32>,
      %get3A_166 = arith.index_cast %add3A_94 : i32 to index
      %get3A_167 = arith.constant 0 : index
      %get3A_168 = tpu.vector_load %arg13[%get3A_166, %get3A_167] {strides = array<i32>} : memref<256x128xf32, #tpu.memory_space<vmem>>, vector<16xf32>,
      %mul3A_169 = arith.mulf %get3A_165, %get3A_168 : vector<16xf32>
      %get3A_170 = arith.index_cast %add3A_94 : i32 to index
      %get3A_171 = arith.constant 16 : index
      %get3A_172 = tpu.vector_load %arg12[%get3A_170, %get3A_171] {strides = array<i32>} : memref<256x128xf32, #tpu.memory_space<vmem>>, vector<16xf32>,
      %get3A_173 = arith.index_cast %add3A_94 : i32 to index
      %get3A_174 = arith.constant 16 : index
      %get3A_175 = tpu.vector_load %arg13[%get3A_173, %get3A_174] {strides = array<i32>} : memref<256x128xf32, #tpu.memory_space<vmem>>, vector<16xf32>,
      %mul3A_176 = arith.mulf %get3A_172, %get3A_175 : vector<16xf32>
      %add3A_177 = arith.addf %mul3A_169, %mul3A_176 : vector<16xf32>
      %get3A_178 = arith.index_cast %add3A_94 : i32 to index
      %get3A_179 = arith.constant 32 : index
      %get3A_180 = tpu.vector_load %arg12[%get3A_178, %get3A_179] {strides = array<i32>} : memref<256x128xf32, #tpu.memory_space<vmem>>, vector<16xf32>,
      %get3A_181 = arith.index_cast %add3A_94 : i32 to index
      %get3A_182 = arith.constant 32 : index
      %get3A_183 = tpu.vector_load %arg13[%get3A_181, %get3A_182] {strides = array<i32>} : memref<256x128xf32, #tpu.memory_space<vmem>>, vector<16xf32>,
      %mul3A_184 = arith.mulf %get3A_180, %get3A_183 : vector<16xf32>
      %add3A_185 = arith.addf %add3A_177, %mul3A_184 : vector<16xf32>
      %get3A_186 = arith.index_cast %add3A_94 : i32 to index
      %get3A_187 = arith.constant 48 : index
      %get3A_188 = tpu.vector_load %arg12[%get3A_186, %get3A_187] {strides = array<i32>} : memref<256x128xf32, #tpu.memory_space<vmem>>, vector<16xf32>,
      %get3A_189 = arith.index_cast %add3A_94 : i32 to index
      %get3A_190 = arith.constant 48 : index
      %get3A_191 = tpu.vector_load %arg13[%get3A_189, %get3A_190] {strides = array<i32>} : memref<256x128xf32, #tpu.memory_space<vmem>>, vector<16xf32>,
      %mul3A_192 = arith.mulf %get3A_188, %get3A_191 : vector<16xf32>
      %add3A_193 = arith.addf %add3A_185, %mul3A_192 : vector<16xf32>
      %get3A_194 = arith.index_cast %add3A_94 : i32 to index
      %get3A_195 = arith.constant 64 : index
      %get3A_196 = tpu.vector_load %arg12[%get3A_194, %get3A_195] {strides = array<i32>} : memref<256x128xf32, #tpu.memory_space<vmem>>, vector<16xf32>,
      %get3A_197 = arith.index_cast %add3A_94 : i32 to index
      %get3A_198 = arith.constant 64 : index
      %get3A_199 = tpu.vector_load %arg13[%get3A_197, %get3A_198] {strides = array<i32>} : memref<256x128xf32, #tpu.memory_space<vmem>>, vector<16xf32>,
      %mul3A_200 = arith.mulf %get3A_196, %get3A_199 : vector<16xf32>
      %add3A_201 = arith.addf %add3A_193, %mul3A_200 : vector<16xf32>
      %get3A_202 = arith.index_cast %add3A_94 : i32 to index
      %get3A_203 = arith.constant 80 : index
      %get3A_204 = tpu.vector_load %arg12[%get3A_202, %get3A_203] {strides = array<i32>} : memref<256x128xf32, #tpu.memory_space<vmem>>, vector<16xf32>,
      %get3A_205 = arith.index_cast %add3A_94 : i32 to index
      %get3A_206 = arith.constant 80 : index
      %get3A_207 = tpu.vector_load %arg13[%get3A_205, %get3A_206] {strides = array<i32>} : memref<256x128xf32, #tpu.memory_space<vmem>>, vector<16xf32>,
      %mul3A_208 = arith.mulf %get3A_204, %get3A_207 : vector<16xf32>
      %add3A_209 = arith.addf %add3A_201, %mul3A_208 : vector<16xf32>
      %get3A_210 = arith.index_cast %add3A_94 : i32 to index
      %get3A_211 = arith.constant 96 : index
      %get3A_212 = tpu.vector_load %arg12[%get3A_210, %get3A_211] {strides = array<i32>} : memref<256x128xf32, #tpu.memory_space<vmem>>, vector<16xf32>,
      %get3A_213 = arith.index_cast %add3A_94 : i32 to index
      %get3A_214 = arith.constant 96 : index
      %get3A_215 = tpu.vector_load %arg13[%get3A_213, %get3A_214] {strides = array<i32>} : memref<256x128xf32, #tpu.memory_space<vmem>>, vector<16xf32>,
      %mul3A_216 = arith.mulf %get3A_212, %get3A_215 : vector<16xf32>
      %add3A_217 = arith.addf %add3A_209, %mul3A_216 : vector<16xf32>
      %get3A_218 = arith.index_cast %add3A_94 : i32 to index
      %get3A_219 = arith.constant 112 : index
      %get3A_220 = tpu.vector_load %arg12[%get3A_218, %get3A_219] {strides = array<i32>} : memref<256x128xf32, #tpu.memory_space<vmem>>, vector<16xf32>,
      %get3A_221 = arith.index_cast %add3A_94 : i32 to index
      %get3A_222 = arith.constant 112 : index
      %get3A_223 = tpu.vector_load %arg13[%get3A_221, %get3A_222] {strides = array<i32>} : memref<256x128xf32, #tpu.memory_space<vmem>>, vector<16xf32>,
      %mul3A_224 = arith.mulf %get3A_220, %get3A_223 : vector<16xf32>
      %add3A_225 = arith.addf %add3A_217, %mul3A_224 : vector<16xf32>
      %reduce_sum3A_226 = arith.constant true
      %reduce_sum3A_227 = vector.broadcast %reduce_sum3A_226 : i1 to vector<16xi1>
      %reduce_sum3A_228 = tpu.scan <sum>, %add3A_225 masked %reduce_sum3A_227 : vector<16xf32>, vector<16xi1> -> vector<16xf32>
      %reduce_sum3A_229 = vector.extract %reduce_sum3A_228[15] : f32 from vector<16xf32>
      %broadcast_in_dim3A_230 = vector.broadcast %add3A_94 : i32 to vector<16xi32>
      %broadcast_in_dim3A_231 = vector.broadcast %reduce_sum3A_229 : f32 to vector<16xf32>
      %rem3A_232 = arith.constant 16 : i32
      %rem3A_233 = arith.remsi %add3A_94, %rem3A_232 : i32
      %eq3A_234 = vector.broadcast %rem3A_233 : i32 to vector<16xi32>
      %eq3A_235 = arith.cmpi eq, %iota3A, %eq3A_234 : vector<16xi32>
      tpu.vector_store_idx %arg25[%broadcast_in_dim3A_230], %broadcast_in_dim3A_231 masked %eq3A_235 : memref<256xf32, #tpu.memory_space<vmem>>[vector<16xi32>], vector<16xf32>, vector<16xi1>
    }
    %scan3A_48 = arith.constant 128 : i32
    %dma_wait3A_49 = arith.constant 0 : i32
    %dma_wait3A_50 = arith.constant 0 : i32
    %dma_wait3A_51 = tpu.memref_slice %arg3[%dma_wait3A_49, %dma_wait3A_50] : memref<8192x128xf32, #tpu.memory_space<hbm>> -> memref<8192x128xf32, #tpu.memory_space<hbm>>
    tpu.wait_indirect_dma semaphore(%arg34 : memref<!tpu.dma_semaphore, #tpu.memory_space<semaphore_mem>>) src(%dma_wait3A_51 : memref<8192x128xf32, #tpu.memory_space<hbm>>) dst(%arg14 : memref<256x128xf32, #tpu.memory_space<vmem>>)
    %dma_start3A_52 = arith.constant 0 : i32
    %dma_start3A_53 = arith.constant 0 : i32
    %dma_start3A_54 = tpu.memref_slice %arg3[%dma_start3A_52, %dma_start3A_53] : memref<8192x128xf32, #tpu.memory_space<hbm>> -> memref<8192x128xf32, #tpu.memory_space<hbm>>
    tpu.enqueue_indirect_dma source(%dma_start3A_54 : memref<8192x128xf32, #tpu.memory_space<hbm>>) target(%arg13 : memref<256x128xf32, #tpu.memory_space<vmem>>) offsets(%arg21 : memref<256xi32, #tpu.memory_space<vmem>>) semaphore(%arg33 : memref<!tpu.dma_semaphore, #tpu.memory_space<semaphore_mem>>)
    %scan3A_55 = arith.constant 0 : i32
    %scan3A_56 = arith.constant 0 : i32
    %scan3A_57 = arith.constant 128 : i32
    %scan3A_58 = arith.addi %scan3A_56, %scan3A_57 : i32
    %scan3A_59 = arith.constant 1 : i32
    scf.for %scan3A_88 = %scan3A_56 to %scan3A_58 step %scan3A_59  : i32 {
      %mul3A_89 = arith.constant 2 : i32
      %mul3A_90 = arith.muli %mul3A_89, %scan3A_88 : i32
      %mul3A_91 = arith.constant 2 : i32
      %mul3A_92 = arith.muli %mul3A_91, %scan3A_88 : i32
      %add3A_93 = arith.constant 1 : i32
      %add3A_94 = arith.addi %mul3A_92, %add3A_93 : i32
      %get3A = arith.index_cast %mul3A_90 : i32 to index
      %get3A_95 = arith.constant 0 : index
      %get3A_96 = tpu.vector_load %arg12[%get3A, %get3A_95] {strides = array<i32>} : memref<256x128xf32, #tpu.memory_space<vmem>>, vector<16xf32>,
      %get3A_97 = arith.index_cast %mul3A_90 : i32 to index
      %get3A_98 = arith.constant 0 : index
      %get3A_99 = tpu.vector_load %arg14[%get3A_97, %get3A_98] {strides = array<i32>} : memref<256x128xf32, #tpu.memory_space<vmem>>, vector<16xf32>,
      %mul3A_100 = arith.mulf %get3A_96, %get3A_99 : vector<16xf32>
      %get3A_101 = arith.index_cast %mul3A_90 : i32 to index
      %get3A_102 = arith.constant 16 : index
      %get3A_103 = tpu.vector_load %arg12[%get3A_101, %get3A_102] {strides = array<i32>} : memref<256x128xf32, #tpu.memory_space<vmem>>, vector<16xf32>,
      %get3A_104 = arith.index_cast %mul3A_90 : i32 to index
      %get3A_105 = arith.constant 16 : index
      %get3A_106 = tpu.vector_load %arg14[%get3A_104, %get3A_105] {strides = array<i32>} : memref<256x128xf32, #tpu.memory_space<vmem>>, vector<16xf32>,
      %mul3A_107 = arith.mulf %get3A_103, %get3A_106 : vector<16xf32>
      %add3A_108 = arith.addf %mul3A_100, %mul3A_107 : vector<16xf32>
      %get3A_109 = arith.index_cast %mul3A_90 : i32 to index
      %get3A_110 = arith.constant 32 : index
      %get3A_111 = tpu.vector_load %arg12[%get3A_109, %get3A_110] {strides = array<i32>} : memref<256x128xf32, #tpu.memory_space<vmem>>, vector<16xf32>,
      %get3A_112 = arith.index_cast %mul3A_90 : i32 to index
      %get3A_113 = arith.constant 32 : index
      %get3A_114 = tpu.vector_load %arg14[%get3A_112, %get3A_113] {strides = array<i32>} : memref<256x128xf32, #tpu.memory_space<vmem>>, vector<16xf32>,
      %mul3A_115 = arith.mulf %get3A_111, %get3A_114 : vector<16xf32>
      %add3A_116 = arith.addf %add3A_108, %mul3A_115 : vector<16xf32>
      %get3A_117 = arith.index_cast %mul3A_90 : i32 to index
      %get3A_118 = arith.constant 48 : index
      %get3A_119 = tpu.vector_load %arg12[%get3A_117, %get3A_118] {strides = array<i32>} : memref<256x128xf32, #tpu.memory_space<vmem>>, vector<16xf32>,
      %get3A_120 = arith.index_cast %mul3A_90 : i32 to index
      %get3A_121 = arith.constant 48 : index
      %get3A_122 = tpu.vector_load %arg14[%get3A_120, %get3A_121] {strides = array<i32>} : memref<256x128xf32, #tpu.memory_space<vmem>>, vector<16xf32>,
      %mul3A_123 = arith.mulf %get3A_119, %get3A_122 : vector<16xf32>
      %add3A_124 = arith.addf %add3A_116, %mul3A_123 : vector<16xf32>
      %get3A_125 = arith.index_cast %mul3A_90 : i32 to index
      %get3A_126 = arith.constant 64 : index
      %get3A_127 = tpu.vector_load %arg12[%get3A_125, %get3A_126] {strides = array<i32>} : memref<256x128xf32, #tpu.memory_space<vmem>>, vector<16xf32>,
      %get3A_128 = arith.index_cast %mul3A_90 : i32 to index
      %get3A_129 = arith.constant 64 : index
      %get3A_130 = tpu.vector_load %arg14[%get3A_128, %get3A_129] {strides = array<i32>} : memref<256x128xf32, #tpu.memory_space<vmem>>, vector<16xf32>,
      %mul3A_131 = arith.mulf %get3A_127, %get3A_130 : vector<16xf32>
      %add3A_132 = arith.addf %add3A_124, %mul3A_131 : vector<16xf32>
      %get3A_133 = arith.index_cast %mul3A_90 : i32 to index
      %get3A_134 = arith.constant 80 : index
      %get3A_135 = tpu.vector_load %arg12[%get3A_133, %get3A_134] {strides = array<i32>} : memref<256x128xf32, #tpu.memory_space<vmem>>, vector<16xf32>,
      %get3A_136 = arith.index_cast %mul3A_90 : i32 to index
      %get3A_137 = arith.constant 80 : index
      %get3A_138 = tpu.vector_load %arg14[%get3A_136, %get3A_137] {strides = array<i32>} : memref<256x128xf32, #tpu.memory_space<vmem>>, vector<16xf32>,
      %mul3A_139 = arith.mulf %get3A_135, %get3A_138 : vector<16xf32>
      %add3A_140 = arith.addf %add3A_132, %mul3A_139 : vector<16xf32>
      %get3A_141 = arith.index_cast %mul3A_90 : i32 to index
      %get3A_142 = arith.constant 96 : index
      %get3A_143 = tpu.vector_load %arg12[%get3A_141, %get3A_142] {strides = array<i32>} : memref<256x128xf32, #tpu.memory_space<vmem>>, vector<16xf32>,
      %get3A_144 = arith.index_cast %mul3A_90 : i32 to index
      %get3A_145 = arith.constant 96 : index
      %get3A_146 = tpu.vector_load %arg14[%get3A_144, %get3A_145] {strides = array<i32>} : memref<256x128xf32, #tpu.memory_space<vmem>>, vector<16xf32>,
      %mul3A_147 = arith.mulf %get3A_143, %get3A_146 : vector<16xf32>
      %add3A_148 = arith.addf %add3A_140, %mul3A_147 : vector<16xf32>
      %get3A_149 = arith.index_cast %mul3A_90 : i32 to index
      %get3A_150 = arith.constant 112 : index
      %get3A_151 = tpu.vector_load %arg12[%get3A_149, %get3A_150] {strides = array<i32>} : memref<256x128xf32, #tpu.memory_space<vmem>>, vector<16xf32>,
      %get3A_152 = arith.index_cast %mul3A_90 : i32 to index
      %get3A_153 = arith.constant 112 : index
      %get3A_154 = tpu.vector_load %arg14[%get3A_152, %get3A_153] {strides = array<i32>} : memref<256x128xf32, #tpu.memory_space<vmem>>, vector<16xf32>,
      %mul3A_155 = arith.mulf %get3A_151, %get3A_154 : vector<16xf32>
      %add3A_156 = arith.addf %add3A_148, %mul3A_155 : vector<16xf32>
      %reduce_sum3A = arith.constant true
      %reduce_sum3A_157 = vector.broadcast %reduce_sum3A : i1 to vector<16xi1>
      %reduce_sum3A_158 = tpu.scan <sum>, %add3A_156 masked %reduce_sum3A_157 : vector<16xf32>, vector<16xi1> -> vector<16xf32>
      %reduce_sum3A_159 = vector.extract %reduce_sum3A_158[15] : f32 from vector<16xf32>
      %broadcast_in_dim3A = vector.broadcast %mul3A_90 : i32 to vector<16xi32>
      %broadcast_in_dim3A_160 = vector.broadcast %reduce_sum3A_159 : f32 to vector<16xf32>
      %rem3A = arith.constant 16 : i32
      %rem3A_161 = arith.remsi %mul3A_90, %rem3A : i32
      %eq3A = vector.broadcast %rem3A_161 : i32 to vector<16xi32>
      %eq3A_162 = arith.cmpi eq, %iota3A, %eq3A : vector<16xi32>
      tpu.vector_store_idx %arg26[%broadcast_in_dim3A], %broadcast_in_dim3A_160 masked %eq3A_162 : memref<256xf32, #tpu.memory_space<vmem>>[vector<16xi32>], vector<16xf32>, vector<16xi1>
      %get3A_163 = arith.index_cast %add3A_94 : i32 to index
      %get3A_164 = arith.constant 0 : index
      %get3A_165 = tpu.vector_load %arg12[%get3A_163, %get3A_164] {strides = array<i32>} : memref<256x128xf32, #tpu.memory_space<vmem>>, vector<16xf32>,
      %get3A_166 = arith.index_cast %add3A_94 : i32 to index
      %get3A_167 = arith.constant 0 : index
      %get3A_168 = tpu.vector_load %arg14[%get3A_166, %get3A_167] {strides = array<i32>} : memref<256x128xf32, #tpu.memory_space<vmem>>, vector<16xf32>,
      %mul3A_169 = arith.mulf %get3A_165, %get3A_168 : vector<16xf32>
      %get3A_170 = arith.index_cast %add3A_94 : i32 to index
      %get3A_171 = arith.constant 16 : index
      %get3A_172 = tpu.vector_load %arg12[%get3A_170, %get3A_171] {strides = array<i32>} : memref<256x128xf32, #tpu.memory_space<vmem>>, vector<16xf32>,
      %get3A_173 = arith.index_cast %add3A_94 : i32 to index
      %get3A_174 = arith.constant 16 : index
      %get3A_175 = tpu.vector_load %arg14[%get3A_173, %get3A_174] {strides = array<i32>} : memref<256x128xf32, #tpu.memory_space<vmem>>, vector<16xf32>,
      %mul3A_176 = arith.mulf %get3A_172, %get3A_175 : vector<16xf32>
      %add3A_177 = arith.addf %mul3A_169, %mul3A_176 : vector<16xf32>
      %get3A_178 = arith.index_cast %add3A_94 : i32 to index
      %get3A_179 = arith.constant 32 : index
      %get3A_180 = tpu.vector_load %arg12[%get3A_178, %get3A_179] {strides = array<i32>} : memref<256x128xf32, #tpu.memory_space<vmem>>, vector<16xf32>,
      %get3A_181 = arith.index_cast %add3A_94 : i32 to index
      %get3A_182 = arith.constant 32 : index
      %get3A_183 = tpu.vector_load %arg14[%get3A_181, %get3A_182] {strides = array<i32>} : memref<256x128xf32, #tpu.memory_space<vmem>>, vector<16xf32>,
      %mul3A_184 = arith.mulf %get3A_180, %get3A_183 : vector<16xf32>
      %add3A_185 = arith.addf %add3A_177, %mul3A_184 : vector<16xf32>
      %get3A_186 = arith.index_cast %add3A_94 : i32 to index
      %get3A_187 = arith.constant 48 : index
      %get3A_188 = tpu.vector_load %arg12[%get3A_186, %get3A_187] {strides = array<i32>} : memref<256x128xf32, #tpu.memory_space<vmem>>, vector<16xf32>,
      %get3A_189 = arith.index_cast %add3A_94 : i32 to index
      %get3A_190 = arith.constant 48 : index
      %get3A_191 = tpu.vector_load %arg14[%get3A_189, %get3A_190] {strides = array<i32>} : memref<256x128xf32, #tpu.memory_space<vmem>>, vector<16xf32>,
      %mul3A_192 = arith.mulf %get3A_188, %get3A_191 : vector<16xf32>
      %add3A_193 = arith.addf %add3A_185, %mul3A_192 : vector<16xf32>
      %get3A_194 = arith.index_cast %add3A_94 : i32 to index
      %get3A_195 = arith.constant 64 : index
      %get3A_196 = tpu.vector_load %arg12[%get3A_194, %get3A_195] {strides = array<i32>} : memref<256x128xf32, #tpu.memory_space<vmem>>, vector<16xf32>,
      %get3A_197 = arith.index_cast %add3A_94 : i32 to index
      %get3A_198 = arith.constant 64 : index
      %get3A_199 = tpu.vector_load %arg14[%get3A_197, %get3A_198] {strides = array<i32>} : memref<256x128xf32, #tpu.memory_space<vmem>>, vector<16xf32>,
      %mul3A_200 = arith.mulf %get3A_196, %get3A_199 : vector<16xf32>
      %add3A_201 = arith.addf %add3A_193, %mul3A_200 : vector<16xf32>
      %get3A_202 = arith.index_cast %add3A_94 : i32 to index
      %get3A_203 = arith.constant 80 : index
      %get3A_204 = tpu.vector_load %arg12[%get3A_202, %get3A_203] {strides = array<i32>} : memref<256x128xf32, #tpu.memory_space<vmem>>, vector<16xf32>,
      %get3A_205 = arith.index_cast %add3A_94 : i32 to index
      %get3A_206 = arith.constant 80 : index
      %get3A_207 = tpu.vector_load %arg14[%get3A_205, %get3A_206] {strides = array<i32>} : memref<256x128xf32, #tpu.memory_space<vmem>>, vector<16xf32>,
      %mul3A_208 = arith.mulf %get3A_204, %get3A_207 : vector<16xf32>
      %add3A_209 = arith.addf %add3A_201, %mul3A_208 : vector<16xf32>
      %get3A_210 = arith.index_cast %add3A_94 : i32 to index
      %get3A_211 = arith.constant 96 : index
      %get3A_212 = tpu.vector_load %arg12[%get3A_210, %get3A_211] {strides = array<i32>} : memref<256x128xf32, #tpu.memory_space<vmem>>, vector<16xf32>,
      %get3A_213 = arith.index_cast %add3A_94 : i32 to index
      %get3A_214 = arith.constant 96 : index
      %get3A_215 = tpu.vector_load %arg14[%get3A_213, %get3A_214] {strides = array<i32>} : memref<256x128xf32, #tpu.memory_space<vmem>>, vector<16xf32>,
      %mul3A_216 = arith.mulf %get3A_212, %get3A_215 : vector<16xf32>
      %add3A_217 = arith.addf %add3A_209, %mul3A_216 : vector<16xf32>
      %get3A_218 = arith.index_cast %add3A_94 : i32 to index
      %get3A_219 = arith.constant 112 : index
      %get3A_220 = tpu.vector_load %arg12[%get3A_218, %get3A_219] {strides = array<i32>} : memref<256x128xf32, #tpu.memory_space<vmem>>, vector<16xf32>,
      %get3A_221 = arith.index_cast %add3A_94 : i32 to index
      %get3A_222 = arith.constant 112 : index
      %get3A_223 = tpu.vector_load %arg14[%get3A_221, %get3A_222] {strides = array<i32>} : memref<256x128xf32, #tpu.memory_space<vmem>>, vector<16xf32>,
      %mul3A_224 = arith.mulf %get3A_220, %get3A_223 : vector<16xf32>
      %add3A_225 = arith.addf %add3A_217, %mul3A_224 : vector<16xf32>
      %reduce_sum3A_226 = arith.constant true
      %reduce_sum3A_227 = vector.broadcast %reduce_sum3A_226 : i1 to vector<16xi1>
      %reduce_sum3A_228 = tpu.scan <sum>, %add3A_225 masked %reduce_sum3A_227 : vector<16xf32>, vector<16xi1> -> vector<16xf32>
      %reduce_sum3A_229 = vector.extract %reduce_sum3A_228[15] : f32 from vector<16xf32>
      %broadcast_in_dim3A_230 = vector.broadcast %add3A_94 : i32 to vector<16xi32>
      %broadcast_in_dim3A_231 = vector.broadcast %reduce_sum3A_229 : f32 to vector<16xf32>
      %rem3A_232 = arith.constant 16 : i32
      %rem3A_233 = arith.remsi %add3A_94, %rem3A_232 : i32
      %eq3A_234 = vector.broadcast %rem3A_233 : i32 to vector<16xi32>
      %eq3A_235 = arith.cmpi eq, %iota3A, %eq3A_234 : vector<16xi32>
      tpu.vector_store_idx %arg26[%broadcast_in_dim3A_230], %broadcast_in_dim3A_231 masked %eq3A_235 : memref<256xf32, #tpu.memory_space<vmem>>[vector<16xi32>], vector<16xf32>, vector<16xi1>
    }
    %scan3A_60 = arith.constant 128 : i32
    %dma_wait3A_61 = arith.constant 0 : i32
    %dma_wait3A_62 = arith.constant 0 : i32
    %dma_wait3A_63 = tpu.memref_slice %arg3[%dma_wait3A_61, %dma_wait3A_62] : memref<8192x128xf32, #tpu.memory_space<hbm>> -> memref<8192x128xf32, #tpu.memory_space<hbm>>
    tpu.wait_indirect_dma semaphore(%arg33 : memref<!tpu.dma_semaphore, #tpu.memory_space<semaphore_mem>>) src(%dma_wait3A_63 : memref<8192x128xf32, #tpu.memory_space<hbm>>) dst(%arg13 : memref<256x128xf32, #tpu.memory_space<vmem>>)
    %scan3A_64 = arith.constant 0 : i32
    %scan3A_65 = arith.constant 0 : i32
    %scan3A_66 = arith.constant 128 : i32
    %scan3A_67 = arith.addi %scan3A_65, %scan3A_66 : i32
    %scan3A_68 = arith.constant 1 : i32
    scf.for %scan3A_88 = %scan3A_65 to %scan3A_67 step %scan3A_68  : i32 {
      %mul3A_89 = arith.constant 2 : i32
      %mul3A_90 = arith.muli %mul3A_89, %scan3A_88 : i32
      %mul3A_91 = arith.constant 2 : i32
      %mul3A_92 = arith.muli %mul3A_91, %scan3A_88 : i32
      %add3A_93 = arith.constant 1 : i32
      %add3A_94 = arith.addi %mul3A_92, %add3A_93 : i32
      %get3A = arith.index_cast %mul3A_90 : i32 to index
      %get3A_95 = arith.constant 0 : index
      %get3A_96 = tpu.vector_load %arg12[%get3A, %get3A_95] {strides = array<i32>} : memref<256x128xf32, #tpu.memory_space<vmem>>, vector<16xf32>,
      %get3A_97 = arith.index_cast %mul3A_90 : i32 to index
      %get3A_98 = arith.constant 0 : index
      %get3A_99 = tpu.vector_load %arg13[%get3A_97, %get3A_98] {strides = array<i32>} : memref<256x128xf32, #tpu.memory_space<vmem>>, vector<16xf32>,
      %mul3A_100 = arith.mulf %get3A_96, %get3A_99 : vector<16xf32>
      %get3A_101 = arith.index_cast %mul3A_90 : i32 to index
      %get3A_102 = arith.constant 16 : index
      %get3A_103 = tpu.vector_load %arg12[%get3A_101, %get3A_102] {strides = array<i32>} : memref<256x128xf32, #tpu.memory_space<vmem>>, vector<16xf32>,
      %get3A_104 = arith.index_cast %mul3A_90 : i32 to index
      %get3A_105 = arith.constant 16 : index
      %get3A_106 = tpu.vector_load %arg13[%get3A_104, %get3A_105] {strides = array<i32>} : memref<256x128xf32, #tpu.memory_space<vmem>>, vector<16xf32>,
      %mul3A_107 = arith.mulf %get3A_103, %get3A_106 : vector<16xf32>
      %add3A_108 = arith.addf %mul3A_100, %mul3A_107 : vector<16xf32>
      %get3A_109 = arith.index_cast %mul3A_90 : i32 to index
      %get3A_110 = arith.constant 32 : index
      %get3A_111 = tpu.vector_load %arg12[%get3A_109, %get3A_110] {strides = array<i32>} : memref<256x128xf32, #tpu.memory_space<vmem>>, vector<16xf32>,
      %get3A_112 = arith.index_cast %mul3A_90 : i32 to index
      %get3A_113 = arith.constant 32 : index
      %get3A_114 = tpu.vector_load %arg13[%get3A_112, %get3A_113] {strides = array<i32>} : memref<256x128xf32, #tpu.memory_space<vmem>>, vector<16xf32>,
      %mul3A_115 = arith.mulf %get3A_111, %get3A_114 : vector<16xf32>
      %add3A_116 = arith.addf %add3A_108, %mul3A_115 : vector<16xf32>
      %get3A_117 = arith.index_cast %mul3A_90 : i32 to index
      %get3A_118 = arith.constant 48 : index
      %get3A_119 = tpu.vector_load %arg12[%get3A_117, %get3A_118] {strides = array<i32>} : memref<256x128xf32, #tpu.memory_space<vmem>>, vector<16xf32>,
      %get3A_120 = arith.index_cast %mul3A_90 : i32 to index
      %get3A_121 = arith.constant 48 : index
      %get3A_122 = tpu.vector_load %arg13[%get3A_120, %get3A_121] {strides = array<i32>} : memref<256x128xf32, #tpu.memory_space<vmem>>, vector<16xf32>,
      %mul3A_123 = arith.mulf %get3A_119, %get3A_122 : vector<16xf32>
      %add3A_124 = arith.addf %add3A_116, %mul3A_123 : vector<16xf32>
      %get3A_125 = arith.index_cast %mul3A_90 : i32 to index
      %get3A_126 = arith.constant 64 : index
      %get3A_127 = tpu.vector_load %arg12[%get3A_125, %get3A_126] {strides = array<i32>} : memref<256x128xf32, #tpu.memory_space<vmem>>, vector<16xf32>,
      %get3A_128 = arith.index_cast %mul3A_90 : i32 to index
      %get3A_129 = arith.constant 64 : index
      %get3A_130 = tpu.vector_load %arg13[%get3A_128, %get3A_129] {strides = array<i32>} : memref<256x128xf32, #tpu.memory_space<vmem>>, vector<16xf32>,
      %mul3A_131 = arith.mulf %get3A_127, %get3A_130 : vector<16xf32>
      %add3A_132 = arith.addf %add3A_124, %mul3A_131 : vector<16xf32>
      %get3A_133 = arith.index_cast %mul3A_90 : i32 to index
      %get3A_134 = arith.constant 80 : index
      %get3A_135 = tpu.vector_load %arg12[%get3A_133, %get3A_134] {strides = array<i32>} : memref<256x128xf32, #tpu.memory_space<vmem>>, vector<16xf32>,
      %get3A_136 = arith.index_cast %mul3A_90 : i32 to index
      %get3A_137 = arith.constant 80 : index
      %get3A_138 = tpu.vector_load %arg13[%get3A_136, %get3A_137] {strides = array<i32>} : memref<256x128xf32, #tpu.memory_space<vmem>>, vector<16xf32>,
      %mul3A_139 = arith.mulf %get3A_135, %get3A_138 : vector<16xf32>
      %add3A_140 = arith.addf %add3A_132, %mul3A_139 : vector<16xf32>
      %get3A_141 = arith.index_cast %mul3A_90 : i32 to index
      %get3A_142 = arith.constant 96 : index
      %get3A_143 = tpu.vector_load %arg12[%get3A_141, %get3A_142] {strides = array<i32>} : memref<256x128xf32, #tpu.memory_space<vmem>>, vector<16xf32>,
      %get3A_144 = arith.index_cast %mul3A_90 : i32 to index
      %get3A_145 = arith.constant 96 : index
      %get3A_146 = tpu.vector_load %arg13[%get3A_144, %get3A_145] {strides = array<i32>} : memref<256x128xf32, #tpu.memory_space<vmem>>, vector<16xf32>,
      %mul3A_147 = arith.mulf %get3A_143, %get3A_146 : vector<16xf32>
      %add3A_148 = arith.addf %add3A_140, %mul3A_147 : vector<16xf32>
      %get3A_149 = arith.index_cast %mul3A_90 : i32 to index
      %get3A_150 = arith.constant 112 : index
      %get3A_151 = tpu.vector_load %arg12[%get3A_149, %get3A_150] {strides = array<i32>} : memref<256x128xf32, #tpu.memory_space<vmem>>, vector<16xf32>,
      %get3A_152 = arith.index_cast %mul3A_90 : i32 to index
      %get3A_153 = arith.constant 112 : index
      %get3A_154 = tpu.vector_load %arg13[%get3A_152, %get3A_153] {strides = array<i32>} : memref<256x128xf32, #tpu.memory_space<vmem>>, vector<16xf32>,
      %mul3A_155 = arith.mulf %get3A_151, %get3A_154 : vector<16xf32>
      %add3A_156 = arith.addf %add3A_148, %mul3A_155 : vector<16xf32>
      %reduce_sum3A = arith.constant true
      %reduce_sum3A_157 = vector.broadcast %reduce_sum3A : i1 to vector<16xi1>
      %reduce_sum3A_158 = tpu.scan <sum>, %add3A_156 masked %reduce_sum3A_157 : vector<16xf32>, vector<16xi1> -> vector<16xf32>
      %reduce_sum3A_159 = vector.extract %reduce_sum3A_158[15] : f32 from vector<16xf32>
      %broadcast_in_dim3A = vector.broadcast %mul3A_90 : i32 to vector<16xi32>
      %broadcast_in_dim3A_160 = vector.broadcast %reduce_sum3A_159 : f32 to vector<16xf32>
      %rem3A = arith.constant 16 : i32
      %rem3A_161 = arith.remsi %mul3A_90, %rem3A : i32
      %eq3A = vector.broadcast %rem3A_161 : i32 to vector<16xi32>
      %eq3A_162 = arith.cmpi eq, %iota3A, %eq3A : vector<16xi32>
      tpu.vector_store_idx %arg27[%broadcast_in_dim3A], %broadcast_in_dim3A_160 masked %eq3A_162 : memref<256xf32, #tpu.memory_space<vmem>>[vector<16xi32>], vector<16xf32>, vector<16xi1>
      %get3A_163 = arith.index_cast %add3A_94 : i32 to index
      %get3A_164 = arith.constant 0 : index
      %get3A_165 = tpu.vector_load %arg12[%get3A_163, %get3A_164] {strides = array<i32>} : memref<256x128xf32, #tpu.memory_space<vmem>>, vector<16xf32>,
      %get3A_166 = arith.index_cast %add3A_94 : i32 to index
      %get3A_167 = arith.constant 0 : index
      %get3A_168 = tpu.vector_load %arg13[%get3A_166, %get3A_167] {strides = array<i32>} : memref<256x128xf32, #tpu.memory_space<vmem>>, vector<16xf32>,
      %mul3A_169 = arith.mulf %get3A_165, %get3A_168 : vector<16xf32>
      %get3A_170 = arith.index_cast %add3A_94 : i32 to index
      %get3A_171 = arith.constant 16 : index
      %get3A_172 = tpu.vector_load %arg12[%get3A_170, %get3A_171] {strides = array<i32>} : memref<256x128xf32, #tpu.memory_space<vmem>>, vector<16xf32>,
      %get3A_173 = arith.index_cast %add3A_94 : i32 to index
      %get3A_174 = arith.constant 16 : index
      %get3A_175 = tpu.vector_load %arg13[%get3A_173, %get3A_174] {strides = array<i32>} : memref<256x128xf32, #tpu.memory_space<vmem>>, vector<16xf32>,
      %mul3A_176 = arith.mulf %get3A_172, %get3A_175 : vector<16xf32>
      %add3A_177 = arith.addf %mul3A_169, %mul3A_176 : vector<16xf32>
      %get3A_178 = arith.index_cast %add3A_94 : i32 to index
      %get3A_179 = arith.constant 32 : index
      %get3A_180 = tpu.vector_load %arg12[%get3A_178, %get3A_179] {strides = array<i32>} : memref<256x128xf32, #tpu.memory_space<vmem>>, vector<16xf32>,
      %get3A_181 = arith.index_cast %add3A_94 : i32 to index
      %get3A_182 = arith.constant 32 : index
      %get3A_183 = tpu.vector_load %arg13[%get3A_181, %get3A_182] {strides = array<i32>} : memref<256x128xf32, #tpu.memory_space<vmem>>, vector<16xf32>,
      %mul3A_184 = arith.mulf %get3A_180, %get3A_183 : vector<16xf32>
      %add3A_185 = arith.addf %add3A_177, %mul3A_184 : vector<16xf32>
      %get3A_186 = arith.index_cast %add3A_94 : i32 to index
      %get3A_187 = arith.constant 48 : index
      %get3A_188 = tpu.vector_load %arg12[%get3A_186, %get3A_187] {strides = array<i32>} : memref<256x128xf32, #tpu.memory_space<vmem>>, vector<16xf32>,
      %get3A_189 = arith.index_cast %add3A_94 : i32 to index
      %get3A_190 = arith.constant 48 : index
      %get3A_191 = tpu.vector_load %arg13[%get3A_189, %get3A_190] {strides = array<i32>} : memref<256x128xf32, #tpu.memory_space<vmem>>, vector<16xf32>,
      %mul3A_192 = arith.mulf %get3A_188, %get3A_191 : vector<16xf32>
      %add3A_193 = arith.addf %add3A_185, %mul3A_192 : vector<16xf32>
      %get3A_194 = arith.index_cast %add3A_94 : i32 to index
      %get3A_195 = arith.constant 64 : index
      %get3A_196 = tpu.vector_load %arg12[%get3A_194, %get3A_195] {strides = array<i32>} : memref<256x128xf32, #tpu.memory_space<vmem>>, vector<16xf32>,
      %get3A_197 = arith.index_cast %add3A_94 : i32 to index
      %get3A_198 = arith.constant 64 : index
      %get3A_199 = tpu.vector_load %arg13[%get3A_197, %get3A_198] {strides = array<i32>} : memref<256x128xf32, #tpu.memory_space<vmem>>, vector<16xf32>,
      %mul3A_200 = arith.mulf %get3A_196, %get3A_199 : vector<16xf32>
      %add3A_201 = arith.addf %add3A_193, %mul3A_200 : vector<16xf32>
      %get3A_202 = arith.index_cast %add3A_94 : i32 to index
      %get3A_203 = arith.constant 80 : index
      %get3A_204 = tpu.vector_load %arg12[%get3A_202, %get3A_203] {strides = array<i32>} : memref<256x128xf32, #tpu.memory_space<vmem>>, vector<16xf32>,
      %get3A_205 = arith.index_cast %add3A_94 : i32 to index
      %get3A_206 = arith.constant 80 : index
      %get3A_207 = tpu.vector_load %arg13[%get3A_205, %get3A_206] {strides = array<i32>} : memref<256x128xf32, #tpu.memory_space<vmem>>, vector<16xf32>,
      %mul3A_208 = arith.mulf %get3A_204, %get3A_207 : vector<16xf32>
      %add3A_209 = arith.addf %add3A_201, %mul3A_208 : vector<16xf32>
      %get3A_210 = arith.index_cast %add3A_94 : i32 to index
      %get3A_211 = arith.constant 96 : index
      %get3A_212 = tpu.vector_load %arg12[%get3A_210, %get3A_211] {strides = array<i32>} : memref<256x128xf32, #tpu.memory_space<vmem>>, vector<16xf32>,
      %get3A_213 = arith.index_cast %add3A_94 : i32 to index
      %get3A_214 = arith.constant 96 : index
      %get3A_215 = tpu.vector_load %arg13[%get3A_213, %get3A_214] {strides = array<i32>} : memref<256x128xf32, #tpu.memory_space<vmem>>, vector<16xf32>,
      %mul3A_216 = arith.mulf %get3A_212, %get3A_215 : vector<16xf32>
      %add3A_217 = arith.addf %add3A_209, %mul3A_216 : vector<16xf32>
      %get3A_218 = arith.index_cast %add3A_94 : i32 to index
      %get3A_219 = arith.constant 112 : index
      %get3A_220 = tpu.vector_load %arg12[%get3A_218, %get3A_219] {strides = array<i32>} : memref<256x128xf32, #tpu.memory_space<vmem>>, vector<16xf32>,
      %get3A_221 = arith.index_cast %add3A_94 : i32 to index
      %get3A_222 = arith.constant 112 : index
      %get3A_223 = tpu.vector_load %arg13[%get3A_221, %get3A_222] {strides = array<i32>} : memref<256x128xf32, #tpu.memory_space<vmem>>, vector<16xf32>,
      %mul3A_224 = arith.mulf %get3A_220, %get3A_223 : vector<16xf32>
      %add3A_225 = arith.addf %add3A_217, %mul3A_224 : vector<16xf32>
      %reduce_sum3A_226 = arith.constant true
      %reduce_sum3A_227 = vector.broadcast %reduce_sum3A_226 : i1 to vector<16xi1>
      %reduce_sum3A_228 = tpu.scan <sum>, %add3A_225 masked %reduce_sum3A_227 : vector<16xf32>, vector<16xi1> -> vector<16xf32>
      %reduce_sum3A_229 = vector.extract %reduce_sum3A_228[15] : f32 from vector<16xf32>
      %broadcast_in_dim3A_230 = vector.broadcast %add3A_94 : i32 to vector<16xi32>
      %broadcast_in_dim3A_231 = vector.broadcast %reduce_sum3A_229 : f32 to vector<16xf32>
      %rem3A_232 = arith.constant 16 : i32
      %rem3A_233 = arith.remsi %add3A_94, %rem3A_232 : i32
      %eq3A_234 = vector.broadcast %rem3A_233 : i32 to vector<16xi32>
      %eq3A_235 = arith.cmpi eq, %iota3A, %eq3A_234 : vector<16xi32>
      tpu.vector_store_idx %arg27[%broadcast_in_dim3A_230], %broadcast_in_dim3A_231 masked %eq3A_235 : memref<256xf32, #tpu.memory_space<vmem>>[vector<16xi32>], vector<16xf32>, vector<16xi1>
    }
    %scan3A_69 = arith.constant 128 : i32
    %scan3A_70 = arith.constant 0 : i32
    %scan3A_71 = arith.constant 0 : i32
    %scan3A_72 = arith.constant 16 : i32
    %scan3A_73 = arith.addi %scan3A_71, %scan3A_72 : i32
    %scan3A_74 = arith.constant 1 : i32
    scf.for %scan3A_88 = %scan3A_71 to %scan3A_73 step %scan3A_74  : i32 {
      %mul3A_89 = arith.constant 16 : i32
      %mul3A_90 = arith.muli %scan3A_88, %mul3A_89 : i32
      %get3A = arith.index_cast %mul3A_90 : i32 to index
      %get3A_91 = tpu.vector_load %arg23[%get3A] {strides = array<i32>} : memref<256xf32, #tpu.memory_space<vmem>>, vector<16xf32>,
      %broadcast_in_dim3A = arith.constant 0 : i32
      %broadcast_in_dim3A_92 = vector.broadcast %broadcast_in_dim3A : i32 to vector<16xi32>
      %get3A_93 = arith.index_cast %mul3A_90 : i32 to index
      %get3A_94 = tpu.vector_load %arg24[%get3A_93] {strides = array<i32>} : memref<256xf32, #tpu.memory_space<vmem>>, vector<16xf32>,
      %gt3A = arith.cmpf ogt, %get3A_94, %get3A_91 : vector<16xf32>
      %select_n3A = arith.select %gt3A, %get3A_94, %get3A_91 : vector<16xi1>, vector<16xf32>
      %broadcast_in_dim3A_95 = arith.constant 1 : i32
      %broadcast_in_dim3A_96 = vector.broadcast %broadcast_in_dim3A_95 : i32 to vector<16xi32>
      %select_n3A_97 = arith.select %gt3A, %broadcast_in_dim3A_96, %broadcast_in_dim3A_92 : vector<16xi1>, vector<16xi32>
      %get3A_98 = arith.index_cast %mul3A_90 : i32 to index
      %get3A_99 = tpu.vector_load %arg25[%get3A_98] {strides = array<i32>} : memref<256xf32, #tpu.memory_space<vmem>>, vector<16xf32>,
      %gt3A_100 = arith.cmpf ogt, %get3A_99, %select_n3A : vector<16xf32>
      %select_n3A_101 = arith.select %gt3A_100, %get3A_99, %select_n3A : vector<16xi1>, vector<16xf32>
      %broadcast_in_dim3A_102 = arith.constant 2 : i32
      %broadcast_in_dim3A_103 = vector.broadcast %broadcast_in_dim3A_102 : i32 to vector<16xi32>
      %select_n3A_104 = arith.select %gt3A_100, %broadcast_in_dim3A_103, %select_n3A_97 : vector<16xi1>, vector<16xi32>
      %get3A_105 = arith.index_cast %mul3A_90 : i32 to index
      %get3A_106 = tpu.vector_load %arg26[%get3A_105] {strides = array<i32>} : memref<256xf32, #tpu.memory_space<vmem>>, vector<16xf32>,
      %gt3A_107 = arith.cmpf ogt, %get3A_106, %select_n3A_101 : vector<16xf32>
      %select_n3A_108 = arith.select %gt3A_107, %get3A_106, %select_n3A_101 : vector<16xi1>, vector<16xf32>
      %broadcast_in_dim3A_109 = arith.constant 3 : i32
      %broadcast_in_dim3A_110 = vector.broadcast %broadcast_in_dim3A_109 : i32 to vector<16xi32>
      %select_n3A_111 = arith.select %gt3A_107, %broadcast_in_dim3A_110, %select_n3A_104 : vector<16xi1>, vector<16xi32>
      %get3A_112 = arith.index_cast %mul3A_90 : i32 to index
      %get3A_113 = tpu.vector_load %arg27[%get3A_112] {strides = array<i32>} : memref<256xf32, #tpu.memory_space<vmem>>, vector<16xf32>,
      %gt3A_114 = arith.cmpf ogt, %get3A_113, %select_n3A_108 : vector<16xf32>
      %select_n3A_115 = arith.select %gt3A_114, %get3A_113, %select_n3A_108 : vector<16xi1>, vector<16xf32>
      %broadcast_in_dim3A_116 = arith.constant 4 : i32
      %broadcast_in_dim3A_117 = vector.broadcast %broadcast_in_dim3A_116 : i32 to vector<16xi32>
      %select_n3A_118 = arith.select %gt3A_114, %broadcast_in_dim3A_117, %select_n3A_111 : vector<16xi1>, vector<16xi32>
      %mul3A_119 = arith.constant 16 : i32
      %mul3A_120 = arith.muli %scan3A_88, %mul3A_119 : i32
      %add3A_121 = vector.broadcast %mul3A_120 : i32 to vector<16xi32>
      %add3A_122 = arith.addi %add3A_121, %iota3A : vector<16xi32>
      %mul3A_123 = arith.constant 8 : i32
      %mul3A_124 = vector.broadcast %mul3A_123 : i32 to vector<16xi32>
      %mul3A_125 = arith.muli %add3A_122, %mul3A_124 : vector<16xi32>
      %add3A_126 = arith.addi %mul3A_125, %select_n3A_118 : vector<16xi32>
      %gather3A = tpu.vector_load_idx %arg15[%add3A_126] : memref<2048xi32, #tpu.memory_space<vmem>>[vector<16xi32>], vector<16xi32>,
      %gather3A_127 = tpu.vector_load_idx %arg16[%add3A_126] : memref<2048xf32, #tpu.memory_space<vmem>>[vector<16xi32>], vector<16xf32>,
      %mul3A_128 = arith.constant 5.000000e-01 : f32
      %mul3A_129 = vector.broadcast %mul3A_128 : f32 to vector<16xf32>
      %mul3A_130 = arith.mulf %mul3A_129, %select_n3A_115 : vector<16xf32>
      %add3A_131 = arith.constant 5.000000e-01 : f32
      %add3A_132 = vector.broadcast %add3A_131 : f32 to vector<16xf32>
      %add3A_133 = arith.addf %mul3A_130, %add3A_132 : vector<16xf32>
      %neg3A = arith.constant 0.000000e+00 : f32
      %neg3A_134 = vector.broadcast %neg3A : f32 to vector<16xf32>
      %neg3A_135 = arith.subf %neg3A_134, %gather3A_127 : vector<16xf32>
      %div3A = arith.constant 1.000000e-01 : f32
      %div3A_136 = vector.broadcast %div3A : f32 to vector<16xf32>
      %div3A_137 = arith.divf %neg3A_135, %div3A_136 : vector<16xf32>
      %exp3A = math.exp %div3A_137 : vector<16xf32>
      %mul3A_138 = arith.mulf %add3A_133, %exp3A : vector<16xf32>
      %swap3A = arith.index_cast %mul3A_90 : i32 to index
      %swap3A_139 = tpu.vector_load %arg28[%swap3A] {strides = array<i32>} : memref<256xi32, #tpu.memory_space<vmem>>, vector<16xi32>,
      tpu.vector_store %arg28[%swap3A], %gather3A {strides = array<i32>} : memref<256xi32, #tpu.memory_space<vmem>>, vector<16xi32>,
      %swap3A_140 = arith.index_cast %mul3A_90 : i32 to index
      %swap3A_141 = tpu.vector_load %arg29[%swap3A_140] {strides = array<i32>} : memref<256xf32, #tpu.memory_space<vmem>>, vector<16xf32>,
      tpu.vector_store %arg29[%swap3A_140], %mul3A_138 {strides = array<i32>} : memref<256xf32, #tpu.memory_space<vmem>>, vector<16xf32>,
      %swap3A_142 = arith.index_cast %mul3A_90 : i32 to index
      %swap3A_143 = tpu.vector_load %arg22[%swap3A_142] {strides = array<i32>} : memref<256xi32, #tpu.memory_space<vmem>>, vector<16xi32>,
      tpu.vector_store %arg22[%swap3A_142], %gather3A {strides = array<i32>} : memref<256xi32, #tpu.memory_space<vmem>>, vector<16xi32>,
    }
    %scan3A_75 = arith.constant 16 : i32
    %dma_start3A_76 = arith.constant 0 : i32
    %dma_start3A_77 = arith.constant 0 : i32
    %dma_start3A_78 = tpu.memref_slice %arg7[%dma_start3A_76, %dma_start3A_77] : memref<8192x16xf32, #tpu.memory_space<hbm>> -> memref<8192x16xf32, #tpu.memory_space<hbm>>
    tpu.enqueue_indirect_dma source(%dma_start3A_78 : memref<8192x16xf32, #tpu.memory_space<hbm>>) target(%arg31 : memref<256x16xf32, #tpu.memory_space<vmem>>) offsets(%arg22 : memref<256xi32, #tpu.memory_space<vmem>>) semaphore(%arg33 : memref<!tpu.dma_semaphore, #tpu.memory_space<semaphore_mem>>)
    %dma_wait3A_79 = arith.constant 0 : i32
    %dma_wait3A_80 = arith.constant 0 : i32
    %dma_wait3A_81 = tpu.memref_slice %arg7[%dma_wait3A_79, %dma_wait3A_80] : memref<8192x16xf32, #tpu.memory_space<hbm>> -> memref<8192x16xf32, #tpu.memory_space<hbm>>
    tpu.wait_indirect_dma semaphore(%arg33 : memref<!tpu.dma_semaphore, #tpu.memory_space<semaphore_mem>>) src(%dma_wait3A_81 : memref<8192x16xf32, #tpu.memory_space<hbm>>) dst(%arg31 : memref<256x16xf32, #tpu.memory_space<vmem>>)
    "tpu.region"() ({
      %run_scoped3A = tpu.sem_alloc : memref<!tpu.dma_semaphore, #tpu.memory_space<semaphore_mem>>
      %dma_start3A_88 = arith.constant 0 : i32
      %dma_start3A_89 = tpu.memref_slice %arg6[%mul3A_2, %dma_start3A_88] : memref<8192x16xf32, #tpu.memory_space<hbm>> -> memref<256x16xf32, #tpu.memory_space<hbm>>
      %dma_start3A_90 = arith.constant 0 : i32
      %dma_start3A_91 = tpu.memref_slice %arg6[%mul3A_2, %dma_start3A_90] : memref<8192x16xf32, #tpu.memory_space<hbm>> -> memref<256x16xf32, #tpu.memory_space<hbm>>
      tpu.enqueue_dma source(%dma_start3A_91 : memref<256x16xf32, #tpu.memory_space<hbm>>) target(%arg30 : memref<256x16xf32, #tpu.memory_space<vmem>>) target_semaphore(%run_scoped3A : memref<!tpu.dma_semaphore, #tpu.memory_space<semaphore_mem>>)
      %dma_wait3A_92 = arith.constant 0 : i32
      %dma_wait3A_93 = tpu.memref_slice %arg6[%mul3A_2, %dma_wait3A_92] : memref<8192x16xf32, #tpu.memory_space<hbm>> -> memref<256x16xf32, #tpu.memory_space<hbm>>
      %dma_wait3A_94 = arith.constant 0 : i32
      %dma_wait3A_95 = tpu.memref_slice %arg6[%mul3A_2, %dma_wait3A_94] : memref<8192x16xf32, #tpu.memory_space<hbm>> -> memref<256x16xf32, #tpu.memory_space<hbm>>
      tpu.wait_dma2 semaphore(%run_scoped3A : memref<!tpu.dma_semaphore, #tpu.memory_space<semaphore_mem>>) src(%dma_wait3A_95 : memref<256x16xf32, #tpu.memory_space<hbm>>) dst(%arg30 : memref<256x16xf32, #tpu.memory_space<vmem>>)
      tpu.yield
    }) : () -> ()
    %scan3A_82 = arith.constant 0 : i32
    %scan3A_83 = arith.constant 0 : i32
    %scan3A_84 = arith.constant 256 : i32
    %scan3A_85 = arith.addi %scan3A_83, %scan3A_84 : i32
    %scan3A_86 = arith.constant 1 : i32
    scf.for %scan3A_88 = %scan3A_83 to %scan3A_85 step %scan3A_86  : i32 {
      %get3A = arith.index_cast %scan3A_88 : i32 to index
      %get3A_89 = arith.constant 0 : index
      %get3A_90 = tpu.vector_load %arg31[%get3A, %get3A_89] {strides = array<i32>} : memref<256x16xf32, #tpu.memory_space<vmem>>, vector<16xf32>,
      %get3A_91 = arith.index_cast %scan3A_88 : i32 to index
      %get3A_92 = arith.constant 0 : index
      %get3A_93 = tpu.vector_load %arg30[%get3A_91, %get3A_92] {strides = array<i32>} : memref<256x16xf32, #tpu.memory_space<vmem>>, vector<16xf32>,
      %sub3A = arith.subf %get3A_90, %get3A_93 : vector<16xf32>
      %swap3A = arith.index_cast %scan3A_88 : i32 to index
      %swap3A_94 = arith.constant 0 : index
      %swap3A_95 = tpu.vector_load %arg32[%swap3A, %swap3A_94] {strides = array<i32>} : memref<256x16xf32, #tpu.memory_space<vmem>>, vector<16xf32>,
      tpu.vector_store %arg32[%swap3A, %swap3A_94], %sub3A {strides = array<i32>} : memref<256x16xf32, #tpu.memory_space<vmem>>, vector<16xf32>,
    }
    %scan3A_87 = arith.constant 256 : i32
    "tpu.region"() ({
      %run_scoped3A = tpu.sem_alloc : memref<!tpu.dma_semaphore, #tpu.memory_space<semaphore_mem>>
      %dma_start3A_88 = tpu.memref_slice %arg8[%mul3A_2] : memref<8192xi32, #tpu.memory_space<hbm>> -> memref<256xi32, #tpu.memory_space<hbm>>
      %dma_start3A_89 = tpu.memref_slice %arg8[%mul3A_2] : memref<8192xi32, #tpu.memory_space<hbm>> -> memref<256xi32, #tpu.memory_space<hbm>>
      tpu.enqueue_dma source(%arg28 : memref<256xi32, #tpu.memory_space<vmem>>) target(%dma_start3A_89 : memref<256xi32, #tpu.memory_space<hbm>>) target_semaphore(%run_scoped3A : memref<!tpu.dma_semaphore, #tpu.memory_space<semaphore_mem>>)
      %dma_wait3A_90 = tpu.memref_slice %arg8[%mul3A_2] : memref<8192xi32, #tpu.memory_space<hbm>> -> memref<256xi32, #tpu.memory_space<hbm>>
      %dma_wait3A_91 = tpu.memref_slice %arg8[%mul3A_2] : memref<8192xi32, #tpu.memory_space<hbm>> -> memref<256xi32, #tpu.memory_space<hbm>>
      tpu.wait_dma2 semaphore(%run_scoped3A : memref<!tpu.dma_semaphore, #tpu.memory_space<semaphore_mem>>) src(%arg28 : memref<256xi32, #tpu.memory_space<vmem>>) dst(%dma_wait3A_91 : memref<256xi32, #tpu.memory_space<hbm>>)
      tpu.yield
    }) : () -> ()
    "tpu.region"() ({
      %run_scoped3A = tpu.sem_alloc : memref<!tpu.dma_semaphore, #tpu.memory_space<semaphore_mem>>
      %dma_start3A_88 = tpu.memref_slice %arg9[%mul3A_2] : memref<8192xf32, #tpu.memory_space<hbm>> -> memref<256xf32, #tpu.memory_space<hbm>>
      %dma_start3A_89 = tpu.memref_slice %arg9[%mul3A_2] : memref<8192xf32, #tpu.memory_space<hbm>> -> memref<256xf32, #tpu.memory_space<hbm>>
      tpu.enqueue_dma source(%arg29 : memref<256xf32, #tpu.memory_space<vmem>>) target(%dma_start3A_89 : memref<256xf32, #tpu.memory_space<hbm>>) target_semaphore(%run_scoped3A : memref<!tpu.dma_semaphore, #tpu.memory_space<semaphore_mem>>)
      %dma_wait3A_90 = tpu.memref_slice %arg9[%mul3A_2] : memref<8192xf32, #tpu.memory_space<hbm>> -> memref<256xf32, #tpu.memory_space<hbm>>
      %dma_wait3A_91 = tpu.memref_slice %arg9[%mul3A_2] : memref<8192xf32, #tpu.memory_space<hbm>> -> memref<256xf32, #tpu.memory_space<hbm>>
      tpu.wait_dma2 semaphore(%run_scoped3A : memref<!tpu.dma_semaphore, #tpu.memory_space<semaphore_mem>>) src(%arg29 : memref<256xf32, #tpu.memory_space<vmem>>) dst(%dma_wait3A_91 : memref<256xf32, #tpu.memory_space<hbm>>)
      tpu.yield
    }) : () -> ()
    "tpu.region"() ({
      %run_scoped3A = tpu.sem_alloc : memref<!tpu.dma_semaphore, #tpu.memory_space<semaphore_mem>>
      %dma_start3A_88 = arith.constant 0 : i32
      %dma_start3A_89 = tpu.memref_slice %arg10[%mul3A_2, %dma_start3A_88] : memref<8192x16xf32, #tpu.memory_space<hbm>> -> memref<256x16xf32, #tpu.memory_space<hbm>>
      %dma_start3A_90 = arith.constant 0 : i32
      %dma_start3A_91 = tpu.memref_slice %arg10[%mul3A_2, %dma_start3A_90] : memref<8192x16xf32, #tpu.memory_space<hbm>> -> memref<256x16xf32, #tpu.memory_space<hbm>>
      tpu.enqueue_dma source(%arg31 : memref<256x16xf32, #tpu.memory_space<vmem>>) target(%dma_start3A_91 : memref<256x16xf32, #tpu.memory_space<hbm>>) target_semaphore(%run_scoped3A : memref<!tpu.dma_semaphore, #tpu.memory_space<semaphore_mem>>)
      %dma_wait3A_92 = arith.constant 0 : i32
      %dma_wait3A_93 = tpu.memref_slice %arg10[%mul3A_2, %dma_wait3A_92] : memref<8192x16xf32, #tpu.memory_space<hbm>> -> memref<256x16xf32, #tpu.memory_space<hbm>>
      %dma_wait3A_94 = arith.constant 0 : i32
      %dma_wait3A_95 = tpu.memref_slice %arg10[%mul3A_2, %dma_wait3A_94] : memref<8192x16xf32, #tpu.memory_space<hbm>> -> memref<256x16xf32, #tpu.memory_space<hbm>>
      tpu.wait_dma2 semaphore(%run_scoped3A : memref<!tpu.dma_semaphore, #tpu.memory_space<semaphore_mem>>) src(%arg31 : memref<256x16xf32, #tpu.memory_space<vmem>>) dst(%dma_wait3A_95 : memref<256x16xf32, #tpu.memory_space<hbm>>)
      tpu.yield
    }) : () -> ()
    "tpu.region"() ({
      %run_scoped3A = tpu.sem_alloc : memref<!tpu.dma_semaphore, #tpu.memory_space<semaphore_mem>>
      %dma_start3A_88 = arith.constant 0 : i32
      %dma_start3A_89 = tpu.memref_slice %arg11[%mul3A_2, %dma_start3A_88] : memref<8192x16xf32, #tpu.memory_space<hbm>> -> memref<256x16xf32, #tpu.memory_space<hbm>>
      %dma_start3A_90 = arith.constant 0 : i32
      %dma_start3A_91 = tpu.memref_slice %arg11[%mul3A_2, %dma_start3A_90] : memref<8192x16xf32, #tpu.memory_space<hbm>> -> memref<256x16xf32, #tpu.memory_space<hbm>>
      tpu.enqueue_dma source(%arg32 : memref<256x16xf32, #tpu.memory_space<vmem>>) target(%dma_start3A_91 : memref<256x16xf32, #tpu.memory_space<hbm>>) target_semaphore(%run_scoped3A : memref<!tpu.dma_semaphore, #tpu.memory_space<semaphore_mem>>)
      %dma_wait3A_92 = arith.constant 0 : i32
      %dma_wait3A_93 = tpu.memref_slice %arg11[%mul3A_2, %dma_wait3A_92] : memref<8192x16xf32, #tpu.memory_space<hbm>> -> memref<256x16xf32, #tpu.memory_space<hbm>>
      %dma_wait3A_94 = arith.constant 0 : i32
      %dma_wait3A_95 = tpu.memref_slice %arg11[%mul3A_2, %dma_wait3A_94] : memref<8192x16xf32, #tpu.memory_space<hbm>> -> memref<256x16xf32, #tpu.memory_space<hbm>>
      tpu.wait_dma2 semaphore(%run_scoped3A : memref<!tpu.dma_semaphore, #tpu.memory_space<semaphore_mem>>) src(%arg32 : memref<256x16xf32, #tpu.memory_space<vmem>>) dst(%dma_wait3A_95 : memref<256x16xf32, #tpu.memory_space<hbm>>)
      tpu.yield
    }) : () -> ()
    return
  }
}

module attributes {stable_mosaic.version = 14 : i64} {
  func.func @_embed_body(%arg0: i32, %arg1: i32, %arg2: memref<1x512x256xf32, #tpu.memory_space<vmem>>, %arg3: memref<256x128xf32, #tpu.memory_space<vmem>>, %arg4: memref<1x128xf32, #tpu.memory_space<vmem>>, %arg5: memref<128x128xf32, #tpu.memory_space<vmem>>, %arg6: memref<1x128xf32, #tpu.memory_space<vmem>>, %arg7: memref<1x512x128xf32, #tpu.memory_space<vmem>>) attributes {dimension_semantics = [#tpu.dimension_semantics<arbitrary>, #tpu.dimension_semantics<arbitrary>], iteration_bounds = array<i64: 2, 16>, scalar_prefetch = 0 : i64, scratch_operands = 0 : i64, tpu.core_type = #tpu.core_type<tc>, window_params = [{transform_indices = @transform_0, window_bounds = array<i64: 1, 512, 256>}, {pipeline_mode = #tpu.pipeline_mode<synchronous>, transform_indices = @transform_1, window_bounds = array<i64: 256, 128>}, {pipeline_mode = #tpu.pipeline_mode<synchronous>, transform_indices = @transform_2, window_bounds = array<i64: 1, 128>}, {pipeline_mode = #tpu.pipeline_mode<synchronous>, transform_indices = @transform_3, window_bounds = array<i64: 128, 128>}, {pipeline_mode = #tpu.pipeline_mode<synchronous>, transform_indices = @transform_4, window_bounds = array<i64: 1, 128>}, {transform_indices = @transform_5, window_bounds = array<i64: 1, 512, 128>}]} {
    %get3A = arith.constant 0 : index
    %get3A_0 = arith.constant 0 : index
    %get3A_1 = arith.constant 0 : index
    %get3A_2 = vector.load %arg2[%get3A, %get3A_0, %get3A_1] : memref<1x512x256xf32, #tpu.memory_space<vmem>>, vector<1x512x256xf32>
    %get3A_3 = vector.shape_cast %get3A_2 : vector<1x512x256xf32> to vector<512x256xf32>
    %convert_element_type3A = arith.truncf %get3A_3 : vector<512x256xf32> to vector<512x256xbf16>
    %get3A_4 = arith.constant 0 : index
    %get3A_5 = arith.constant 0 : index
    %get3A_6 = vector.load %arg3[%get3A_4, %get3A_5] : memref<256x128xf32, #tpu.memory_space<vmem>>, vector<256x128xf32>
    %convert_element_type3A_7 = arith.truncf %get3A_6 : vector<256x128xf32> to vector<256x128xbf16>
    %dot_general3A = arith.constant dense<0.000000e+00> : vector<512x128xf32>
    %dot_general3A_8 = tpu.matmul %convert_element_type3A, %convert_element_type3A_7, %dot_general3A {dimension_numbers = #tpu.dot_dimension_numbers<[1], [0], [0], [1], [0, 0, 1, 1], [], []>, transpose_lhs_hint = false} : vector<512x256xbf16>, vector<256x128xbf16>, vector<512x128xf32> -> vector<512x128xf32>
    %get3A_9 = arith.constant 0 : index
    %get3A_10 = arith.constant 0 : index
    %get3A_11 = vector.load %arg4[%get3A_9, %get3A_10] : memref<1x128xf32, #tpu.memory_space<vmem>>, vector<1x128xf32>
    %add3A = vector.broadcast %get3A_11 : vector<1x128xf32> to vector<512x128xf32>
    %add3A_12 = arith.addf %dot_general3A_8, %add3A : vector<512x128xf32>
    %max3A = arith.constant 0.000000e+00 : f32
    %max3A_13 = vector.broadcast %max3A : f32 to vector<512x128xf32>
    %max3A_14 = arith.maximumf %add3A_12, %max3A_13 : vector<512x128xf32>
    %convert_element_type3A_15 = arith.truncf %max3A_14 : vector<512x128xf32> to vector<512x128xbf16>
    %get3A_16 = arith.constant 0 : index
    %get3A_17 = arith.constant 0 : index
    %get3A_18 = vector.load %arg5[%get3A_16, %get3A_17] : memref<128x128xf32, #tpu.memory_space<vmem>>, vector<128x128xf32>
    %convert_element_type3A_19 = arith.truncf %get3A_18 : vector<128x128xf32> to vector<128x128xbf16>
    %dot_general3A_20 = arith.constant dense<0.000000e+00> : vector<512x128xf32>
    %dot_general3A_21 = tpu.matmul %convert_element_type3A_15, %convert_element_type3A_19, %dot_general3A_20 {dimension_numbers = #tpu.dot_dimension_numbers<[1], [0], [0], [1], [0, 0, 1, 1], [], []>, transpose_lhs_hint = false} : vector<512x128xbf16>, vector<128x128xbf16>, vector<512x128xf32> -> vector<512x128xf32>
    %get3A_22 = arith.constant 0 : index
    %get3A_23 = arith.constant 0 : index
    %get3A_24 = vector.load %arg6[%get3A_22, %get3A_23] : memref<1x128xf32, #tpu.memory_space<vmem>>, vector<1x128xf32>
    %add3A_25 = vector.broadcast %get3A_24 : vector<1x128xf32> to vector<512x128xf32>
    %add3A_26 = arith.addf %dot_general3A_21, %add3A_25 : vector<512x128xf32>
    %mul3A = arith.mulf %add3A_26, %add3A_26 : vector<512x128xf32>
    %reduce_sum3A = arith.constant dense<0.000000e+00> : vector<512xf32>
    %reduce_sum3A_27 = vector.multi_reduction <add>, %mul3A, %reduce_sum3A [1] : vector<512x128xf32> to vector<512xf32>
    %broadcast_in_dim3A = vector.shape_cast %reduce_sum3A_27 : vector<512xf32> to vector<512x1xf32>
    %sqrt3A = math.sqrt %broadcast_in_dim3A : vector<512x1xf32>
    %add3A_28 = arith.constant 9.99999993E-9 : f32
    %add3A_29 = vector.broadcast %add3A_28 : f32 to vector<512x1xf32>
    %add3A_30 = arith.addf %sqrt3A, %add3A_29 : vector<512x1xf32>
    %div3A = vector.broadcast %add3A_30 : vector<512x1xf32> to vector<512x128xf32>
    %div3A_31 = arith.divf %add3A_26, %div3A : vector<512x128xf32>
    %convert_element_type3A_32 = arith.truncf %div3A_31 : vector<512x128xf32> to vector<512x128xbf16>
    %convert_element_type3A_33 = arith.extf %convert_element_type3A_32 : vector<512x128xbf16> to vector<512x128xf32>
    %swap3A = arith.constant 0 : index
    %swap3A_34 = arith.constant 0 : index
    %swap3A_35 = arith.constant 0 : index
    %swap3A_36 = vector.load %arg7[%swap3A, %swap3A_34, %swap3A_35] : memref<1x512x128xf32, #tpu.memory_space<vmem>>, vector<1x512x128xf32>
    %swap3A_37 = vector.shape_cast %swap3A_36 : vector<1x512x128xf32> to vector<512x128xf32>
    %swap3A_38 = vector.shape_cast %convert_element_type3A_33 : vector<512x128xf32> to vector<1x512x128xf32>
    tpu.vector_store %arg7[%swap3A, %swap3A_34, %swap3A_35], %swap3A_38 {strides = array<i32>} : memref<1x512x128xf32, #tpu.memory_space<vmem>>, vector<1x512x128xf32>,
    return
  }
  func.func @transform_0(%arg0: i32, %arg1: i32) -> (i32, i32, i32) {
    %c0_i32 = arith.constant 0 : i32
    %c0_i32_0 = arith.constant 0 : i32
    return %arg0, %arg1, %c0_i32 : i32, i32, i32
  }
  func.func @transform_1(%arg0: i32, %arg1: i32) -> (i32, i32) {
    %c0_i32 = arith.constant 0 : i32
    %c0_i32_0 = arith.constant 0 : i32
    %c0_i32_1 = arith.constant 0 : i32
    return %c0_i32, %c0_i32_0 : i32, i32
  }
  func.func @transform_2(%arg0: i32, %arg1: i32) -> (i32, i32) {
    %c0_i32 = arith.constant 0 : i32
    %c0_i32_0 = arith.constant 0 : i32
    %c0_i32_1 = arith.constant 0 : i32
    return %c0_i32, %c0_i32_0 : i32, i32
  }
  func.func @transform_3(%arg0: i32, %arg1: i32) -> (i32, i32) {
    %c0_i32 = arith.constant 0 : i32
    %c0_i32_0 = arith.constant 0 : i32
    %c0_i32_1 = arith.constant 0 : i32
    return %c0_i32, %c0_i32_0 : i32, i32
  }
  func.func @transform_4(%arg0: i32, %arg1: i32) -> (i32, i32) {
    %c0_i32 = arith.constant 0 : i32
    %c0_i32_0 = arith.constant 0 : i32
    %c0_i32_1 = arith.constant 0 : i32
    return %c0_i32, %c0_i32_0 : i32, i32
  }
  func.func @transform_5(%arg0: i32, %arg1: i32) -> (i32, i32, i32) {
    %c0_i32 = arith.constant 0 : i32
    %c0_i32_0 = arith.constant 0 : i32
    return %arg0, %arg1, %c0_i32 : i32, i32, i32
  }
}

module attributes {stable_mosaic.version = 14 : i64} {
  func.func @_top5_body(%arg0: i32, %arg1: i32, %arg2: memref<1x512x3xf32, #tpu.memory_space<vmem>>, %arg3: memref<1x3x8192xf32, #tpu.memory_space<vmem>>, %arg4: memref<1x512x8xf32, #tpu.memory_space<vmem>>, %arg5: memref<1x512x8xi32, #tpu.memory_space<vmem>>) attributes {dimension_semantics = [#tpu.dimension_semantics<arbitrary>, #tpu.dimension_semantics<arbitrary>], iteration_bounds = array<i64: 1, 16>, scalar_prefetch = 0 : i64, scratch_operands = 0 : i64, tpu.core_type = #tpu.core_type<tc>, window_params = [{transform_indices = @transform_0, window_bounds = array<i64: 1, 512, 3>}, {transform_indices = @transform_1, window_bounds = array<i64: 1, 3, 8192>}, {transform_indices = @transform_2, window_bounds = array<i64: 1, 512, 8>}, {transform_indices = @transform_3, window_bounds = array<i64: 1, 512, 8>}]} {
    %get3A = arith.constant 0 : index
    %get3A_0 = arith.constant 0 : index
    %get3A_1 = arith.constant 0 : index
    %get3A_2 = vector.load %arg2[%get3A, %get3A_0, %get3A_1] : memref<1x512x3xf32, #tpu.memory_space<vmem>>, vector<1x512x3xf32>
    %get3A_3 = vector.shape_cast %get3A_2 : vector<1x512x3xf32> to vector<512x3xf32>
    %get3A_4 = arith.constant 0 : index
    %get3A_5 = arith.constant 0 : index
    %get3A_6 = arith.constant 0 : index
    %get3A_7 = vector.load %arg3[%get3A_4, %get3A_5, %get3A_6] : memref<1x3x8192xf32, #tpu.memory_space<vmem>>, vector<1x3x8192xf32>
    %get3A_8 = vector.shape_cast %get3A_7 : vector<1x3x8192xf32> to vector<3x8192xf32>
    %slice3A = vector.extract_strided_slice %get3A_3 {offsets = [0, 0], sizes = [512, 1], strides = [1, 1]} : vector<512x3xf32> to vector<512x1xf32>
    %slice3A_9 = vector.extract_strided_slice %get3A_3 {offsets = [0, 1], sizes = [512, 1], strides = [1, 1]} : vector<512x3xf32> to vector<512x1xf32>
    %slice3A_10 = vector.extract_strided_slice %get3A_3 {offsets = [0, 2], sizes = [512, 1], strides = [1, 1]} : vector<512x3xf32> to vector<512x1xf32>
    %mul3A = arith.mulf %slice3A, %slice3A : vector<512x1xf32>
    %mul3A_11 = arith.mulf %slice3A_9, %slice3A_9 : vector<512x1xf32>
    %add3A = arith.addf %mul3A, %mul3A_11 : vector<512x1xf32>
    %mul3A_12 = arith.mulf %slice3A_10, %slice3A_10 : vector<512x1xf32>
    %add3A_13 = arith.addf %add3A, %mul3A_12 : vector<512x1xf32>
    %slice3A_14 = vector.extract_strided_slice %get3A_8 {offsets = [0, 0], sizes = [1, 8192], strides = [1, 1]} : vector<3x8192xf32> to vector<1x8192xf32>
    %slice3A_15 = vector.extract_strided_slice %get3A_8 {offsets = [1, 0], sizes = [1, 8192], strides = [1, 1]} : vector<3x8192xf32> to vector<1x8192xf32>
    %slice3A_16 = vector.extract_strided_slice %get3A_8 {offsets = [2, 0], sizes = [1, 8192], strides = [1, 1]} : vector<3x8192xf32> to vector<1x8192xf32>
    %mul3A_17 = arith.mulf %slice3A_14, %slice3A_14 : vector<1x8192xf32>
    %mul3A_18 = arith.mulf %slice3A_15, %slice3A_15 : vector<1x8192xf32>
    %add3A_19 = arith.addf %mul3A_17, %mul3A_18 : vector<1x8192xf32>
    %mul3A_20 = arith.mulf %slice3A_16, %slice3A_16 : vector<1x8192xf32>
    %add3A_21 = arith.addf %add3A_19, %mul3A_20 : vector<1x8192xf32>
    %convert_element_type3A = arith.truncf %get3A_3 : vector<512x3xf32> to vector<512x3xbf16>
    %convert_element_type3A_22 = arith.truncf %get3A_8 : vector<3x8192xf32> to vector<3x8192xbf16>
    %dot_general3A = arith.constant dense<0.000000e+00> : vector<512x8192xf32>
    %dot_general3A_23 = tpu.matmul %convert_element_type3A, %convert_element_type3A_22, %dot_general3A {dimension_numbers = #tpu.dot_dimension_numbers<[1], [0], [0], [1], [0, 0, 1, 1], [], []>, transpose_lhs_hint = false} : vector<512x3xbf16>, vector<3x8192xbf16>, vector<512x8192xf32> -> vector<512x8192xf32>
    %mul3A_24 = arith.constant 2.000000e+00 : f32
    %mul3A_25 = vector.broadcast %mul3A_24 : f32 to vector<512x8192xf32>
    %mul3A_26 = arith.mulf %mul3A_25, %dot_general3A_23 : vector<512x8192xf32>
    %sub3A = vector.broadcast %add3A_13 : vector<512x1xf32> to vector<512x8192xf32>
    %sub3A_27 = arith.subf %sub3A, %mul3A_26 : vector<512x8192xf32>
    %add3A_28 = vector.broadcast %add3A_21 : vector<1x8192xf32> to vector<512x8192xf32>
    %add3A_29 = arith.addf %sub3A_27, %add3A_28 : vector<512x8192xf32>
    %max3A = arith.constant 0.000000e+00 : f32
    %max3A_30 = vector.broadcast %max3A : f32 to vector<512x8192xf32>
    %max3A_31 = arith.maximumf %add3A_29, %max3A_30 : vector<512x8192xf32>
    %iota3A = tpu.iota {dimensions = array<i32: 1>} : vector<512x128xi32>
    %slice3A_32 = vector.extract_strided_slice %max3A_31 {offsets = [0, 0], sizes = [512, 128], strides = [1, 1]} : vector<512x8192xf32> to vector<512x128xf32>
    %slice3A_33 = vector.extract_strided_slice %max3A_31 {offsets = [0, 128], sizes = [512, 128], strides = [1, 1]} : vector<512x8192xf32> to vector<512x128xf32>
    %slice3A_34 = vector.extract_strided_slice %max3A_31 {offsets = [0, 256], sizes = [512, 128], strides = [1, 1]} : vector<512x8192xf32> to vector<512x128xf32>
    %slice3A_35 = vector.extract_strided_slice %max3A_31 {offsets = [0, 384], sizes = [512, 128], strides = [1, 1]} : vector<512x8192xf32> to vector<512x128xf32>
    %slice3A_36 = vector.extract_strided_slice %max3A_31 {offsets = [0, 512], sizes = [512, 128], strides = [1, 1]} : vector<512x8192xf32> to vector<512x128xf32>
    %slice3A_37 = vector.extract_strided_slice %max3A_31 {offsets = [0, 640], sizes = [512, 128], strides = [1, 1]} : vector<512x8192xf32> to vector<512x128xf32>
    %slice3A_38 = vector.extract_strided_slice %max3A_31 {offsets = [0, 768], sizes = [512, 128], strides = [1, 1]} : vector<512x8192xf32> to vector<512x128xf32>
    %slice3A_39 = vector.extract_strided_slice %max3A_31 {offsets = [0, 896], sizes = [512, 128], strides = [1, 1]} : vector<512x8192xf32> to vector<512x128xf32>
    %slice3A_40 = vector.extract_strided_slice %max3A_31 {offsets = [0, 1024], sizes = [512, 128], strides = [1, 1]} : vector<512x8192xf32> to vector<512x128xf32>
    %slice3A_41 = vector.extract_strided_slice %max3A_31 {offsets = [0, 1152], sizes = [512, 128], strides = [1, 1]} : vector<512x8192xf32> to vector<512x128xf32>
    %slice3A_42 = vector.extract_strided_slice %max3A_31 {offsets = [0, 1280], sizes = [512, 128], strides = [1, 1]} : vector<512x8192xf32> to vector<512x128xf32>
    %slice3A_43 = vector.extract_strided_slice %max3A_31 {offsets = [0, 1408], sizes = [512, 128], strides = [1, 1]} : vector<512x8192xf32> to vector<512x128xf32>
    %slice3A_44 = vector.extract_strided_slice %max3A_31 {offsets = [0, 1536], sizes = [512, 128], strides = [1, 1]} : vector<512x8192xf32> to vector<512x128xf32>
    %slice3A_45 = vector.extract_strided_slice %max3A_31 {offsets = [0, 1664], sizes = [512, 128], strides = [1, 1]} : vector<512x8192xf32> to vector<512x128xf32>
    %slice3A_46 = vector.extract_strided_slice %max3A_31 {offsets = [0, 1792], sizes = [512, 128], strides = [1, 1]} : vector<512x8192xf32> to vector<512x128xf32>
    %slice3A_47 = vector.extract_strided_slice %max3A_31 {offsets = [0, 1920], sizes = [512, 128], strides = [1, 1]} : vector<512x8192xf32> to vector<512x128xf32>
    %slice3A_48 = vector.extract_strided_slice %max3A_31 {offsets = [0, 2048], sizes = [512, 128], strides = [1, 1]} : vector<512x8192xf32> to vector<512x128xf32>
    %slice3A_49 = vector.extract_strided_slice %max3A_31 {offsets = [0, 2176], sizes = [512, 128], strides = [1, 1]} : vector<512x8192xf32> to vector<512x128xf32>
    %slice3A_50 = vector.extract_strided_slice %max3A_31 {offsets = [0, 2304], sizes = [512, 128], strides = [1, 1]} : vector<512x8192xf32> to vector<512x128xf32>
    %slice3A_51 = vector.extract_strided_slice %max3A_31 {offsets = [0, 2432], sizes = [512, 128], strides = [1, 1]} : vector<512x8192xf32> to vector<512x128xf32>
    %slice3A_52 = vector.extract_strided_slice %max3A_31 {offsets = [0, 2560], sizes = [512, 128], strides = [1, 1]} : vector<512x8192xf32> to vector<512x128xf32>
    %slice3A_53 = vector.extract_strided_slice %max3A_31 {offsets = [0, 2688], sizes = [512, 128], strides = [1, 1]} : vector<512x8192xf32> to vector<512x128xf32>
    %slice3A_54 = vector.extract_strided_slice %max3A_31 {offsets = [0, 2816], sizes = [512, 128], strides = [1, 1]} : vector<512x8192xf32> to vector<512x128xf32>
    %slice3A_55 = vector.extract_strided_slice %max3A_31 {offsets = [0, 2944], sizes = [512, 128], strides = [1, 1]} : vector<512x8192xf32> to vector<512x128xf32>
    %slice3A_56 = vector.extract_strided_slice %max3A_31 {offsets = [0, 3072], sizes = [512, 128], strides = [1, 1]} : vector<512x8192xf32> to vector<512x128xf32>
    %slice3A_57 = vector.extract_strided_slice %max3A_31 {offsets = [0, 3200], sizes = [512, 128], strides = [1, 1]} : vector<512x8192xf32> to vector<512x128xf32>
    %slice3A_58 = vector.extract_strided_slice %max3A_31 {offsets = [0, 3328], sizes = [512, 128], strides = [1, 1]} : vector<512x8192xf32> to vector<512x128xf32>
    %slice3A_59 = vector.extract_strided_slice %max3A_31 {offsets = [0, 3456], sizes = [512, 128], strides = [1, 1]} : vector<512x8192xf32> to vector<512x128xf32>
    %slice3A_60 = vector.extract_strided_slice %max3A_31 {offsets = [0, 3584], sizes = [512, 128], strides = [1, 1]} : vector<512x8192xf32> to vector<512x128xf32>
    %slice3A_61 = vector.extract_strided_slice %max3A_31 {offsets = [0, 3712], sizes = [512, 128], strides = [1, 1]} : vector<512x8192xf32> to vector<512x128xf32>
    %slice3A_62 = vector.extract_strided_slice %max3A_31 {offsets = [0, 3840], sizes = [512, 128], strides = [1, 1]} : vector<512x8192xf32> to vector<512x128xf32>
    %slice3A_63 = vector.extract_strided_slice %max3A_31 {offsets = [0, 3968], sizes = [512, 128], strides = [1, 1]} : vector<512x8192xf32> to vector<512x128xf32>
    %slice3A_64 = vector.extract_strided_slice %max3A_31 {offsets = [0, 4096], sizes = [512, 128], strides = [1, 1]} : vector<512x8192xf32> to vector<512x128xf32>
    %slice3A_65 = vector.extract_strided_slice %max3A_31 {offsets = [0, 4224], sizes = [512, 128], strides = [1, 1]} : vector<512x8192xf32> to vector<512x128xf32>
    %slice3A_66 = vector.extract_strided_slice %max3A_31 {offsets = [0, 4352], sizes = [512, 128], strides = [1, 1]} : vector<512x8192xf32> to vector<512x128xf32>
    %slice3A_67 = vector.extract_strided_slice %max3A_31 {offsets = [0, 4480], sizes = [512, 128], strides = [1, 1]} : vector<512x8192xf32> to vector<512x128xf32>
    %slice3A_68 = vector.extract_strided_slice %max3A_31 {offsets = [0, 4608], sizes = [512, 128], strides = [1, 1]} : vector<512x8192xf32> to vector<512x128xf32>
    %slice3A_69 = vector.extract_strided_slice %max3A_31 {offsets = [0, 4736], sizes = [512, 128], strides = [1, 1]} : vector<512x8192xf32> to vector<512x128xf32>
    %slice3A_70 = vector.extract_strided_slice %max3A_31 {offsets = [0, 4864], sizes = [512, 128], strides = [1, 1]} : vector<512x8192xf32> to vector<512x128xf32>
    %slice3A_71 = vector.extract_strided_slice %max3A_31 {offsets = [0, 4992], sizes = [512, 128], strides = [1, 1]} : vector<512x8192xf32> to vector<512x128xf32>
    %slice3A_72 = vector.extract_strided_slice %max3A_31 {offsets = [0, 5120], sizes = [512, 128], strides = [1, 1]} : vector<512x8192xf32> to vector<512x128xf32>
    %slice3A_73 = vector.extract_strided_slice %max3A_31 {offsets = [0, 5248], sizes = [512, 128], strides = [1, 1]} : vector<512x8192xf32> to vector<512x128xf32>
    %slice3A_74 = vector.extract_strided_slice %max3A_31 {offsets = [0, 5376], sizes = [512, 128], strides = [1, 1]} : vector<512x8192xf32> to vector<512x128xf32>
    %slice3A_75 = vector.extract_strided_slice %max3A_31 {offsets = [0, 5504], sizes = [512, 128], strides = [1, 1]} : vector<512x8192xf32> to vector<512x128xf32>
    %slice3A_76 = vector.extract_strided_slice %max3A_31 {offsets = [0, 5632], sizes = [512, 128], strides = [1, 1]} : vector<512x8192xf32> to vector<512x128xf32>
    %slice3A_77 = vector.extract_strided_slice %max3A_31 {offsets = [0, 5760], sizes = [512, 128], strides = [1, 1]} : vector<512x8192xf32> to vector<512x128xf32>
    %slice3A_78 = vector.extract_strided_slice %max3A_31 {offsets = [0, 5888], sizes = [512, 128], strides = [1, 1]} : vector<512x8192xf32> to vector<512x128xf32>
    %slice3A_79 = vector.extract_strided_slice %max3A_31 {offsets = [0, 6016], sizes = [512, 128], strides = [1, 1]} : vector<512x8192xf32> to vector<512x128xf32>
    %slice3A_80 = vector.extract_strided_slice %max3A_31 {offsets = [0, 6144], sizes = [512, 128], strides = [1, 1]} : vector<512x8192xf32> to vector<512x128xf32>
    %slice3A_81 = vector.extract_strided_slice %max3A_31 {offsets = [0, 6272], sizes = [512, 128], strides = [1, 1]} : vector<512x8192xf32> to vector<512x128xf32>
    %slice3A_82 = vector.extract_strided_slice %max3A_31 {offsets = [0, 6400], sizes = [512, 128], strides = [1, 1]} : vector<512x8192xf32> to vector<512x128xf32>
    %slice3A_83 = vector.extract_strided_slice %max3A_31 {offsets = [0, 6528], sizes = [512, 128], strides = [1, 1]} : vector<512x8192xf32> to vector<512x128xf32>
    %slice3A_84 = vector.extract_strided_slice %max3A_31 {offsets = [0, 6656], sizes = [512, 128], strides = [1, 1]} : vector<512x8192xf32> to vector<512x128xf32>
    %slice3A_85 = vector.extract_strided_slice %max3A_31 {offsets = [0, 6784], sizes = [512, 128], strides = [1, 1]} : vector<512x8192xf32> to vector<512x128xf32>
    %slice3A_86 = vector.extract_strided_slice %max3A_31 {offsets = [0, 6912], sizes = [512, 128], strides = [1, 1]} : vector<512x8192xf32> to vector<512x128xf32>
    %slice3A_87 = vector.extract_strided_slice %max3A_31 {offsets = [0, 7040], sizes = [512, 128], strides = [1, 1]} : vector<512x8192xf32> to vector<512x128xf32>
    %slice3A_88 = vector.extract_strided_slice %max3A_31 {offsets = [0, 7168], sizes = [512, 128], strides = [1, 1]} : vector<512x8192xf32> to vector<512x128xf32>
    %slice3A_89 = vector.extract_strided_slice %max3A_31 {offsets = [0, 7296], sizes = [512, 128], strides = [1, 1]} : vector<512x8192xf32> to vector<512x128xf32>
    %slice3A_90 = vector.extract_strided_slice %max3A_31 {offsets = [0, 7424], sizes = [512, 128], strides = [1, 1]} : vector<512x8192xf32> to vector<512x128xf32>
    %slice3A_91 = vector.extract_strided_slice %max3A_31 {offsets = [0, 7552], sizes = [512, 128], strides = [1, 1]} : vector<512x8192xf32> to vector<512x128xf32>
    %slice3A_92 = vector.extract_strided_slice %max3A_31 {offsets = [0, 7680], sizes = [512, 128], strides = [1, 1]} : vector<512x8192xf32> to vector<512x128xf32>
    %slice3A_93 = vector.extract_strided_slice %max3A_31 {offsets = [0, 7808], sizes = [512, 128], strides = [1, 1]} : vector<512x8192xf32> to vector<512x128xf32>
    %slice3A_94 = vector.extract_strided_slice %max3A_31 {offsets = [0, 7936], sizes = [512, 128], strides = [1, 1]} : vector<512x8192xf32> to vector<512x128xf32>
    %slice3A_95 = vector.extract_strided_slice %max3A_31 {offsets = [0, 8064], sizes = [512, 128], strides = [1, 1]} : vector<512x8192xf32> to vector<512x128xf32>
    %lt3A = arith.cmpf olt, %slice3A_33, %slice3A_32 : vector<512x128xf32>
    %lt3A_96 = arith.cmpf olt, %slice3A_35, %slice3A_34 : vector<512x128xf32>
    %lt3A_97 = arith.cmpf olt, %slice3A_37, %slice3A_36 : vector<512x128xf32>
    %lt3A_98 = arith.cmpf olt, %slice3A_39, %slice3A_38 : vector<512x128xf32>
    %lt3A_99 = arith.cmpf olt, %slice3A_41, %slice3A_40 : vector<512x128xf32>
    %lt3A_100 = arith.cmpf olt, %slice3A_43, %slice3A_42 : vector<512x128xf32>
    %lt3A_101 = arith.cmpf olt, %slice3A_45, %slice3A_44 : vector<512x128xf32>
    %lt3A_102 = arith.cmpf olt, %slice3A_47, %slice3A_46 : vector<512x128xf32>
    %lt3A_103 = arith.cmpf olt, %slice3A_49, %slice3A_48 : vector<512x128xf32>
    %lt3A_104 = arith.cmpf olt, %slice3A_51, %slice3A_50 : vector<512x128xf32>
    %lt3A_105 = arith.cmpf olt, %slice3A_53, %slice3A_52 : vector<512x128xf32>
    %lt3A_106 = arith.cmpf olt, %slice3A_55, %slice3A_54 : vector<512x128xf32>
    %lt3A_107 = arith.cmpf olt, %slice3A_57, %slice3A_56 : vector<512x128xf32>
    %lt3A_108 = arith.cmpf olt, %slice3A_59, %slice3A_58 : vector<512x128xf32>
    %lt3A_109 = arith.cmpf olt, %slice3A_61, %slice3A_60 : vector<512x128xf32>
    %lt3A_110 = arith.cmpf olt, %slice3A_63, %slice3A_62 : vector<512x128xf32>
    %lt3A_111 = arith.cmpf olt, %slice3A_65, %slice3A_64 : vector<512x128xf32>
    %lt3A_112 = arith.cmpf olt, %slice3A_67, %slice3A_66 : vector<512x128xf32>
    %lt3A_113 = arith.cmpf olt, %slice3A_69, %slice3A_68 : vector<512x128xf32>
    %lt3A_114 = arith.cmpf olt, %slice3A_71, %slice3A_70 : vector<512x128xf32>
    %lt3A_115 = arith.cmpf olt, %slice3A_73, %slice3A_72 : vector<512x128xf32>
    %lt3A_116 = arith.cmpf olt, %slice3A_75, %slice3A_74 : vector<512x128xf32>
    %lt3A_117 = arith.cmpf olt, %slice3A_77, %slice3A_76 : vector<512x128xf32>
    %lt3A_118 = arith.cmpf olt, %slice3A_79, %slice3A_78 : vector<512x128xf32>
    %lt3A_119 = arith.cmpf olt, %slice3A_81, %slice3A_80 : vector<512x128xf32>
    %lt3A_120 = arith.cmpf olt, %slice3A_83, %slice3A_82 : vector<512x128xf32>
    %lt3A_121 = arith.cmpf olt, %slice3A_85, %slice3A_84 : vector<512x128xf32>
    %lt3A_122 = arith.cmpf olt, %slice3A_87, %slice3A_86 : vector<512x128xf32>
    %lt3A_123 = arith.cmpf olt, %slice3A_89, %slice3A_88 : vector<512x128xf32>
    %lt3A_124 = arith.cmpf olt, %slice3A_91, %slice3A_90 : vector<512x128xf32>
    %lt3A_125 = arith.cmpf olt, %slice3A_93, %slice3A_92 : vector<512x128xf32>
    %lt3A_126 = arith.cmpf olt, %slice3A_95, %slice3A_94 : vector<512x128xf32>
    %jit3A = arith.constant 1 : i32
    %jit3A_127 = arith.constant 0 : i32
    %broadcast_in_dim3A = vector.broadcast %jit3A : i32 to vector<512x128xi32>
    %broadcast_in_dim3A_128 = vector.broadcast %jit3A_127 : i32 to vector<512x128xi32>
    %select_n3A = arith.select %lt3A, %broadcast_in_dim3A, %broadcast_in_dim3A_128 : vector<512x128xi1>, vector<512x128xi32>
    %jit3A_129 = arith.constant 3 : i32
    %jit3A_130 = arith.constant 2 : i32
    %broadcast_in_dim3A_131 = vector.broadcast %jit3A_129 : i32 to vector<512x128xi32>
    %broadcast_in_dim3A_132 = vector.broadcast %jit3A_130 : i32 to vector<512x128xi32>
    %select_n3A_133 = arith.select %lt3A_96, %broadcast_in_dim3A_131, %broadcast_in_dim3A_132 : vector<512x128xi1>, vector<512x128xi32>
    %jit3A_134 = arith.constant 5 : i32
    %jit3A_135 = arith.constant 4 : i32
    %broadcast_in_dim3A_136 = vector.broadcast %jit3A_134 : i32 to vector<512x128xi32>
    %broadcast_in_dim3A_137 = vector.broadcast %jit3A_135 : i32 to vector<512x128xi32>
    %select_n3A_138 = arith.select %lt3A_97, %broadcast_in_dim3A_136, %broadcast_in_dim3A_137 : vector<512x128xi1>, vector<512x128xi32>
    %jit3A_139 = arith.constant 7 : i32
    %jit3A_140 = arith.constant 6 : i32
    %broadcast_in_dim3A_141 = vector.broadcast %jit3A_139 : i32 to vector<512x128xi32>
    %broadcast_in_dim3A_142 = vector.broadcast %jit3A_140 : i32 to vector<512x128xi32>
    %select_n3A_143 = arith.select %lt3A_98, %broadcast_in_dim3A_141, %broadcast_in_dim3A_142 : vector<512x128xi1>, vector<512x128xi32>
    %jit3A_144 = arith.constant 9 : i32
    %jit3A_145 = arith.constant 8 : i32
    %broadcast_in_dim3A_146 = vector.broadcast %jit3A_144 : i32 to vector<512x128xi32>
    %broadcast_in_dim3A_147 = vector.broadcast %jit3A_145 : i32 to vector<512x128xi32>
    %select_n3A_148 = arith.select %lt3A_99, %broadcast_in_dim3A_146, %broadcast_in_dim3A_147 : vector<512x128xi1>, vector<512x128xi32>
    %jit3A_149 = arith.constant 11 : i32
    %jit3A_150 = arith.constant 10 : i32
    %broadcast_in_dim3A_151 = vector.broadcast %jit3A_149 : i32 to vector<512x128xi32>
    %broadcast_in_dim3A_152 = vector.broadcast %jit3A_150 : i32 to vector<512x128xi32>
    %select_n3A_153 = arith.select %lt3A_100, %broadcast_in_dim3A_151, %broadcast_in_dim3A_152 : vector<512x128xi1>, vector<512x128xi32>
    %jit3A_154 = arith.constant 13 : i32
    %jit3A_155 = arith.constant 12 : i32
    %broadcast_in_dim3A_156 = vector.broadcast %jit3A_154 : i32 to vector<512x128xi32>
    %broadcast_in_dim3A_157 = vector.broadcast %jit3A_155 : i32 to vector<512x128xi32>
    %select_n3A_158 = arith.select %lt3A_101, %broadcast_in_dim3A_156, %broadcast_in_dim3A_157 : vector<512x128xi1>, vector<512x128xi32>
    %jit3A_159 = arith.constant 15 : i32
    %jit3A_160 = arith.constant 14 : i32
    %broadcast_in_dim3A_161 = vector.broadcast %jit3A_159 : i32 to vector<512x128xi32>
    %broadcast_in_dim3A_162 = vector.broadcast %jit3A_160 : i32 to vector<512x128xi32>
    %select_n3A_163 = arith.select %lt3A_102, %broadcast_in_dim3A_161, %broadcast_in_dim3A_162 : vector<512x128xi1>, vector<512x128xi32>
    %jit3A_164 = arith.constant 17 : i32
    %jit3A_165 = arith.constant 16 : i32
    %broadcast_in_dim3A_166 = vector.broadcast %jit3A_164 : i32 to vector<512x128xi32>
    %broadcast_in_dim3A_167 = vector.broadcast %jit3A_165 : i32 to vector<512x128xi32>
    %select_n3A_168 = arith.select %lt3A_103, %broadcast_in_dim3A_166, %broadcast_in_dim3A_167 : vector<512x128xi1>, vector<512x128xi32>
    %jit3A_169 = arith.constant 19 : i32
    %jit3A_170 = arith.constant 18 : i32
    %broadcast_in_dim3A_171 = vector.broadcast %jit3A_169 : i32 to vector<512x128xi32>
    %broadcast_in_dim3A_172 = vector.broadcast %jit3A_170 : i32 to vector<512x128xi32>
    %select_n3A_173 = arith.select %lt3A_104, %broadcast_in_dim3A_171, %broadcast_in_dim3A_172 : vector<512x128xi1>, vector<512x128xi32>
    %jit3A_174 = arith.constant 21 : i32
    %jit3A_175 = arith.constant 20 : i32
    %broadcast_in_dim3A_176 = vector.broadcast %jit3A_174 : i32 to vector<512x128xi32>
    %broadcast_in_dim3A_177 = vector.broadcast %jit3A_175 : i32 to vector<512x128xi32>
    %select_n3A_178 = arith.select %lt3A_105, %broadcast_in_dim3A_176, %broadcast_in_dim3A_177 : vector<512x128xi1>, vector<512x128xi32>
    %jit3A_179 = arith.constant 23 : i32
    %jit3A_180 = arith.constant 22 : i32
    %broadcast_in_dim3A_181 = vector.broadcast %jit3A_179 : i32 to vector<512x128xi32>
    %broadcast_in_dim3A_182 = vector.broadcast %jit3A_180 : i32 to vector<512x128xi32>
    %select_n3A_183 = arith.select %lt3A_106, %broadcast_in_dim3A_181, %broadcast_in_dim3A_182 : vector<512x128xi1>, vector<512x128xi32>
    %jit3A_184 = arith.constant 25 : i32
    %jit3A_185 = arith.constant 24 : i32
    %broadcast_in_dim3A_186 = vector.broadcast %jit3A_184 : i32 to vector<512x128xi32>
    %broadcast_in_dim3A_187 = vector.broadcast %jit3A_185 : i32 to vector<512x128xi32>
    %select_n3A_188 = arith.select %lt3A_107, %broadcast_in_dim3A_186, %broadcast_in_dim3A_187 : vector<512x128xi1>, vector<512x128xi32>
    %jit3A_189 = arith.constant 27 : i32
    %jit3A_190 = arith.constant 26 : i32
    %broadcast_in_dim3A_191 = vector.broadcast %jit3A_189 : i32 to vector<512x128xi32>
    %broadcast_in_dim3A_192 = vector.broadcast %jit3A_190 : i32 to vector<512x128xi32>
    %select_n3A_193 = arith.select %lt3A_108, %broadcast_in_dim3A_191, %broadcast_in_dim3A_192 : vector<512x128xi1>, vector<512x128xi32>
    %jit3A_194 = arith.constant 29 : i32
    %jit3A_195 = arith.constant 28 : i32
    %broadcast_in_dim3A_196 = vector.broadcast %jit3A_194 : i32 to vector<512x128xi32>
    %broadcast_in_dim3A_197 = vector.broadcast %jit3A_195 : i32 to vector<512x128xi32>
    %select_n3A_198 = arith.select %lt3A_109, %broadcast_in_dim3A_196, %broadcast_in_dim3A_197 : vector<512x128xi1>, vector<512x128xi32>
    %jit3A_199 = arith.constant 31 : i32
    %jit3A_200 = arith.constant 30 : i32
    %broadcast_in_dim3A_201 = vector.broadcast %jit3A_199 : i32 to vector<512x128xi32>
    %broadcast_in_dim3A_202 = vector.broadcast %jit3A_200 : i32 to vector<512x128xi32>
    %select_n3A_203 = arith.select %lt3A_110, %broadcast_in_dim3A_201, %broadcast_in_dim3A_202 : vector<512x128xi1>, vector<512x128xi32>
    %jit3A_204 = arith.constant 33 : i32
    %jit3A_205 = arith.constant 32 : i32
    %broadcast_in_dim3A_206 = vector.broadcast %jit3A_204 : i32 to vector<512x128xi32>
    %broadcast_in_dim3A_207 = vector.broadcast %jit3A_205 : i32 to vector<512x128xi32>
    %select_n3A_208 = arith.select %lt3A_111, %broadcast_in_dim3A_206, %broadcast_in_dim3A_207 : vector<512x128xi1>, vector<512x128xi32>
    %jit3A_209 = arith.constant 35 : i32
    %jit3A_210 = arith.constant 34 : i32
    %broadcast_in_dim3A_211 = vector.broadcast %jit3A_209 : i32 to vector<512x128xi32>
    %broadcast_in_dim3A_212 = vector.broadcast %jit3A_210 : i32 to vector<512x128xi32>
    %select_n3A_213 = arith.select %lt3A_112, %broadcast_in_dim3A_211, %broadcast_in_dim3A_212 : vector<512x128xi1>, vector<512x128xi32>
    %jit3A_214 = arith.constant 37 : i32
    %jit3A_215 = arith.constant 36 : i32
    %broadcast_in_dim3A_216 = vector.broadcast %jit3A_214 : i32 to vector<512x128xi32>
    %broadcast_in_dim3A_217 = vector.broadcast %jit3A_215 : i32 to vector<512x128xi32>
    %select_n3A_218 = arith.select %lt3A_113, %broadcast_in_dim3A_216, %broadcast_in_dim3A_217 : vector<512x128xi1>, vector<512x128xi32>
    %jit3A_219 = arith.constant 39 : i32
    %jit3A_220 = arith.constant 38 : i32
    %broadcast_in_dim3A_221 = vector.broadcast %jit3A_219 : i32 to vector<512x128xi32>
    %broadcast_in_dim3A_222 = vector.broadcast %jit3A_220 : i32 to vector<512x128xi32>
    %select_n3A_223 = arith.select %lt3A_114, %broadcast_in_dim3A_221, %broadcast_in_dim3A_222 : vector<512x128xi1>, vector<512x128xi32>
    %jit3A_224 = arith.constant 41 : i32
    %jit3A_225 = arith.constant 40 : i32
    %broadcast_in_dim3A_226 = vector.broadcast %jit3A_224 : i32 to vector<512x128xi32>
    %broadcast_in_dim3A_227 = vector.broadcast %jit3A_225 : i32 to vector<512x128xi32>
    %select_n3A_228 = arith.select %lt3A_115, %broadcast_in_dim3A_226, %broadcast_in_dim3A_227 : vector<512x128xi1>, vector<512x128xi32>
    %jit3A_229 = arith.constant 43 : i32
    %jit3A_230 = arith.constant 42 : i32
    %broadcast_in_dim3A_231 = vector.broadcast %jit3A_229 : i32 to vector<512x128xi32>
    %broadcast_in_dim3A_232 = vector.broadcast %jit3A_230 : i32 to vector<512x128xi32>
    %select_n3A_233 = arith.select %lt3A_116, %broadcast_in_dim3A_231, %broadcast_in_dim3A_232 : vector<512x128xi1>, vector<512x128xi32>
    %jit3A_234 = arith.constant 45 : i32
    %jit3A_235 = arith.constant 44 : i32
    %broadcast_in_dim3A_236 = vector.broadcast %jit3A_234 : i32 to vector<512x128xi32>
    %broadcast_in_dim3A_237 = vector.broadcast %jit3A_235 : i32 to vector<512x128xi32>
    %select_n3A_238 = arith.select %lt3A_117, %broadcast_in_dim3A_236, %broadcast_in_dim3A_237 : vector<512x128xi1>, vector<512x128xi32>
    %jit3A_239 = arith.constant 47 : i32
    %jit3A_240 = arith.constant 46 : i32
    %broadcast_in_dim3A_241 = vector.broadcast %jit3A_239 : i32 to vector<512x128xi32>
    %broadcast_in_dim3A_242 = vector.broadcast %jit3A_240 : i32 to vector<512x128xi32>
    %select_n3A_243 = arith.select %lt3A_118, %broadcast_in_dim3A_241, %broadcast_in_dim3A_242 : vector<512x128xi1>, vector<512x128xi32>
    %jit3A_244 = arith.constant 49 : i32
    %jit3A_245 = arith.constant 48 : i32
    %broadcast_in_dim3A_246 = vector.broadcast %jit3A_244 : i32 to vector<512x128xi32>
    %broadcast_in_dim3A_247 = vector.broadcast %jit3A_245 : i32 to vector<512x128xi32>
    %select_n3A_248 = arith.select %lt3A_119, %broadcast_in_dim3A_246, %broadcast_in_dim3A_247 : vector<512x128xi1>, vector<512x128xi32>
    %jit3A_249 = arith.constant 51 : i32
    %jit3A_250 = arith.constant 50 : i32
    %broadcast_in_dim3A_251 = vector.broadcast %jit3A_249 : i32 to vector<512x128xi32>
    %broadcast_in_dim3A_252 = vector.broadcast %jit3A_250 : i32 to vector<512x128xi32>
    %select_n3A_253 = arith.select %lt3A_120, %broadcast_in_dim3A_251, %broadcast_in_dim3A_252 : vector<512x128xi1>, vector<512x128xi32>
    %jit3A_254 = arith.constant 53 : i32
    %jit3A_255 = arith.constant 52 : i32
    %broadcast_in_dim3A_256 = vector.broadcast %jit3A_254 : i32 to vector<512x128xi32>
    %broadcast_in_dim3A_257 = vector.broadcast %jit3A_255 : i32 to vector<512x128xi32>
    %select_n3A_258 = arith.select %lt3A_121, %broadcast_in_dim3A_256, %broadcast_in_dim3A_257 : vector<512x128xi1>, vector<512x128xi32>
    %jit3A_259 = arith.constant 55 : i32
    %jit3A_260 = arith.constant 54 : i32
    %broadcast_in_dim3A_261 = vector.broadcast %jit3A_259 : i32 to vector<512x128xi32>
    %broadcast_in_dim3A_262 = vector.broadcast %jit3A_260 : i32 to vector<512x128xi32>
    %select_n3A_263 = arith.select %lt3A_122, %broadcast_in_dim3A_261, %broadcast_in_dim3A_262 : vector<512x128xi1>, vector<512x128xi32>
    %jit3A_264 = arith.constant 57 : i32
    %jit3A_265 = arith.constant 56 : i32
    %broadcast_in_dim3A_266 = vector.broadcast %jit3A_264 : i32 to vector<512x128xi32>
    %broadcast_in_dim3A_267 = vector.broadcast %jit3A_265 : i32 to vector<512x128xi32>
    %select_n3A_268 = arith.select %lt3A_123, %broadcast_in_dim3A_266, %broadcast_in_dim3A_267 : vector<512x128xi1>, vector<512x128xi32>
    %jit3A_269 = arith.constant 59 : i32
    %jit3A_270 = arith.constant 58 : i32
    %broadcast_in_dim3A_271 = vector.broadcast %jit3A_269 : i32 to vector<512x128xi32>
    %broadcast_in_dim3A_272 = vector.broadcast %jit3A_270 : i32 to vector<512x128xi32>
    %select_n3A_273 = arith.select %lt3A_124, %broadcast_in_dim3A_271, %broadcast_in_dim3A_272 : vector<512x128xi1>, vector<512x128xi32>
    %jit3A_274 = arith.constant 61 : i32
    %jit3A_275 = arith.constant 60 : i32
    %broadcast_in_dim3A_276 = vector.broadcast %jit3A_274 : i32 to vector<512x128xi32>
    %broadcast_in_dim3A_277 = vector.broadcast %jit3A_275 : i32 to vector<512x128xi32>
    %select_n3A_278 = arith.select %lt3A_125, %broadcast_in_dim3A_276, %broadcast_in_dim3A_277 : vector<512x128xi1>, vector<512x128xi32>
    %jit3A_279 = arith.constant 63 : i32
    %jit3A_280 = arith.constant 62 : i32
    %broadcast_in_dim3A_281 = vector.broadcast %jit3A_279 : i32 to vector<512x128xi32>
    %broadcast_in_dim3A_282 = vector.broadcast %jit3A_280 : i32 to vector<512x128xi32>
    %select_n3A_283 = arith.select %lt3A_126, %broadcast_in_dim3A_281, %broadcast_in_dim3A_282 : vector<512x128xi1>, vector<512x128xi32>
    %select_n3A_284 = arith.select %lt3A, %slice3A_33, %slice3A_32 : vector<512x128xi1>, vector<512x128xf32>
    %select_n3A_285 = arith.select %lt3A_96, %slice3A_35, %slice3A_34 : vector<512x128xi1>, vector<512x128xf32>
    %select_n3A_286 = arith.select %lt3A_97, %slice3A_37, %slice3A_36 : vector<512x128xi1>, vector<512x128xf32>
    %select_n3A_287 = arith.select %lt3A_98, %slice3A_39, %slice3A_38 : vector<512x128xi1>, vector<512x128xf32>
    %select_n3A_288 = arith.select %lt3A_99, %slice3A_41, %slice3A_40 : vector<512x128xi1>, vector<512x128xf32>
    %select_n3A_289 = arith.select %lt3A_100, %slice3A_43, %slice3A_42 : vector<512x128xi1>, vector<512x128xf32>
    %select_n3A_290 = arith.select %lt3A_101, %slice3A_45, %slice3A_44 : vector<512x128xi1>, vector<512x128xf32>
    %select_n3A_291 = arith.select %lt3A_102, %slice3A_47, %slice3A_46 : vector<512x128xi1>, vector<512x128xf32>
    %select_n3A_292 = arith.select %lt3A_103, %slice3A_49, %slice3A_48 : vector<512x128xi1>, vector<512x128xf32>
    %select_n3A_293 = arith.select %lt3A_104, %slice3A_51, %slice3A_50 : vector<512x128xi1>, vector<512x128xf32>
    %select_n3A_294 = arith.select %lt3A_105, %slice3A_53, %slice3A_52 : vector<512x128xi1>, vector<512x128xf32>
    %select_n3A_295 = arith.select %lt3A_106, %slice3A_55, %slice3A_54 : vector<512x128xi1>, vector<512x128xf32>
    %select_n3A_296 = arith.select %lt3A_107, %slice3A_57, %slice3A_56 : vector<512x128xi1>, vector<512x128xf32>
    %select_n3A_297 = arith.select %lt3A_108, %slice3A_59, %slice3A_58 : vector<512x128xi1>, vector<512x128xf32>
    %select_n3A_298 = arith.select %lt3A_109, %slice3A_61, %slice3A_60 : vector<512x128xi1>, vector<512x128xf32>
    %select_n3A_299 = arith.select %lt3A_110, %slice3A_63, %slice3A_62 : vector<512x128xi1>, vector<512x128xf32>
    %select_n3A_300 = arith.select %lt3A_111, %slice3A_65, %slice3A_64 : vector<512x128xi1>, vector<512x128xf32>
    %select_n3A_301 = arith.select %lt3A_112, %slice3A_67, %slice3A_66 : vector<512x128xi1>, vector<512x128xf32>
    %select_n3A_302 = arith.select %lt3A_113, %slice3A_69, %slice3A_68 : vector<512x128xi1>, vector<512x128xf32>
    %select_n3A_303 = arith.select %lt3A_114, %slice3A_71, %slice3A_70 : vector<512x128xi1>, vector<512x128xf32>
    %select_n3A_304 = arith.select %lt3A_115, %slice3A_73, %slice3A_72 : vector<512x128xi1>, vector<512x128xf32>
    %select_n3A_305 = arith.select %lt3A_116, %slice3A_75, %slice3A_74 : vector<512x128xi1>, vector<512x128xf32>
    %select_n3A_306 = arith.select %lt3A_117, %slice3A_77, %slice3A_76 : vector<512x128xi1>, vector<512x128xf32>
    %select_n3A_307 = arith.select %lt3A_118, %slice3A_79, %slice3A_78 : vector<512x128xi1>, vector<512x128xf32>
    %select_n3A_308 = arith.select %lt3A_119, %slice3A_81, %slice3A_80 : vector<512x128xi1>, vector<512x128xf32>
    %select_n3A_309 = arith.select %lt3A_120, %slice3A_83, %slice3A_82 : vector<512x128xi1>, vector<512x128xf32>
    %select_n3A_310 = arith.select %lt3A_121, %slice3A_85, %slice3A_84 : vector<512x128xi1>, vector<512x128xf32>
    %select_n3A_311 = arith.select %lt3A_122, %slice3A_87, %slice3A_86 : vector<512x128xi1>, vector<512x128xf32>
    %select_n3A_312 = arith.select %lt3A_123, %slice3A_89, %slice3A_88 : vector<512x128xi1>, vector<512x128xf32>
    %select_n3A_313 = arith.select %lt3A_124, %slice3A_91, %slice3A_90 : vector<512x128xi1>, vector<512x128xf32>
    %select_n3A_314 = arith.select %lt3A_125, %slice3A_93, %slice3A_92 : vector<512x128xi1>, vector<512x128xf32>
    %select_n3A_315 = arith.select %lt3A_126, %slice3A_95, %slice3A_94 : vector<512x128xi1>, vector<512x128xf32>
    %lt3A_316 = arith.cmpf olt, %select_n3A_285, %select_n3A_284 : vector<512x128xf32>
    %select_n3A_317 = arith.select %lt3A_316, %select_n3A_285, %select_n3A_284 : vector<512x128xi1>, vector<512x128xf32>
    %select_n3A_318 = arith.select %lt3A_316, %select_n3A_133, %select_n3A : vector<512x128xi1>, vector<512x128xi32>
    %lt3A_319 = arith.cmpf olt, %select_n3A_287, %select_n3A_286 : vector<512x128xf32>
    %select_n3A_320 = arith.select %lt3A_319, %select_n3A_287, %select_n3A_286 : vector<512x128xi1>, vector<512x128xf32>
    %select_n3A_321 = arith.select %lt3A_319, %select_n3A_143, %select_n3A_138 : vector<512x128xi1>, vector<512x128xi32>
    %lt3A_322 = arith.cmpf olt, %select_n3A_289, %select_n3A_288 : vector<512x128xf32>
    %select_n3A_323 = arith.select %lt3A_322, %select_n3A_289, %select_n3A_288 : vector<512x128xi1>, vector<512x128xf32>
    %select_n3A_324 = arith.select %lt3A_322, %select_n3A_153, %select_n3A_148 : vector<512x128xi1>, vector<512x128xi32>
    %lt3A_325 = arith.cmpf olt, %select_n3A_291, %select_n3A_290 : vector<512x128xf32>
    %select_n3A_326 = arith.select %lt3A_325, %select_n3A_291, %select_n3A_290 : vector<512x128xi1>, vector<512x128xf32>
    %select_n3A_327 = arith.select %lt3A_325, %select_n3A_163, %select_n3A_158 : vector<512x128xi1>, vector<512x128xi32>
    %lt3A_328 = arith.cmpf olt, %select_n3A_293, %select_n3A_292 : vector<512x128xf32>
    %select_n3A_329 = arith.select %lt3A_328, %select_n3A_293, %select_n3A_292 : vector<512x128xi1>, vector<512x128xf32>
    %select_n3A_330 = arith.select %lt3A_328, %select_n3A_173, %select_n3A_168 : vector<512x128xi1>, vector<512x128xi32>
    %lt3A_331 = arith.cmpf olt, %select_n3A_295, %select_n3A_294 : vector<512x128xf32>
    %select_n3A_332 = arith.select %lt3A_331, %select_n3A_295, %select_n3A_294 : vector<512x128xi1>, vector<512x128xf32>
    %select_n3A_333 = arith.select %lt3A_331, %select_n3A_183, %select_n3A_178 : vector<512x128xi1>, vector<512x128xi32>
    %lt3A_334 = arith.cmpf olt, %select_n3A_297, %select_n3A_296 : vector<512x128xf32>
    %select_n3A_335 = arith.select %lt3A_334, %select_n3A_297, %select_n3A_296 : vector<512x128xi1>, vector<512x128xf32>
    %select_n3A_336 = arith.select %lt3A_334, %select_n3A_193, %select_n3A_188 : vector<512x128xi1>, vector<512x128xi32>
    %lt3A_337 = arith.cmpf olt, %select_n3A_299, %select_n3A_298 : vector<512x128xf32>
    %select_n3A_338 = arith.select %lt3A_337, %select_n3A_299, %select_n3A_298 : vector<512x128xi1>, vector<512x128xf32>
    %select_n3A_339 = arith.select %lt3A_337, %select_n3A_203, %select_n3A_198 : vector<512x128xi1>, vector<512x128xi32>
    %lt3A_340 = arith.cmpf olt, %select_n3A_301, %select_n3A_300 : vector<512x128xf32>
    %select_n3A_341 = arith.select %lt3A_340, %select_n3A_301, %select_n3A_300 : vector<512x128xi1>, vector<512x128xf32>
    %select_n3A_342 = arith.select %lt3A_340, %select_n3A_213, %select_n3A_208 : vector<512x128xi1>, vector<512x128xi32>
    %lt3A_343 = arith.cmpf olt, %select_n3A_303, %select_n3A_302 : vector<512x128xf32>
    %select_n3A_344 = arith.select %lt3A_343, %select_n3A_303, %select_n3A_302 : vector<512x128xi1>, vector<512x128xf32>
    %select_n3A_345 = arith.select %lt3A_343, %select_n3A_223, %select_n3A_218 : vector<512x128xi1>, vector<512x128xi32>
    %lt3A_346 = arith.cmpf olt, %select_n3A_305, %select_n3A_304 : vector<512x128xf32>
    %select_n3A_347 = arith.select %lt3A_346, %select_n3A_305, %select_n3A_304 : vector<512x128xi1>, vector<512x128xf32>
    %select_n3A_348 = arith.select %lt3A_346, %select_n3A_233, %select_n3A_228 : vector<512x128xi1>, vector<512x128xi32>
    %lt3A_349 = arith.cmpf olt, %select_n3A_307, %select_n3A_306 : vector<512x128xf32>
    %select_n3A_350 = arith.select %lt3A_349, %select_n3A_307, %select_n3A_306 : vector<512x128xi1>, vector<512x128xf32>
    %select_n3A_351 = arith.select %lt3A_349, %select_n3A_243, %select_n3A_238 : vector<512x128xi1>, vector<512x128xi32>
    %lt3A_352 = arith.cmpf olt, %select_n3A_309, %select_n3A_308 : vector<512x128xf32>
    %select_n3A_353 = arith.select %lt3A_352, %select_n3A_309, %select_n3A_308 : vector<512x128xi1>, vector<512x128xf32>
    %select_n3A_354 = arith.select %lt3A_352, %select_n3A_253, %select_n3A_248 : vector<512x128xi1>, vector<512x128xi32>
    %lt3A_355 = arith.cmpf olt, %select_n3A_311, %select_n3A_310 : vector<512x128xf32>
    %select_n3A_356 = arith.select %lt3A_355, %select_n3A_311, %select_n3A_310 : vector<512x128xi1>, vector<512x128xf32>
    %select_n3A_357 = arith.select %lt3A_355, %select_n3A_263, %select_n3A_258 : vector<512x128xi1>, vector<512x128xi32>
    %lt3A_358 = arith.cmpf olt, %select_n3A_313, %select_n3A_312 : vector<512x128xf32>
    %select_n3A_359 = arith.select %lt3A_358, %select_n3A_313, %select_n3A_312 : vector<512x128xi1>, vector<512x128xf32>
    %select_n3A_360 = arith.select %lt3A_358, %select_n3A_273, %select_n3A_268 : vector<512x128xi1>, vector<512x128xi32>
    %lt3A_361 = arith.cmpf olt, %select_n3A_315, %select_n3A_314 : vector<512x128xf32>
    %select_n3A_362 = arith.select %lt3A_361, %select_n3A_315, %select_n3A_314 : vector<512x128xi1>, vector<512x128xf32>
    %select_n3A_363 = arith.select %lt3A_361, %select_n3A_283, %select_n3A_278 : vector<512x128xi1>, vector<512x128xi32>
    %lt3A_364 = arith.cmpf olt, %select_n3A_320, %select_n3A_317 : vector<512x128xf32>
    %select_n3A_365 = arith.select %lt3A_364, %select_n3A_320, %select_n3A_317 : vector<512x128xi1>, vector<512x128xf32>
    %select_n3A_366 = arith.select %lt3A_364, %select_n3A_321, %select_n3A_318 : vector<512x128xi1>, vector<512x128xi32>
    %lt3A_367 = arith.cmpf olt, %select_n3A_326, %select_n3A_323 : vector<512x128xf32>
    %select_n3A_368 = arith.select %lt3A_367, %select_n3A_326, %select_n3A_323 : vector<512x128xi1>, vector<512x128xf32>
    %select_n3A_369 = arith.select %lt3A_367, %select_n3A_327, %select_n3A_324 : vector<512x128xi1>, vector<512x128xi32>
    %lt3A_370 = arith.cmpf olt, %select_n3A_332, %select_n3A_329 : vector<512x128xf32>
    %select_n3A_371 = arith.select %lt3A_370, %select_n3A_332, %select_n3A_329 : vector<512x128xi1>, vector<512x128xf32>
    %select_n3A_372 = arith.select %lt3A_370, %select_n3A_333, %select_n3A_330 : vector<512x128xi1>, vector<512x128xi32>
    %lt3A_373 = arith.cmpf olt, %select_n3A_338, %select_n3A_335 : vector<512x128xf32>
    %select_n3A_374 = arith.select %lt3A_373, %select_n3A_338, %select_n3A_335 : vector<512x128xi1>, vector<512x128xf32>
    %select_n3A_375 = arith.select %lt3A_373, %select_n3A_339, %select_n3A_336 : vector<512x128xi1>, vector<512x128xi32>
    %lt3A_376 = arith.cmpf olt, %select_n3A_344, %select_n3A_341 : vector<512x128xf32>
    %select_n3A_377 = arith.select %lt3A_376, %select_n3A_344, %select_n3A_341 : vector<512x128xi1>, vector<512x128xf32>
    %select_n3A_378 = arith.select %lt3A_376, %select_n3A_345, %select_n3A_342 : vector<512x128xi1>, vector<512x128xi32>
    %lt3A_379 = arith.cmpf olt, %select_n3A_350, %select_n3A_347 : vector<512x128xf32>
    %select_n3A_380 = arith.select %lt3A_379, %select_n3A_350, %select_n3A_347 : vector<512x128xi1>, vector<512x128xf32>
    %select_n3A_381 = arith.select %lt3A_379, %select_n3A_351, %select_n3A_348 : vector<512x128xi1>, vector<512x128xi32>
    %lt3A_382 = arith.cmpf olt, %select_n3A_356, %select_n3A_353 : vector<512x128xf32>
    %select_n3A_383 = arith.select %lt3A_382, %select_n3A_356, %select_n3A_353 : vector<512x128xi1>, vector<512x128xf32>
    %select_n3A_384 = arith.select %lt3A_382, %select_n3A_357, %select_n3A_354 : vector<512x128xi1>, vector<512x128xi32>
    %lt3A_385 = arith.cmpf olt, %select_n3A_362, %select_n3A_359 : vector<512x128xf32>
    %select_n3A_386 = arith.select %lt3A_385, %select_n3A_362, %select_n3A_359 : vector<512x128xi1>, vector<512x128xf32>
    %select_n3A_387 = arith.select %lt3A_385, %select_n3A_363, %select_n3A_360 : vector<512x128xi1>, vector<512x128xi32>
    %lt3A_388 = arith.cmpf olt, %select_n3A_368, %select_n3A_365 : vector<512x128xf32>
    %select_n3A_389 = arith.select %lt3A_388, %select_n3A_368, %select_n3A_365 : vector<512x128xi1>, vector<512x128xf32>
    %select_n3A_390 = arith.select %lt3A_388, %select_n3A_369, %select_n3A_366 : vector<512x128xi1>, vector<512x128xi32>
    %lt3A_391 = arith.cmpf olt, %select_n3A_374, %select_n3A_371 : vector<512x128xf32>
    %select_n3A_392 = arith.select %lt3A_391, %select_n3A_374, %select_n3A_371 : vector<512x128xi1>, vector<512x128xf32>
    %select_n3A_393 = arith.select %lt3A_391, %select_n3A_375, %select_n3A_372 : vector<512x128xi1>, vector<512x128xi32>
    %lt3A_394 = arith.cmpf olt, %select_n3A_380, %select_n3A_377 : vector<512x128xf32>
    %select_n3A_395 = arith.select %lt3A_394, %select_n3A_380, %select_n3A_377 : vector<512x128xi1>, vector<512x128xf32>
    %select_n3A_396 = arith.select %lt3A_394, %select_n3A_381, %select_n3A_378 : vector<512x128xi1>, vector<512x128xi32>
    %lt3A_397 = arith.cmpf olt, %select_n3A_386, %select_n3A_383 : vector<512x128xf32>
    %select_n3A_398 = arith.select %lt3A_397, %select_n3A_386, %select_n3A_383 : vector<512x128xi1>, vector<512x128xf32>
    %select_n3A_399 = arith.select %lt3A_397, %select_n3A_387, %select_n3A_384 : vector<512x128xi1>, vector<512x128xi32>
    %lt3A_400 = arith.cmpf olt, %select_n3A_392, %select_n3A_389 : vector<512x128xf32>
    %select_n3A_401 = arith.select %lt3A_400, %select_n3A_392, %select_n3A_389 : vector<512x128xi1>, vector<512x128xf32>
    %select_n3A_402 = arith.select %lt3A_400, %select_n3A_393, %select_n3A_390 : vector<512x128xi1>, vector<512x128xi32>
    %lt3A_403 = arith.cmpf olt, %select_n3A_398, %select_n3A_395 : vector<512x128xf32>
    %select_n3A_404 = arith.select %lt3A_403, %select_n3A_398, %select_n3A_395 : vector<512x128xi1>, vector<512x128xf32>
    %select_n3A_405 = arith.select %lt3A_403, %select_n3A_399, %select_n3A_396 : vector<512x128xi1>, vector<512x128xi32>
    %lt3A_406 = arith.cmpf olt, %select_n3A_404, %select_n3A_401 : vector<512x128xf32>
    %select_n3A_407 = arith.select %lt3A_406, %select_n3A_404, %select_n3A_401 : vector<512x128xi1>, vector<512x128xf32>
    %select_n3A_408 = arith.select %lt3A_406, %select_n3A_405, %select_n3A_402 : vector<512x128xi1>, vector<512x128xi32>
    %mul3A_409 = arith.constant 128 : i32
    %mul3A_410 = vector.broadcast %mul3A_409 : i32 to vector<512x128xi32>
    %mul3A_411 = arith.muli %select_n3A_408, %mul3A_410 : vector<512x128xi32>
    %add3A_412 = arith.addi %mul3A_411, %iota3A : vector<512x128xi32>
    %reduce_min3A = arith.constant dense<0x7F800000> : vector<512xf32>
    %reduce_min3A_413 = vector.multi_reduction <minimumf>, %select_n3A_407, %reduce_min3A [1] : vector<512x128xf32> to vector<512xf32>
    %broadcast_in_dim3A_414 = vector.shape_cast %reduce_min3A_413 : vector<512xf32> to vector<512x1xf32>
    %eq3A = vector.broadcast %broadcast_in_dim3A_414 : vector<512x1xf32> to vector<512x128xf32>
    %eq3A_415 = arith.cmpf oeq, %select_n3A_407, %eq3A : vector<512x128xf32>
    %jit3A_416 = arith.constant 8192 : i32
    %broadcast_in_dim3A_417 = vector.broadcast %jit3A_416 : i32 to vector<512x128xi32>
    %select_n3A_418 = arith.select %eq3A_415, %add3A_412, %broadcast_in_dim3A_417 : vector<512x128xi1>, vector<512x128xi32>
    %reduce_min3A_419 = arith.constant dense<2147483647> : vector<512xi32>
    %reduce_min3A_420 = vector.multi_reduction <minsi>, %select_n3A_418, %reduce_min3A_419 [1] : vector<512x128xi32> to vector<512xi32>
    %broadcast_in_dim3A_421 = vector.shape_cast %reduce_min3A_420 : vector<512xi32> to vector<512x1xi32>
    %and3A = arith.constant 127 : i32
    %and3A_422 = vector.broadcast %and3A : i32 to vector<512x1xi32>
    %and3A_423 = arith.andi %broadcast_in_dim3A_421, %and3A_422 : vector<512x1xi32>
    %eq3A_424 = vector.broadcast %broadcast_in_dim3A_421 : vector<512x1xi32> to vector<512x128xi32>
    %eq3A_425 = arith.cmpi eq, %add3A_412, %eq3A_424 : vector<512x128xi32>
    %jit3A_426 = arith.constant 0x7F800000 : f32
    %broadcast_in_dim3A_427 = vector.broadcast %jit3A_426 : f32 to vector<512x128xf32>
    %select_n3A_428 = arith.select %eq3A_425, %broadcast_in_dim3A_427, %select_n3A_407 : vector<512x128xi1>, vector<512x128xf32>
    %reduce_min3A_429 = arith.constant dense<0x7F800000> : vector<512xf32>
    %reduce_min3A_430 = vector.multi_reduction <minimumf>, %select_n3A_428, %reduce_min3A_429 [1] : vector<512x128xf32> to vector<512xf32>
    %broadcast_in_dim3A_431 = vector.shape_cast %reduce_min3A_430 : vector<512xf32> to vector<512x1xf32>
    %eq3A_432 = vector.broadcast %broadcast_in_dim3A_431 : vector<512x1xf32> to vector<512x128xf32>
    %eq3A_433 = arith.cmpf oeq, %select_n3A_428, %eq3A_432 : vector<512x128xf32>
    %jit3A_434 = arith.constant 8192 : i32
    %broadcast_in_dim3A_435 = vector.broadcast %jit3A_434 : i32 to vector<512x128xi32>
    %select_n3A_436 = arith.select %eq3A_433, %add3A_412, %broadcast_in_dim3A_435 : vector<512x128xi1>, vector<512x128xi32>
    %reduce_min3A_437 = arith.constant dense<2147483647> : vector<512xi32>
    %reduce_min3A_438 = vector.multi_reduction <minsi>, %select_n3A_436, %reduce_min3A_437 [1] : vector<512x128xi32> to vector<512xi32>
    %broadcast_in_dim3A_439 = vector.shape_cast %reduce_min3A_438 : vector<512xi32> to vector<512x1xi32>
    %and3A_440 = arith.constant 127 : i32
    %and3A_441 = vector.broadcast %and3A_440 : i32 to vector<512x1xi32>
    %and3A_442 = arith.andi %broadcast_in_dim3A_439, %and3A_441 : vector<512x1xi32>
    %eq3A_443 = vector.broadcast %broadcast_in_dim3A_439 : vector<512x1xi32> to vector<512x128xi32>
    %eq3A_444 = arith.cmpi eq, %add3A_412, %eq3A_443 : vector<512x128xi32>
    %jit3A_445 = arith.constant 0x7F800000 : f32
    %broadcast_in_dim3A_446 = vector.broadcast %jit3A_445 : f32 to vector<512x128xf32>
    %select_n3A_447 = arith.select %eq3A_444, %broadcast_in_dim3A_446, %select_n3A_428 : vector<512x128xi1>, vector<512x128xf32>
    %reduce_min3A_448 = arith.constant dense<0x7F800000> : vector<512xf32>
    %reduce_min3A_449 = vector.multi_reduction <minimumf>, %select_n3A_447, %reduce_min3A_448 [1] : vector<512x128xf32> to vector<512xf32>
    %broadcast_in_dim3A_450 = vector.shape_cast %reduce_min3A_449 : vector<512xf32> to vector<512x1xf32>
    %eq3A_451 = vector.broadcast %broadcast_in_dim3A_450 : vector<512x1xf32> to vector<512x128xf32>
    %eq3A_452 = arith.cmpf oeq, %select_n3A_447, %eq3A_451 : vector<512x128xf32>
    %jit3A_453 = arith.constant 8192 : i32
    %broadcast_in_dim3A_454 = vector.broadcast %jit3A_453 : i32 to vector<512x128xi32>
    %select_n3A_455 = arith.select %eq3A_452, %add3A_412, %broadcast_in_dim3A_454 : vector<512x128xi1>, vector<512x128xi32>
    %reduce_min3A_456 = arith.constant dense<2147483647> : vector<512xi32>
    %reduce_min3A_457 = vector.multi_reduction <minsi>, %select_n3A_455, %reduce_min3A_456 [1] : vector<512x128xi32> to vector<512xi32>
    %broadcast_in_dim3A_458 = vector.shape_cast %reduce_min3A_457 : vector<512xi32> to vector<512x1xi32>
    %and3A_459 = arith.constant 127 : i32
    %and3A_460 = vector.broadcast %and3A_459 : i32 to vector<512x1xi32>
    %and3A_461 = arith.andi %broadcast_in_dim3A_458, %and3A_460 : vector<512x1xi32>
    %eq3A_462 = vector.broadcast %broadcast_in_dim3A_458 : vector<512x1xi32> to vector<512x128xi32>
    %eq3A_463 = arith.cmpi eq, %add3A_412, %eq3A_462 : vector<512x128xi32>
    %jit3A_464 = arith.constant 0x7F800000 : f32
    %broadcast_in_dim3A_465 = vector.broadcast %jit3A_464 : f32 to vector<512x128xf32>
    %select_n3A_466 = arith.select %eq3A_463, %broadcast_in_dim3A_465, %select_n3A_447 : vector<512x128xi1>, vector<512x128xf32>
    %reduce_min3A_467 = arith.constant dense<0x7F800000> : vector<512xf32>
    %reduce_min3A_468 = vector.multi_reduction <minimumf>, %select_n3A_466, %reduce_min3A_467 [1] : vector<512x128xf32> to vector<512xf32>
    %broadcast_in_dim3A_469 = vector.shape_cast %reduce_min3A_468 : vector<512xf32> to vector<512x1xf32>
    %eq3A_470 = vector.broadcast %broadcast_in_dim3A_469 : vector<512x1xf32> to vector<512x128xf32>
    %eq3A_471 = arith.cmpf oeq, %select_n3A_466, %eq3A_470 : vector<512x128xf32>
    %jit3A_472 = arith.constant 8192 : i32
    %broadcast_in_dim3A_473 = vector.broadcast %jit3A_472 : i32 to vector<512x128xi32>
    %select_n3A_474 = arith.select %eq3A_471, %add3A_412, %broadcast_in_dim3A_473 : vector<512x128xi1>, vector<512x128xi32>
    %reduce_min3A_475 = arith.constant dense<2147483647> : vector<512xi32>
    %reduce_min3A_476 = vector.multi_reduction <minsi>, %select_n3A_474, %reduce_min3A_475 [1] : vector<512x128xi32> to vector<512xi32>
    %broadcast_in_dim3A_477 = vector.shape_cast %reduce_min3A_476 : vector<512xi32> to vector<512x1xi32>
    %and3A_478 = arith.constant 127 : i32
    %and3A_479 = vector.broadcast %and3A_478 : i32 to vector<512x1xi32>
    %and3A_480 = arith.andi %broadcast_in_dim3A_477, %and3A_479 : vector<512x1xi32>
    %eq3A_481 = vector.broadcast %broadcast_in_dim3A_477 : vector<512x1xi32> to vector<512x128xi32>
    %eq3A_482 = arith.cmpi eq, %add3A_412, %eq3A_481 : vector<512x128xi32>
    %jit3A_483 = arith.constant 0x7F800000 : f32
    %broadcast_in_dim3A_484 = vector.broadcast %jit3A_483 : f32 to vector<512x128xf32>
    %select_n3A_485 = arith.select %eq3A_482, %broadcast_in_dim3A_484, %select_n3A_466 : vector<512x128xi1>, vector<512x128xf32>
    %reduce_min3A_486 = arith.constant dense<0x7F800000> : vector<512xf32>
    %reduce_min3A_487 = vector.multi_reduction <minimumf>, %select_n3A_485, %reduce_min3A_486 [1] : vector<512x128xf32> to vector<512xf32>
    %broadcast_in_dim3A_488 = vector.shape_cast %reduce_min3A_487 : vector<512xf32> to vector<512x1xf32>
    %eq3A_489 = vector.broadcast %broadcast_in_dim3A_488 : vector<512x1xf32> to vector<512x128xf32>
    %eq3A_490 = arith.cmpf oeq, %select_n3A_485, %eq3A_489 : vector<512x128xf32>
    %jit3A_491 = arith.constant 8192 : i32
    %broadcast_in_dim3A_492 = vector.broadcast %jit3A_491 : i32 to vector<512x128xi32>
    %select_n3A_493 = arith.select %eq3A_490, %add3A_412, %broadcast_in_dim3A_492 : vector<512x128xi1>, vector<512x128xi32>
    %reduce_min3A_494 = arith.constant dense<2147483647> : vector<512xi32>
    %reduce_min3A_495 = vector.multi_reduction <minsi>, %select_n3A_493, %reduce_min3A_494 [1] : vector<512x128xi32> to vector<512xi32>
    %broadcast_in_dim3A_496 = vector.shape_cast %reduce_min3A_495 : vector<512xi32> to vector<512x1xi32>
    %and3A_497 = arith.constant 127 : i32
    %and3A_498 = vector.broadcast %and3A_497 : i32 to vector<512x1xi32>
    %and3A_499 = arith.andi %broadcast_in_dim3A_496, %and3A_498 : vector<512x1xi32>
    %and3A_500 = arith.constant 7 : i32
    %and3A_501 = vector.broadcast %and3A_500 : i32 to vector<512x128xi32>
    %and3A_502 = arith.andi %iota3A, %and3A_501 : vector<512x128xi32>
    %broadcast_in_dim3A_503 = vector.shape_cast %and3A_423 : vector<512x1xi32> to vector<512x1xi32>
    %broadcast_in_dim3A_504 = vector.broadcast %broadcast_in_dim3A_503 : vector<512x1xi32> to vector<512x128xi32>
    %eq3A_505 = arith.constant 1 : i32
    %eq3A_506 = vector.broadcast %eq3A_505 : i32 to vector<512x128xi32>
    %eq3A_507 = arith.cmpi eq, %and3A_502, %eq3A_506 : vector<512x128xi32>
    %broadcast_in_dim3A_508 = vector.shape_cast %and3A_442 : vector<512x1xi32> to vector<512x1xi32>
    %broadcast_in_dim3A_509 = vector.broadcast %broadcast_in_dim3A_508 : vector<512x1xi32> to vector<512x128xi32>
    %select_n3A_510 = arith.select %eq3A_507, %broadcast_in_dim3A_509, %broadcast_in_dim3A_504 : vector<512x128xi1>, vector<512x128xi32>
    %eq3A_511 = arith.constant 2 : i32
    %eq3A_512 = vector.broadcast %eq3A_511 : i32 to vector<512x128xi32>
    %eq3A_513 = arith.cmpi eq, %and3A_502, %eq3A_512 : vector<512x128xi32>
    %broadcast_in_dim3A_514 = vector.shape_cast %and3A_461 : vector<512x1xi32> to vector<512x1xi32>
    %broadcast_in_dim3A_515 = vector.broadcast %broadcast_in_dim3A_514 : vector<512x1xi32> to vector<512x128xi32>
    %select_n3A_516 = arith.select %eq3A_513, %broadcast_in_dim3A_515, %select_n3A_510 : vector<512x128xi1>, vector<512x128xi32>
    %eq3A_517 = arith.constant 3 : i32
    %eq3A_518 = vector.broadcast %eq3A_517 : i32 to vector<512x128xi32>
    %eq3A_519 = arith.cmpi eq, %and3A_502, %eq3A_518 : vector<512x128xi32>
    %broadcast_in_dim3A_520 = vector.shape_cast %and3A_480 : vector<512x1xi32> to vector<512x1xi32>
    %broadcast_in_dim3A_521 = vector.broadcast %broadcast_in_dim3A_520 : vector<512x1xi32> to vector<512x128xi32>
    %select_n3A_522 = arith.select %eq3A_519, %broadcast_in_dim3A_521, %select_n3A_516 : vector<512x128xi1>, vector<512x128xi32>
    %eq3A_523 = arith.constant 4 : i32
    %eq3A_524 = vector.broadcast %eq3A_523 : i32 to vector<512x128xi32>
    %eq3A_525 = arith.cmpi eq, %and3A_502, %eq3A_524 : vector<512x128xi32>
    %broadcast_in_dim3A_526 = vector.shape_cast %and3A_499 : vector<512x1xi32> to vector<512x1xi32>
    %broadcast_in_dim3A_527 = vector.broadcast %broadcast_in_dim3A_526 : vector<512x1xi32> to vector<512x128xi32>
    %select_n3A_528 = arith.select %eq3A_525, %broadcast_in_dim3A_527, %select_n3A_522 : vector<512x128xi1>, vector<512x128xi32>
    %ge3A = arith.constant 5 : i32
    %ge3A_529 = vector.broadcast %ge3A : i32 to vector<512x128xi32>
    %ge3A_530 = arith.cmpi sge, %and3A_502, %ge3A_529 : vector<512x128xi32>
    %and3A_531 = arith.constant 120 : i32
    %and3A_532 = vector.broadcast %and3A_531 : i32 to vector<512x128xi32>
    %and3A_533 = arith.andi %iota3A, %and3A_532 : vector<512x128xi32>
    %mul3A_534 = arith.constant 16 : i32
    %mul3A_535 = vector.broadcast %mul3A_534 : i32 to vector<512x128xi32>
    %mul3A_536 = arith.muli %and3A_533, %mul3A_535 : vector<512x128xi32>
    %slice3A_537 = vector.extract_strided_slice %max3A_31 {offsets = [0, 0], sizes = [512, 128], strides = [1, 1]} : vector<512x8192xf32> to vector<512x128xf32>
    %lt3A_538 = arith.constant 0 : i32
    %lt3A_539 = vector.broadcast %lt3A_538 : i32 to vector<512x128xi32>
    %lt3A_540 = arith.cmpi slt, %select_n3A_528, %lt3A_539 : vector<512x128xi32>
    %add3A_541 = arith.constant 128 : i32
    %add3A_542 = vector.broadcast %add3A_541 : i32 to vector<512x128xi32>
    %add3A_543 = arith.addi %select_n3A_528, %add3A_542 : vector<512x128xi32>
    %select_n3A_544 = arith.select %lt3A_540, %add3A_543, %select_n3A_528 : vector<512x128xi1>, vector<512x128xi32>
    %reshape3A = vector.shape_cast %select_n3A_544 : vector<512x128xi32> to vector<512x128x1xi32>
    %gather3A = vector.shape_cast %reshape3A : vector<512x128x1xi32> to vector<512x128xi32>
    %gather3A_545 = tpu.dynamic_gather %slice3A_537[%gather3A] in [1] : vector<512x128xf32>, vector<512x128xi32> -> vector<512x128xf32>
    %slice3A_546 = vector.extract_strided_slice %max3A_31 {offsets = [0, 128], sizes = [512, 128], strides = [1, 1]} : vector<512x8192xf32> to vector<512x128xf32>
    %lt3A_547 = arith.constant 0 : i32
    %lt3A_548 = vector.broadcast %lt3A_547 : i32 to vector<512x128xi32>
    %lt3A_549 = arith.cmpi slt, %select_n3A_528, %lt3A_548 : vector<512x128xi32>
    %add3A_550 = arith.constant 128 : i32
    %add3A_551 = vector.broadcast %add3A_550 : i32 to vector<512x128xi32>
    %add3A_552 = arith.addi %select_n3A_528, %add3A_551 : vector<512x128xi32>
    %select_n3A_553 = arith.select %lt3A_549, %add3A_552, %select_n3A_528 : vector<512x128xi1>, vector<512x128xi32>
    %reshape3A_554 = vector.shape_cast %select_n3A_553 : vector<512x128xi32> to vector<512x128x1xi32>
    %gather3A_555 = vector.shape_cast %reshape3A_554 : vector<512x128x1xi32> to vector<512x128xi32>
    %gather3A_556 = tpu.dynamic_gather %slice3A_546[%gather3A_555] in [1] : vector<512x128xf32>, vector<512x128xi32> -> vector<512x128xf32>
    %and3A_557 = arith.constant 120 : i32
    %and3A_558 = vector.broadcast %and3A_557 : i32 to vector<512x128xi32>
    %and3A_559 = arith.andi %iota3A, %and3A_558 : vector<512x128xi32>
    %eq3A_560 = arith.constant 8 : i32
    %eq3A_561 = vector.broadcast %eq3A_560 : i32 to vector<512x128xi32>
    %eq3A_562 = arith.cmpi eq, %and3A_559, %eq3A_561 : vector<512x128xi32>
    %select_n3A_563 = arith.select %eq3A_562, %gather3A_556, %gather3A_545 : vector<512x128xi1>, vector<512x128xf32>
    %slice3A_564 = vector.extract_strided_slice %max3A_31 {offsets = [0, 256], sizes = [512, 128], strides = [1, 1]} : vector<512x8192xf32> to vector<512x128xf32>
    %lt3A_565 = arith.constant 0 : i32
    %lt3A_566 = vector.broadcast %lt3A_565 : i32 to vector<512x128xi32>
    %lt3A_567 = arith.cmpi slt, %select_n3A_528, %lt3A_566 : vector<512x128xi32>
    %add3A_568 = arith.constant 128 : i32
    %add3A_569 = vector.broadcast %add3A_568 : i32 to vector<512x128xi32>
    %add3A_570 = arith.addi %select_n3A_528, %add3A_569 : vector<512x128xi32>
    %select_n3A_571 = arith.select %lt3A_567, %add3A_570, %select_n3A_528 : vector<512x128xi1>, vector<512x128xi32>
    %reshape3A_572 = vector.shape_cast %select_n3A_571 : vector<512x128xi32> to vector<512x128x1xi32>
    %gather3A_573 = vector.shape_cast %reshape3A_572 : vector<512x128x1xi32> to vector<512x128xi32>
    %gather3A_574 = tpu.dynamic_gather %slice3A_564[%gather3A_573] in [1] : vector<512x128xf32>, vector<512x128xi32> -> vector<512x128xf32>
    %and3A_575 = arith.constant 120 : i32
    %and3A_576 = vector.broadcast %and3A_575 : i32 to vector<512x128xi32>
    %and3A_577 = arith.andi %iota3A, %and3A_576 : vector<512x128xi32>
    %eq3A_578 = arith.constant 16 : i32
    %eq3A_579 = vector.broadcast %eq3A_578 : i32 to vector<512x128xi32>
    %eq3A_580 = arith.cmpi eq, %and3A_577, %eq3A_579 : vector<512x128xi32>
    %select_n3A_581 = arith.select %eq3A_580, %gather3A_574, %select_n3A_563 : vector<512x128xi1>, vector<512x128xf32>
    %slice3A_582 = vector.extract_strided_slice %max3A_31 {offsets = [0, 384], sizes = [512, 128], strides = [1, 1]} : vector<512x8192xf32> to vector<512x128xf32>
    %lt3A_583 = arith.constant 0 : i32
    %lt3A_584 = vector.broadcast %lt3A_583 : i32 to vector<512x128xi32>
    %lt3A_585 = arith.cmpi slt, %select_n3A_528, %lt3A_584 : vector<512x128xi32>
    %add3A_586 = arith.constant 128 : i32
    %add3A_587 = vector.broadcast %add3A_586 : i32 to vector<512x128xi32>
    %add3A_588 = arith.addi %select_n3A_528, %add3A_587 : vector<512x128xi32>
    %select_n3A_589 = arith.select %lt3A_585, %add3A_588, %select_n3A_528 : vector<512x128xi1>, vector<512x128xi32>
    %reshape3A_590 = vector.shape_cast %select_n3A_589 : vector<512x128xi32> to vector<512x128x1xi32>
    %gather3A_591 = vector.shape_cast %reshape3A_590 : vector<512x128x1xi32> to vector<512x128xi32>
    %gather3A_592 = tpu.dynamic_gather %slice3A_582[%gather3A_591] in [1] : vector<512x128xf32>, vector<512x128xi32> -> vector<512x128xf32>
    %and3A_593 = arith.constant 120 : i32
    %and3A_594 = vector.broadcast %and3A_593 : i32 to vector<512x128xi32>
    %and3A_595 = arith.andi %iota3A, %and3A_594 : vector<512x128xi32>
    %eq3A_596 = arith.constant 24 : i32
    %eq3A_597 = vector.broadcast %eq3A_596 : i32 to vector<512x128xi32>
    %eq3A_598 = arith.cmpi eq, %and3A_595, %eq3A_597 : vector<512x128xi32>
    %select_n3A_599 = arith.select %eq3A_598, %gather3A_592, %select_n3A_581 : vector<512x128xi1>, vector<512x128xf32>
    %slice3A_600 = vector.extract_strided_slice %max3A_31 {offsets = [0, 512], sizes = [512, 128], strides = [1, 1]} : vector<512x8192xf32> to vector<512x128xf32>
    %lt3A_601 = arith.constant 0 : i32
    %lt3A_602 = vector.broadcast %lt3A_601 : i32 to vector<512x128xi32>
    %lt3A_603 = arith.cmpi slt, %select_n3A_528, %lt3A_602 : vector<512x128xi32>
    %add3A_604 = arith.constant 128 : i32
    %add3A_605 = vector.broadcast %add3A_604 : i32 to vector<512x128xi32>
    %add3A_606 = arith.addi %select_n3A_528, %add3A_605 : vector<512x128xi32>
    %select_n3A_607 = arith.select %lt3A_603, %add3A_606, %select_n3A_528 : vector<512x128xi1>, vector<512x128xi32>
    %reshape3A_608 = vector.shape_cast %select_n3A_607 : vector<512x128xi32> to vector<512x128x1xi32>
    %gather3A_609 = vector.shape_cast %reshape3A_608 : vector<512x128x1xi32> to vector<512x128xi32>
    %gather3A_610 = tpu.dynamic_gather %slice3A_600[%gather3A_609] in [1] : vector<512x128xf32>, vector<512x128xi32> -> vector<512x128xf32>
    %and3A_611 = arith.constant 120 : i32
    %and3A_612 = vector.broadcast %and3A_611 : i32 to vector<512x128xi32>
    %and3A_613 = arith.andi %iota3A, %and3A_612 : vector<512x128xi32>
    %eq3A_614 = arith.constant 32 : i32
    %eq3A_615 = vector.broadcast %eq3A_614 : i32 to vector<512x128xi32>
    %eq3A_616 = arith.cmpi eq, %and3A_613, %eq3A_615 : vector<512x128xi32>
    %select_n3A_617 = arith.select %eq3A_616, %gather3A_610, %select_n3A_599 : vector<512x128xi1>, vector<512x128xf32>
    %slice3A_618 = vector.extract_strided_slice %max3A_31 {offsets = [0, 640], sizes = [512, 128], strides = [1, 1]} : vector<512x8192xf32> to vector<512x128xf32>
    %lt3A_619 = arith.constant 0 : i32
    %lt3A_620 = vector.broadcast %lt3A_619 : i32 to vector<512x128xi32>
    %lt3A_621 = arith.cmpi slt, %select_n3A_528, %lt3A_620 : vector<512x128xi32>
    %add3A_622 = arith.constant 128 : i32
    %add3A_623 = vector.broadcast %add3A_622 : i32 to vector<512x128xi32>
    %add3A_624 = arith.addi %select_n3A_528, %add3A_623 : vector<512x128xi32>
    %select_n3A_625 = arith.select %lt3A_621, %add3A_624, %select_n3A_528 : vector<512x128xi1>, vector<512x128xi32>
    %reshape3A_626 = vector.shape_cast %select_n3A_625 : vector<512x128xi32> to vector<512x128x1xi32>
    %gather3A_627 = vector.shape_cast %reshape3A_626 : vector<512x128x1xi32> to vector<512x128xi32>
    %gather3A_628 = tpu.dynamic_gather %slice3A_618[%gather3A_627] in [1] : vector<512x128xf32>, vector<512x128xi32> -> vector<512x128xf32>
    %and3A_629 = arith.constant 120 : i32
    %and3A_630 = vector.broadcast %and3A_629 : i32 to vector<512x128xi32>
    %and3A_631 = arith.andi %iota3A, %and3A_630 : vector<512x128xi32>
    %eq3A_632 = arith.constant 40 : i32
    %eq3A_633 = vector.broadcast %eq3A_632 : i32 to vector<512x128xi32>
    %eq3A_634 = arith.cmpi eq, %and3A_631, %eq3A_633 : vector<512x128xi32>
    %select_n3A_635 = arith.select %eq3A_634, %gather3A_628, %select_n3A_617 : vector<512x128xi1>, vector<512x128xf32>
    %slice3A_636 = vector.extract_strided_slice %max3A_31 {offsets = [0, 768], sizes = [512, 128], strides = [1, 1]} : vector<512x8192xf32> to vector<512x128xf32>
    %lt3A_637 = arith.constant 0 : i32
    %lt3A_638 = vector.broadcast %lt3A_637 : i32 to vector<512x128xi32>
    %lt3A_639 = arith.cmpi slt, %select_n3A_528, %lt3A_638 : vector<512x128xi32>
    %add3A_640 = arith.constant 128 : i32
    %add3A_641 = vector.broadcast %add3A_640 : i32 to vector<512x128xi32>
    %add3A_642 = arith.addi %select_n3A_528, %add3A_641 : vector<512x128xi32>
    %select_n3A_643 = arith.select %lt3A_639, %add3A_642, %select_n3A_528 : vector<512x128xi1>, vector<512x128xi32>
    %reshape3A_644 = vector.shape_cast %select_n3A_643 : vector<512x128xi32> to vector<512x128x1xi32>
    %gather3A_645 = vector.shape_cast %reshape3A_644 : vector<512x128x1xi32> to vector<512x128xi32>
    %gather3A_646 = tpu.dynamic_gather %slice3A_636[%gather3A_645] in [1] : vector<512x128xf32>, vector<512x128xi32> -> vector<512x128xf32>
    %and3A_647 = arith.constant 120 : i32
    %and3A_648 = vector.broadcast %and3A_647 : i32 to vector<512x128xi32>
    %and3A_649 = arith.andi %iota3A, %and3A_648 : vector<512x128xi32>
    %eq3A_650 = arith.constant 48 : i32
    %eq3A_651 = vector.broadcast %eq3A_650 : i32 to vector<512x128xi32>
    %eq3A_652 = arith.cmpi eq, %and3A_649, %eq3A_651 : vector<512x128xi32>
    %select_n3A_653 = arith.select %eq3A_652, %gather3A_646, %select_n3A_635 : vector<512x128xi1>, vector<512x128xf32>
    %slice3A_654 = vector.extract_strided_slice %max3A_31 {offsets = [0, 896], sizes = [512, 128], strides = [1, 1]} : vector<512x8192xf32> to vector<512x128xf32>
    %lt3A_655 = arith.constant 0 : i32
    %lt3A_656 = vector.broadcast %lt3A_655 : i32 to vector<512x128xi32>
    %lt3A_657 = arith.cmpi slt, %select_n3A_528, %lt3A_656 : vector<512x128xi32>
    %add3A_658 = arith.constant 128 : i32
    %add3A_659 = vector.broadcast %add3A_658 : i32 to vector<512x128xi32>
    %add3A_660 = arith.addi %select_n3A_528, %add3A_659 : vector<512x128xi32>
    %select_n3A_661 = arith.select %lt3A_657, %add3A_660, %select_n3A_528 : vector<512x128xi1>, vector<512x128xi32>
    %reshape3A_662 = vector.shape_cast %select_n3A_661 : vector<512x128xi32> to vector<512x128x1xi32>
    %gather3A_663 = vector.shape_cast %reshape3A_662 : vector<512x128x1xi32> to vector<512x128xi32>
    %gather3A_664 = tpu.dynamic_gather %slice3A_654[%gather3A_663] in [1] : vector<512x128xf32>, vector<512x128xi32> -> vector<512x128xf32>
    %and3A_665 = arith.constant 120 : i32
    %and3A_666 = vector.broadcast %and3A_665 : i32 to vector<512x128xi32>
    %and3A_667 = arith.andi %iota3A, %and3A_666 : vector<512x128xi32>
    %eq3A_668 = arith.constant 56 : i32
    %eq3A_669 = vector.broadcast %eq3A_668 : i32 to vector<512x128xi32>
    %eq3A_670 = arith.cmpi eq, %and3A_667, %eq3A_669 : vector<512x128xi32>
    %select_n3A_671 = arith.select %eq3A_670, %gather3A_664, %select_n3A_653 : vector<512x128xi1>, vector<512x128xf32>
    %slice3A_672 = vector.extract_strided_slice %max3A_31 {offsets = [0, 1024], sizes = [512, 128], strides = [1, 1]} : vector<512x8192xf32> to vector<512x128xf32>
    %lt3A_673 = arith.constant 0 : i32
    %lt3A_674 = vector.broadcast %lt3A_673 : i32 to vector<512x128xi32>
    %lt3A_675 = arith.cmpi slt, %select_n3A_528, %lt3A_674 : vector<512x128xi32>
    %add3A_676 = arith.constant 128 : i32
    %add3A_677 = vector.broadcast %add3A_676 : i32 to vector<512x128xi32>
    %add3A_678 = arith.addi %select_n3A_528, %add3A_677 : vector<512x128xi32>
    %select_n3A_679 = arith.select %lt3A_675, %add3A_678, %select_n3A_528 : vector<512x128xi1>, vector<512x128xi32>
    %reshape3A_680 = vector.shape_cast %select_n3A_679 : vector<512x128xi32> to vector<512x128x1xi32>
    %gather3A_681 = vector.shape_cast %reshape3A_680 : vector<512x128x1xi32> to vector<512x128xi32>
    %gather3A_682 = tpu.dynamic_gather %slice3A_672[%gather3A_681] in [1] : vector<512x128xf32>, vector<512x128xi32> -> vector<512x128xf32>
    %and3A_683 = arith.constant 120 : i32
    %and3A_684 = vector.broadcast %and3A_683 : i32 to vector<512x128xi32>
    %and3A_685 = arith.andi %iota3A, %and3A_684 : vector<512x128xi32>
    %eq3A_686 = arith.constant 64 : i32
    %eq3A_687 = vector.broadcast %eq3A_686 : i32 to vector<512x128xi32>
    %eq3A_688 = arith.cmpi eq, %and3A_685, %eq3A_687 : vector<512x128xi32>
    %select_n3A_689 = arith.select %eq3A_688, %gather3A_682, %select_n3A_671 : vector<512x128xi1>, vector<512x128xf32>
    %slice3A_690 = vector.extract_strided_slice %max3A_31 {offsets = [0, 1152], sizes = [512, 128], strides = [1, 1]} : vector<512x8192xf32> to vector<512x128xf32>
    %lt3A_691 = arith.constant 0 : i32
    %lt3A_692 = vector.broadcast %lt3A_691 : i32 to vector<512x128xi32>
    %lt3A_693 = arith.cmpi slt, %select_n3A_528, %lt3A_692 : vector<512x128xi32>
    %add3A_694 = arith.constant 128 : i32
    %add3A_695 = vector.broadcast %add3A_694 : i32 to vector<512x128xi32>
    %add3A_696 = arith.addi %select_n3A_528, %add3A_695 : vector<512x128xi32>
    %select_n3A_697 = arith.select %lt3A_693, %add3A_696, %select_n3A_528 : vector<512x128xi1>, vector<512x128xi32>
    %reshape3A_698 = vector.shape_cast %select_n3A_697 : vector<512x128xi32> to vector<512x128x1xi32>
    %gather3A_699 = vector.shape_cast %reshape3A_698 : vector<512x128x1xi32> to vector<512x128xi32>
    %gather3A_700 = tpu.dynamic_gather %slice3A_690[%gather3A_699] in [1] : vector<512x128xf32>, vector<512x128xi32> -> vector<512x128xf32>
    %and3A_701 = arith.constant 120 : i32
    %and3A_702 = vector.broadcast %and3A_701 : i32 to vector<512x128xi32>
    %and3A_703 = arith.andi %iota3A, %and3A_702 : vector<512x128xi32>
    %eq3A_704 = arith.constant 72 : i32
    %eq3A_705 = vector.broadcast %eq3A_704 : i32 to vector<512x128xi32>
    %eq3A_706 = arith.cmpi eq, %and3A_703, %eq3A_705 : vector<512x128xi32>
    %select_n3A_707 = arith.select %eq3A_706, %gather3A_700, %select_n3A_689 : vector<512x128xi1>, vector<512x128xf32>
    %slice3A_708 = vector.extract_strided_slice %max3A_31 {offsets = [0, 1280], sizes = [512, 128], strides = [1, 1]} : vector<512x8192xf32> to vector<512x128xf32>
    %lt3A_709 = arith.constant 0 : i32
    %lt3A_710 = vector.broadcast %lt3A_709 : i32 to vector<512x128xi32>
    %lt3A_711 = arith.cmpi slt, %select_n3A_528, %lt3A_710 : vector<512x128xi32>
    %add3A_712 = arith.constant 128 : i32
    %add3A_713 = vector.broadcast %add3A_712 : i32 to vector<512x128xi32>
    %add3A_714 = arith.addi %select_n3A_528, %add3A_713 : vector<512x128xi32>
    %select_n3A_715 = arith.select %lt3A_711, %add3A_714, %select_n3A_528 : vector<512x128xi1>, vector<512x128xi32>
    %reshape3A_716 = vector.shape_cast %select_n3A_715 : vector<512x128xi32> to vector<512x128x1xi32>
    %gather3A_717 = vector.shape_cast %reshape3A_716 : vector<512x128x1xi32> to vector<512x128xi32>
    %gather3A_718 = tpu.dynamic_gather %slice3A_708[%gather3A_717] in [1] : vector<512x128xf32>, vector<512x128xi32> -> vector<512x128xf32>
    %and3A_719 = arith.constant 120 : i32
    %and3A_720 = vector.broadcast %and3A_719 : i32 to vector<512x128xi32>
    %and3A_721 = arith.andi %iota3A, %and3A_720 : vector<512x128xi32>
    %eq3A_722 = arith.constant 80 : i32
    %eq3A_723 = vector.broadcast %eq3A_722 : i32 to vector<512x128xi32>
    %eq3A_724 = arith.cmpi eq, %and3A_721, %eq3A_723 : vector<512x128xi32>
    %select_n3A_725 = arith.select %eq3A_724, %gather3A_718, %select_n3A_707 : vector<512x128xi1>, vector<512x128xf32>
    %slice3A_726 = vector.extract_strided_slice %max3A_31 {offsets = [0, 1408], sizes = [512, 128], strides = [1, 1]} : vector<512x8192xf32> to vector<512x128xf32>
    %lt3A_727 = arith.constant 0 : i32
    %lt3A_728 = vector.broadcast %lt3A_727 : i32 to vector<512x128xi32>
    %lt3A_729 = arith.cmpi slt, %select_n3A_528, %lt3A_728 : vector<512x128xi32>
    %add3A_730 = arith.constant 128 : i32
    %add3A_731 = vector.broadcast %add3A_730 : i32 to vector<512x128xi32>
    %add3A_732 = arith.addi %select_n3A_528, %add3A_731 : vector<512x128xi32>
    %select_n3A_733 = arith.select %lt3A_729, %add3A_732, %select_n3A_528 : vector<512x128xi1>, vector<512x128xi32>
    %reshape3A_734 = vector.shape_cast %select_n3A_733 : vector<512x128xi32> to vector<512x128x1xi32>
    %gather3A_735 = vector.shape_cast %reshape3A_734 : vector<512x128x1xi32> to vector<512x128xi32>
    %gather3A_736 = tpu.dynamic_gather %slice3A_726[%gather3A_735] in [1] : vector<512x128xf32>, vector<512x128xi32> -> vector<512x128xf32>
    %and3A_737 = arith.constant 120 : i32
    %and3A_738 = vector.broadcast %and3A_737 : i32 to vector<512x128xi32>
    %and3A_739 = arith.andi %iota3A, %and3A_738 : vector<512x128xi32>
    %eq3A_740 = arith.constant 88 : i32
    %eq3A_741 = vector.broadcast %eq3A_740 : i32 to vector<512x128xi32>
    %eq3A_742 = arith.cmpi eq, %and3A_739, %eq3A_741 : vector<512x128xi32>
    %select_n3A_743 = arith.select %eq3A_742, %gather3A_736, %select_n3A_725 : vector<512x128xi1>, vector<512x128xf32>
    %slice3A_744 = vector.extract_strided_slice %max3A_31 {offsets = [0, 1536], sizes = [512, 128], strides = [1, 1]} : vector<512x8192xf32> to vector<512x128xf32>
    %lt3A_745 = arith.constant 0 : i32
    %lt3A_746 = vector.broadcast %lt3A_745 : i32 to vector<512x128xi32>
    %lt3A_747 = arith.cmpi slt, %select_n3A_528, %lt3A_746 : vector<512x128xi32>
    %add3A_748 = arith.constant 128 : i32
    %add3A_749 = vector.broadcast %add3A_748 : i32 to vector<512x128xi32>
    %add3A_750 = arith.addi %select_n3A_528, %add3A_749 : vector<512x128xi32>
    %select_n3A_751 = arith.select %lt3A_747, %add3A_750, %select_n3A_528 : vector<512x128xi1>, vector<512x128xi32>
    %reshape3A_752 = vector.shape_cast %select_n3A_751 : vector<512x128xi32> to vector<512x128x1xi32>
    %gather3A_753 = vector.shape_cast %reshape3A_752 : vector<512x128x1xi32> to vector<512x128xi32>
    %gather3A_754 = tpu.dynamic_gather %slice3A_744[%gather3A_753] in [1] : vector<512x128xf32>, vector<512x128xi32> -> vector<512x128xf32>
    %and3A_755 = arith.constant 120 : i32
    %and3A_756 = vector.broadcast %and3A_755 : i32 to vector<512x128xi32>
    %and3A_757 = arith.andi %iota3A, %and3A_756 : vector<512x128xi32>
    %eq3A_758 = arith.constant 96 : i32
    %eq3A_759 = vector.broadcast %eq3A_758 : i32 to vector<512x128xi32>
    %eq3A_760 = arith.cmpi eq, %and3A_757, %eq3A_759 : vector<512x128xi32>
    %select_n3A_761 = arith.select %eq3A_760, %gather3A_754, %select_n3A_743 : vector<512x128xi1>, vector<512x128xf32>
    %slice3A_762 = vector.extract_strided_slice %max3A_31 {offsets = [0, 1664], sizes = [512, 128], strides = [1, 1]} : vector<512x8192xf32> to vector<512x128xf32>
    %lt3A_763 = arith.constant 0 : i32
    %lt3A_764 = vector.broadcast %lt3A_763 : i32 to vector<512x128xi32>
    %lt3A_765 = arith.cmpi slt, %select_n3A_528, %lt3A_764 : vector<512x128xi32>
    %add3A_766 = arith.constant 128 : i32
    %add3A_767 = vector.broadcast %add3A_766 : i32 to vector<512x128xi32>
    %add3A_768 = arith.addi %select_n3A_528, %add3A_767 : vector<512x128xi32>
    %select_n3A_769 = arith.select %lt3A_765, %add3A_768, %select_n3A_528 : vector<512x128xi1>, vector<512x128xi32>
    %reshape3A_770 = vector.shape_cast %select_n3A_769 : vector<512x128xi32> to vector<512x128x1xi32>
    %gather3A_771 = vector.shape_cast %reshape3A_770 : vector<512x128x1xi32> to vector<512x128xi32>
    %gather3A_772 = tpu.dynamic_gather %slice3A_762[%gather3A_771] in [1] : vector<512x128xf32>, vector<512x128xi32> -> vector<512x128xf32>
    %and3A_773 = arith.constant 120 : i32
    %and3A_774 = vector.broadcast %and3A_773 : i32 to vector<512x128xi32>
    %and3A_775 = arith.andi %iota3A, %and3A_774 : vector<512x128xi32>
    %eq3A_776 = arith.constant 104 : i32
    %eq3A_777 = vector.broadcast %eq3A_776 : i32 to vector<512x128xi32>
    %eq3A_778 = arith.cmpi eq, %and3A_775, %eq3A_777 : vector<512x128xi32>
    %select_n3A_779 = arith.select %eq3A_778, %gather3A_772, %select_n3A_761 : vector<512x128xi1>, vector<512x128xf32>
    %slice3A_780 = vector.extract_strided_slice %max3A_31 {offsets = [0, 1792], sizes = [512, 128], strides = [1, 1]} : vector<512x8192xf32> to vector<512x128xf32>
    %lt3A_781 = arith.constant 0 : i32
    %lt3A_782 = vector.broadcast %lt3A_781 : i32 to vector<512x128xi32>
    %lt3A_783 = arith.cmpi slt, %select_n3A_528, %lt3A_782 : vector<512x128xi32>
    %add3A_784 = arith.constant 128 : i32
    %add3A_785 = vector.broadcast %add3A_784 : i32 to vector<512x128xi32>
    %add3A_786 = arith.addi %select_n3A_528, %add3A_785 : vector<512x128xi32>
    %select_n3A_787 = arith.select %lt3A_783, %add3A_786, %select_n3A_528 : vector<512x128xi1>, vector<512x128xi32>
    %reshape3A_788 = vector.shape_cast %select_n3A_787 : vector<512x128xi32> to vector<512x128x1xi32>
    %gather3A_789 = vector.shape_cast %reshape3A_788 : vector<512x128x1xi32> to vector<512x128xi32>
    %gather3A_790 = tpu.dynamic_gather %slice3A_780[%gather3A_789] in [1] : vector<512x128xf32>, vector<512x128xi32> -> vector<512x128xf32>
    %and3A_791 = arith.constant 120 : i32
    %and3A_792 = vector.broadcast %and3A_791 : i32 to vector<512x128xi32>
    %and3A_793 = arith.andi %iota3A, %and3A_792 : vector<512x128xi32>
    %eq3A_794 = arith.constant 112 : i32
    %eq3A_795 = vector.broadcast %eq3A_794 : i32 to vector<512x128xi32>
    %eq3A_796 = arith.cmpi eq, %and3A_793, %eq3A_795 : vector<512x128xi32>
    %select_n3A_797 = arith.select %eq3A_796, %gather3A_790, %select_n3A_779 : vector<512x128xi1>, vector<512x128xf32>
    %slice3A_798 = vector.extract_strided_slice %max3A_31 {offsets = [0, 1920], sizes = [512, 128], strides = [1, 1]} : vector<512x8192xf32> to vector<512x128xf32>
    %lt3A_799 = arith.constant 0 : i32
    %lt3A_800 = vector.broadcast %lt3A_799 : i32 to vector<512x128xi32>
    %lt3A_801 = arith.cmpi slt, %select_n3A_528, %lt3A_800 : vector<512x128xi32>
    %add3A_802 = arith.constant 128 : i32
    %add3A_803 = vector.broadcast %add3A_802 : i32 to vector<512x128xi32>
    %add3A_804 = arith.addi %select_n3A_528, %add3A_803 : vector<512x128xi32>
    %select_n3A_805 = arith.select %lt3A_801, %add3A_804, %select_n3A_528 : vector<512x128xi1>, vector<512x128xi32>
    %reshape3A_806 = vector.shape_cast %select_n3A_805 : vector<512x128xi32> to vector<512x128x1xi32>
    %gather3A_807 = vector.shape_cast %reshape3A_806 : vector<512x128x1xi32> to vector<512x128xi32>
    %gather3A_808 = tpu.dynamic_gather %slice3A_798[%gather3A_807] in [1] : vector<512x128xf32>, vector<512x128xi32> -> vector<512x128xf32>
    %and3A_809 = arith.constant 120 : i32
    %and3A_810 = vector.broadcast %and3A_809 : i32 to vector<512x128xi32>
    %and3A_811 = arith.andi %iota3A, %and3A_810 : vector<512x128xi32>
    %eq3A_812 = arith.constant 120 : i32
    %eq3A_813 = vector.broadcast %eq3A_812 : i32 to vector<512x128xi32>
    %eq3A_814 = arith.cmpi eq, %and3A_811, %eq3A_813 : vector<512x128xi32>
    %select_n3A_815 = arith.select %eq3A_814, %gather3A_808, %select_n3A_797 : vector<512x128xi1>, vector<512x128xf32>
    %jit3A_816 = arith.constant 0x7F800000 : f32
    %broadcast_in_dim3A_817 = vector.broadcast %jit3A_816 : f32 to vector<512x128xf32>
    %select_n3A_818 = arith.select %ge3A_530, %broadcast_in_dim3A_817, %select_n3A_815 : vector<512x128xi1>, vector<512x128xf32>
    %add3A_819 = arith.constant 0 : i32
    %add3A_820 = vector.broadcast %add3A_819 : i32 to vector<512x128xi32>
    %add3A_821 = arith.addi %mul3A_536, %add3A_820 : vector<512x128xi32>
    %add3A_822 = arith.addi %select_n3A_528, %add3A_821 : vector<512x128xi32>
    %slice3A_823 = vector.extract_strided_slice %max3A_31 {offsets = [0, 2048], sizes = [512, 128], strides = [1, 1]} : vector<512x8192xf32> to vector<512x128xf32>
    %lt3A_824 = arith.constant 0 : i32
    %lt3A_825 = vector.broadcast %lt3A_824 : i32 to vector<512x128xi32>
    %lt3A_826 = arith.cmpi slt, %select_n3A_528, %lt3A_825 : vector<512x128xi32>
    %add3A_827 = arith.constant 128 : i32
    %add3A_828 = vector.broadcast %add3A_827 : i32 to vector<512x128xi32>
    %add3A_829 = arith.addi %select_n3A_528, %add3A_828 : vector<512x128xi32>
    %select_n3A_830 = arith.select %lt3A_826, %add3A_829, %select_n3A_528 : vector<512x128xi1>, vector<512x128xi32>
    %reshape3A_831 = vector.shape_cast %select_n3A_830 : vector<512x128xi32> to vector<512x128x1xi32>
    %gather3A_832 = vector.shape_cast %reshape3A_831 : vector<512x128x1xi32> to vector<512x128xi32>
    %gather3A_833 = tpu.dynamic_gather %slice3A_823[%gather3A_832] in [1] : vector<512x128xf32>, vector<512x128xi32> -> vector<512x128xf32>
    %slice3A_834 = vector.extract_strided_slice %max3A_31 {offsets = [0, 2176], sizes = [512, 128], strides = [1, 1]} : vector<512x8192xf32> to vector<512x128xf32>
    %lt3A_835 = arith.constant 0 : i32
    %lt3A_836 = vector.broadcast %lt3A_835 : i32 to vector<512x128xi32>
    %lt3A_837 = arith.cmpi slt, %select_n3A_528, %lt3A_836 : vector<512x128xi32>
    %add3A_838 = arith.constant 128 : i32
    %add3A_839 = vector.broadcast %add3A_838 : i32 to vector<512x128xi32>
    %add3A_840 = arith.addi %select_n3A_528, %add3A_839 : vector<512x128xi32>
    %select_n3A_841 = arith.select %lt3A_837, %add3A_840, %select_n3A_528 : vector<512x128xi1>, vector<512x128xi32>
    %reshape3A_842 = vector.shape_cast %select_n3A_841 : vector<512x128xi32> to vector<512x128x1xi32>
    %gather3A_843 = vector.shape_cast %reshape3A_842 : vector<512x128x1xi32> to vector<512x128xi32>
    %gather3A_844 = tpu.dynamic_gather %slice3A_834[%gather3A_843] in [1] : vector<512x128xf32>, vector<512x128xi32> -> vector<512x128xf32>
    %and3A_845 = arith.constant 120 : i32
    %and3A_846 = vector.broadcast %and3A_845 : i32 to vector<512x128xi32>
    %and3A_847 = arith.andi %iota3A, %and3A_846 : vector<512x128xi32>
    %eq3A_848 = arith.constant 8 : i32
    %eq3A_849 = vector.broadcast %eq3A_848 : i32 to vector<512x128xi32>
    %eq3A_850 = arith.cmpi eq, %and3A_847, %eq3A_849 : vector<512x128xi32>
    %select_n3A_851 = arith.select %eq3A_850, %gather3A_844, %gather3A_833 : vector<512x128xi1>, vector<512x128xf32>
    %slice3A_852 = vector.extract_strided_slice %max3A_31 {offsets = [0, 2304], sizes = [512, 128], strides = [1, 1]} : vector<512x8192xf32> to vector<512x128xf32>
    %lt3A_853 = arith.constant 0 : i32
    %lt3A_854 = vector.broadcast %lt3A_853 : i32 to vector<512x128xi32>
    %lt3A_855 = arith.cmpi slt, %select_n3A_528, %lt3A_854 : vector<512x128xi32>
    %add3A_856 = arith.constant 128 : i32
    %add3A_857 = vector.broadcast %add3A_856 : i32 to vector<512x128xi32>
    %add3A_858 = arith.addi %select_n3A_528, %add3A_857 : vector<512x128xi32>
    %select_n3A_859 = arith.select %lt3A_855, %add3A_858, %select_n3A_528 : vector<512x128xi1>, vector<512x128xi32>
    %reshape3A_860 = vector.shape_cast %select_n3A_859 : vector<512x128xi32> to vector<512x128x1xi32>
    %gather3A_861 = vector.shape_cast %reshape3A_860 : vector<512x128x1xi32> to vector<512x128xi32>
    %gather3A_862 = tpu.dynamic_gather %slice3A_852[%gather3A_861] in [1] : vector<512x128xf32>, vector<512x128xi32> -> vector<512x128xf32>
    %and3A_863 = arith.constant 120 : i32
    %and3A_864 = vector.broadcast %and3A_863 : i32 to vector<512x128xi32>
    %and3A_865 = arith.andi %iota3A, %and3A_864 : vector<512x128xi32>
    %eq3A_866 = arith.constant 16 : i32
    %eq3A_867 = vector.broadcast %eq3A_866 : i32 to vector<512x128xi32>
    %eq3A_868 = arith.cmpi eq, %and3A_865, %eq3A_867 : vector<512x128xi32>
    %select_n3A_869 = arith.select %eq3A_868, %gather3A_862, %select_n3A_851 : vector<512x128xi1>, vector<512x128xf32>
    %slice3A_870 = vector.extract_strided_slice %max3A_31 {offsets = [0, 2432], sizes = [512, 128], strides = [1, 1]} : vector<512x8192xf32> to vector<512x128xf32>
    %lt3A_871 = arith.constant 0 : i32
    %lt3A_872 = vector.broadcast %lt3A_871 : i32 to vector<512x128xi32>
    %lt3A_873 = arith.cmpi slt, %select_n3A_528, %lt3A_872 : vector<512x128xi32>
    %add3A_874 = arith.constant 128 : i32
    %add3A_875 = vector.broadcast %add3A_874 : i32 to vector<512x128xi32>
    %add3A_876 = arith.addi %select_n3A_528, %add3A_875 : vector<512x128xi32>
    %select_n3A_877 = arith.select %lt3A_873, %add3A_876, %select_n3A_528 : vector<512x128xi1>, vector<512x128xi32>
    %reshape3A_878 = vector.shape_cast %select_n3A_877 : vector<512x128xi32> to vector<512x128x1xi32>
    %gather3A_879 = vector.shape_cast %reshape3A_878 : vector<512x128x1xi32> to vector<512x128xi32>
    %gather3A_880 = tpu.dynamic_gather %slice3A_870[%gather3A_879] in [1] : vector<512x128xf32>, vector<512x128xi32> -> vector<512x128xf32>
    %and3A_881 = arith.constant 120 : i32
    %and3A_882 = vector.broadcast %and3A_881 : i32 to vector<512x128xi32>
    %and3A_883 = arith.andi %iota3A, %and3A_882 : vector<512x128xi32>
    %eq3A_884 = arith.constant 24 : i32
    %eq3A_885 = vector.broadcast %eq3A_884 : i32 to vector<512x128xi32>
    %eq3A_886 = arith.cmpi eq, %and3A_883, %eq3A_885 : vector<512x128xi32>
    %select_n3A_887 = arith.select %eq3A_886, %gather3A_880, %select_n3A_869 : vector<512x128xi1>, vector<512x128xf32>
    %slice3A_888 = vector.extract_strided_slice %max3A_31 {offsets = [0, 2560], sizes = [512, 128], strides = [1, 1]} : vector<512x8192xf32> to vector<512x128xf32>
    %lt3A_889 = arith.constant 0 : i32
    %lt3A_890 = vector.broadcast %lt3A_889 : i32 to vector<512x128xi32>
    %lt3A_891 = arith.cmpi slt, %select_n3A_528, %lt3A_890 : vector<512x128xi32>
    %add3A_892 = arith.constant 128 : i32
    %add3A_893 = vector.broadcast %add3A_892 : i32 to vector<512x128xi32>
    %add3A_894 = arith.addi %select_n3A_528, %add3A_893 : vector<512x128xi32>
    %select_n3A_895 = arith.select %lt3A_891, %add3A_894, %select_n3A_528 : vector<512x128xi1>, vector<512x128xi32>
    %reshape3A_896 = vector.shape_cast %select_n3A_895 : vector<512x128xi32> to vector<512x128x1xi32>
    %gather3A_897 = vector.shape_cast %reshape3A_896 : vector<512x128x1xi32> to vector<512x128xi32>
    %gather3A_898 = tpu.dynamic_gather %slice3A_888[%gather3A_897] in [1] : vector<512x128xf32>, vector<512x128xi32> -> vector<512x128xf32>
    %and3A_899 = arith.constant 120 : i32
    %and3A_900 = vector.broadcast %and3A_899 : i32 to vector<512x128xi32>
    %and3A_901 = arith.andi %iota3A, %and3A_900 : vector<512x128xi32>
    %eq3A_902 = arith.constant 32 : i32
    %eq3A_903 = vector.broadcast %eq3A_902 : i32 to vector<512x128xi32>
    %eq3A_904 = arith.cmpi eq, %and3A_901, %eq3A_903 : vector<512x128xi32>
    %select_n3A_905 = arith.select %eq3A_904, %gather3A_898, %select_n3A_887 : vector<512x128xi1>, vector<512x128xf32>
    %slice3A_906 = vector.extract_strided_slice %max3A_31 {offsets = [0, 2688], sizes = [512, 128], strides = [1, 1]} : vector<512x8192xf32> to vector<512x128xf32>
    %lt3A_907 = arith.constant 0 : i32
    %lt3A_908 = vector.broadcast %lt3A_907 : i32 to vector<512x128xi32>
    %lt3A_909 = arith.cmpi slt, %select_n3A_528, %lt3A_908 : vector<512x128xi32>
    %add3A_910 = arith.constant 128 : i32
    %add3A_911 = vector.broadcast %add3A_910 : i32 to vector<512x128xi32>
    %add3A_912 = arith.addi %select_n3A_528, %add3A_911 : vector<512x128xi32>
    %select_n3A_913 = arith.select %lt3A_909, %add3A_912, %select_n3A_528 : vector<512x128xi1>, vector<512x128xi32>
    %reshape3A_914 = vector.shape_cast %select_n3A_913 : vector<512x128xi32> to vector<512x128x1xi32>
    %gather3A_915 = vector.shape_cast %reshape3A_914 : vector<512x128x1xi32> to vector<512x128xi32>
    %gather3A_916 = tpu.dynamic_gather %slice3A_906[%gather3A_915] in [1] : vector<512x128xf32>, vector<512x128xi32> -> vector<512x128xf32>
    %and3A_917 = arith.constant 120 : i32
    %and3A_918 = vector.broadcast %and3A_917 : i32 to vector<512x128xi32>
    %and3A_919 = arith.andi %iota3A, %and3A_918 : vector<512x128xi32>
    %eq3A_920 = arith.constant 40 : i32
    %eq3A_921 = vector.broadcast %eq3A_920 : i32 to vector<512x128xi32>
    %eq3A_922 = arith.cmpi eq, %and3A_919, %eq3A_921 : vector<512x128xi32>
    %select_n3A_923 = arith.select %eq3A_922, %gather3A_916, %select_n3A_905 : vector<512x128xi1>, vector<512x128xf32>
    %slice3A_924 = vector.extract_strided_slice %max3A_31 {offsets = [0, 2816], sizes = [512, 128], strides = [1, 1]} : vector<512x8192xf32> to vector<512x128xf32>
    %lt3A_925 = arith.constant 0 : i32
    %lt3A_926 = vector.broadcast %lt3A_925 : i32 to vector<512x128xi32>
    %lt3A_927 = arith.cmpi slt, %select_n3A_528, %lt3A_926 : vector<512x128xi32>
    %add3A_928 = arith.constant 128 : i32
    %add3A_929 = vector.broadcast %add3A_928 : i32 to vector<512x128xi32>
    %add3A_930 = arith.addi %select_n3A_528, %add3A_929 : vector<512x128xi32>
    %select_n3A_931 = arith.select %lt3A_927, %add3A_930, %select_n3A_528 : vector<512x128xi1>, vector<512x128xi32>
    %reshape3A_932 = vector.shape_cast %select_n3A_931 : vector<512x128xi32> to vector<512x128x1xi32>
    %gather3A_933 = vector.shape_cast %reshape3A_932 : vector<512x128x1xi32> to vector<512x128xi32>
    %gather3A_934 = tpu.dynamic_gather %slice3A_924[%gather3A_933] in [1] : vector<512x128xf32>, vector<512x128xi32> -> vector<512x128xf32>
    %and3A_935 = arith.constant 120 : i32
    %and3A_936 = vector.broadcast %and3A_935 : i32 to vector<512x128xi32>
    %and3A_937 = arith.andi %iota3A, %and3A_936 : vector<512x128xi32>
    %eq3A_938 = arith.constant 48 : i32
    %eq3A_939 = vector.broadcast %eq3A_938 : i32 to vector<512x128xi32>
    %eq3A_940 = arith.cmpi eq, %and3A_937, %eq3A_939 : vector<512x128xi32>
    %select_n3A_941 = arith.select %eq3A_940, %gather3A_934, %select_n3A_923 : vector<512x128xi1>, vector<512x128xf32>
    %slice3A_942 = vector.extract_strided_slice %max3A_31 {offsets = [0, 2944], sizes = [512, 128], strides = [1, 1]} : vector<512x8192xf32> to vector<512x128xf32>
    %lt3A_943 = arith.constant 0 : i32
    %lt3A_944 = vector.broadcast %lt3A_943 : i32 to vector<512x128xi32>
    %lt3A_945 = arith.cmpi slt, %select_n3A_528, %lt3A_944 : vector<512x128xi32>
    %add3A_946 = arith.constant 128 : i32
    %add3A_947 = vector.broadcast %add3A_946 : i32 to vector<512x128xi32>
    %add3A_948 = arith.addi %select_n3A_528, %add3A_947 : vector<512x128xi32>
    %select_n3A_949 = arith.select %lt3A_945, %add3A_948, %select_n3A_528 : vector<512x128xi1>, vector<512x128xi32>
    %reshape3A_950 = vector.shape_cast %select_n3A_949 : vector<512x128xi32> to vector<512x128x1xi32>
    %gather3A_951 = vector.shape_cast %reshape3A_950 : vector<512x128x1xi32> to vector<512x128xi32>
    %gather3A_952 = tpu.dynamic_gather %slice3A_942[%gather3A_951] in [1] : vector<512x128xf32>, vector<512x128xi32> -> vector<512x128xf32>
    %and3A_953 = arith.constant 120 : i32
    %and3A_954 = vector.broadcast %and3A_953 : i32 to vector<512x128xi32>
    %and3A_955 = arith.andi %iota3A, %and3A_954 : vector<512x128xi32>
    %eq3A_956 = arith.constant 56 : i32
    %eq3A_957 = vector.broadcast %eq3A_956 : i32 to vector<512x128xi32>
    %eq3A_958 = arith.cmpi eq, %and3A_955, %eq3A_957 : vector<512x128xi32>
    %select_n3A_959 = arith.select %eq3A_958, %gather3A_952, %select_n3A_941 : vector<512x128xi1>, vector<512x128xf32>
    %slice3A_960 = vector.extract_strided_slice %max3A_31 {offsets = [0, 3072], sizes = [512, 128], strides = [1, 1]} : vector<512x8192xf32> to vector<512x128xf32>
    %lt3A_961 = arith.constant 0 : i32
    %lt3A_962 = vector.broadcast %lt3A_961 : i32 to vector<512x128xi32>
    %lt3A_963 = arith.cmpi slt, %select_n3A_528, %lt3A_962 : vector<512x128xi32>
    %add3A_964 = arith.constant 128 : i32
    %add3A_965 = vector.broadcast %add3A_964 : i32 to vector<512x128xi32>
    %add3A_966 = arith.addi %select_n3A_528, %add3A_965 : vector<512x128xi32>
    %select_n3A_967 = arith.select %lt3A_963, %add3A_966, %select_n3A_528 : vector<512x128xi1>, vector<512x128xi32>
    %reshape3A_968 = vector.shape_cast %select_n3A_967 : vector<512x128xi32> to vector<512x128x1xi32>
    %gather3A_969 = vector.shape_cast %reshape3A_968 : vector<512x128x1xi32> to vector<512x128xi32>
    %gather3A_970 = tpu.dynamic_gather %slice3A_960[%gather3A_969] in [1] : vector<512x128xf32>, vector<512x128xi32> -> vector<512x128xf32>
    %and3A_971 = arith.constant 120 : i32
    %and3A_972 = vector.broadcast %and3A_971 : i32 to vector<512x128xi32>
    %and3A_973 = arith.andi %iota3A, %and3A_972 : vector<512x128xi32>
    %eq3A_974 = arith.constant 64 : i32
    %eq3A_975 = vector.broadcast %eq3A_974 : i32 to vector<512x128xi32>
    %eq3A_976 = arith.cmpi eq, %and3A_973, %eq3A_975 : vector<512x128xi32>
    %select_n3A_977 = arith.select %eq3A_976, %gather3A_970, %select_n3A_959 : vector<512x128xi1>, vector<512x128xf32>
    %slice3A_978 = vector.extract_strided_slice %max3A_31 {offsets = [0, 3200], sizes = [512, 128], strides = [1, 1]} : vector<512x8192xf32> to vector<512x128xf32>
    %lt3A_979 = arith.constant 0 : i32
    %lt3A_980 = vector.broadcast %lt3A_979 : i32 to vector<512x128xi32>
    %lt3A_981 = arith.cmpi slt, %select_n3A_528, %lt3A_980 : vector<512x128xi32>
    %add3A_982 = arith.constant 128 : i32
    %add3A_983 = vector.broadcast %add3A_982 : i32 to vector<512x128xi32>
    %add3A_984 = arith.addi %select_n3A_528, %add3A_983 : vector<512x128xi32>
    %select_n3A_985 = arith.select %lt3A_981, %add3A_984, %select_n3A_528 : vector<512x128xi1>, vector<512x128xi32>
    %reshape3A_986 = vector.shape_cast %select_n3A_985 : vector<512x128xi32> to vector<512x128x1xi32>
    %gather3A_987 = vector.shape_cast %reshape3A_986 : vector<512x128x1xi32> to vector<512x128xi32>
    %gather3A_988 = tpu.dynamic_gather %slice3A_978[%gather3A_987] in [1] : vector<512x128xf32>, vector<512x128xi32> -> vector<512x128xf32>
    %and3A_989 = arith.constant 120 : i32
    %and3A_990 = vector.broadcast %and3A_989 : i32 to vector<512x128xi32>
    %and3A_991 = arith.andi %iota3A, %and3A_990 : vector<512x128xi32>
    %eq3A_992 = arith.constant 72 : i32
    %eq3A_993 = vector.broadcast %eq3A_992 : i32 to vector<512x128xi32>
    %eq3A_994 = arith.cmpi eq, %and3A_991, %eq3A_993 : vector<512x128xi32>
    %select_n3A_995 = arith.select %eq3A_994, %gather3A_988, %select_n3A_977 : vector<512x128xi1>, vector<512x128xf32>
    %slice3A_996 = vector.extract_strided_slice %max3A_31 {offsets = [0, 3328], sizes = [512, 128], strides = [1, 1]} : vector<512x8192xf32> to vector<512x128xf32>
    %lt3A_997 = arith.constant 0 : i32
    %lt3A_998 = vector.broadcast %lt3A_997 : i32 to vector<512x128xi32>
    %lt3A_999 = arith.cmpi slt, %select_n3A_528, %lt3A_998 : vector<512x128xi32>
    %add3A_1000 = arith.constant 128 : i32
    %add3A_1001 = vector.broadcast %add3A_1000 : i32 to vector<512x128xi32>
    %add3A_1002 = arith.addi %select_n3A_528, %add3A_1001 : vector<512x128xi32>
    %select_n3A_1003 = arith.select %lt3A_999, %add3A_1002, %select_n3A_528 : vector<512x128xi1>, vector<512x128xi32>
    %reshape3A_1004 = vector.shape_cast %select_n3A_1003 : vector<512x128xi32> to vector<512x128x1xi32>
    %gather3A_1005 = vector.shape_cast %reshape3A_1004 : vector<512x128x1xi32> to vector<512x128xi32>
    %gather3A_1006 = tpu.dynamic_gather %slice3A_996[%gather3A_1005] in [1] : vector<512x128xf32>, vector<512x128xi32> -> vector<512x128xf32>
    %and3A_1007 = arith.constant 120 : i32
    %and3A_1008 = vector.broadcast %and3A_1007 : i32 to vector<512x128xi32>
    %and3A_1009 = arith.andi %iota3A, %and3A_1008 : vector<512x128xi32>
    %eq3A_1010 = arith.constant 80 : i32
    %eq3A_1011 = vector.broadcast %eq3A_1010 : i32 to vector<512x128xi32>
    %eq3A_1012 = arith.cmpi eq, %and3A_1009, %eq3A_1011 : vector<512x128xi32>
    %select_n3A_1013 = arith.select %eq3A_1012, %gather3A_1006, %select_n3A_995 : vector<512x128xi1>, vector<512x128xf32>
    %slice3A_1014 = vector.extract_strided_slice %max3A_31 {offsets = [0, 3456], sizes = [512, 128], strides = [1, 1]} : vector<512x8192xf32> to vector<512x128xf32>
    %lt3A_1015 = arith.constant 0 : i32
    %lt3A_1016 = vector.broadcast %lt3A_1015 : i32 to vector<512x128xi32>
    %lt3A_1017 = arith.cmpi slt, %select_n3A_528, %lt3A_1016 : vector<512x128xi32>
    %add3A_1018 = arith.constant 128 : i32
    %add3A_1019 = vector.broadcast %add3A_1018 : i32 to vector<512x128xi32>
    %add3A_1020 = arith.addi %select_n3A_528, %add3A_1019 : vector<512x128xi32>
    %select_n3A_1021 = arith.select %lt3A_1017, %add3A_1020, %select_n3A_528 : vector<512x128xi1>, vector<512x128xi32>
    %reshape3A_1022 = vector.shape_cast %select_n3A_1021 : vector<512x128xi32> to vector<512x128x1xi32>
    %gather3A_1023 = vector.shape_cast %reshape3A_1022 : vector<512x128x1xi32> to vector<512x128xi32>
    %gather3A_1024 = tpu.dynamic_gather %slice3A_1014[%gather3A_1023] in [1] : vector<512x128xf32>, vector<512x128xi32> -> vector<512x128xf32>
    %and3A_1025 = arith.constant 120 : i32
    %and3A_1026 = vector.broadcast %and3A_1025 : i32 to vector<512x128xi32>
    %and3A_1027 = arith.andi %iota3A, %and3A_1026 : vector<512x128xi32>
    %eq3A_1028 = arith.constant 88 : i32
    %eq3A_1029 = vector.broadcast %eq3A_1028 : i32 to vector<512x128xi32>
    %eq3A_1030 = arith.cmpi eq, %and3A_1027, %eq3A_1029 : vector<512x128xi32>
    %select_n3A_1031 = arith.select %eq3A_1030, %gather3A_1024, %select_n3A_1013 : vector<512x128xi1>, vector<512x128xf32>
    %slice3A_1032 = vector.extract_strided_slice %max3A_31 {offsets = [0, 3584], sizes = [512, 128], strides = [1, 1]} : vector<512x8192xf32> to vector<512x128xf32>
    %lt3A_1033 = arith.constant 0 : i32
    %lt3A_1034 = vector.broadcast %lt3A_1033 : i32 to vector<512x128xi32>
    %lt3A_1035 = arith.cmpi slt, %select_n3A_528, %lt3A_1034 : vector<512x128xi32>
    %add3A_1036 = arith.constant 128 : i32
    %add3A_1037 = vector.broadcast %add3A_1036 : i32 to vector<512x128xi32>
    %add3A_1038 = arith.addi %select_n3A_528, %add3A_1037 : vector<512x128xi32>
    %select_n3A_1039 = arith.select %lt3A_1035, %add3A_1038, %select_n3A_528 : vector<512x128xi1>, vector<512x128xi32>
    %reshape3A_1040 = vector.shape_cast %select_n3A_1039 : vector<512x128xi32> to vector<512x128x1xi32>
    %gather3A_1041 = vector.shape_cast %reshape3A_1040 : vector<512x128x1xi32> to vector<512x128xi32>
    %gather3A_1042 = tpu.dynamic_gather %slice3A_1032[%gather3A_1041] in [1] : vector<512x128xf32>, vector<512x128xi32> -> vector<512x128xf32>
    %and3A_1043 = arith.constant 120 : i32
    %and3A_1044 = vector.broadcast %and3A_1043 : i32 to vector<512x128xi32>
    %and3A_1045 = arith.andi %iota3A, %and3A_1044 : vector<512x128xi32>
    %eq3A_1046 = arith.constant 96 : i32
    %eq3A_1047 = vector.broadcast %eq3A_1046 : i32 to vector<512x128xi32>
    %eq3A_1048 = arith.cmpi eq, %and3A_1045, %eq3A_1047 : vector<512x128xi32>
    %select_n3A_1049 = arith.select %eq3A_1048, %gather3A_1042, %select_n3A_1031 : vector<512x128xi1>, vector<512x128xf32>
    %slice3A_1050 = vector.extract_strided_slice %max3A_31 {offsets = [0, 3712], sizes = [512, 128], strides = [1, 1]} : vector<512x8192xf32> to vector<512x128xf32>
    %lt3A_1051 = arith.constant 0 : i32
    %lt3A_1052 = vector.broadcast %lt3A_1051 : i32 to vector<512x128xi32>
    %lt3A_1053 = arith.cmpi slt, %select_n3A_528, %lt3A_1052 : vector<512x128xi32>
    %add3A_1054 = arith.constant 128 : i32
    %add3A_1055 = vector.broadcast %add3A_1054 : i32 to vector<512x128xi32>
    %add3A_1056 = arith.addi %select_n3A_528, %add3A_1055 : vector<512x128xi32>
    %select_n3A_1057 = arith.select %lt3A_1053, %add3A_1056, %select_n3A_528 : vector<512x128xi1>, vector<512x128xi32>
    %reshape3A_1058 = vector.shape_cast %select_n3A_1057 : vector<512x128xi32> to vector<512x128x1xi32>
    %gather3A_1059 = vector.shape_cast %reshape3A_1058 : vector<512x128x1xi32> to vector<512x128xi32>
    %gather3A_1060 = tpu.dynamic_gather %slice3A_1050[%gather3A_1059] in [1] : vector<512x128xf32>, vector<512x128xi32> -> vector<512x128xf32>
    %and3A_1061 = arith.constant 120 : i32
    %and3A_1062 = vector.broadcast %and3A_1061 : i32 to vector<512x128xi32>
    %and3A_1063 = arith.andi %iota3A, %and3A_1062 : vector<512x128xi32>
    %eq3A_1064 = arith.constant 104 : i32
    %eq3A_1065 = vector.broadcast %eq3A_1064 : i32 to vector<512x128xi32>
    %eq3A_1066 = arith.cmpi eq, %and3A_1063, %eq3A_1065 : vector<512x128xi32>
    %select_n3A_1067 = arith.select %eq3A_1066, %gather3A_1060, %select_n3A_1049 : vector<512x128xi1>, vector<512x128xf32>
    %slice3A_1068 = vector.extract_strided_slice %max3A_31 {offsets = [0, 3840], sizes = [512, 128], strides = [1, 1]} : vector<512x8192xf32> to vector<512x128xf32>
    %lt3A_1069 = arith.constant 0 : i32
    %lt3A_1070 = vector.broadcast %lt3A_1069 : i32 to vector<512x128xi32>
    %lt3A_1071 = arith.cmpi slt, %select_n3A_528, %lt3A_1070 : vector<512x128xi32>
    %add3A_1072 = arith.constant 128 : i32
    %add3A_1073 = vector.broadcast %add3A_1072 : i32 to vector<512x128xi32>
    %add3A_1074 = arith.addi %select_n3A_528, %add3A_1073 : vector<512x128xi32>
    %select_n3A_1075 = arith.select %lt3A_1071, %add3A_1074, %select_n3A_528 : vector<512x128xi1>, vector<512x128xi32>
    %reshape3A_1076 = vector.shape_cast %select_n3A_1075 : vector<512x128xi32> to vector<512x128x1xi32>
    %gather3A_1077 = vector.shape_cast %reshape3A_1076 : vector<512x128x1xi32> to vector<512x128xi32>
    %gather3A_1078 = tpu.dynamic_gather %slice3A_1068[%gather3A_1077] in [1] : vector<512x128xf32>, vector<512x128xi32> -> vector<512x128xf32>
    %and3A_1079 = arith.constant 120 : i32
    %and3A_1080 = vector.broadcast %and3A_1079 : i32 to vector<512x128xi32>
    %and3A_1081 = arith.andi %iota3A, %and3A_1080 : vector<512x128xi32>
    %eq3A_1082 = arith.constant 112 : i32
    %eq3A_1083 = vector.broadcast %eq3A_1082 : i32 to vector<512x128xi32>
    %eq3A_1084 = arith.cmpi eq, %and3A_1081, %eq3A_1083 : vector<512x128xi32>
    %select_n3A_1085 = arith.select %eq3A_1084, %gather3A_1078, %select_n3A_1067 : vector<512x128xi1>, vector<512x128xf32>
    %slice3A_1086 = vector.extract_strided_slice %max3A_31 {offsets = [0, 3968], sizes = [512, 128], strides = [1, 1]} : vector<512x8192xf32> to vector<512x128xf32>
    %lt3A_1087 = arith.constant 0 : i32
    %lt3A_1088 = vector.broadcast %lt3A_1087 : i32 to vector<512x128xi32>
    %lt3A_1089 = arith.cmpi slt, %select_n3A_528, %lt3A_1088 : vector<512x128xi32>
    %add3A_1090 = arith.constant 128 : i32
    %add3A_1091 = vector.broadcast %add3A_1090 : i32 to vector<512x128xi32>
    %add3A_1092 = arith.addi %select_n3A_528, %add3A_1091 : vector<512x128xi32>
    %select_n3A_1093 = arith.select %lt3A_1089, %add3A_1092, %select_n3A_528 : vector<512x128xi1>, vector<512x128xi32>
    %reshape3A_1094 = vector.shape_cast %select_n3A_1093 : vector<512x128xi32> to vector<512x128x1xi32>
    %gather3A_1095 = vector.shape_cast %reshape3A_1094 : vector<512x128x1xi32> to vector<512x128xi32>
    %gather3A_1096 = tpu.dynamic_gather %slice3A_1086[%gather3A_1095] in [1] : vector<512x128xf32>, vector<512x128xi32> -> vector<512x128xf32>
    %and3A_1097 = arith.constant 120 : i32
    %and3A_1098 = vector.broadcast %and3A_1097 : i32 to vector<512x128xi32>
    %and3A_1099 = arith.andi %iota3A, %and3A_1098 : vector<512x128xi32>
    %eq3A_1100 = arith.constant 120 : i32
    %eq3A_1101 = vector.broadcast %eq3A_1100 : i32 to vector<512x128xi32>
    %eq3A_1102 = arith.cmpi eq, %and3A_1099, %eq3A_1101 : vector<512x128xi32>
    %select_n3A_1103 = arith.select %eq3A_1102, %gather3A_1096, %select_n3A_1085 : vector<512x128xi1>, vector<512x128xf32>
    %jit3A_1104 = arith.constant 0x7F800000 : f32
    %broadcast_in_dim3A_1105 = vector.broadcast %jit3A_1104 : f32 to vector<512x128xf32>
    %select_n3A_1106 = arith.select %ge3A_530, %broadcast_in_dim3A_1105, %select_n3A_1103 : vector<512x128xi1>, vector<512x128xf32>
    %add3A_1107 = arith.constant 2048 : i32
    %add3A_1108 = vector.broadcast %add3A_1107 : i32 to vector<512x128xi32>
    %add3A_1109 = arith.addi %mul3A_536, %add3A_1108 : vector<512x128xi32>
    %add3A_1110 = arith.addi %select_n3A_528, %add3A_1109 : vector<512x128xi32>
    %slice3A_1111 = vector.extract_strided_slice %max3A_31 {offsets = [0, 4096], sizes = [512, 128], strides = [1, 1]} : vector<512x8192xf32> to vector<512x128xf32>
    %lt3A_1112 = arith.constant 0 : i32
    %lt3A_1113 = vector.broadcast %lt3A_1112 : i32 to vector<512x128xi32>
    %lt3A_1114 = arith.cmpi slt, %select_n3A_528, %lt3A_1113 : vector<512x128xi32>
    %add3A_1115 = arith.constant 128 : i32
    %add3A_1116 = vector.broadcast %add3A_1115 : i32 to vector<512x128xi32>
    %add3A_1117 = arith.addi %select_n3A_528, %add3A_1116 : vector<512x128xi32>
    %select_n3A_1118 = arith.select %lt3A_1114, %add3A_1117, %select_n3A_528 : vector<512x128xi1>, vector<512x128xi32>
    %reshape3A_1119 = vector.shape_cast %select_n3A_1118 : vector<512x128xi32> to vector<512x128x1xi32>
    %gather3A_1120 = vector.shape_cast %reshape3A_1119 : vector<512x128x1xi32> to vector<512x128xi32>
    %gather3A_1121 = tpu.dynamic_gather %slice3A_1111[%gather3A_1120] in [1] : vector<512x128xf32>, vector<512x128xi32> -> vector<512x128xf32>
    %slice3A_1122 = vector.extract_strided_slice %max3A_31 {offsets = [0, 4224], sizes = [512, 128], strides = [1, 1]} : vector<512x8192xf32> to vector<512x128xf32>
    %lt3A_1123 = arith.constant 0 : i32
    %lt3A_1124 = vector.broadcast %lt3A_1123 : i32 to vector<512x128xi32>
    %lt3A_1125 = arith.cmpi slt, %select_n3A_528, %lt3A_1124 : vector<512x128xi32>
    %add3A_1126 = arith.constant 128 : i32
    %add3A_1127 = vector.broadcast %add3A_1126 : i32 to vector<512x128xi32>
    %add3A_1128 = arith.addi %select_n3A_528, %add3A_1127 : vector<512x128xi32>
    %select_n3A_1129 = arith.select %lt3A_1125, %add3A_1128, %select_n3A_528 : vector<512x128xi1>, vector<512x128xi32>
    %reshape3A_1130 = vector.shape_cast %select_n3A_1129 : vector<512x128xi32> to vector<512x128x1xi32>
    %gather3A_1131 = vector.shape_cast %reshape3A_1130 : vector<512x128x1xi32> to vector<512x128xi32>
    %gather3A_1132 = tpu.dynamic_gather %slice3A_1122[%gather3A_1131] in [1] : vector<512x128xf32>, vector<512x128xi32> -> vector<512x128xf32>
    %and3A_1133 = arith.constant 120 : i32
    %and3A_1134 = vector.broadcast %and3A_1133 : i32 to vector<512x128xi32>
    %and3A_1135 = arith.andi %iota3A, %and3A_1134 : vector<512x128xi32>
    %eq3A_1136 = arith.constant 8 : i32
    %eq3A_1137 = vector.broadcast %eq3A_1136 : i32 to vector<512x128xi32>
    %eq3A_1138 = arith.cmpi eq, %and3A_1135, %eq3A_1137 : vector<512x128xi32>
    %select_n3A_1139 = arith.select %eq3A_1138, %gather3A_1132, %gather3A_1121 : vector<512x128xi1>, vector<512x128xf32>
    %slice3A_1140 = vector.extract_strided_slice %max3A_31 {offsets = [0, 4352], sizes = [512, 128], strides = [1, 1]} : vector<512x8192xf32> to vector<512x128xf32>
    %lt3A_1141 = arith.constant 0 : i32
    %lt3A_1142 = vector.broadcast %lt3A_1141 : i32 to vector<512x128xi32>
    %lt3A_1143 = arith.cmpi slt, %select_n3A_528, %lt3A_1142 : vector<512x128xi32>
    %add3A_1144 = arith.constant 128 : i32
    %add3A_1145 = vector.broadcast %add3A_1144 : i32 to vector<512x128xi32>
    %add3A_1146 = arith.addi %select_n3A_528, %add3A_1145 : vector<512x128xi32>
    %select_n3A_1147 = arith.select %lt3A_1143, %add3A_1146, %select_n3A_528 : vector<512x128xi1>, vector<512x128xi32>
    %reshape3A_1148 = vector.shape_cast %select_n3A_1147 : vector<512x128xi32> to vector<512x128x1xi32>
    %gather3A_1149 = vector.shape_cast %reshape3A_1148 : vector<512x128x1xi32> to vector<512x128xi32>
    %gather3A_1150 = tpu.dynamic_gather %slice3A_1140[%gather3A_1149] in [1] : vector<512x128xf32>, vector<512x128xi32> -> vector<512x128xf32>
    %and3A_1151 = arith.constant 120 : i32
    %and3A_1152 = vector.broadcast %and3A_1151 : i32 to vector<512x128xi32>
    %and3A_1153 = arith.andi %iota3A, %and3A_1152 : vector<512x128xi32>
    %eq3A_1154 = arith.constant 16 : i32
    %eq3A_1155 = vector.broadcast %eq3A_1154 : i32 to vector<512x128xi32>
    %eq3A_1156 = arith.cmpi eq, %and3A_1153, %eq3A_1155 : vector<512x128xi32>
    %select_n3A_1157 = arith.select %eq3A_1156, %gather3A_1150, %select_n3A_1139 : vector<512x128xi1>, vector<512x128xf32>
    %slice3A_1158 = vector.extract_strided_slice %max3A_31 {offsets = [0, 4480], sizes = [512, 128], strides = [1, 1]} : vector<512x8192xf32> to vector<512x128xf32>
    %lt3A_1159 = arith.constant 0 : i32
    %lt3A_1160 = vector.broadcast %lt3A_1159 : i32 to vector<512x128xi32>
    %lt3A_1161 = arith.cmpi slt, %select_n3A_528, %lt3A_1160 : vector<512x128xi32>
    %add3A_1162 = arith.constant 128 : i32
    %add3A_1163 = vector.broadcast %add3A_1162 : i32 to vector<512x128xi32>
    %add3A_1164 = arith.addi %select_n3A_528, %add3A_1163 : vector<512x128xi32>
    %select_n3A_1165 = arith.select %lt3A_1161, %add3A_1164, %select_n3A_528 : vector<512x128xi1>, vector<512x128xi32>
    %reshape3A_1166 = vector.shape_cast %select_n3A_1165 : vector<512x128xi32> to vector<512x128x1xi32>
    %gather3A_1167 = vector.shape_cast %reshape3A_1166 : vector<512x128x1xi32> to vector<512x128xi32>
    %gather3A_1168 = tpu.dynamic_gather %slice3A_1158[%gather3A_1167] in [1] : vector<512x128xf32>, vector<512x128xi32> -> vector<512x128xf32>
    %and3A_1169 = arith.constant 120 : i32
    %and3A_1170 = vector.broadcast %and3A_1169 : i32 to vector<512x128xi32>
    %and3A_1171 = arith.andi %iota3A, %and3A_1170 : vector<512x128xi32>
    %eq3A_1172 = arith.constant 24 : i32
    %eq3A_1173 = vector.broadcast %eq3A_1172 : i32 to vector<512x128xi32>
    %eq3A_1174 = arith.cmpi eq, %and3A_1171, %eq3A_1173 : vector<512x128xi32>
    %select_n3A_1175 = arith.select %eq3A_1174, %gather3A_1168, %select_n3A_1157 : vector<512x128xi1>, vector<512x128xf32>
    %slice3A_1176 = vector.extract_strided_slice %max3A_31 {offsets = [0, 4608], sizes = [512, 128], strides = [1, 1]} : vector<512x8192xf32> to vector<512x128xf32>
    %lt3A_1177 = arith.constant 0 : i32
    %lt3A_1178 = vector.broadcast %lt3A_1177 : i32 to vector<512x128xi32>
    %lt3A_1179 = arith.cmpi slt, %select_n3A_528, %lt3A_1178 : vector<512x128xi32>
    %add3A_1180 = arith.constant 128 : i32
    %add3A_1181 = vector.broadcast %add3A_1180 : i32 to vector<512x128xi32>
    %add3A_1182 = arith.addi %select_n3A_528, %add3A_1181 : vector<512x128xi32>
    %select_n3A_1183 = arith.select %lt3A_1179, %add3A_1182, %select_n3A_528 : vector<512x128xi1>, vector<512x128xi32>
    %reshape3A_1184 = vector.shape_cast %select_n3A_1183 : vector<512x128xi32> to vector<512x128x1xi32>
    %gather3A_1185 = vector.shape_cast %reshape3A_1184 : vector<512x128x1xi32> to vector<512x128xi32>
    %gather3A_1186 = tpu.dynamic_gather %slice3A_1176[%gather3A_1185] in [1] : vector<512x128xf32>, vector<512x128xi32> -> vector<512x128xf32>
    %and3A_1187 = arith.constant 120 : i32
    %and3A_1188 = vector.broadcast %and3A_1187 : i32 to vector<512x128xi32>
    %and3A_1189 = arith.andi %iota3A, %and3A_1188 : vector<512x128xi32>
    %eq3A_1190 = arith.constant 32 : i32
    %eq3A_1191 = vector.broadcast %eq3A_1190 : i32 to vector<512x128xi32>
    %eq3A_1192 = arith.cmpi eq, %and3A_1189, %eq3A_1191 : vector<512x128xi32>
    %select_n3A_1193 = arith.select %eq3A_1192, %gather3A_1186, %select_n3A_1175 : vector<512x128xi1>, vector<512x128xf32>
    %slice3A_1194 = vector.extract_strided_slice %max3A_31 {offsets = [0, 4736], sizes = [512, 128], strides = [1, 1]} : vector<512x8192xf32> to vector<512x128xf32>
    %lt3A_1195 = arith.constant 0 : i32
    %lt3A_1196 = vector.broadcast %lt3A_1195 : i32 to vector<512x128xi32>
    %lt3A_1197 = arith.cmpi slt, %select_n3A_528, %lt3A_1196 : vector<512x128xi32>
    %add3A_1198 = arith.constant 128 : i32
    %add3A_1199 = vector.broadcast %add3A_1198 : i32 to vector<512x128xi32>
    %add3A_1200 = arith.addi %select_n3A_528, %add3A_1199 : vector<512x128xi32>
    %select_n3A_1201 = arith.select %lt3A_1197, %add3A_1200, %select_n3A_528 : vector<512x128xi1>, vector<512x128xi32>
    %reshape3A_1202 = vector.shape_cast %select_n3A_1201 : vector<512x128xi32> to vector<512x128x1xi32>
    %gather3A_1203 = vector.shape_cast %reshape3A_1202 : vector<512x128x1xi32> to vector<512x128xi32>
    %gather3A_1204 = tpu.dynamic_gather %slice3A_1194[%gather3A_1203] in [1] : vector<512x128xf32>, vector<512x128xi32> -> vector<512x128xf32>
    %and3A_1205 = arith.constant 120 : i32
    %and3A_1206 = vector.broadcast %and3A_1205 : i32 to vector<512x128xi32>
    %and3A_1207 = arith.andi %iota3A, %and3A_1206 : vector<512x128xi32>
    %eq3A_1208 = arith.constant 40 : i32
    %eq3A_1209 = vector.broadcast %eq3A_1208 : i32 to vector<512x128xi32>
    %eq3A_1210 = arith.cmpi eq, %and3A_1207, %eq3A_1209 : vector<512x128xi32>
    %select_n3A_1211 = arith.select %eq3A_1210, %gather3A_1204, %select_n3A_1193 : vector<512x128xi1>, vector<512x128xf32>
    %slice3A_1212 = vector.extract_strided_slice %max3A_31 {offsets = [0, 4864], sizes = [512, 128], strides = [1, 1]} : vector<512x8192xf32> to vector<512x128xf32>
    %lt3A_1213 = arith.constant 0 : i32
    %lt3A_1214 = vector.broadcast %lt3A_1213 : i32 to vector<512x128xi32>
    %lt3A_1215 = arith.cmpi slt, %select_n3A_528, %lt3A_1214 : vector<512x128xi32>
    %add3A_1216 = arith.constant 128 : i32
    %add3A_1217 = vector.broadcast %add3A_1216 : i32 to vector<512x128xi32>
    %add3A_1218 = arith.addi %select_n3A_528, %add3A_1217 : vector<512x128xi32>
    %select_n3A_1219 = arith.select %lt3A_1215, %add3A_1218, %select_n3A_528 : vector<512x128xi1>, vector<512x128xi32>
    %reshape3A_1220 = vector.shape_cast %select_n3A_1219 : vector<512x128xi32> to vector<512x128x1xi32>
    %gather3A_1221 = vector.shape_cast %reshape3A_1220 : vector<512x128x1xi32> to vector<512x128xi32>
    %gather3A_1222 = tpu.dynamic_gather %slice3A_1212[%gather3A_1221] in [1] : vector<512x128xf32>, vector<512x128xi32> -> vector<512x128xf32>
    %and3A_1223 = arith.constant 120 : i32
    %and3A_1224 = vector.broadcast %and3A_1223 : i32 to vector<512x128xi32>
    %and3A_1225 = arith.andi %iota3A, %and3A_1224 : vector<512x128xi32>
    %eq3A_1226 = arith.constant 48 : i32
    %eq3A_1227 = vector.broadcast %eq3A_1226 : i32 to vector<512x128xi32>
    %eq3A_1228 = arith.cmpi eq, %and3A_1225, %eq3A_1227 : vector<512x128xi32>
    %select_n3A_1229 = arith.select %eq3A_1228, %gather3A_1222, %select_n3A_1211 : vector<512x128xi1>, vector<512x128xf32>
    %slice3A_1230 = vector.extract_strided_slice %max3A_31 {offsets = [0, 4992], sizes = [512, 128], strides = [1, 1]} : vector<512x8192xf32> to vector<512x128xf32>
    %lt3A_1231 = arith.constant 0 : i32
    %lt3A_1232 = vector.broadcast %lt3A_1231 : i32 to vector<512x128xi32>
    %lt3A_1233 = arith.cmpi slt, %select_n3A_528, %lt3A_1232 : vector<512x128xi32>
    %add3A_1234 = arith.constant 128 : i32
    %add3A_1235 = vector.broadcast %add3A_1234 : i32 to vector<512x128xi32>
    %add3A_1236 = arith.addi %select_n3A_528, %add3A_1235 : vector<512x128xi32>
    %select_n3A_1237 = arith.select %lt3A_1233, %add3A_1236, %select_n3A_528 : vector<512x128xi1>, vector<512x128xi32>
    %reshape3A_1238 = vector.shape_cast %select_n3A_1237 : vector<512x128xi32> to vector<512x128x1xi32>
    %gather3A_1239 = vector.shape_cast %reshape3A_1238 : vector<512x128x1xi32> to vector<512x128xi32>
    %gather3A_1240 = tpu.dynamic_gather %slice3A_1230[%gather3A_1239] in [1] : vector<512x128xf32>, vector<512x128xi32> -> vector<512x128xf32>
    %and3A_1241 = arith.constant 120 : i32
    %and3A_1242 = vector.broadcast %and3A_1241 : i32 to vector<512x128xi32>
    %and3A_1243 = arith.andi %iota3A, %and3A_1242 : vector<512x128xi32>
    %eq3A_1244 = arith.constant 56 : i32
    %eq3A_1245 = vector.broadcast %eq3A_1244 : i32 to vector<512x128xi32>
    %eq3A_1246 = arith.cmpi eq, %and3A_1243, %eq3A_1245 : vector<512x128xi32>
    %select_n3A_1247 = arith.select %eq3A_1246, %gather3A_1240, %select_n3A_1229 : vector<512x128xi1>, vector<512x128xf32>
    %slice3A_1248 = vector.extract_strided_slice %max3A_31 {offsets = [0, 5120], sizes = [512, 128], strides = [1, 1]} : vector<512x8192xf32> to vector<512x128xf32>
    %lt3A_1249 = arith.constant 0 : i32
    %lt3A_1250 = vector.broadcast %lt3A_1249 : i32 to vector<512x128xi32>
    %lt3A_1251 = arith.cmpi slt, %select_n3A_528, %lt3A_1250 : vector<512x128xi32>
    %add3A_1252 = arith.constant 128 : i32
    %add3A_1253 = vector.broadcast %add3A_1252 : i32 to vector<512x128xi32>
    %add3A_1254 = arith.addi %select_n3A_528, %add3A_1253 : vector<512x128xi32>
    %select_n3A_1255 = arith.select %lt3A_1251, %add3A_1254, %select_n3A_528 : vector<512x128xi1>, vector<512x128xi32>
    %reshape3A_1256 = vector.shape_cast %select_n3A_1255 : vector<512x128xi32> to vector<512x128x1xi32>
    %gather3A_1257 = vector.shape_cast %reshape3A_1256 : vector<512x128x1xi32> to vector<512x128xi32>
    %gather3A_1258 = tpu.dynamic_gather %slice3A_1248[%gather3A_1257] in [1] : vector<512x128xf32>, vector<512x128xi32> -> vector<512x128xf32>
    %and3A_1259 = arith.constant 120 : i32
    %and3A_1260 = vector.broadcast %and3A_1259 : i32 to vector<512x128xi32>
    %and3A_1261 = arith.andi %iota3A, %and3A_1260 : vector<512x128xi32>
    %eq3A_1262 = arith.constant 64 : i32
    %eq3A_1263 = vector.broadcast %eq3A_1262 : i32 to vector<512x128xi32>
    %eq3A_1264 = arith.cmpi eq, %and3A_1261, %eq3A_1263 : vector<512x128xi32>
    %select_n3A_1265 = arith.select %eq3A_1264, %gather3A_1258, %select_n3A_1247 : vector<512x128xi1>, vector<512x128xf32>
    %slice3A_1266 = vector.extract_strided_slice %max3A_31 {offsets = [0, 5248], sizes = [512, 128], strides = [1, 1]} : vector<512x8192xf32> to vector<512x128xf32>
    %lt3A_1267 = arith.constant 0 : i32
    %lt3A_1268 = vector.broadcast %lt3A_1267 : i32 to vector<512x128xi32>
    %lt3A_1269 = arith.cmpi slt, %select_n3A_528, %lt3A_1268 : vector<512x128xi32>
    %add3A_1270 = arith.constant 128 : i32
    %add3A_1271 = vector.broadcast %add3A_1270 : i32 to vector<512x128xi32>
    %add3A_1272 = arith.addi %select_n3A_528, %add3A_1271 : vector<512x128xi32>
    %select_n3A_1273 = arith.select %lt3A_1269, %add3A_1272, %select_n3A_528 : vector<512x128xi1>, vector<512x128xi32>
    %reshape3A_1274 = vector.shape_cast %select_n3A_1273 : vector<512x128xi32> to vector<512x128x1xi32>
    %gather3A_1275 = vector.shape_cast %reshape3A_1274 : vector<512x128x1xi32> to vector<512x128xi32>
    %gather3A_1276 = tpu.dynamic_gather %slice3A_1266[%gather3A_1275] in [1] : vector<512x128xf32>, vector<512x128xi32> -> vector<512x128xf32>
    %and3A_1277 = arith.constant 120 : i32
    %and3A_1278 = vector.broadcast %and3A_1277 : i32 to vector<512x128xi32>
    %and3A_1279 = arith.andi %iota3A, %and3A_1278 : vector<512x128xi32>
    %eq3A_1280 = arith.constant 72 : i32
    %eq3A_1281 = vector.broadcast %eq3A_1280 : i32 to vector<512x128xi32>
    %eq3A_1282 = arith.cmpi eq, %and3A_1279, %eq3A_1281 : vector<512x128xi32>
    %select_n3A_1283 = arith.select %eq3A_1282, %gather3A_1276, %select_n3A_1265 : vector<512x128xi1>, vector<512x128xf32>
    %slice3A_1284 = vector.extract_strided_slice %max3A_31 {offsets = [0, 5376], sizes = [512, 128], strides = [1, 1]} : vector<512x8192xf32> to vector<512x128xf32>
    %lt3A_1285 = arith.constant 0 : i32
    %lt3A_1286 = vector.broadcast %lt3A_1285 : i32 to vector<512x128xi32>
    %lt3A_1287 = arith.cmpi slt, %select_n3A_528, %lt3A_1286 : vector<512x128xi32>
    %add3A_1288 = arith.constant 128 : i32
    %add3A_1289 = vector.broadcast %add3A_1288 : i32 to vector<512x128xi32>
    %add3A_1290 = arith.addi %select_n3A_528, %add3A_1289 : vector<512x128xi32>
    %select_n3A_1291 = arith.select %lt3A_1287, %add3A_1290, %select_n3A_528 : vector<512x128xi1>, vector<512x128xi32>
    %reshape3A_1292 = vector.shape_cast %select_n3A_1291 : vector<512x128xi32> to vector<512x128x1xi32>
    %gather3A_1293 = vector.shape_cast %reshape3A_1292 : vector<512x128x1xi32> to vector<512x128xi32>
    %gather3A_1294 = tpu.dynamic_gather %slice3A_1284[%gather3A_1293] in [1] : vector<512x128xf32>, vector<512x128xi32> -> vector<512x128xf32>
    %and3A_1295 = arith.constant 120 : i32
    %and3A_1296 = vector.broadcast %and3A_1295 : i32 to vector<512x128xi32>
    %and3A_1297 = arith.andi %iota3A, %and3A_1296 : vector<512x128xi32>
    %eq3A_1298 = arith.constant 80 : i32
    %eq3A_1299 = vector.broadcast %eq3A_1298 : i32 to vector<512x128xi32>
    %eq3A_1300 = arith.cmpi eq, %and3A_1297, %eq3A_1299 : vector<512x128xi32>
    %select_n3A_1301 = arith.select %eq3A_1300, %gather3A_1294, %select_n3A_1283 : vector<512x128xi1>, vector<512x128xf32>
    %slice3A_1302 = vector.extract_strided_slice %max3A_31 {offsets = [0, 5504], sizes = [512, 128], strides = [1, 1]} : vector<512x8192xf32> to vector<512x128xf32>
    %lt3A_1303 = arith.constant 0 : i32
    %lt3A_1304 = vector.broadcast %lt3A_1303 : i32 to vector<512x128xi32>
    %lt3A_1305 = arith.cmpi slt, %select_n3A_528, %lt3A_1304 : vector<512x128xi32>
    %add3A_1306 = arith.constant 128 : i32
    %add3A_1307 = vector.broadcast %add3A_1306 : i32 to vector<512x128xi32>
    %add3A_1308 = arith.addi %select_n3A_528, %add3A_1307 : vector<512x128xi32>
    %select_n3A_1309 = arith.select %lt3A_1305, %add3A_1308, %select_n3A_528 : vector<512x128xi1>, vector<512x128xi32>
    %reshape3A_1310 = vector.shape_cast %select_n3A_1309 : vector<512x128xi32> to vector<512x128x1xi32>
    %gather3A_1311 = vector.shape_cast %reshape3A_1310 : vector<512x128x1xi32> to vector<512x128xi32>
    %gather3A_1312 = tpu.dynamic_gather %slice3A_1302[%gather3A_1311] in [1] : vector<512x128xf32>, vector<512x128xi32> -> vector<512x128xf32>
    %and3A_1313 = arith.constant 120 : i32
    %and3A_1314 = vector.broadcast %and3A_1313 : i32 to vector<512x128xi32>
    %and3A_1315 = arith.andi %iota3A, %and3A_1314 : vector<512x128xi32>
    %eq3A_1316 = arith.constant 88 : i32
    %eq3A_1317 = vector.broadcast %eq3A_1316 : i32 to vector<512x128xi32>
    %eq3A_1318 = arith.cmpi eq, %and3A_1315, %eq3A_1317 : vector<512x128xi32>
    %select_n3A_1319 = arith.select %eq3A_1318, %gather3A_1312, %select_n3A_1301 : vector<512x128xi1>, vector<512x128xf32>
    %slice3A_1320 = vector.extract_strided_slice %max3A_31 {offsets = [0, 5632], sizes = [512, 128], strides = [1, 1]} : vector<512x8192xf32> to vector<512x128xf32>
    %lt3A_1321 = arith.constant 0 : i32
    %lt3A_1322 = vector.broadcast %lt3A_1321 : i32 to vector<512x128xi32>
    %lt3A_1323 = arith.cmpi slt, %select_n3A_528, %lt3A_1322 : vector<512x128xi32>
    %add3A_1324 = arith.constant 128 : i32
    %add3A_1325 = vector.broadcast %add3A_1324 : i32 to vector<512x128xi32>
    %add3A_1326 = arith.addi %select_n3A_528, %add3A_1325 : vector<512x128xi32>
    %select_n3A_1327 = arith.select %lt3A_1323, %add3A_1326, %select_n3A_528 : vector<512x128xi1>, vector<512x128xi32>
    %reshape3A_1328 = vector.shape_cast %select_n3A_1327 : vector<512x128xi32> to vector<512x128x1xi32>
    %gather3A_1329 = vector.shape_cast %reshape3A_1328 : vector<512x128x1xi32> to vector<512x128xi32>
    %gather3A_1330 = tpu.dynamic_gather %slice3A_1320[%gather3A_1329] in [1] : vector<512x128xf32>, vector<512x128xi32> -> vector<512x128xf32>
    %and3A_1331 = arith.constant 120 : i32
    %and3A_1332 = vector.broadcast %and3A_1331 : i32 to vector<512x128xi32>
    %and3A_1333 = arith.andi %iota3A, %and3A_1332 : vector<512x128xi32>
    %eq3A_1334 = arith.constant 96 : i32
    %eq3A_1335 = vector.broadcast %eq3A_1334 : i32 to vector<512x128xi32>
    %eq3A_1336 = arith.cmpi eq, %and3A_1333, %eq3A_1335 : vector<512x128xi32>
    %select_n3A_1337 = arith.select %eq3A_1336, %gather3A_1330, %select_n3A_1319 : vector<512x128xi1>, vector<512x128xf32>
    %slice3A_1338 = vector.extract_strided_slice %max3A_31 {offsets = [0, 5760], sizes = [512, 128], strides = [1, 1]} : vector<512x8192xf32> to vector<512x128xf32>
    %lt3A_1339 = arith.constant 0 : i32
    %lt3A_1340 = vector.broadcast %lt3A_1339 : i32 to vector<512x128xi32>
    %lt3A_1341 = arith.cmpi slt, %select_n3A_528, %lt3A_1340 : vector<512x128xi32>
    %add3A_1342 = arith.constant 128 : i32
    %add3A_1343 = vector.broadcast %add3A_1342 : i32 to vector<512x128xi32>
    %add3A_1344 = arith.addi %select_n3A_528, %add3A_1343 : vector<512x128xi32>
    %select_n3A_1345 = arith.select %lt3A_1341, %add3A_1344, %select_n3A_528 : vector<512x128xi1>, vector<512x128xi32>
    %reshape3A_1346 = vector.shape_cast %select_n3A_1345 : vector<512x128xi32> to vector<512x128x1xi32>
    %gather3A_1347 = vector.shape_cast %reshape3A_1346 : vector<512x128x1xi32> to vector<512x128xi32>
    %gather3A_1348 = tpu.dynamic_gather %slice3A_1338[%gather3A_1347] in [1] : vector<512x128xf32>, vector<512x128xi32> -> vector<512x128xf32>
    %and3A_1349 = arith.constant 120 : i32
    %and3A_1350 = vector.broadcast %and3A_1349 : i32 to vector<512x128xi32>
    %and3A_1351 = arith.andi %iota3A, %and3A_1350 : vector<512x128xi32>
    %eq3A_1352 = arith.constant 104 : i32
    %eq3A_1353 = vector.broadcast %eq3A_1352 : i32 to vector<512x128xi32>
    %eq3A_1354 = arith.cmpi eq, %and3A_1351, %eq3A_1353 : vector<512x128xi32>
    %select_n3A_1355 = arith.select %eq3A_1354, %gather3A_1348, %select_n3A_1337 : vector<512x128xi1>, vector<512x128xf32>
    %slice3A_1356 = vector.extract_strided_slice %max3A_31 {offsets = [0, 5888], sizes = [512, 128], strides = [1, 1]} : vector<512x8192xf32> to vector<512x128xf32>
    %lt3A_1357 = arith.constant 0 : i32
    %lt3A_1358 = vector.broadcast %lt3A_1357 : i32 to vector<512x128xi32>
    %lt3A_1359 = arith.cmpi slt, %select_n3A_528, %lt3A_1358 : vector<512x128xi32>
    %add3A_1360 = arith.constant 128 : i32
    %add3A_1361 = vector.broadcast %add3A_1360 : i32 to vector<512x128xi32>
    %add3A_1362 = arith.addi %select_n3A_528, %add3A_1361 : vector<512x128xi32>
    %select_n3A_1363 = arith.select %lt3A_1359, %add3A_1362, %select_n3A_528 : vector<512x128xi1>, vector<512x128xi32>
    %reshape3A_1364 = vector.shape_cast %select_n3A_1363 : vector<512x128xi32> to vector<512x128x1xi32>
    %gather3A_1365 = vector.shape_cast %reshape3A_1364 : vector<512x128x1xi32> to vector<512x128xi32>
    %gather3A_1366 = tpu.dynamic_gather %slice3A_1356[%gather3A_1365] in [1] : vector<512x128xf32>, vector<512x128xi32> -> vector<512x128xf32>
    %and3A_1367 = arith.constant 120 : i32
    %and3A_1368 = vector.broadcast %and3A_1367 : i32 to vector<512x128xi32>
    %and3A_1369 = arith.andi %iota3A, %and3A_1368 : vector<512x128xi32>
    %eq3A_1370 = arith.constant 112 : i32
    %eq3A_1371 = vector.broadcast %eq3A_1370 : i32 to vector<512x128xi32>
    %eq3A_1372 = arith.cmpi eq, %and3A_1369, %eq3A_1371 : vector<512x128xi32>
    %select_n3A_1373 = arith.select %eq3A_1372, %gather3A_1366, %select_n3A_1355 : vector<512x128xi1>, vector<512x128xf32>
    %slice3A_1374 = vector.extract_strided_slice %max3A_31 {offsets = [0, 6016], sizes = [512, 128], strides = [1, 1]} : vector<512x8192xf32> to vector<512x128xf32>
    %lt3A_1375 = arith.constant 0 : i32
    %lt3A_1376 = vector.broadcast %lt3A_1375 : i32 to vector<512x128xi32>
    %lt3A_1377 = arith.cmpi slt, %select_n3A_528, %lt3A_1376 : vector<512x128xi32>
    %add3A_1378 = arith.constant 128 : i32
    %add3A_1379 = vector.broadcast %add3A_1378 : i32 to vector<512x128xi32>
    %add3A_1380 = arith.addi %select_n3A_528, %add3A_1379 : vector<512x128xi32>
    %select_n3A_1381 = arith.select %lt3A_1377, %add3A_1380, %select_n3A_528 : vector<512x128xi1>, vector<512x128xi32>
    %reshape3A_1382 = vector.shape_cast %select_n3A_1381 : vector<512x128xi32> to vector<512x128x1xi32>
    %gather3A_1383 = vector.shape_cast %reshape3A_1382 : vector<512x128x1xi32> to vector<512x128xi32>
    %gather3A_1384 = tpu.dynamic_gather %slice3A_1374[%gather3A_1383] in [1] : vector<512x128xf32>, vector<512x128xi32> -> vector<512x128xf32>
    %and3A_1385 = arith.constant 120 : i32
    %and3A_1386 = vector.broadcast %and3A_1385 : i32 to vector<512x128xi32>
    %and3A_1387 = arith.andi %iota3A, %and3A_1386 : vector<512x128xi32>
    %eq3A_1388 = arith.constant 120 : i32
    %eq3A_1389 = vector.broadcast %eq3A_1388 : i32 to vector<512x128xi32>
    %eq3A_1390 = arith.cmpi eq, %and3A_1387, %eq3A_1389 : vector<512x128xi32>
    %select_n3A_1391 = arith.select %eq3A_1390, %gather3A_1384, %select_n3A_1373 : vector<512x128xi1>, vector<512x128xf32>
    %jit3A_1392 = arith.constant 0x7F800000 : f32
    %broadcast_in_dim3A_1393 = vector.broadcast %jit3A_1392 : f32 to vector<512x128xf32>
    %select_n3A_1394 = arith.select %ge3A_530, %broadcast_in_dim3A_1393, %select_n3A_1391 : vector<512x128xi1>, vector<512x128xf32>
    %add3A_1395 = arith.constant 4096 : i32
    %add3A_1396 = vector.broadcast %add3A_1395 : i32 to vector<512x128xi32>
    %add3A_1397 = arith.addi %mul3A_536, %add3A_1396 : vector<512x128xi32>
    %add3A_1398 = arith.addi %select_n3A_528, %add3A_1397 : vector<512x128xi32>
    %slice3A_1399 = vector.extract_strided_slice %max3A_31 {offsets = [0, 6144], sizes = [512, 128], strides = [1, 1]} : vector<512x8192xf32> to vector<512x128xf32>
    %lt3A_1400 = arith.constant 0 : i32
    %lt3A_1401 = vector.broadcast %lt3A_1400 : i32 to vector<512x128xi32>
    %lt3A_1402 = arith.cmpi slt, %select_n3A_528, %lt3A_1401 : vector<512x128xi32>
    %add3A_1403 = arith.constant 128 : i32
    %add3A_1404 = vector.broadcast %add3A_1403 : i32 to vector<512x128xi32>
    %add3A_1405 = arith.addi %select_n3A_528, %add3A_1404 : vector<512x128xi32>
    %select_n3A_1406 = arith.select %lt3A_1402, %add3A_1405, %select_n3A_528 : vector<512x128xi1>, vector<512x128xi32>
    %reshape3A_1407 = vector.shape_cast %select_n3A_1406 : vector<512x128xi32> to vector<512x128x1xi32>
    %gather3A_1408 = vector.shape_cast %reshape3A_1407 : vector<512x128x1xi32> to vector<512x128xi32>
    %gather3A_1409 = tpu.dynamic_gather %slice3A_1399[%gather3A_1408] in [1] : vector<512x128xf32>, vector<512x128xi32> -> vector<512x128xf32>
    %slice3A_1410 = vector.extract_strided_slice %max3A_31 {offsets = [0, 6272], sizes = [512, 128], strides = [1, 1]} : vector<512x8192xf32> to vector<512x128xf32>
    %lt3A_1411 = arith.constant 0 : i32
    %lt3A_1412 = vector.broadcast %lt3A_1411 : i32 to vector<512x128xi32>
    %lt3A_1413 = arith.cmpi slt, %select_n3A_528, %lt3A_1412 : vector<512x128xi32>
    %add3A_1414 = arith.constant 128 : i32
    %add3A_1415 = vector.broadcast %add3A_1414 : i32 to vector<512x128xi32>
    %add3A_1416 = arith.addi %select_n3A_528, %add3A_1415 : vector<512x128xi32>
    %select_n3A_1417 = arith.select %lt3A_1413, %add3A_1416, %select_n3A_528 : vector<512x128xi1>, vector<512x128xi32>
    %reshape3A_1418 = vector.shape_cast %select_n3A_1417 : vector<512x128xi32> to vector<512x128x1xi32>
    %gather3A_1419 = vector.shape_cast %reshape3A_1418 : vector<512x128x1xi32> to vector<512x128xi32>
    %gather3A_1420 = tpu.dynamic_gather %slice3A_1410[%gather3A_1419] in [1] : vector<512x128xf32>, vector<512x128xi32> -> vector<512x128xf32>
    %and3A_1421 = arith.constant 120 : i32
    %and3A_1422 = vector.broadcast %and3A_1421 : i32 to vector<512x128xi32>
    %and3A_1423 = arith.andi %iota3A, %and3A_1422 : vector<512x128xi32>
    %eq3A_1424 = arith.constant 8 : i32
    %eq3A_1425 = vector.broadcast %eq3A_1424 : i32 to vector<512x128xi32>
    %eq3A_1426 = arith.cmpi eq, %and3A_1423, %eq3A_1425 : vector<512x128xi32>
    %select_n3A_1427 = arith.select %eq3A_1426, %gather3A_1420, %gather3A_1409 : vector<512x128xi1>, vector<512x128xf32>
    %slice3A_1428 = vector.extract_strided_slice %max3A_31 {offsets = [0, 6400], sizes = [512, 128], strides = [1, 1]} : vector<512x8192xf32> to vector<512x128xf32>
    %lt3A_1429 = arith.constant 0 : i32
    %lt3A_1430 = vector.broadcast %lt3A_1429 : i32 to vector<512x128xi32>
    %lt3A_1431 = arith.cmpi slt, %select_n3A_528, %lt3A_1430 : vector<512x128xi32>
    %add3A_1432 = arith.constant 128 : i32
    %add3A_1433 = vector.broadcast %add3A_1432 : i32 to vector<512x128xi32>
    %add3A_1434 = arith.addi %select_n3A_528, %add3A_1433 : vector<512x128xi32>
    %select_n3A_1435 = arith.select %lt3A_1431, %add3A_1434, %select_n3A_528 : vector<512x128xi1>, vector<512x128xi32>
    %reshape3A_1436 = vector.shape_cast %select_n3A_1435 : vector<512x128xi32> to vector<512x128x1xi32>
    %gather3A_1437 = vector.shape_cast %reshape3A_1436 : vector<512x128x1xi32> to vector<512x128xi32>
    %gather3A_1438 = tpu.dynamic_gather %slice3A_1428[%gather3A_1437] in [1] : vector<512x128xf32>, vector<512x128xi32> -> vector<512x128xf32>
    %and3A_1439 = arith.constant 120 : i32
    %and3A_1440 = vector.broadcast %and3A_1439 : i32 to vector<512x128xi32>
    %and3A_1441 = arith.andi %iota3A, %and3A_1440 : vector<512x128xi32>
    %eq3A_1442 = arith.constant 16 : i32
    %eq3A_1443 = vector.broadcast %eq3A_1442 : i32 to vector<512x128xi32>
    %eq3A_1444 = arith.cmpi eq, %and3A_1441, %eq3A_1443 : vector<512x128xi32>
    %select_n3A_1445 = arith.select %eq3A_1444, %gather3A_1438, %select_n3A_1427 : vector<512x128xi1>, vector<512x128xf32>
    %slice3A_1446 = vector.extract_strided_slice %max3A_31 {offsets = [0, 6528], sizes = [512, 128], strides = [1, 1]} : vector<512x8192xf32> to vector<512x128xf32>
    %lt3A_1447 = arith.constant 0 : i32
    %lt3A_1448 = vector.broadcast %lt3A_1447 : i32 to vector<512x128xi32>
    %lt3A_1449 = arith.cmpi slt, %select_n3A_528, %lt3A_1448 : vector<512x128xi32>
    %add3A_1450 = arith.constant 128 : i32
    %add3A_1451 = vector.broadcast %add3A_1450 : i32 to vector<512x128xi32>
    %add3A_1452 = arith.addi %select_n3A_528, %add3A_1451 : vector<512x128xi32>
    %select_n3A_1453 = arith.select %lt3A_1449, %add3A_1452, %select_n3A_528 : vector<512x128xi1>, vector<512x128xi32>
    %reshape3A_1454 = vector.shape_cast %select_n3A_1453 : vector<512x128xi32> to vector<512x128x1xi32>
    %gather3A_1455 = vector.shape_cast %reshape3A_1454 : vector<512x128x1xi32> to vector<512x128xi32>
    %gather3A_1456 = tpu.dynamic_gather %slice3A_1446[%gather3A_1455] in [1] : vector<512x128xf32>, vector<512x128xi32> -> vector<512x128xf32>
    %and3A_1457 = arith.constant 120 : i32
    %and3A_1458 = vector.broadcast %and3A_1457 : i32 to vector<512x128xi32>
    %and3A_1459 = arith.andi %iota3A, %and3A_1458 : vector<512x128xi32>
    %eq3A_1460 = arith.constant 24 : i32
    %eq3A_1461 = vector.broadcast %eq3A_1460 : i32 to vector<512x128xi32>
    %eq3A_1462 = arith.cmpi eq, %and3A_1459, %eq3A_1461 : vector<512x128xi32>
    %select_n3A_1463 = arith.select %eq3A_1462, %gather3A_1456, %select_n3A_1445 : vector<512x128xi1>, vector<512x128xf32>
    %slice3A_1464 = vector.extract_strided_slice %max3A_31 {offsets = [0, 6656], sizes = [512, 128], strides = [1, 1]} : vector<512x8192xf32> to vector<512x128xf32>
    %lt3A_1465 = arith.constant 0 : i32
    %lt3A_1466 = vector.broadcast %lt3A_1465 : i32 to vector<512x128xi32>
    %lt3A_1467 = arith.cmpi slt, %select_n3A_528, %lt3A_1466 : vector<512x128xi32>
    %add3A_1468 = arith.constant 128 : i32
    %add3A_1469 = vector.broadcast %add3A_1468 : i32 to vector<512x128xi32>
    %add3A_1470 = arith.addi %select_n3A_528, %add3A_1469 : vector<512x128xi32>
    %select_n3A_1471 = arith.select %lt3A_1467, %add3A_1470, %select_n3A_528 : vector<512x128xi1>, vector<512x128xi32>
    %reshape3A_1472 = vector.shape_cast %select_n3A_1471 : vector<512x128xi32> to vector<512x128x1xi32>
    %gather3A_1473 = vector.shape_cast %reshape3A_1472 : vector<512x128x1xi32> to vector<512x128xi32>
    %gather3A_1474 = tpu.dynamic_gather %slice3A_1464[%gather3A_1473] in [1] : vector<512x128xf32>, vector<512x128xi32> -> vector<512x128xf32>
    %and3A_1475 = arith.constant 120 : i32
    %and3A_1476 = vector.broadcast %and3A_1475 : i32 to vector<512x128xi32>
    %and3A_1477 = arith.andi %iota3A, %and3A_1476 : vector<512x128xi32>
    %eq3A_1478 = arith.constant 32 : i32
    %eq3A_1479 = vector.broadcast %eq3A_1478 : i32 to vector<512x128xi32>
    %eq3A_1480 = arith.cmpi eq, %and3A_1477, %eq3A_1479 : vector<512x128xi32>
    %select_n3A_1481 = arith.select %eq3A_1480, %gather3A_1474, %select_n3A_1463 : vector<512x128xi1>, vector<512x128xf32>
    %slice3A_1482 = vector.extract_strided_slice %max3A_31 {offsets = [0, 6784], sizes = [512, 128], strides = [1, 1]} : vector<512x8192xf32> to vector<512x128xf32>
    %lt3A_1483 = arith.constant 0 : i32
    %lt3A_1484 = vector.broadcast %lt3A_1483 : i32 to vector<512x128xi32>
    %lt3A_1485 = arith.cmpi slt, %select_n3A_528, %lt3A_1484 : vector<512x128xi32>
    %add3A_1486 = arith.constant 128 : i32
    %add3A_1487 = vector.broadcast %add3A_1486 : i32 to vector<512x128xi32>
    %add3A_1488 = arith.addi %select_n3A_528, %add3A_1487 : vector<512x128xi32>
    %select_n3A_1489 = arith.select %lt3A_1485, %add3A_1488, %select_n3A_528 : vector<512x128xi1>, vector<512x128xi32>
    %reshape3A_1490 = vector.shape_cast %select_n3A_1489 : vector<512x128xi32> to vector<512x128x1xi32>
    %gather3A_1491 = vector.shape_cast %reshape3A_1490 : vector<512x128x1xi32> to vector<512x128xi32>
    %gather3A_1492 = tpu.dynamic_gather %slice3A_1482[%gather3A_1491] in [1] : vector<512x128xf32>, vector<512x128xi32> -> vector<512x128xf32>
    %and3A_1493 = arith.constant 120 : i32
    %and3A_1494 = vector.broadcast %and3A_1493 : i32 to vector<512x128xi32>
    %and3A_1495 = arith.andi %iota3A, %and3A_1494 : vector<512x128xi32>
    %eq3A_1496 = arith.constant 40 : i32
    %eq3A_1497 = vector.broadcast %eq3A_1496 : i32 to vector<512x128xi32>
    %eq3A_1498 = arith.cmpi eq, %and3A_1495, %eq3A_1497 : vector<512x128xi32>
    %select_n3A_1499 = arith.select %eq3A_1498, %gather3A_1492, %select_n3A_1481 : vector<512x128xi1>, vector<512x128xf32>
    %slice3A_1500 = vector.extract_strided_slice %max3A_31 {offsets = [0, 6912], sizes = [512, 128], strides = [1, 1]} : vector<512x8192xf32> to vector<512x128xf32>
    %lt3A_1501 = arith.constant 0 : i32
    %lt3A_1502 = vector.broadcast %lt3A_1501 : i32 to vector<512x128xi32>
    %lt3A_1503 = arith.cmpi slt, %select_n3A_528, %lt3A_1502 : vector<512x128xi32>
    %add3A_1504 = arith.constant 128 : i32
    %add3A_1505 = vector.broadcast %add3A_1504 : i32 to vector<512x128xi32>
    %add3A_1506 = arith.addi %select_n3A_528, %add3A_1505 : vector<512x128xi32>
    %select_n3A_1507 = arith.select %lt3A_1503, %add3A_1506, %select_n3A_528 : vector<512x128xi1>, vector<512x128xi32>
    %reshape3A_1508 = vector.shape_cast %select_n3A_1507 : vector<512x128xi32> to vector<512x128x1xi32>
    %gather3A_1509 = vector.shape_cast %reshape3A_1508 : vector<512x128x1xi32> to vector<512x128xi32>
    %gather3A_1510 = tpu.dynamic_gather %slice3A_1500[%gather3A_1509] in [1] : vector<512x128xf32>, vector<512x128xi32> -> vector<512x128xf32>
    %and3A_1511 = arith.constant 120 : i32
    %and3A_1512 = vector.broadcast %and3A_1511 : i32 to vector<512x128xi32>
    %and3A_1513 = arith.andi %iota3A, %and3A_1512 : vector<512x128xi32>
    %eq3A_1514 = arith.constant 48 : i32
    %eq3A_1515 = vector.broadcast %eq3A_1514 : i32 to vector<512x128xi32>
    %eq3A_1516 = arith.cmpi eq, %and3A_1513, %eq3A_1515 : vector<512x128xi32>
    %select_n3A_1517 = arith.select %eq3A_1516, %gather3A_1510, %select_n3A_1499 : vector<512x128xi1>, vector<512x128xf32>
    %slice3A_1518 = vector.extract_strided_slice %max3A_31 {offsets = [0, 7040], sizes = [512, 128], strides = [1, 1]} : vector<512x8192xf32> to vector<512x128xf32>
    %lt3A_1519 = arith.constant 0 : i32
    %lt3A_1520 = vector.broadcast %lt3A_1519 : i32 to vector<512x128xi32>
    %lt3A_1521 = arith.cmpi slt, %select_n3A_528, %lt3A_1520 : vector<512x128xi32>
    %add3A_1522 = arith.constant 128 : i32
    %add3A_1523 = vector.broadcast %add3A_1522 : i32 to vector<512x128xi32>
    %add3A_1524 = arith.addi %select_n3A_528, %add3A_1523 : vector<512x128xi32>
    %select_n3A_1525 = arith.select %lt3A_1521, %add3A_1524, %select_n3A_528 : vector<512x128xi1>, vector<512x128xi32>
    %reshape3A_1526 = vector.shape_cast %select_n3A_1525 : vector<512x128xi32> to vector<512x128x1xi32>
    %gather3A_1527 = vector.shape_cast %reshape3A_1526 : vector<512x128x1xi32> to vector<512x128xi32>
    %gather3A_1528 = tpu.dynamic_gather %slice3A_1518[%gather3A_1527] in [1] : vector<512x128xf32>, vector<512x128xi32> -> vector<512x128xf32>
    %and3A_1529 = arith.constant 120 : i32
    %and3A_1530 = vector.broadcast %and3A_1529 : i32 to vector<512x128xi32>
    %and3A_1531 = arith.andi %iota3A, %and3A_1530 : vector<512x128xi32>
    %eq3A_1532 = arith.constant 56 : i32
    %eq3A_1533 = vector.broadcast %eq3A_1532 : i32 to vector<512x128xi32>
    %eq3A_1534 = arith.cmpi eq, %and3A_1531, %eq3A_1533 : vector<512x128xi32>
    %select_n3A_1535 = arith.select %eq3A_1534, %gather3A_1528, %select_n3A_1517 : vector<512x128xi1>, vector<512x128xf32>
    %slice3A_1536 = vector.extract_strided_slice %max3A_31 {offsets = [0, 7168], sizes = [512, 128], strides = [1, 1]} : vector<512x8192xf32> to vector<512x128xf32>
    %lt3A_1537 = arith.constant 0 : i32
    %lt3A_1538 = vector.broadcast %lt3A_1537 : i32 to vector<512x128xi32>
    %lt3A_1539 = arith.cmpi slt, %select_n3A_528, %lt3A_1538 : vector<512x128xi32>
    %add3A_1540 = arith.constant 128 : i32
    %add3A_1541 = vector.broadcast %add3A_1540 : i32 to vector<512x128xi32>
    %add3A_1542 = arith.addi %select_n3A_528, %add3A_1541 : vector<512x128xi32>
    %select_n3A_1543 = arith.select %lt3A_1539, %add3A_1542, %select_n3A_528 : vector<512x128xi1>, vector<512x128xi32>
    %reshape3A_1544 = vector.shape_cast %select_n3A_1543 : vector<512x128xi32> to vector<512x128x1xi32>
    %gather3A_1545 = vector.shape_cast %reshape3A_1544 : vector<512x128x1xi32> to vector<512x128xi32>
    %gather3A_1546 = tpu.dynamic_gather %slice3A_1536[%gather3A_1545] in [1] : vector<512x128xf32>, vector<512x128xi32> -> vector<512x128xf32>
    %and3A_1547 = arith.constant 120 : i32
    %and3A_1548 = vector.broadcast %and3A_1547 : i32 to vector<512x128xi32>
    %and3A_1549 = arith.andi %iota3A, %and3A_1548 : vector<512x128xi32>
    %eq3A_1550 = arith.constant 64 : i32
    %eq3A_1551 = vector.broadcast %eq3A_1550 : i32 to vector<512x128xi32>
    %eq3A_1552 = arith.cmpi eq, %and3A_1549, %eq3A_1551 : vector<512x128xi32>
    %select_n3A_1553 = arith.select %eq3A_1552, %gather3A_1546, %select_n3A_1535 : vector<512x128xi1>, vector<512x128xf32>
    %slice3A_1554 = vector.extract_strided_slice %max3A_31 {offsets = [0, 7296], sizes = [512, 128], strides = [1, 1]} : vector<512x8192xf32> to vector<512x128xf32>
    %lt3A_1555 = arith.constant 0 : i32
    %lt3A_1556 = vector.broadcast %lt3A_1555 : i32 to vector<512x128xi32>
    %lt3A_1557 = arith.cmpi slt, %select_n3A_528, %lt3A_1556 : vector<512x128xi32>
    %add3A_1558 = arith.constant 128 : i32
    %add3A_1559 = vector.broadcast %add3A_1558 : i32 to vector<512x128xi32>
    %add3A_1560 = arith.addi %select_n3A_528, %add3A_1559 : vector<512x128xi32>
    %select_n3A_1561 = arith.select %lt3A_1557, %add3A_1560, %select_n3A_528 : vector<512x128xi1>, vector<512x128xi32>
    %reshape3A_1562 = vector.shape_cast %select_n3A_1561 : vector<512x128xi32> to vector<512x128x1xi32>
    %gather3A_1563 = vector.shape_cast %reshape3A_1562 : vector<512x128x1xi32> to vector<512x128xi32>
    %gather3A_1564 = tpu.dynamic_gather %slice3A_1554[%gather3A_1563] in [1] : vector<512x128xf32>, vector<512x128xi32> -> vector<512x128xf32>
    %and3A_1565 = arith.constant 120 : i32
    %and3A_1566 = vector.broadcast %and3A_1565 : i32 to vector<512x128xi32>
    %and3A_1567 = arith.andi %iota3A, %and3A_1566 : vector<512x128xi32>
    %eq3A_1568 = arith.constant 72 : i32
    %eq3A_1569 = vector.broadcast %eq3A_1568 : i32 to vector<512x128xi32>
    %eq3A_1570 = arith.cmpi eq, %and3A_1567, %eq3A_1569 : vector<512x128xi32>
    %select_n3A_1571 = arith.select %eq3A_1570, %gather3A_1564, %select_n3A_1553 : vector<512x128xi1>, vector<512x128xf32>
    %slice3A_1572 = vector.extract_strided_slice %max3A_31 {offsets = [0, 7424], sizes = [512, 128], strides = [1, 1]} : vector<512x8192xf32> to vector<512x128xf32>
    %lt3A_1573 = arith.constant 0 : i32
    %lt3A_1574 = vector.broadcast %lt3A_1573 : i32 to vector<512x128xi32>
    %lt3A_1575 = arith.cmpi slt, %select_n3A_528, %lt3A_1574 : vector<512x128xi32>
    %add3A_1576 = arith.constant 128 : i32
    %add3A_1577 = vector.broadcast %add3A_1576 : i32 to vector<512x128xi32>
    %add3A_1578 = arith.addi %select_n3A_528, %add3A_1577 : vector<512x128xi32>
    %select_n3A_1579 = arith.select %lt3A_1575, %add3A_1578, %select_n3A_528 : vector<512x128xi1>, vector<512x128xi32>
    %reshape3A_1580 = vector.shape_cast %select_n3A_1579 : vector<512x128xi32> to vector<512x128x1xi32>
    %gather3A_1581 = vector.shape_cast %reshape3A_1580 : vector<512x128x1xi32> to vector<512x128xi32>
    %gather3A_1582 = tpu.dynamic_gather %slice3A_1572[%gather3A_1581] in [1] : vector<512x128xf32>, vector<512x128xi32> -> vector<512x128xf32>
    %and3A_1583 = arith.constant 120 : i32
    %and3A_1584 = vector.broadcast %and3A_1583 : i32 to vector<512x128xi32>
    %and3A_1585 = arith.andi %iota3A, %and3A_1584 : vector<512x128xi32>
    %eq3A_1586 = arith.constant 80 : i32
    %eq3A_1587 = vector.broadcast %eq3A_1586 : i32 to vector<512x128xi32>
    %eq3A_1588 = arith.cmpi eq, %and3A_1585, %eq3A_1587 : vector<512x128xi32>
    %select_n3A_1589 = arith.select %eq3A_1588, %gather3A_1582, %select_n3A_1571 : vector<512x128xi1>, vector<512x128xf32>
    %slice3A_1590 = vector.extract_strided_slice %max3A_31 {offsets = [0, 7552], sizes = [512, 128], strides = [1, 1]} : vector<512x8192xf32> to vector<512x128xf32>
    %lt3A_1591 = arith.constant 0 : i32
    %lt3A_1592 = vector.broadcast %lt3A_1591 : i32 to vector<512x128xi32>
    %lt3A_1593 = arith.cmpi slt, %select_n3A_528, %lt3A_1592 : vector<512x128xi32>
    %add3A_1594 = arith.constant 128 : i32
    %add3A_1595 = vector.broadcast %add3A_1594 : i32 to vector<512x128xi32>
    %add3A_1596 = arith.addi %select_n3A_528, %add3A_1595 : vector<512x128xi32>
    %select_n3A_1597 = arith.select %lt3A_1593, %add3A_1596, %select_n3A_528 : vector<512x128xi1>, vector<512x128xi32>
    %reshape3A_1598 = vector.shape_cast %select_n3A_1597 : vector<512x128xi32> to vector<512x128x1xi32>
    %gather3A_1599 = vector.shape_cast %reshape3A_1598 : vector<512x128x1xi32> to vector<512x128xi32>
    %gather3A_1600 = tpu.dynamic_gather %slice3A_1590[%gather3A_1599] in [1] : vector<512x128xf32>, vector<512x128xi32> -> vector<512x128xf32>
    %and3A_1601 = arith.constant 120 : i32
    %and3A_1602 = vector.broadcast %and3A_1601 : i32 to vector<512x128xi32>
    %and3A_1603 = arith.andi %iota3A, %and3A_1602 : vector<512x128xi32>
    %eq3A_1604 = arith.constant 88 : i32
    %eq3A_1605 = vector.broadcast %eq3A_1604 : i32 to vector<512x128xi32>
    %eq3A_1606 = arith.cmpi eq, %and3A_1603, %eq3A_1605 : vector<512x128xi32>
    %select_n3A_1607 = arith.select %eq3A_1606, %gather3A_1600, %select_n3A_1589 : vector<512x128xi1>, vector<512x128xf32>
    %slice3A_1608 = vector.extract_strided_slice %max3A_31 {offsets = [0, 7680], sizes = [512, 128], strides = [1, 1]} : vector<512x8192xf32> to vector<512x128xf32>
    %lt3A_1609 = arith.constant 0 : i32
    %lt3A_1610 = vector.broadcast %lt3A_1609 : i32 to vector<512x128xi32>
    %lt3A_1611 = arith.cmpi slt, %select_n3A_528, %lt3A_1610 : vector<512x128xi32>
    %add3A_1612 = arith.constant 128 : i32
    %add3A_1613 = vector.broadcast %add3A_1612 : i32 to vector<512x128xi32>
    %add3A_1614 = arith.addi %select_n3A_528, %add3A_1613 : vector<512x128xi32>
    %select_n3A_1615 = arith.select %lt3A_1611, %add3A_1614, %select_n3A_528 : vector<512x128xi1>, vector<512x128xi32>
    %reshape3A_1616 = vector.shape_cast %select_n3A_1615 : vector<512x128xi32> to vector<512x128x1xi32>
    %gather3A_1617 = vector.shape_cast %reshape3A_1616 : vector<512x128x1xi32> to vector<512x128xi32>
    %gather3A_1618 = tpu.dynamic_gather %slice3A_1608[%gather3A_1617] in [1] : vector<512x128xf32>, vector<512x128xi32> -> vector<512x128xf32>
    %and3A_1619 = arith.constant 120 : i32
    %and3A_1620 = vector.broadcast %and3A_1619 : i32 to vector<512x128xi32>
    %and3A_1621 = arith.andi %iota3A, %and3A_1620 : vector<512x128xi32>
    %eq3A_1622 = arith.constant 96 : i32
    %eq3A_1623 = vector.broadcast %eq3A_1622 : i32 to vector<512x128xi32>
    %eq3A_1624 = arith.cmpi eq, %and3A_1621, %eq3A_1623 : vector<512x128xi32>
    %select_n3A_1625 = arith.select %eq3A_1624, %gather3A_1618, %select_n3A_1607 : vector<512x128xi1>, vector<512x128xf32>
    %slice3A_1626 = vector.extract_strided_slice %max3A_31 {offsets = [0, 7808], sizes = [512, 128], strides = [1, 1]} : vector<512x8192xf32> to vector<512x128xf32>
    %lt3A_1627 = arith.constant 0 : i32
    %lt3A_1628 = vector.broadcast %lt3A_1627 : i32 to vector<512x128xi32>
    %lt3A_1629 = arith.cmpi slt, %select_n3A_528, %lt3A_1628 : vector<512x128xi32>
    %add3A_1630 = arith.constant 128 : i32
    %add3A_1631 = vector.broadcast %add3A_1630 : i32 to vector<512x128xi32>
    %add3A_1632 = arith.addi %select_n3A_528, %add3A_1631 : vector<512x128xi32>
    %select_n3A_1633 = arith.select %lt3A_1629, %add3A_1632, %select_n3A_528 : vector<512x128xi1>, vector<512x128xi32>
    %reshape3A_1634 = vector.shape_cast %select_n3A_1633 : vector<512x128xi32> to vector<512x128x1xi32>
    %gather3A_1635 = vector.shape_cast %reshape3A_1634 : vector<512x128x1xi32> to vector<512x128xi32>
    %gather3A_1636 = tpu.dynamic_gather %slice3A_1626[%gather3A_1635] in [1] : vector<512x128xf32>, vector<512x128xi32> -> vector<512x128xf32>
    %and3A_1637 = arith.constant 120 : i32
    %and3A_1638 = vector.broadcast %and3A_1637 : i32 to vector<512x128xi32>
    %and3A_1639 = arith.andi %iota3A, %and3A_1638 : vector<512x128xi32>
    %eq3A_1640 = arith.constant 104 : i32
    %eq3A_1641 = vector.broadcast %eq3A_1640 : i32 to vector<512x128xi32>
    %eq3A_1642 = arith.cmpi eq, %and3A_1639, %eq3A_1641 : vector<512x128xi32>
    %select_n3A_1643 = arith.select %eq3A_1642, %gather3A_1636, %select_n3A_1625 : vector<512x128xi1>, vector<512x128xf32>
    %slice3A_1644 = vector.extract_strided_slice %max3A_31 {offsets = [0, 7936], sizes = [512, 128], strides = [1, 1]} : vector<512x8192xf32> to vector<512x128xf32>
    %lt3A_1645 = arith.constant 0 : i32
    %lt3A_1646 = vector.broadcast %lt3A_1645 : i32 to vector<512x128xi32>
    %lt3A_1647 = arith.cmpi slt, %select_n3A_528, %lt3A_1646 : vector<512x128xi32>
    %add3A_1648 = arith.constant 128 : i32
    %add3A_1649 = vector.broadcast %add3A_1648 : i32 to vector<512x128xi32>
    %add3A_1650 = arith.addi %select_n3A_528, %add3A_1649 : vector<512x128xi32>
    %select_n3A_1651 = arith.select %lt3A_1647, %add3A_1650, %select_n3A_528 : vector<512x128xi1>, vector<512x128xi32>
    %reshape3A_1652 = vector.shape_cast %select_n3A_1651 : vector<512x128xi32> to vector<512x128x1xi32>
    %gather3A_1653 = vector.shape_cast %reshape3A_1652 : vector<512x128x1xi32> to vector<512x128xi32>
    %gather3A_1654 = tpu.dynamic_gather %slice3A_1644[%gather3A_1653] in [1] : vector<512x128xf32>, vector<512x128xi32> -> vector<512x128xf32>
    %and3A_1655 = arith.constant 120 : i32
    %and3A_1656 = vector.broadcast %and3A_1655 : i32 to vector<512x128xi32>
    %and3A_1657 = arith.andi %iota3A, %and3A_1656 : vector<512x128xi32>
    %eq3A_1658 = arith.constant 112 : i32
    %eq3A_1659 = vector.broadcast %eq3A_1658 : i32 to vector<512x128xi32>
    %eq3A_1660 = arith.cmpi eq, %and3A_1657, %eq3A_1659 : vector<512x128xi32>
    %select_n3A_1661 = arith.select %eq3A_1660, %gather3A_1654, %select_n3A_1643 : vector<512x128xi1>, vector<512x128xf32>
    %slice3A_1662 = vector.extract_strided_slice %max3A_31 {offsets = [0, 8064], sizes = [512, 128], strides = [1, 1]} : vector<512x8192xf32> to vector<512x128xf32>
    %lt3A_1663 = arith.constant 0 : i32
    %lt3A_1664 = vector.broadcast %lt3A_1663 : i32 to vector<512x128xi32>
    %lt3A_1665 = arith.cmpi slt, %select_n3A_528, %lt3A_1664 : vector<512x128xi32>
    %add3A_1666 = arith.constant 128 : i32
    %add3A_1667 = vector.broadcast %add3A_1666 : i32 to vector<512x128xi32>
    %add3A_1668 = arith.addi %select_n3A_528, %add3A_1667 : vector<512x128xi32>
    %select_n3A_1669 = arith.select %lt3A_1665, %add3A_1668, %select_n3A_528 : vector<512x128xi1>, vector<512x128xi32>
    %reshape3A_1670 = vector.shape_cast %select_n3A_1669 : vector<512x128xi32> to vector<512x128x1xi32>
    %gather3A_1671 = vector.shape_cast %reshape3A_1670 : vector<512x128x1xi32> to vector<512x128xi32>
    %gather3A_1672 = tpu.dynamic_gather %slice3A_1662[%gather3A_1671] in [1] : vector<512x128xf32>, vector<512x128xi32> -> vector<512x128xf32>
    %and3A_1673 = arith.constant 120 : i32
    %and3A_1674 = vector.broadcast %and3A_1673 : i32 to vector<512x128xi32>
    %and3A_1675 = arith.andi %iota3A, %and3A_1674 : vector<512x128xi32>
    %eq3A_1676 = arith.constant 120 : i32
    %eq3A_1677 = vector.broadcast %eq3A_1676 : i32 to vector<512x128xi32>
    %eq3A_1678 = arith.cmpi eq, %and3A_1675, %eq3A_1677 : vector<512x128xi32>
    %select_n3A_1679 = arith.select %eq3A_1678, %gather3A_1672, %select_n3A_1661 : vector<512x128xi1>, vector<512x128xf32>
    %jit3A_1680 = arith.constant 0x7F800000 : f32
    %broadcast_in_dim3A_1681 = vector.broadcast %jit3A_1680 : f32 to vector<512x128xf32>
    %select_n3A_1682 = arith.select %ge3A_530, %broadcast_in_dim3A_1681, %select_n3A_1679 : vector<512x128xi1>, vector<512x128xf32>
    %add3A_1683 = arith.constant 6144 : i32
    %add3A_1684 = vector.broadcast %add3A_1683 : i32 to vector<512x128xi32>
    %add3A_1685 = arith.addi %mul3A_536, %add3A_1684 : vector<512x128xi32>
    %add3A_1686 = arith.addi %select_n3A_528, %add3A_1685 : vector<512x128xi32>
    %concatenate3A = tpu.concatenate %select_n3A_818, %select_n3A_1106, %select_n3A_1394, %select_n3A_1682 in 1 : vector<512x128xf32>, vector<512x128xf32>, vector<512x128xf32>, vector<512x128xf32> -> vector<512x512xf32>
    %concatenate3A_1687 = tpu.concatenate %add3A_822, %add3A_1110, %add3A_1398, %add3A_1686 in 1 : vector<512x128xi32>, vector<512x128xi32>, vector<512x128xi32>, vector<512x128xi32> -> vector<512x512xi32>
    %reduce_min3A_1688 = arith.constant dense<0x7F800000> : vector<512xf32>
    %reduce_min3A_1689 = vector.multi_reduction <minimumf>, %concatenate3A, %reduce_min3A_1688 [1] : vector<512x512xf32> to vector<512xf32>
    %broadcast_in_dim3A_1690 = vector.shape_cast %reduce_min3A_1689 : vector<512xf32> to vector<512x1xf32>
    %eq3A_1691 = vector.broadcast %broadcast_in_dim3A_1690 : vector<512x1xf32> to vector<512x512xf32>
    %eq3A_1692 = arith.cmpf oeq, %concatenate3A, %eq3A_1691 : vector<512x512xf32>
    %jit3A_1693 = arith.constant 8192 : i32
    %broadcast_in_dim3A_1694 = vector.broadcast %jit3A_1693 : i32 to vector<512x512xi32>
    %select_n3A_1695 = arith.select %eq3A_1692, %concatenate3A_1687, %broadcast_in_dim3A_1694 : vector<512x512xi1>, vector<512x512xi32>
    %reduce_min3A_1696 = arith.constant dense<2147483647> : vector<512xi32>
    %reduce_min3A_1697 = vector.multi_reduction <minsi>, %select_n3A_1695, %reduce_min3A_1696 [1] : vector<512x512xi32> to vector<512xi32>
    %broadcast_in_dim3A_1698 = vector.shape_cast %reduce_min3A_1697 : vector<512xi32> to vector<512x1xi32>
    %eq3A_1699 = vector.broadcast %broadcast_in_dim3A_1698 : vector<512x1xi32> to vector<512x512xi32>
    %eq3A_1700 = arith.cmpi eq, %concatenate3A_1687, %eq3A_1699 : vector<512x512xi32>
    %jit3A_1701 = arith.constant 0x7F800000 : f32
    %broadcast_in_dim3A_1702 = vector.broadcast %jit3A_1701 : f32 to vector<512x512xf32>
    %select_n3A_1703 = arith.select %eq3A_1700, %broadcast_in_dim3A_1702, %concatenate3A : vector<512x512xi1>, vector<512x512xf32>
    %reduce_min3A_1704 = arith.constant dense<0x7F800000> : vector<512xf32>
    %reduce_min3A_1705 = vector.multi_reduction <minimumf>, %select_n3A_1703, %reduce_min3A_1704 [1] : vector<512x512xf32> to vector<512xf32>
    %broadcast_in_dim3A_1706 = vector.shape_cast %reduce_min3A_1705 : vector<512xf32> to vector<512x1xf32>
    %eq3A_1707 = vector.broadcast %broadcast_in_dim3A_1706 : vector<512x1xf32> to vector<512x512xf32>
    %eq3A_1708 = arith.cmpf oeq, %select_n3A_1703, %eq3A_1707 : vector<512x512xf32>
    %jit3A_1709 = arith.constant 8192 : i32
    %broadcast_in_dim3A_1710 = vector.broadcast %jit3A_1709 : i32 to vector<512x512xi32>
    %select_n3A_1711 = arith.select %eq3A_1708, %concatenate3A_1687, %broadcast_in_dim3A_1710 : vector<512x512xi1>, vector<512x512xi32>
    %reduce_min3A_1712 = arith.constant dense<2147483647> : vector<512xi32>
    %reduce_min3A_1713 = vector.multi_reduction <minsi>, %select_n3A_1711, %reduce_min3A_1712 [1] : vector<512x512xi32> to vector<512xi32>
    %broadcast_in_dim3A_1714 = vector.shape_cast %reduce_min3A_1713 : vector<512xi32> to vector<512x1xi32>
    %eq3A_1715 = vector.broadcast %broadcast_in_dim3A_1714 : vector<512x1xi32> to vector<512x512xi32>
    %eq3A_1716 = arith.cmpi eq, %concatenate3A_1687, %eq3A_1715 : vector<512x512xi32>
    %jit3A_1717 = arith.constant 0x7F800000 : f32
    %broadcast_in_dim3A_1718 = vector.broadcast %jit3A_1717 : f32 to vector<512x512xf32>
    %select_n3A_1719 = arith.select %eq3A_1716, %broadcast_in_dim3A_1718, %select_n3A_1703 : vector<512x512xi1>, vector<512x512xf32>
    %reduce_min3A_1720 = arith.constant dense<0x7F800000> : vector<512xf32>
    %reduce_min3A_1721 = vector.multi_reduction <minimumf>, %select_n3A_1719, %reduce_min3A_1720 [1] : vector<512x512xf32> to vector<512xf32>
    %broadcast_in_dim3A_1722 = vector.shape_cast %reduce_min3A_1721 : vector<512xf32> to vector<512x1xf32>
    %eq3A_1723 = vector.broadcast %broadcast_in_dim3A_1722 : vector<512x1xf32> to vector<512x512xf32>
    %eq3A_1724 = arith.cmpf oeq, %select_n3A_1719, %eq3A_1723 : vector<512x512xf32>
    %jit3A_1725 = arith.constant 8192 : i32
    %broadcast_in_dim3A_1726 = vector.broadcast %jit3A_1725 : i32 to vector<512x512xi32>
    %select_n3A_1727 = arith.select %eq3A_1724, %concatenate3A_1687, %broadcast_in_dim3A_1726 : vector<512x512xi1>, vector<512x512xi32>
    %reduce_min3A_1728 = arith.constant dense<2147483647> : vector<512xi32>
    %reduce_min3A_1729 = vector.multi_reduction <minsi>, %select_n3A_1727, %reduce_min3A_1728 [1] : vector<512x512xi32> to vector<512xi32>
    %broadcast_in_dim3A_1730 = vector.shape_cast %reduce_min3A_1729 : vector<512xi32> to vector<512x1xi32>
    %eq3A_1731 = vector.broadcast %broadcast_in_dim3A_1730 : vector<512x1xi32> to vector<512x512xi32>
    %eq3A_1732 = arith.cmpi eq, %concatenate3A_1687, %eq3A_1731 : vector<512x512xi32>
    %jit3A_1733 = arith.constant 0x7F800000 : f32
    %broadcast_in_dim3A_1734 = vector.broadcast %jit3A_1733 : f32 to vector<512x512xf32>
    %select_n3A_1735 = arith.select %eq3A_1732, %broadcast_in_dim3A_1734, %select_n3A_1719 : vector<512x512xi1>, vector<512x512xf32>
    %reduce_min3A_1736 = arith.constant dense<0x7F800000> : vector<512xf32>
    %reduce_min3A_1737 = vector.multi_reduction <minimumf>, %select_n3A_1735, %reduce_min3A_1736 [1] : vector<512x512xf32> to vector<512xf32>
    %broadcast_in_dim3A_1738 = vector.shape_cast %reduce_min3A_1737 : vector<512xf32> to vector<512x1xf32>
    %eq3A_1739 = vector.broadcast %broadcast_in_dim3A_1738 : vector<512x1xf32> to vector<512x512xf32>
    %eq3A_1740 = arith.cmpf oeq, %select_n3A_1735, %eq3A_1739 : vector<512x512xf32>
    %jit3A_1741 = arith.constant 8192 : i32
    %broadcast_in_dim3A_1742 = vector.broadcast %jit3A_1741 : i32 to vector<512x512xi32>
    %select_n3A_1743 = arith.select %eq3A_1740, %concatenate3A_1687, %broadcast_in_dim3A_1742 : vector<512x512xi1>, vector<512x512xi32>
    %reduce_min3A_1744 = arith.constant dense<2147483647> : vector<512xi32>
    %reduce_min3A_1745 = vector.multi_reduction <minsi>, %select_n3A_1743, %reduce_min3A_1744 [1] : vector<512x512xi32> to vector<512xi32>
    %broadcast_in_dim3A_1746 = vector.shape_cast %reduce_min3A_1745 : vector<512xi32> to vector<512x1xi32>
    %eq3A_1747 = vector.broadcast %broadcast_in_dim3A_1746 : vector<512x1xi32> to vector<512x512xi32>
    %eq3A_1748 = arith.cmpi eq, %concatenate3A_1687, %eq3A_1747 : vector<512x512xi32>
    %jit3A_1749 = arith.constant 0x7F800000 : f32
    %broadcast_in_dim3A_1750 = vector.broadcast %jit3A_1749 : f32 to vector<512x512xf32>
    %select_n3A_1751 = arith.select %eq3A_1748, %broadcast_in_dim3A_1750, %select_n3A_1735 : vector<512x512xi1>, vector<512x512xf32>
    %reduce_min3A_1752 = arith.constant dense<0x7F800000> : vector<512xf32>
    %reduce_min3A_1753 = vector.multi_reduction <minimumf>, %select_n3A_1751, %reduce_min3A_1752 [1] : vector<512x512xf32> to vector<512xf32>
    %broadcast_in_dim3A_1754 = vector.shape_cast %reduce_min3A_1753 : vector<512xf32> to vector<512x1xf32>
    %eq3A_1755 = vector.broadcast %broadcast_in_dim3A_1754 : vector<512x1xf32> to vector<512x512xf32>
    %eq3A_1756 = arith.cmpf oeq, %select_n3A_1751, %eq3A_1755 : vector<512x512xf32>
    %jit3A_1757 = arith.constant 8192 : i32
    %broadcast_in_dim3A_1758 = vector.broadcast %jit3A_1757 : i32 to vector<512x512xi32>
    %select_n3A_1759 = arith.select %eq3A_1756, %concatenate3A_1687, %broadcast_in_dim3A_1758 : vector<512x512xi1>, vector<512x512xi32>
    %reduce_min3A_1760 = arith.constant dense<2147483647> : vector<512xi32>
    %reduce_min3A_1761 = vector.multi_reduction <minsi>, %select_n3A_1759, %reduce_min3A_1760 [1] : vector<512x512xi32> to vector<512xi32>
    %broadcast_in_dim3A_1762 = vector.shape_cast %reduce_min3A_1761 : vector<512xi32> to vector<512x1xi32>
    %concatenate3A_1763 = tpu.concatenate %broadcast_in_dim3A_1690, %broadcast_in_dim3A_1706, %broadcast_in_dim3A_1722, %broadcast_in_dim3A_1738, %broadcast_in_dim3A_1754, %broadcast_in_dim3A_1754, %broadcast_in_dim3A_1754, %broadcast_in_dim3A_1754 in 1 : vector<512x1xf32>, vector<512x1xf32>, vector<512x1xf32>, vector<512x1xf32>, vector<512x1xf32>, vector<512x1xf32>, vector<512x1xf32>, vector<512x1xf32> -> vector<512x8xf32>
    %concatenate3A_1764 = tpu.concatenate %broadcast_in_dim3A_1698, %broadcast_in_dim3A_1714, %broadcast_in_dim3A_1730, %broadcast_in_dim3A_1746, %broadcast_in_dim3A_1762, %broadcast_in_dim3A_1762, %broadcast_in_dim3A_1762, %broadcast_in_dim3A_1762 in 1 : vector<512x1xi32>, vector<512x1xi32>, vector<512x1xi32>, vector<512x1xi32>, vector<512x1xi32>, vector<512x1xi32>, vector<512x1xi32>, vector<512x1xi32> -> vector<512x8xi32>
    %sqrt3A = math.sqrt %concatenate3A_1763 : vector<512x8xf32>
    %swap3A = arith.constant 0 : index
    %swap3A_1765 = arith.constant 0 : index
    %swap3A_1766 = arith.constant 0 : index
    %swap3A_1767 = vector.load %arg4[%swap3A, %swap3A_1765, %swap3A_1766] : memref<1x512x8xf32, #tpu.memory_space<vmem>>, vector<1x512x8xf32>
    %swap3A_1768 = vector.shape_cast %swap3A_1767 : vector<1x512x8xf32> to vector<512x8xf32>
    %swap3A_1769 = vector.shape_cast %sqrt3A : vector<512x8xf32> to vector<1x512x8xf32>
    tpu.vector_store %arg4[%swap3A, %swap3A_1765, %swap3A_1766], %swap3A_1769 {strides = array<i32>} : memref<1x512x8xf32, #tpu.memory_space<vmem>>, vector<1x512x8xf32>,
    %swap3A_1770 = arith.constant 0 : index
    %swap3A_1771 = arith.constant 0 : index
    %swap3A_1772 = arith.constant 0 : index
    %swap3A_1773 = vector.load %arg5[%swap3A_1770, %swap3A_1771, %swap3A_1772] : memref<1x512x8xi32, #tpu.memory_space<vmem>>, vector<1x512x8xi32>
    %swap3A_1774 = vector.shape_cast %swap3A_1773 : vector<1x512x8xi32> to vector<512x8xi32>
    %swap3A_1775 = vector.shape_cast %concatenate3A_1764 : vector<512x8xi32> to vector<1x512x8xi32>
    tpu.vector_store %arg5[%swap3A_1770, %swap3A_1771, %swap3A_1772], %swap3A_1775 {strides = array<i32>} : memref<1x512x8xi32, #tpu.memory_space<vmem>>, vector<1x512x8xi32>,
    return
  }
  func.func @transform_0(%arg0: i32, %arg1: i32) -> (i32, i32, i32) {
    %c0_i32 = arith.constant 0 : i32
    %c0_i32_0 = arith.constant 0 : i32
    return %arg0, %arg1, %c0_i32 : i32, i32, i32
  }
  func.func @transform_1(%arg0: i32, %arg1: i32) -> (i32, i32, i32) {
    %c0_i32 = arith.constant 0 : i32
    %c0_i32_0 = arith.constant 0 : i32
    %c0_i32_1 = arith.constant 0 : i32
    return %arg0, %c0_i32, %c0_i32_0 : i32, i32, i32
  }
  func.func @transform_2(%arg0: i32, %arg1: i32) -> (i32, i32, i32) {
    %c0_i32 = arith.constant 0 : i32
    %c0_i32_0 = arith.constant 0 : i32
    return %arg0, %arg1, %c0_i32 : i32, i32, i32
  }
  func.func @transform_3(%arg0: i32, %arg1: i32) -> (i32, i32, i32) {
    %c0_i32 = arith.constant 0 : i32
    %c0_i32_0 = arith.constant 0 : i32
    return %arg0, %arg1, %c0_i32 : i32, i32, i32
  }
}

</mosaic_0001>

<sc_bundles>
// kernel: kernel.11.cloned.1.call-start
scs
__scs_entry_jumppad:
0x0: {  	(pc) =	sbr.rel $0x88, $3  }
0x1: {  	(tag) =	ssettag $0x0;
	lr =	simm.s32 $0x1  }
0x2: {  	[smem:$0x3F99] =	sst lr;
	_ =	strace $0xD0000000  }
0x3: {  	_ = 	snop  }
0x4: {  	_ = 	snop  }
0x5: {  	_ = 	snop  }
0x6: {  	_ = 	snop  }
0x7: {  	_ = 	snop  }
__scs_overlays_trampoline_lowered:
0x8: {  	[smem:$0x3FA8] =	sst s0  }
0x9: {  	[smem:$0x3FA9] =	sst s1  }
0xa: {  	[smem:$0x3FAA] =	sst s2  }
0xb: {  	[smem:$0x3FAB] =	sst s3  }
0xc: {  	[smem:$0x3FAC] =	sst s4  }
0xd: {  	[smem:$0x3FAD] =	sst s5  }
0xe: {  	[smem:$0x3FAE] =	sst s6  }
0xf: {  	[smem:$0x3FAF] =	sst s7  }
0x10: {  	[smem:$0x3FB0] =	sst s8  }
0x11: {  	[smem:$0x3FB1] =	sst s9;
	s0 =	simm.s32 @!p0 $0x0  }
0x12: {  	s1 =	sld [smem:$0x3F97];
	s0 =	simm.s32 @p0 $0x1  }
0x13: {  	[smem:$0x3FB2] =	sst s0;
	s0 =	simm.s32 @!p1 $0x0  }
0x14: {  	s2 =	sld [smem:$0x3F96];
	s0 =	simm.s32 @p1 $0x1  }
0x15: {  	[smem:$0x3FB3] =	sst s0;
	s0 =	simm.s32 @!p2 $0x0  }
0x16: {  	s3 =	sld [smem:$0x3FDB];
	s0 =	simm.s32 @p2 $0x1  }
0x17: {  	s4 =	simm.s32 $0x1BF5;
	[smem:$0x3FB5] =	sst s0  }
0x18: {  	s0 =	sld [smem:$0x3F98];
	_ =	swait.ge [sflag:s4], $0x0  }
0x19: {  	s7 =	sld [smem:$0x3F99]  }
0x1a: {  	s8 =	sadd.s32 $0xFFFFE003, lr  }
0x1b: {  	s9 =	sadd.s32 $0xFFFFFEF7, lr;
	s5 =	simm.s32 $0xFFFFFFFF;
	p2 =	slt.u32 s8, $0xFFFFF086  }
0x1c: {  	p1 =	slt.u32 s9, $0xF7A;
	s5 =	simm.s32 @!p2 $0x0  }
0x1d: {  	s5 =	simm.s32 @p1 $0x1;
	p0 =	seq.s32 s7, s2  }
0x1e: {  	s7 =	smul.u32 @!p0 $0xF7A, s2;
	p2 =	seq.s32 @!p0 s5, $0x0  }
0x1f: {  	s9 =	smul.u32 $0xF7A, s1;
	s8 =	simm.s32 @!p0 $0x1BF5;
	p2 =	por !p2, p0  }
0x20: {  	[sflag:s8] =	ssyncset.s32 @!p0 $0xFFFFF086;
	s6 =	sadd.s32 @!p0 s3, s7;
	s7 =	simm.s32 @!p0 $0x108  }
0x21: {  	s3 =	sadd.s32 s3, s9;
	s6 =	sadd.s32 @!p0 $0x88, s6;
	s7 =	simm.s32 @p2 $0x1082  }
0x22: {  	[simem:s7], [sflag:s8] =	dma.local @!p0 [hbm:s6], $0xF7A  }
0x23: {  	s9 =	sor.u32 $0xD0000000, s2;
	s6 =	simm.s32 $0x108;
	_ =	swait.ge @!p0 [sflag:s8], $0x0  }
0x24: {  	s3 =	sadd.s32 $0x88, s3;
	s6 =	simm.s32 @!p1 $0x1082;
	[sflag:s4] =	ssyncset.s32 $0xFFFFF086  }
0x25: {  	[simem:s6], [sflag:s4] =	dma.local [hbm:s3], $0xF7A  }
0x26: {  	[smem:$0x3F99] =	sst s1;
	(tag) =	ssettag s2;
	_ =	strace s9  }
0x27: {  	s1 =	sld [smem:$0x3FA9]  }
0x28: {  	s2 =	sld [smem:$0x3FAA]  }
0x29: {  	s4 =	sld [smem:$0x3FAC]  }
0x2a: {  	p0 =	seq.s32 s5, $0x0;
	s5 =	sld [smem:$0x3FAD]  }
0x2b: {  	s6 =	sld [smem:$0x3FAE]  }
0x2c: {  	s7 =	sld [smem:$0x3FAF]  }
0x2d: {  	s3 =	simm.s32 $0x108;
	s8 =	sld [smem:$0x3FB0]  }
0x2e: {  	s3 =	simm.s32 @!p0 $0x1082;
	s9 =	sld [smem:$0x3FB1]  }
0x2f: {  	lr =	sadd.s32 s0, s3;
	s0 =	sld [smem:$0x3FA8]  }
0x30: {  	s3 =	sld [smem:$0x3FAB]  }
0x31: {  	[smem:$0x3FB4] =	sst s10  }
0x32: {  	s10 =	sld [smem:$0x3FB2];
	_ =	sdelay $0x3  }
0x33: {  	p0 =	seq.s32 s10, $0x1;
	s10 =	sld [smem:$0x3FB4];
	_ =	sdelay $0x3  }
0x34: {  	[smem:$0x3FB4] =	sst s10  }
0x35: {  	s10 =	sld [smem:$0x3FB3];
	_ =	sdelay $0x3  }
0x36: {  	p1 =	seq.s32 s10, $0x1;
	s10 =	sld [smem:$0x3FB4];
	_ =	sdelay $0x3  }
0x37: {  	[smem:$0x3FB4] =	sst s10  }
0x38: {  	s10 =	sld [smem:$0x3FB5]  }
0x39: {  	_ = 	snop;
	(pc) =	sbr.ind lr, $3  }
0x3a: {  	_ = 	snop  }
0x3b: {  	_ = 	snop  }
0x3c: {  	p2 =	seq.s32 s10, $0x1;
	s10 =	sld [smem:$0x3FB4]  }
0x3d: {  	_ =	shalt  }
0x3e: {  	_ =	shalt  }
0x3f: {  	_ =	shalt  }
0x40: {  	_ =	shalt  }
0x41: {  	_ =	shalt  }
0x42: {  	_ =	shalt  }
0x43: {  	_ =	shalt  }
0x44: {  	_ =	shalt  }
0x45: {  	_ =	shalt  }
0x46: {  	_ =	shalt  }
0x47: {  	_ =	shalt  }
0x48: {  	_ =	shalt  }
0x49: {  	_ =	shalt  }
0x4a: {  	_ =	shalt  }
0x4b: {  	_ =	shalt  }
0x4c: {  	_ =	shalt  }
0x4d: {  	_ =	shalt  }
0x4e: {  	_ =	shalt  }
0x4f: {  	_ =	shalt  }
0x50: {  	_ =	shalt  }
0x51: {  	_ =	shalt  }
0x52: {  	_ =	shalt  }
0x53: {  	_ =	shalt  }
0x54: {  	_ =	shalt  }
0x55: {  	_ =	shalt  }
0x56: {  	_ =	shalt  }
0x57: {  	_ =	shalt  }
0x58: {  	_ =	shalt  }
0x59: {  	_ =	shalt  }
0x5a: {  	_ =	shalt  }
0x5b: {  	_ =	shalt  }
0x5c: {  	_ =	shalt  }
0x5d: {  	_ =	shalt  }
0x5e: {  	_ =	shalt  }
0x5f: {  	_ =	shalt  }
0x60: {  	_ =	shalt  }
0x61: {  	_ =	shalt  }
0x62: {  	_ =	shalt  }
0x63: {  	_ =	shalt  }
0x64: {  	_ =	shalt  }
0x65: {  	_ =	shalt  }
0x66: {  	_ =	shalt  }
0x67: {  	_ =	shalt  }
0x68: {  	_ =	shalt  }
0x69: {  	_ =	shalt  }
0x6a: {  	_ =	shalt  }
0x6b: {  	_ =	shalt  }
0x6c: {  	_ =	shalt  }
0x6d: {  	_ =	shalt  }
0x6e: {  	_ =	shalt  }
0x6f: {  	_ =	shalt  }
0x70: {  	_ =	shalt  }
0x71: {  	_ =	shalt  }
0x72: {  	_ =	shalt  }
0x73: {  	_ =	shalt  }
0x74: {  	_ =	shalt  }
0x75: {  	_ =	shalt  }
0x76: {  	_ =	shalt  }
0x77: {  	_ =	shalt  }
0x78: {  	_ =	shalt  }
0x79: {  	_ =	shalt  }
0x7a: {  	_ =	shalt  }
0x7b: {  	_ =	shalt  }
0x7c: {  	_ =	shalt  }
0x7d: {  	_ =	shalt  }
0x7e: {  	_ =	shalt  }
0x7f: {  	_ =	shalt  }
0x80: {  	_ =	shalt  }
0x81: {  	_ =	shalt  }
0x82: {  	_ =	shalt  }
0x83: {  	_ =	shalt  }
0x84: {  	_ =	shalt  }
0x85: {  	_ =	shalt  }
0x86: {  	_ =	shalt  }
0x87: {  	_ =	shalt  }
.Lfunc_end0:
.L_simem_size_0:
called_computation.1_lowered:
.L_overlay_start_0:
0x88: {  	s2 =	sld [smem:$0x3FD9]  }
0x89: {  	s3 =	sld [smem:$0x3FFE];
	_ =	sdelay $0x1  }
0x8a: {  	s1 =	srdreg.scid  }
0x8b: {  	s0 =	sand.u32 $0x1, s1  }
0x8c: {  	s15 =	sshll.u32 s0, $0xA;
	s2 =	sadd.s32 s3, s2  }
0x8d: {  	s2 =	sadd.s32 s2, s15  }
0x8e: {  	[smem:$0x3FC0] =	sst s2  }
0x8f: {  	_ = 	snop  }
0x90: {  	s2 =	sld [smem:$0x3FD0];
	_ =	sdelay $0x2  }
0x91: {  	s5 =	simm.s32 $0xB;
	s16 =	simm.s32 $0x10  }
0x92: {  	[smem:s16], [sflag:s5] =	dma.local [hbm:s2], $0x1  }
0x93: {  	_ =	swait.eq [sflag:s5], $0x1  }
0x94: {  	s17 =	sld [smem:$0x10];
	[sflag:s5] =	ssyncset.done $0x0  }
0x95: {  	s4 =	sld [smem:$0x12];
	[sflag:s5] =	ssyncadd.s32 $0xFFFFFFFF  }
0x96: {  	s18 =	sld [smem:$0x13];
	(tm) =	ssettm $0x1  }
0x97: {  	s19 =	sld [smem:$0x3FFB];
	_ =	sdelay $0x3  }
0x98: {  	_ =	strace s19  }
0x99: {  	s2 =	sld [smem:$0x3FFC];
	_ =	sdelay $0x3  }
0x9a: {  	_ =	strace s2  }
0x9b: {  	s2 =	sld [smem:$0x3FFD];
	_ =	sdelay $0x3  }
0x9c: {  	_ =	strace s2  }
0x9d: {  	_ =	strace $0x8FFFFFFF  }
0x9e: {  	s20 =	sld [smem:$0x3FDB];
	_ =	sdelay $0x1  }
0x9f: {  	s6 =	simm.s32 $_scs_section_size  }
0xa0: {  	s7 =	simm.s32 $_size__tile_overlayer_lowered;
	s8 =	simm.s32 $_tile_overlayer_lowered  }
0xa1: {  	s9 =	simm.s32 $0x1BFF;
	s21 =	sshll.u32 s8, $0x1;
	s6 =	sadd.s32 s6, s20  }
0xa2: {  	s22 =	simm.s32 $0x0;
	s7 =	sshll.u32 s7, $0x1;
	s8 =	sadd.s32 s21, s6  }
0xa3: {  	[timem:s22], [sflag:s9] =	dma.local [hbm:s8], s7  }
0xa4: {  	_ =	swait.ge [sflag:s9], s7  }
0xa5: {  	s7 =	ssub.s32 $0x0, s7;
	[sflag:s9] =	ssyncset.done $0x0  }
0xa6: {  	[sflag:s9] =	ssyncadd.s32 s7;
	_ =	sdelay $0x1  }
0xa7: {  	s23 =	simm.s32 $0x1B8B  }
0xa8: {  	_ =	swait.ge [sflag:s23], $0x1  }
0xa9: {  	[sflag:s23] =	ssyncset.done $0x0  }
0xaa: {  	[sflag:s23] =	ssyncadd.s32 $0xFFFFFFFF  }
0xab: {  	s7 =	sld [smem:$0x0]  }
0xac: {  	s8 =	sand.u32 $0xFFFFFFFE, s1  }
0xad: {  	p0 =	sne.s32 s1, s8  }
0xae: {  	s8 =	sshll.u32 @p0 s8, $0xE  }
0xaf: {  	s8 =	sadd.s32 @p0 $0x11B8D, s8;
	s9 =	sshll.u32 @p0 s7, $0x11  }
0xb0: {  	s8 =	sor.u32 @p0 s9, s8  }
0xb1: {  	[sflag:s8] =	ssyncadd.remote.s32 @p0 $0x1;
	_ =	sdelay $0x1  }
0xb2: {  	s8 =	simm.s32 @p0 $0x1B8D  }
0xb3: {  	_ =	swait.eq @p0 [sflag:s8], $0x1  }
0xb4: {  	[sflag:s8] =	ssyncadd.s32 @p0 $0xFFFFFFFF  }
0xb5: {  	s9 =	sshll.u32 @!p0 s1, $0xE  }
0xb6: {  	s9 =	sor.u32 @!p0 $0x4000, s9;
	s8 =	simm.s32 @!p0 $0x1B8D  }
0xb7: {  	s7 =	sshll.u32 @!p0 s7, $0x11;
	s9 =	sadd.s32 @!p0 $0x11B8D, s9;
	_ =	swait.eq @!p0 [sflag:s8], $0x1  }
0xb8: {  	s7 =	sor.u32 @!p0 s7, s9;
	[sflag:s8] =	ssyncadd.s32 @!p0 $0xFFFFFFFF  }
0xb9: {  	s25 =	simm.s32 $0x1B8E;
	s24 =	sld [smem:$0x3FFE];
	[sflag:s7] =	ssyncadd.remote.s32 @!p0 $0x1  }
0xba: {  	s26 =	simm.s32 $execute0_lowered;
	[smem:$0x3FD2] =	sst s25  }
0xbb: {  	s8 =	sshll.u32 s26, $0x1;
	_ =	strace $0x80000049;
	[dreg:$0x1] =	wrdreg $0xFFFFFFFF  }
0xbc: {  	s28 =	simm.s32 $_size_execute0_lowered;
	s6 =	sadd.s32 s6, s8;
	[dreg:$0x0] =	wrdreg $0x0  }
0xbd: {  	s8 =	sshll.u32 s28, $0x1;
	[dreg:$0x2] =	wrdreg s6  }
0xbe: {  	[dreg:$0x3] =	wrdreg s8  }
0xbf: {  	[dreg:$0x4] =	wrdreg $0xC0  }
0xc0: {  	_ =	task [dreg:s22], $0x5FFFF  }
0xc1: {  	[dreg:$0x1] =	wrdreg $0xFFFFFFFF  }
0xc2: {  	[dreg:$0x0] =	wrdreg $0x60  }
0xc3: {  	[dreg:$0x2] =	wrdreg s24  }
0xc4: {  	[dreg:$0x3] =	wrdreg s18  }
0xc5: {  	[dreg:$0x4] =	wrdreg s4  }
0xc6: {  	[dreg:$0x5] =	wrdreg s17  }
0xc7: {  	[dreg:$0x6] =	wrdreg $0xA  }
0xc8: {  	_ =	task.clear_ibuf [dreg:s22], $0x7FFFF;
	_ =	strace $0x90000049  }
0xc9: {  	s29 =	simm.s32 $0xA;
	_ =	strace $0x8000004B  }
0xca: {  	_ =	swait.ge [sflag:s29], $0x1  }
0xcb: {  	[sflag:s29] =	ssyncadd.s32 $0xFFFFFFFF  }
0xcc: {  	_ =	strace $0x9000004B  }
0xcd: {  	_ =	sfence  }
0xce: {  	s30 =	sld [smem:$0x0];
	_ =	sdelay $0x2  }
0xcf: {  	s31 =	sshll.u32 s1, $0xD;
	s1 =	sshrl.u32 s1, $0x2  }
0xd0: {  	s4 =	sand.u32 $0x4000, s31;
	s1 =	sadd.s32 s1, s30  }
0xd1: {  	s0 =	sor.u32 s4, s0;
	s1 =	sshll.u32 s1, $0x11  }
0xd2: {  	s0 =	sor.u32 s1, s0  }
0xd3: {  	s0 =	sadd.s32 $0x8F2B, s0  }
0xd4: {  	[sflag:s0] =	ssyncadd.remote.s32 $0x1  }
0xd5: {  	_ =	sfence.sel $0xFFFF  }
0xd6: {  	[dreg:$0x0] =	wrdreg $0xFFFFFFFF;
	(pc) =	sbr.abs _section_cstart, $3  }
0xd7: {  	[dreg:$0x1] =	wrdreg $0xFFFFFFFF  }
0xd8: {  	_ =	task.clear_ibuf [dreg:s22], $0x2FFFF;
	_ =	strace $0x9FFFFFFF  }
0xd9: {  	(tm) =	ssettm $0x7FFFFFFF  }
tec
execute0_lowered:
.L_overlay_start_1:
0x0: {  	(tag) =	ssettag $0x1  }
0x1: {  	s0 =	rddreg [dreg:$0x0]  }
0x2: {  	s1 =	rddreg [dreg:$0x1]  }
0x3: {  	s4 =	rddreg [dreg:$0x2]  }
0x4: {  	s5 =	rddreg [dreg:$0x3];
	s3 =	srdreg.scid  }
0x5: {  	s7 =	stileid.u32;
	s2 =	simm.s32 $0x0;
	s14 =	simm.s32 $0x18000  }
0x6: {  	s15 =	simm.s32 $0x3;
	s16 =	simm.s32 $0x18800;
	s17 =	simm.s32 $0x100  }
0x7: {  	s19 =	simm.s32 $0x8000;
	s20 =	simm.s32 $0x1;
	s28 =	simm.s32 $0x19100  }
0x8: {  	s29 =	simm.s32 $0x19800;
	s31 =	simm.s32 $0x19900;
	s18 =	simm.s32 $0x0  }
0x9: {  	s6 =	sand.u32 $0x1, s3;
	s22 =	sshll.u32 s7, $0x1;
	[smem:$0x7FF] =	sst s2  }
0xa: {  	v0 =	vimm.f32 $1.000000010e-01;
	s12 =	sadd.s32 $0x14000, s0;
	s7 =	simm.s32 $0x19000;
	_ =	strace $0x8000004A  }
0xb: {  	s9 =	sor.u32 s6, s22;
	s6 =	ssub.s32 $0x2, s6;
	[dreg:$0x5] =	wrdreg s12;
	(erf) = vrcp.f32 v0  }
0xc: {  	s3 =	sshll.u32 s9, $0xC;
	s8 =	sshll.u32 s9, $0x8;
	s11 =	sshll.u32 s9, $0x9  }
0xd: {  	s24 =	sshrl.u32 s6, $0x1;
	s30 =	sshll.u32 s9, $0x5;
	s23 =	sadd.s32 s3, s0  }
0xe: {  	s3 =	sadd.s32 $0xA3C00, s0;
	s10 =	sadd.s32 s8, s0;
	s0 =	sadd.s32 s11, s0  }
0xf: {  	s6 =	ssub.s32 s6, s24;
	s1 =	sadd.s32 s1, s8;
	s9 =	sadd.s32 s4, s30  }
0x10: {  	s24 =	simm.s32 $0x2;
	[dreg:$0x6] =	wrdreg s1;
	s25 =	sadd.s32 $0xC7C00, s10  }
0x11: {  	s26 =	sadd.s32 $0x63C00, s23;
	s8 =	sadd.s32 $0xC3C00, s0;
	s10 =	sadd.s32 s5, s30  }
0x12: {  	s11 =	sadd.s32 $0xC9C00, s0;
	s12 =	sadd.s32 $0xCDC00, s0;
	s13 =	smax.u32 s6, $0x1  }
0x13: {  	v0 =	vlaneseq.u32;
	s23 =	simm.s32 $0x19600;
	s0 =	simm.s32 $0x19A00;
	[dreg:$0x7] =	wrdreg s25  }
0x14: {  	v3 =	vimm.s32 $0x0;
	v2 =	vmul.u32 $0x8, v0;
	s1 =	simm.s32 $0x1AD00;
	[dreg:$0x8] =	wrdreg s26;
	s26 =	simm.s32 $0x19700;
	v1 =	vpop (erf)  }
.LBB2_1:
0x15: {  	s4 =	rddreg [dreg:$0x6]  }
0x16: {  	[tilespmem:s14], [sflag:$0x3] =	stream.linear.gather [hbm4b:s4+s2], $0x800, $0x38;
	[tilespmem:$0x1CD00] =	vst v63  }
0x17: {  	_ =	swait.ge [sflag:s15], $0x800  }
0x18: {  	[sflag:s15] =	ssyncset.done $0x0  }
0x19: {  	s6 =	rddreg [dreg:$0x7];
	[sflag:s15] =	ssyncadd.s32 $0xFFFFF800  }
0x1a: {  	[tilespmem:s16], [sflag:$0x3] =	stream.linear.gather [hbm4b:s6+s2], $0x800, $0x38;
	[tilespmem:$0x1CD00] =	vst v63  }
0x1b: {  	v4 =	vmov s2;
	_ =	swait.ge [sflag:s15], $0x800  }
0x1c: {  	v4 =	vshll.u32 v4, $0x3;
	[sflag:s15] =	ssyncset.done $0x0  }
0x1d: {  	v4 =	vor.u32 v2, v4;
	s21 =	rddreg [dreg:$0x8];
	[sflag:s15] =	ssyncadd.s32 $0xFFFFF800  }
0x1e: {  	[tilespmem:s2], [sflag:$0x3] =	stream.linear.gather [hbm4b:s21+s2], $0x8000, $0x38;
	[tilespmem:$0x1CD00] =	vst v63  }
0x1f: {  	_ =	swait.ge [sflag:s15], $0x8000  }
0x20: {  	[sflag:s15] =	ssyncset.done $0x0  }
0x21: {  	[sflag:s15] =	ssyncadd.s32 $0xFFFF8000  }
0x22: {  	v5 =	vld.idx.msk [tilespmem:v4+s14+$0x0], $0xffff  }
0x23: {  	v6 =	vor.u32 $0x1, v4;
	_ =	sdelay $0x3  }
0x24: {  	[tilespmem:s7+$0x0] =	vst v5  }
0x25: {  	v5 =	vld.idx.msk [tilespmem:v6+s14+$0x0], $0xffff  }
0x26: {  	v6 =	vor.u32 $0x2, v4;
	_ =	sdelay $0x3  }
0x27: {  	[tilespmem:s28+$0x0] =	vst v5  }
0x28: {  	v5 =	vld.idx.msk [tilespmem:v6+s14+$0x0], $0xffff  }
0x29: {  	v6 =	vor.u32 $0x3, v4;
	_ =	sdelay $0x2  }
0x2a: {  	s22 =	simm.s32 $0x19200  }
0x2b: {  	[tilespmem:s22+$0x0] =	vst v5  }
0x2c: {  	v5 =	vld.idx.msk [tilespmem:v6+s14+$0x0], $0xffff  }
0x2d: {  	v4 =	vor.u32 $0x4, v4;
	_ =	sdelay $0x2  }
0x2e: {  	s25 =	simm.s32 $0x10;
	s5 =	simm.s32 $0x19300  }
0x2f: {  	[tilespmem:s5+$0x0] =	vst v5;
	v5 =	vmov s25  }
0x30: {  	v4 =	vld.idx.msk [tilespmem:v4+s14+$0x0], $0xffff;
	v5 =	vshll.u32 v5, $0x3  }
0x31: {  	v5 =	vor.u32 v2, v5;
	_ =	sdelay $0x2  }
0x32: {  	s30 =	simm.s32 $0x19400  }
0x33: {  	[tilespmem:s30+$0x0] =	vst v4  }
0x34: {  	v4 =	vld.idx.msk [tilespmem:v5+s14+$0x0], $0xffff  }
0x35: {  	v6 =	vor.u32 $0x1, v5;
	_ =	sdelay $0x2  }
0x36: {  	s4 =	simm.s32 $0x19010  }
0x37: {  	[tilespmem:s4+$0x0] =	vst v4  }
0x38: {  	v4 =	vld.idx.msk [tilespmem:v6+s14+$0x0], $0xffff  }
0x39: {  	v6 =	vor.u32 $0x2, v5;
	_ =	sdelay $0x2  }
0x3a: {  	s5 =	simm.s32 $0x19110  }
0x3b: {  	[tilespmem:s5+$0x0] =	vst v4  }
0x3c: {  	v4 =	vld.idx.msk [tilespmem:v6+s14+$0x0], $0xffff  }
0x3d: {  	v6 =	vor.u32 $0x3, v5;
	_ =	sdelay $0x2  }
0x3e: {  	s6 =	simm.s32 $0x19210  }
0x3f: {  	[tilespmem:s6+$0x0] =	vst v4  }
0x40: {  	v4 =	vld.idx.msk [tilespmem:v6+s14+$0x0], $0xffff  }
0x41: {  	v6 =	vor.u32 $0x4, v5;
	_ =	sdelay $0x2  }
0x42: {  	s21 =	simm.s32 $0x19310  }
0x43: {  	s22 =	simm.s32 $0x20;
	[tilespmem:s21+$0x0] =	vst v4  }
0x44: {  	s25 =	simm.s32 $0x30;
	v5 =	vmov s22;
	s22 =	simm.s32 $0x19400;
	v4 =	vld.idx.msk [tilespmem:v6+s14+$0x0], $0xffff  }
.LBB2_2:
0x45: {  	p0 =	sne.s32 s25, $0xF0;
	v5 =	vshll.u32 v5, $0x3  }
0x46: {  	v5 =	vor.u32 v2, v5;
	_ =	sdelay $0x2  }
0x47: {  	s22 =	sadd.s32 $0x10, s22  }
0x48: {  	[tilespmem:s22+$0x0] =	vst v4  }
0x49: {  	v4 =	vld.idx.msk [tilespmem:v5+s14+$0x0], $0xffff;
	_ =	sdelay $0x1  }
0x4a: {  	v6 =	vor.u32 $0x1, v5;
	_ =	sdelay $0x2  }
0x4b: {  	s4 =	sadd.s32 $0x10, s4  }
0x4c: {  	[tilespmem:s4+$0x0] =	vst v4  }
0x4d: {  	v4 =	vld.idx.msk [tilespmem:v6+s14+$0x0], $0xffff;
	_ =	sdelay $0x1  }
0x4e: {  	v6 =	vor.u32 $0x2, v5;
	_ =	sdelay $0x2  }
0x4f: {  	s5 =	sadd.s32 $0x10, s5  }
0x50: {  	[tilespmem:s5+$0x0] =	vst v4  }
0x51: {  	v4 =	vld.idx.msk [tilespmem:v6+s14+$0x0], $0xffff;
	_ =	sdelay $0x1  }
0x52: {  	v6 =	vor.u32 $0x3, v5;
	_ =	sdelay $0x2  }
0x53: {  	s6 =	sadd.s32 $0x10, s6  }
0x54: {  	[tilespmem:s6+$0x0] =	vst v4  }
0x55: {  	v4 =	vld.idx.msk [tilespmem:v6+s14+$0x0], $0xffff;
	_ =	sdelay $0x1  }
0x56: {  	v6 =	vor.u32 $0x4, v5  }
.Ltmp0:
0x57: {  	(pc) =	sbr.rel @p0 .LBB2_2-.Ltmp0, $4  }
0x58: {  	_ = 	snop  }
0x59: {  	s21 =	sadd.s32 $0x10, s21  }
0x5a: {  	[tilespmem:s21+$0x0] =	vst v4  }
0x5b: {  	v5 =	vmov s25;
	s25 =	sadd.s32 $0x10, s25;
	v4 =	vld.idx.msk [tilespmem:v6+s14+$0x0], $0xffff  }
0x5c: {  	v5 =	vshll.u32 v5, $0x3  }
0x5d: {  	v5 =	vor.u32 v2, v5;
	_ =	sdelay $0x2  }
0x5e: {  	s22 =	sadd.s32 $0x10, s22  }
0x5f: {  	[tilespmem:s22+$0x0] =	vst v4  }
0x60: {  	v4 =	vld.idx.msk [tilespmem:v5+s14+$0x0], $0xffff  }
0x61: {  	v6 =	vor.u32 $0x1, v5;
	_ =	sdelay $0x2  }
0x62: {  	s4 =	sadd.s32 $0x10, s4  }
0x63: {  	[tilespmem:s4+$0x0] =	vst v4  }
0x64: {  	v4 =	vld.idx.msk [tilespmem:v6+s14+$0x0], $0xffff  }
0x65: {  	v6 =	vor.u32 $0x2, v5;
	_ =	sdelay $0x2  }
0x66: {  	s5 =	sadd.s32 $0x10, s5  }
0x67: {  	[tilespmem:s5+$0x0] =	vst v4  }
0x68: {  	v4 =	vld.idx.msk [tilespmem:v6+s14+$0x0], $0xffff  }
0x69: {  	v6 =	vor.u32 $0x3, v5;
	_ =	sdelay $0x2  }
0x6a: {  	s6 =	sadd.s32 $0x10, s6  }
0x6b: {  	[tilespmem:s6+$0x0] =	vst v4  }
0x6c: {  	v4 =	vld.idx.msk [tilespmem:v6+s14+$0x0], $0xffff  }
0x6d: {  	v5 =	vor.u32 $0x4, v5;
	_ =	sdelay $0x2  }
0x6e: {  	s21 =	sadd.s32 $0x10, s21  }
0x6f: {  	[tilespmem:s21+$0x0] =	vst v4  }
0x70: {  	v4 =	vld.idx.msk [tilespmem:v5+s14+$0x0], $0xffff;
	_ =	sdelay $0x3  }
0x71: {  	s25 =	sadd.s32 $0x10, s22  }
0x72: {  	[tilespmem:s25+$0x0] =	vst v4  }
0x73: {  	[tilespmem:s19], [sflag:$0x1] =	stream.indirect.gather [hbm4b:s3+s17], $0x80, s7, s17, $0xb8;
	[tilespmem:$0x1CD00] =	vst v63  }
0x74: {  	_ =	swait.ge [sflag:s20], $0x8000  }
0x75: {  	[sflag:s20] =	ssyncset.done $0x0  }
0x76: {  	s30 =	simm.s32 $0x10000;
	s25 =	simm.s32 $0x80;
	[sflag:s20] =	ssyncadd.s32 $0xFFFF8000  }
0x77: {  	[tilespmem:s30], [sflag:$0x2] =	stream.indirect.gather [hbm4b:s3+s17], $0x80, s28, s17, $0xb8;
	[tilespmem:$0x1CD00] =	vst v63  }
0x78: {  	s4 =	simm.s32 $0x8080;
	v4 =	vld [tilespmem:s25+$0xFFFFFF80]  }
0x79: {  	s22 =	simm.s32 $0x80;
	v5 =	vld [tilespmem:s4+$0xFFFFFF80]  }
0x7a: {  	s5 =	simm.s32 $0x2;
	s6 =	simm.s32 $0x8080;
	s21 =	simm.s32 $0x0;
	v6 =	vld [tilespmem:s25+$0xFFFFFF90]  }
.LBB2_4:
0x7b: {  	p0 =	sne.s32 s5, $0xFE;
	v7 =	vld [tilespmem:s4+$0xFFFFFF90];
	s25 =	sadd.s32 $0x100, s25;
	s6 =	sadd.s32 $0x100, s6  }
0x7c: {  	s28 =	smov.u32 s5;
	s5 =	sadd.s32 $0x2, s5;
	v8 =	vld [tilespmem:s4+$0xFFFFFFA0]  }
0x7d: {  	v9 =	vld [tilespmem:s22+$0xFFFFFFA0]  }
0x7e: {  	v10 =	vld [tilespmem:s4+$0xFFFFFFB0]  }
0x7f: {  	v4 =	vmul.f32 v5, v4;
	v5 =	vld [tilespmem:s22+$0xFFFFFFB0]  }
0x80: {  	v6 =	vmul.f32 v7, v6;
	v7 =	vld [tilespmem:s4+$0xFFFFFFC0]  }
0x81: {  	v11 =	vld [tilespmem:s22+$0xFFFFFFC0]  }
0x82: {  	v4 =	vadd.f32 v6, v4;
	v6 =	vmul.f32 v8, v9;
	v8 =	vld [tilespmem:s4+$0xFFFFFFD0]  }
0x83: {  	v9 =	vld [tilespmem:s22+$0xFFFFFFD0]  }
0x84: {  	v4 =	vadd.f32 v6, v4;
	v5 =	vmul.f32 v10, v5;
	v6 =	vld [tilespmem:s4+$0xFFFFFFE0]  }
0x85: {  	v10 =	vld [tilespmem:s22+$0xFFFFFFE0]  }
0x86: {  	v4 =	vadd.f32 v5, v4;
	v5 =	vmul.f32 v7, v11;
	v7 =	vld [tilespmem:s4+$0xFFFFFFF0]  }
0x87: {  	v11 =	vld [tilespmem:s22+$0xFFFFFFF0]  }
0x88: {  	v4 =	vadd.f32 v5, v4;
	v5 =	vmul.f32 v8, v9;
	_ =	sdelay $0x1  }
0x89: {  	v4 =	vadd.f32 v5, v4;
	v5 =	vmul.f32 v6, v10;
	_ =	sdelay $0x1  }
0x8a: {  	v4 =	vadd.f32 v5, v4;
	v5 =	vmul.f32 v7, v11;
	_ =	sdelay $0x1  }
0x8b: {  	v4 =	vadd.f32 v5, v4;
	_ =	sdelay $0x1  }
0x8c: {  	(xrf2) =	vadd.scan.msk.f32 $0xffff, v4;
	_ =	sdelay $0x4  }
0x8d: {  	s30 =	sand.u32 $0xE, s21;
	v4 =	vmov s21  }
0x8e: {  	v5 =	vmov s30;
	v4 =	vand.u32 $0xFFFFFFFE, v4  }
0x8f: {  	vm0 =	veq.s32 v5, v0;
	v4 =	vbroadcast v4, $0x0;
	_ =	sdelay $0x2  }
0x90: {  	v5, _, _ =	vpop (xrf2)  }
0x91: {  	v5 =	vbroadcast v5, $0xF;
	_ =	sdelay $0x1  }
0x92: {  	[tilespmem:v4+s23+$0x0] =	vst.idx.msk vm0, v5  }
0x93: {  	v4 =	vld [tilespmem:s22+$0x0]  }
0x94: {  	v5 =	vld [tilespmem:s4+$0x0]  }
0x95: {  	v6 =	vld [tilespmem:s4+$0x10]  }
0x96: {  	v7 =	vld [tilespmem:s22+$0x10]  }
0x97: {  	v8 =	vld [tilespmem:s4+$0x20]  }
0x98: {  	v9 =	vld [tilespmem:s22+$0x20]  }
0x99: {  	v4 =	vmul.f32 v5, v4;
	v5 =	vld [tilespmem:s4+$0x30]  }
0x9a: {  	v10 =	vld [tilespmem:s22+$0x30]  }
0x9b: {  	v6 =	vmul.f32 v6, v7;
	v7 =	vld [tilespmem:s4+$0x40]  }
0x9c: {  	v11 =	vld [tilespmem:s22+$0x40]  }
0x9d: {  	v4 =	vadd.f32 v6, v4;
	v6 =	vmul.f32 v8, v9;
	v8 =	vld [tilespmem:s4+$0x50]  }
0x9e: {  	v9 =	vld [tilespmem:s22+$0x50]  }
0x9f: {  	v4 =	vadd.f32 v6, v4;
	v5 =	vmul.f32 v5, v10;
	v6 =	vld [tilespmem:s4+$0x60]  }
0xa0: {  	v10 =	vld [tilespmem:s22+$0x60]  }
0xa1: {  	v4 =	vadd.f32 v5, v4;
	v5 =	vmul.f32 v7, v11;
	v7 =	vld [tilespmem:s4+$0x70];
	s4 =	smov.u32 s6  }
0xa2: {  	v11 =	vld [tilespmem:s22+$0x70];
	s22 =	smov.u32 s25  }
0xa3: {  	v4 =	vadd.f32 v5, v4;
	v5 =	vmul.f32 v8, v9;
	_ =	sdelay $0x1  }
0xa4: {  	v4 =	vadd.f32 v5, v4;
	v5 =	vmul.f32 v6, v10;
	_ =	sdelay $0x1  }
0xa5: {  	v4 =	vadd.f32 v5, v4;
	v5 =	vmul.f32 v7, v11;
	_ =	sdelay $0x1  }
0xa6: {  	v4 =	vadd.f32 v5, v4;
	_ =	sdelay $0x1  }
0xa7: {  	(xrf2) =	vadd.scan.msk.f32 $0xffff, v4;
	_ =	sdelay $0x3  }
0xa8: {  	s30 =	sadd.s32 $0x1, s21;
	s21 =	smov.u32 s28  }
0xa9: {  	s28 =	sand.u32 $0xF, s30  }
0xaa: {  	v4 =	vmov s28  }
0xab: {  	vm0 =	veq.s32 v4, v0  }
0xac: {  	v4 =	vmov s30;
	_ =	sdelay $0x1  }
0xad: {  	v5, _, _ =	vpop (xrf2)  }
0xae: {  	v5 =	vbroadcast v5, $0xF  }
.Ltmp1:
0xaf: {  	(pc) =	sbr.rel @p0 .LBB2_4-.Ltmp1, $4  }
0xb0: {  	[tilespmem:v4+s23+$0x0] =	vst.idx.msk vm0, v5  }
0xb1: {  	v4 =	vld [tilespmem:s25+$0xFFFFFF80]  }
0xb2: {  	v5 =	vld [tilespmem:s6+$0xFFFFFF80]  }
0xb3: {  	v6 =	vld [tilespmem:s25+$0xFFFFFF90]  }
0xb4: {  	v7 =	vld [tilespmem:s4+$0xFFFFFF90]  }
0xb5: {  	v8 =	vld [tilespmem:s4+$0xFFFFFFA0]  }
0xb6: {  	v9 =	vld [tilespmem:s22+$0xFFFFFFA0]  }
0xb7: {  	v10 =	vld [tilespmem:s4+$0xFFFFFFB0]  }
0xb8: {  	v11 =	vld [tilespmem:s22+$0xFFFFFFB0]  }
0xb9: {  	v4 =	vmul.f32 v5, v4;
	v5 =	vmul.f32 v7, v6;
	v6 =	vld [tilespmem:s4+$0xFFFFFFC0]  }
0xba: {  	v7 =	vld [tilespmem:s22+$0xFFFFFFC0]  }
0xbb: {  	v55 =	vld [tilespmem:s22+$0xFFFFFFD0];
	v4 =	vadd.f32 v5, v4;
	v5 =	vmul.f32 v8, v9  }
0xbc: {  	v8 =	vld [tilespmem:s4+$0xFFFFFFD0]  }
0xbd: {  	v56 =	vld [tilespmem:s4+$0xFFFFFFE0];
	v4 =	vadd.f32 v5, v4;
	v5 =	vmul.f32 v10, v11  }
0xbe: {  	v57 =	vld [tilespmem:s22+$0xFFFFFFE0]  }
0xbf: {  	v4 =	vadd.f32 v5, v4;
	v5 =	vmul.f32 v6, v7;
	v6 =	vld [tilespmem:s4+$0xFFFFFFF0]  }
0xc0: {  	v7 =	vld [tilespmem:s22+$0xFFFFFFF0]  }
0xc1: {  	v4 =	vadd.f32 v5, v4;
	v5 =	vmul.f32 v8, v55;
	_ =	sdelay $0x1  }
0xc2: {  	v4 =	vadd.f32 v5, v4;
	v5 =	vmul.f32 v56, v57;
	_ =	sdelay $0x1  }
0xc3: {  	v4 =	vadd.f32 v5, v4;
	v5 =	vmul.f32 v6, v7;
	_ =	sdelay $0x1  }
0xc4: {  	v4 =	vadd.f32 v5, v4;
	_ =	sdelay $0x1  }
0xc5: {  	(xrf2) =	vadd.scan.msk.f32 $0xffff, v4;
	_ =	sdelay $0x4  }
0xc6: {  	s5 =	sand.u32 $0xE, s21;
	v4 =	vmov s21  }
0xc7: {  	v5 =	vmov s5;
	v4 =	vand.u32 $0xFFFFFFFE, v4  }
0xc8: {  	vm0 =	veq.s32 v5, v0;
	v4 =	vbroadcast v4, $0x0;
	_ =	sdelay $0x2  }
0xc9: {  	v5, _, _ =	vpop (xrf2)  }
0xca: {  	v5 =	vbroadcast v5, $0xF;
	_ =	sdelay $0x1  }
0xcb: {  	[tilespmem:v4+s23+$0x0] =	vst.idx.msk vm0, v5  }
0xcc: {  	v4 =	vld [tilespmem:s22+$0x0]  }
0xcd: {  	v5 =	vld [tilespmem:s4+$0x0]  }
0xce: {  	v6 =	vld [tilespmem:s4+$0x10]  }
0xcf: {  	v7 =	vld [tilespmem:s22+$0x10]  }
0xd0: {  	v8 =	vld [tilespmem:s4+$0x20]  }
0xd1: {  	v58 =	vld [tilespmem:s22+$0x20]  }
0xd2: {  	v59 =	vld [tilespmem:s4+$0x30]  }
0xd3: {  	v60 =	vld [tilespmem:s22+$0x30]  }
0xd4: {  	v4 =	vmul.f32 v5, v4;
	v5 =	vmul.f32 v6, v7;
	v6 =	vld [tilespmem:s4+$0x40]  }
0xd5: {  	v7 =	vld [tilespmem:s22+$0x40]  }
0xd6: {  	v61 =	vld [tilespmem:s22+$0x50];
	v4 =	vadd.f32 v5, v4;
	v5 =	vmul.f32 v8, v58  }
0xd7: {  	v8 =	vld [tilespmem:s4+$0x50]  }
0xd8: {  	v62 =	vld [tilespmem:s4+$0x60];
	v4 =	vadd.f32 v5, v4;
	v5 =	vmul.f32 v59, v60  }
0xd9: {  	v63 =	vld [tilespmem:s22+$0x60]  }
0xda: {  	v4 =	vadd.f32 v5, v4;
	v5 =	vmul.f32 v6, v7;
	v6 =	vld [tilespmem:s4+$0x70]  }
0xdb: {  	v7 =	vld [tilespmem:s22+$0x70]  }
0xdc: {  	v4 =	vadd.f32 v5, v4;
	v5 =	vmul.f32 v8, v61;
	_ =	sdelay $0x1  }
0xdd: {  	v4 =	vadd.f32 v5, v4;
	v5 =	vmul.f32 v62, v63;
	_ =	sdelay $0x1  }
0xde: {  	v4 =	vadd.f32 v5, v4;
	v5 =	vmul.f32 v6, v7;
	_ =	sdelay $0x1  }
0xdf: {  	v4 =	vadd.f32 v5, v4;
	_ =	sdelay $0x1  }
0xe0: {  	(xrf2) =	vadd.scan.msk.f32 $0xffff, v4;
	_ =	sdelay $0x3  }
0xe1: {  	s25 =	sadd.s32 $0x1, s21  }
0xe2: {  	s28 =	sand.u32 $0xF, s25  }
0xe3: {  	v4 =	vmov s28  }
0xe4: {  	vm15 =	veq.s32 v4, v0  }
0xe5: {  	v4 =	vmov s25;
	_ =	sdelay $0x1  }
0xe6: {  	v5, _, _ =	vpop (xrf2)  }
0xe7: {  	v5 =	vbroadcast v5, $0xF;
	_ =	sdelay $0x1  }
0xe8: {  	[tilespmem:v4+s23+$0x0] =	vst.idx.msk vm15, v5  }
0xe9: {  	_ =	swait.ge [sflag:s24], $0x8000  }
0xea: {  	[sflag:s24] =	ssyncset.done $0x0  }
0xeb: {  	s30 =	simm.s32 $0x19200;
	s25 =	simm.s32 $0x80;
	[sflag:s24] =	ssyncadd.s32 $0xFFFF8000  }
0xec: {  	[tilespmem:s19], [sflag:$0x1] =	stream.indirect.gather [hbm4b:s3+s17], $0x80, s30, s17, $0xb8;
	[tilespmem:$0x1CD00] =	vst v63  }
0xed: {  	s4 =	simm.s32 $0x10080;
	v4 =	vld [tilespmem:s25+$0xFFFFFF80]  }
0xee: {  	s6 =	simm.s32 $0x10080;
	v5 =	vld [tilespmem:s4+$0xFFFFFF80]  }
0xef: {  	s5 =	simm.s32 $0x2;
	s21 =	simm.s32 $0x0;
	s22 =	simm.s32 $0x80;
	v6 =	vld [tilespmem:s25+$0xFFFFFF90]  }
.LBB2_6:
0xf0: {  	p0 =	sne.s32 s5, $0xFE;
	v7 =	vld [tilespmem:s4+$0xFFFFFF90];
	s25 =	sadd.s32 $0x100, s25;
	s6 =	sadd.s32 $0x100, s6  }
0xf1: {  	s28 =	smov.u32 s5;
	s5 =	sadd.s32 $0x2, s5;
	v8 =	vld [tilespmem:s4+$0xFFFFFFA0]  }
0xf2: {  	v9 =	vld [tilespmem:s22+$0xFFFFFFA0]  }
0xf3: {  	v10 =	vld [tilespmem:s4+$0xFFFFFFB0]  }
0xf4: {  	v4 =	vmul.f32 v5, v4;
	v5 =	vld [tilespmem:s22+$0xFFFFFFB0]  }
0xf5: {  	v6 =	vmul.f32 v7, v6;
	v7 =	vld [tilespmem:s4+$0xFFFFFFC0]  }
0xf6: {  	v11 =	vld [tilespmem:s22+$0xFFFFFFC0]  }
0xf7: {  	v4 =	vadd.f32 v6, v4;
	v6 =	vmul.f32 v8, v9;
	v8 =	vld [tilespmem:s4+$0xFFFFFFD0]  }
0xf8: {  	v9 =	vld [tilespmem:s22+$0xFFFFFFD0]  }
0xf9: {  	v4 =	vadd.f32 v6, v4;
	v5 =	vmul.f32 v10, v5;
	v6 =	vld [tilespmem:s4+$0xFFFFFFE0]  }
0xfa: {  	v10 =	vld [tilespmem:s22+$0xFFFFFFE0]  }
0xfb: {  	v4 =	vadd.f32 v5, v4;
	v5 =	vmul.f32 v7, v11;
	v7 =	vld [tilespmem:s4+$0xFFFFFFF0]  }
0xfc: {  	v11 =	vld [tilespmem:s22+$0xFFFFFFF0]  }
0xfd: {  	v4 =	vadd.f32 v5, v4;
	v5 =	vmul.f32 v8, v9;
	_ =	sdelay $0x1  }
0xfe: {  	v4 =	vadd.f32 v5, v4;
	v5 =	vmul.f32 v6, v10;
	_ =	sdelay $0x1  }
0xff: {  	v4 =	vadd.f32 v5, v4;
	v5 =	vmul.f32 v7, v11;
	_ =	sdelay $0x1  }
0x100: {  	v4 =	vadd.f32 v5, v4;
	_ =	sdelay $0x1  }
0x101: {  	(xrf2) =	vadd.scan.msk.f32 $0xffff, v4;
	_ =	sdelay $0x4  }
0x102: {  	s30 =	sand.u32 $0xE, s21;
	v4 =	vmov s21  }
0x103: {  	v5 =	vmov s30;
	v4 =	vand.u32 $0xFFFFFFFE, v4  }
0x104: {  	vm0 =	veq.s32 v5, v0;
	v4 =	vbroadcast v4, $0x0;
	_ =	sdelay $0x2  }
0x105: {  	v5, _, _ =	vpop (xrf2)  }
0x106: {  	v5 =	vbroadcast v5, $0xF;
	_ =	sdelay $0x1  }
0x107: {  	[tilespmem:v4+s26+$0x0] =	vst.idx.msk vm0, v5  }
0x108: {  	v4 =	vld [tilespmem:s22+$0x0]  }
0x109: {  	v5 =	vld [tilespmem:s4+$0x0]  }
0x10a: {  	v6 =	vld [tilespmem:s4+$0x10]  }
0x10b: {  	v7 =	vld [tilespmem:s22+$0x10]  }
0x10c: {  	v8 =	vld [tilespmem:s4+$0x20]  }
0x10d: {  	v9 =	vld [tilespmem:s22+$0x20]  }
0x10e: {  	v4 =	vmul.f32 v5, v4;
	v5 =	vld [tilespmem:s4+$0x30]  }
0x10f: {  	v10 =	vld [tilespmem:s22+$0x30]  }
0x110: {  	v6 =	vmul.f32 v6, v7;
	v7 =	vld [tilespmem:s4+$0x40]  }
0x111: {  	v11 =	vld [tilespmem:s22+$0x40]  }
0x112: {  	v4 =	vadd.f32 v6, v4;
	v6 =	vmul.f32 v8, v9;
	v8 =	vld [tilespmem:s4+$0x50]  }
0x113: {  	v9 =	vld [tilespmem:s22+$0x50]  }
0x114: {  	v4 =	vadd.f32 v6, v4;
	v5 =	vmul.f32 v5, v10;
	v6 =	vld [tilespmem:s4+$0x60]  }
0x115: {  	v10 =	vld [tilespmem:s22+$0x60]  }
0x116: {  	v4 =	vadd.f32 v5, v4;
	v5 =	vmul.f32 v7, v11;
	v7 =	vld [tilespmem:s4+$0x70];
	s4 =	smov.u32 s6  }
0x117: {  	v11 =	vld [tilespmem:s22+$0x70];
	s22 =	smov.u32 s25  }
0x118: {  	v4 =	vadd.f32 v5, v4;
	v5 =	vmul.f32 v8, v9;
	_ =	sdelay $0x1  }
0x119: {  	v4 =	vadd.f32 v5, v4;
	v5 =	vmul.f32 v6, v10;
	_ =	sdelay $0x1  }
0x11a: {  	v4 =	vadd.f32 v5, v4;
	v5 =	vmul.f32 v7, v11;
	_ =	sdelay $0x1  }
0x11b: {  	v4 =	vadd.f32 v5, v4;
	_ =	sdelay $0x1  }
0x11c: {  	(xrf2) =	vadd.scan.msk.f32 $0xffff, v4;
	_ =	sdelay $0x3  }
0x11d: {  	s30 =	sadd.s32 $0x1, s21;
	s21 =	smov.u32 s28  }
0x11e: {  	s28 =	sand.u32 $0xF, s30  }
0x11f: {  	v4 =	vmov s28  }
0x120: {  	vm0 =	veq.s32 v4, v0  }
0x121: {  	v4 =	vmov s30;
	_ =	sdelay $0x1  }
0x122: {  	v5, _, _ =	vpop (xrf2)  }
0x123: {  	v5 =	vbroadcast v5, $0xF  }
.Ltmp2:
0x124: {  	(pc) =	sbr.rel @p0 .LBB2_6-.Ltmp2, $4  }
0x125: {  	[tilespmem:v4+s26+$0x0] =	vst.idx.msk vm0, v5  }
0x126: {  	v4 =	vld [tilespmem:s25+$0xFFFFFF80]  }
0x127: {  	v5 =	vld [tilespmem:s6+$0xFFFFFF80]  }
0x128: {  	v6 =	vld [tilespmem:s25+$0xFFFFFF90]  }
0x129: {  	v7 =	vld [tilespmem:s4+$0xFFFFFF90]  }
0x12a: {  	v8 =	vld [tilespmem:s4+$0xFFFFFFA0]  }
0x12b: {  	v9 =	vld [tilespmem:s22+$0xFFFFFFA0]  }
0x12c: {  	v10 =	vld [tilespmem:s4+$0xFFFFFFB0]  }
0x12d: {  	v11 =	vld [tilespmem:s22+$0xFFFFFFB0]  }
0x12e: {  	v4 =	vmul.f32 v5, v4;
	v5 =	vmul.f32 v7, v6;
	v6 =	vld [tilespmem:s4+$0xFFFFFFC0]  }
0x12f: {  	v7 =	vld [tilespmem:s22+$0xFFFFFFC0]  }
0x130: {  	v55 =	vld [tilespmem:s22+$0xFFFFFFD0];
	v4 =	vadd.f32 v5, v4;
	v5 =	vmul.f32 v8, v9  }
0x131: {  	v8 =	vld [tilespmem:s4+$0xFFFFFFD0]  }
0x132: {  	v56 =	vld [tilespmem:s4+$0xFFFFFFE0];
	v4 =	vadd.f32 v5, v4;
	v5 =	vmul.f32 v10, v11  }
0x133: {  	v57 =	vld [tilespmem:s22+$0xFFFFFFE0]  }
0x134: {  	v4 =	vadd.f32 v5, v4;
	v5 =	vmul.f32 v6, v7;
	v6 =	vld [tilespmem:s4+$0xFFFFFFF0]  }
0x135: {  	v7 =	vld [tilespmem:s22+$0xFFFFFFF0]  }
0x136: {  	v4 =	vadd.f32 v5, v4;
	v5 =	vmul.f32 v8, v55;
	_ =	sdelay $0x1  }
0x137: {  	v4 =	vadd.f32 v5, v4;
	v5 =	vmul.f32 v56, v57;
	_ =	sdelay $0x1  }
0x138: {  	v4 =	vadd.f32 v5, v4;
	v5 =	vmul.f32 v6, v7;
	_ =	sdelay $0x1  }
0x139: {  	v4 =	vadd.f32 v5, v4;
	_ =	sdelay $0x1  }
0x13a: {  	(xrf2) =	vadd.scan.msk.f32 $0xffff, v4;
	_ =	sdelay $0x4  }
0x13b: {  	s5 =	sand.u32 $0xE, s21;
	v4 =	vmov s21  }
0x13c: {  	v5 =	vmov s5;
	v4 =	vand.u32 $0xFFFFFFFE, v4  }
0x13d: {  	vm0 =	veq.s32 v5, v0;
	v4 =	vbroadcast v4, $0x0;
	_ =	sdelay $0x2  }
0x13e: {  	v5, _, _ =	vpop (xrf2)  }
0x13f: {  	v5 =	vbroadcast v5, $0xF;
	_ =	sdelay $0x1  }
0x140: {  	[tilespmem:v4+s26+$0x0] =	vst.idx.msk vm0, v5  }
0x141: {  	v4 =	vld [tilespmem:s22+$0x0]  }
0x142: {  	v5 =	vld [tilespmem:s4+$0x0]  }
0x143: {  	v6 =	vld [tilespmem:s4+$0x10]  }
0x144: {  	v7 =	vld [tilespmem:s22+$0x10]  }
0x145: {  	v8 =	vld [tilespmem:s4+$0x20]  }
0x146: {  	v58 =	vld [tilespmem:s22+$0x20]  }
0x147: {  	v59 =	vld [tilespmem:s4+$0x30]  }
0x148: {  	v60 =	vld [tilespmem:s22+$0x30]  }
0x149: {  	v4 =	vmul.f32 v5, v4;
	v5 =	vmul.f32 v6, v7;
	v6 =	vld [tilespmem:s4+$0x40]  }
0x14a: {  	v7 =	vld [tilespmem:s22+$0x40]  }
0x14b: {  	v61 =	vld [tilespmem:s22+$0x50];
	v4 =	vadd.f32 v5, v4;
	v5 =	vmul.f32 v8, v58  }
0x14c: {  	v8 =	vld [tilespmem:s4+$0x50]  }
0x14d: {  	v62 =	vld [tilespmem:s4+$0x60];
	v4 =	vadd.f32 v5, v4;
	v5 =	vmul.f32 v59, v60  }
0x14e: {  	v63 =	vld [tilespmem:s22+$0x60]  }
0x14f: {  	v4 =	vadd.f32 v5, v4;
	v5 =	vmul.f32 v6, v7;
	v6 =	vld [tilespmem:s4+$0x70]  }
0x150: {  	v7 =	vld [tilespmem:s22+$0x70]  }
0x151: {  	v4 =	vadd.f32 v5, v4;
	v5 =	vmul.f32 v8, v61;
	_ =	sdelay $0x1  }
0x152: {  	v4 =	vadd.f32 v5, v4;
	v5 =	vmul.f32 v62, v63;
	_ =	sdelay $0x1  }
0x153: {  	v4 =	vadd.f32 v5, v4;
	v5 =	vmul.f32 v6, v7;
	_ =	sdelay $0x1  }
0x154: {  	v4 =	vadd.f32 v5, v4;
	_ =	sdelay $0x1  }
0x155: {  	(xrf2) =	vadd.scan.msk.f32 $0xffff, v4;
	_ =	sdelay $0x3  }
0x156: {  	s22 =	sadd.s32 $0x1, s21  }
0x157: {  	s25 =	sand.u32 $0xF, s22  }
0x158: {  	v4 =	vmov s25  }
0x159: {  	vm15 =	veq.s32 v4, v0  }
0x15a: {  	v4 =	vmov s22;
	_ =	sdelay $0x1  }
0x15b: {  	v5, _, _ =	vpop (xrf2)  }
0x15c: {  	v5 =	vbroadcast v5, $0xF;
	_ =	sdelay $0x1  }
0x15d: {  	[tilespmem:v4+s26+$0x0] =	vst.idx.msk vm15, v5  }
0x15e: {  	_ =	swait.ge [sflag:s20], $0x8000  }
0x15f: {  	s28 =	simm.s32 $0x10000;
	[sflag:s20] =	ssyncset.done $0x0  }
0x160: {  	s30 =	simm.s32 $0x19300;
	s25 =	simm.s32 $0x80;
	[sflag:s20] =	ssyncadd.s32 $0xFFFF8000  }
0x161: {  	[tilespmem:s28], [sflag:$0x2] =	stream.indirect.gather [hbm4b:s3+s17], $0x80, s30, s17, $0xb8;
	[tilespmem:$0x1CD00] =	vst v63  }
0x162: {  	s4 =	simm.s32 $0x8080;
	v4 =	vld [tilespmem:s25+$0xFFFFFF80]  }
0x163: {  	s6 =	simm.s32 $0x8080;
	v5 =	vld [tilespmem:s4+$0xFFFFFF80]  }
0x164: {  	s5 =	simm.s32 $0x2;
	s21 =	simm.s32 $0x0;
	s22 =	simm.s32 $0x80;
	v6 =	vld [tilespmem:s25+$0xFFFFFF90]  }
.LBB2_8:
0x165: {  	p0 =	sne.s32 s5, $0xFE;
	v7 =	vld [tilespmem:s4+$0xFFFFFF90];
	s25 =	sadd.s32 $0x100, s25;
	s6 =	sadd.s32 $0x100, s6  }
0x166: {  	s28 =	smov.u32 s5;
	s5 =	sadd.s32 $0x2, s5;
	v8 =	vld [tilespmem:s4+$0xFFFFFFA0]  }
0x167: {  	v9 =	vld [tilespmem:s22+$0xFFFFFFA0]  }
0x168: {  	v10 =	vld [tilespmem:s4+$0xFFFFFFB0]  }
0x169: {  	v4 =	vmul.f32 v5, v4;
	v5 =	vld [tilespmem:s22+$0xFFFFFFB0]  }
0x16a: {  	v6 =	vmul.f32 v7, v6;
	v7 =	vld [tilespmem:s4+$0xFFFFFFC0]  }
0x16b: {  	v11 =	vld [tilespmem:s22+$0xFFFFFFC0]  }
0x16c: {  	v4 =	vadd.f32 v6, v4;
	v6 =	vmul.f32 v8, v9;
	v8 =	vld [tilespmem:s4+$0xFFFFFFD0]  }
0x16d: {  	v9 =	vld [tilespmem:s22+$0xFFFFFFD0]  }
0x16e: {  	v4 =	vadd.f32 v6, v4;
	v5 =	vmul.f32 v10, v5;
	v6 =	vld [tilespmem:s4+$0xFFFFFFE0]  }
0x16f: {  	v10 =	vld [tilespmem:s22+$0xFFFFFFE0]  }
0x170: {  	v4 =	vadd.f32 v5, v4;
	v5 =	vmul.f32 v7, v11;
	v7 =	vld [tilespmem:s4+$0xFFFFFFF0]  }
0x171: {  	v11 =	vld [tilespmem:s22+$0xFFFFFFF0]  }
0x172: {  	v4 =	vadd.f32 v5, v4;
	v5 =	vmul.f32 v8, v9;
	_ =	sdelay $0x1  }
0x173: {  	v4 =	vadd.f32 v5, v4;
	v5 =	vmul.f32 v6, v10;
	_ =	sdelay $0x1  }
0x174: {  	v4 =	vadd.f32 v5, v4;
	v5 =	vmul.f32 v7, v11;
	_ =	sdelay $0x1  }
0x175: {  	v4 =	vadd.f32 v5, v4;
	_ =	sdelay $0x1  }
0x176: {  	(xrf2) =	vadd.scan.msk.f32 $0xffff, v4;
	_ =	sdelay $0x4  }
0x177: {  	s30 =	sand.u32 $0xE, s21;
	v4 =	vmov s21  }
0x178: {  	v5 =	vmov s30;
	v4 =	vand.u32 $0xFFFFFFFE, v4  }
0x179: {  	vm0 =	veq.s32 v5, v0;
	v4 =	vbroadcast v4, $0x0;
	_ =	sdelay $0x2  }
0x17a: {  	v5, _, _ =	vpop (xrf2)  }
0x17b: {  	v5 =	vbroadcast v5, $0xF;
	_ =	sdelay $0x1  }
0x17c: {  	[tilespmem:v4+s29+$0x0] =	vst.idx.msk vm0, v5  }
0x17d: {  	v4 =	vld [tilespmem:s22+$0x0]  }
0x17e: {  	v5 =	vld [tilespmem:s4+$0x0]  }
0x17f: {  	v6 =	vld [tilespmem:s4+$0x10]  }
0x180: {  	v7 =	vld [tilespmem:s22+$0x10]  }
0x181: {  	v8 =	vld [tilespmem:s4+$0x20]  }
0x182: {  	v9 =	vld [tilespmem:s22+$0x20]  }
0x183: {  	v4 =	vmul.f32 v5, v4;
	v5 =	vld [tilespmem:s4+$0x30]  }
0x184: {  	v10 =	vld [tilespmem:s22+$0x30]  }
0x185: {  	v6 =	vmul.f32 v6, v7;
	v7 =	vld [tilespmem:s4+$0x40]  }
0x186: {  	v11 =	vld [tilespmem:s22+$0x40]  }
0x187: {  	v4 =	vadd.f32 v6, v4;
	v6 =	vmul.f32 v8, v9;
	v8 =	vld [tilespmem:s4+$0x50]  }
0x188: {  	v9 =	vld [tilespmem:s22+$0x50]  }
0x189: {  	v4 =	vadd.f32 v6, v4;
	v5 =	vmul.f32 v5, v10;
	v6 =	vld [tilespmem:s4+$0x60]  }
0x18a: {  	v10 =	vld [tilespmem:s22+$0x60]  }
0x18b: {  	v4 =	vadd.f32 v5, v4;
	v5 =	vmul.f32 v7, v11;
	v7 =	vld [tilespmem:s4+$0x70];
	s4 =	smov.u32 s6  }
0x18c: {  	v11 =	vld [tilespmem:s22+$0x70];
	s22 =	smov.u32 s25  }
0x18d: {  	v4 =	vadd.f32 v5, v4;
	v5 =	vmul.f32 v8, v9;
	_ =	sdelay $0x1  }
0x18e: {  	v4 =	vadd.f32 v5, v4;
	v5 =	vmul.f32 v6, v10;
	_ =	sdelay $0x1  }
0x18f: {  	v4 =	vadd.f32 v5, v4;
	v5 =	vmul.f32 v7, v11;
	_ =	sdelay $0x1  }
0x190: {  	v4 =	vadd.f32 v5, v4;
	_ =	sdelay $0x1  }
0x191: {  	(xrf2) =	vadd.scan.msk.f32 $0xffff, v4;
	_ =	sdelay $0x3  }
0x192: {  	s30 =	sadd.s32 $0x1, s21;
	s21 =	smov.u32 s28  }
0x193: {  	s28 =	sand.u32 $0xF, s30  }
0x194: {  	v4 =	vmov s28  }
0x195: {  	vm0 =	veq.s32 v4, v0  }
0x196: {  	v4 =	vmov s30;
	_ =	sdelay $0x1  }
0x197: {  	v5, _, _ =	vpop (xrf2)  }
0x198: {  	v5 =	vbroadcast v5, $0xF  }
.Ltmp3:
0x199: {  	(pc) =	sbr.rel @p0 .LBB2_8-.Ltmp3, $4  }
0x19a: {  	[tilespmem:v4+s29+$0x0] =	vst.idx.msk vm0, v5  }
0x19b: {  	v4 =	vld [tilespmem:s25+$0xFFFFFF80]  }
0x19c: {  	v5 =	vld [tilespmem:s6+$0xFFFFFF80]  }
0x19d: {  	v6 =	vld [tilespmem:s25+$0xFFFFFF90]  }
0x19e: {  	v7 =	vld [tilespmem:s4+$0xFFFFFF90]  }
0x19f: {  	v8 =	vld [tilespmem:s4+$0xFFFFFFA0]  }
0x1a0: {  	v9 =	vld [tilespmem:s22+$0xFFFFFFA0]  }
0x1a1: {  	v10 =	vld [tilespmem:s4+$0xFFFFFFB0]  }
0x1a2: {  	v11 =	vld [tilespmem:s22+$0xFFFFFFB0]  }
0x1a3: {  	v4 =	vmul.f32 v5, v4;
	v5 =	vmul.f32 v7, v6;
	v6 =	vld [tilespmem:s4+$0xFFFFFFC0]  }
0x1a4: {  	v7 =	vld [tilespmem:s22+$0xFFFFFFC0]  }
0x1a5: {  	v55 =	vld [tilespmem:s22+$0xFFFFFFD0];
	v4 =	vadd.f32 v5, v4;
	v5 =	vmul.f32 v8, v9  }
0x1a6: {  	v8 =	vld [tilespmem:s4+$0xFFFFFFD0]  }
0x1a7: {  	v56 =	vld [tilespmem:s4+$0xFFFFFFE0];
	v4 =	vadd.f32 v5, v4;
	v5 =	vmul.f32 v10, v11  }
0x1a8: {  	v57 =	vld [tilespmem:s22+$0xFFFFFFE0]  }
0x1a9: {  	v4 =	vadd.f32 v5, v4;
	v5 =	vmul.f32 v6, v7;
	v6 =	vld [tilespmem:s4+$0xFFFFFFF0]  }
0x1aa: {  	v7 =	vld [tilespmem:s22+$0xFFFFFFF0]  }
0x1ab: {  	v4 =	vadd.f32 v5, v4;
	v5 =	vmul.f32 v8, v55;
	_ =	sdelay $0x1  }
0x1ac: {  	v4 =	vadd.f32 v5, v4;
	v5 =	vmul.f32 v56, v57;
	_ =	sdelay $0x1  }
0x1ad: {  	v4 =	vadd.f32 v5, v4;
	v5 =	vmul.f32 v6, v7;
	_ =	sdelay $0x1  }
0x1ae: {  	v4 =	vadd.f32 v5, v4;
	_ =	sdelay $0x1  }
0x1af: {  	(xrf2) =	vadd.scan.msk.f32 $0xffff, v4;
	_ =	sdelay $0x4  }
0x1b0: {  	s5 =	sand.u32 $0xE, s21;
	v4 =	vmov s21  }
0x1b1: {  	v5 =	vmov s5;
	v4 =	vand.u32 $0xFFFFFFFE, v4  }
0x1b2: {  	vm0 =	veq.s32 v5, v0;
	v4 =	vbroadcast v4, $0x0;
	_ =	sdelay $0x2  }
0x1b3: {  	v5, _, _ =	vpop (xrf2)  }
0x1b4: {  	v5 =	vbroadcast v5, $0xF;
	_ =	sdelay $0x1  }
0x1b5: {  	[tilespmem:v4+s29+$0x0] =	vst.idx.msk vm0, v5  }
0x1b6: {  	v4 =	vld [tilespmem:s22+$0x0]  }
0x1b7: {  	v5 =	vld [tilespmem:s4+$0x0]  }
0x1b8: {  	v6 =	vld [tilespmem:s4+$0x10]  }
0x1b9: {  	v7 =	vld [tilespmem:s22+$0x10]  }
0x1ba: {  	v8 =	vld [tilespmem:s4+$0x20]  }
0x1bb: {  	v58 =	vld [tilespmem:s22+$0x20]  }
0x1bc: {  	v59 =	vld [tilespmem:s4+$0x30]  }
0x1bd: {  	v60 =	vld [tilespmem:s22+$0x30]  }
0x1be: {  	v4 =	vmul.f32 v5, v4;
	v5 =	vmul.f32 v6, v7;
	v6 =	vld [tilespmem:s4+$0x40]  }
0x1bf: {  	v7 =	vld [tilespmem:s22+$0x40]  }
0x1c0: {  	v61 =	vld [tilespmem:s22+$0x50];
	v4 =	vadd.f32 v5, v4;
	v5 =	vmul.f32 v8, v58  }
0x1c1: {  	v8 =	vld [tilespmem:s4+$0x50]  }
0x1c2: {  	v62 =	vld [tilespmem:s4+$0x60];
	v4 =	vadd.f32 v5, v4;
	v5 =	vmul.f32 v59, v60  }
0x1c3: {  	v63 =	vld [tilespmem:s22+$0x60]  }
0x1c4: {  	v4 =	vadd.f32 v5, v4;
	v5 =	vmul.f32 v6, v7;
	v6 =	vld [tilespmem:s4+$0x70]  }
0x1c5: {  	v7 =	vld [tilespmem:s22+$0x70]  }
0x1c6: {  	v4 =	vadd.f32 v5, v4;
	v5 =	vmul.f32 v8, v61;
	_ =	sdelay $0x1  }
0x1c7: {  	v4 =	vadd.f32 v5, v4;
	v5 =	vmul.f32 v62, v63;
	_ =	sdelay $0x1  }
0x1c8: {  	v4 =	vadd.f32 v5, v4;
	v5 =	vmul.f32 v6, v7;
	_ =	sdelay $0x1  }
0x1c9: {  	v4 =	vadd.f32 v5, v4;
	_ =	sdelay $0x1  }
0x1ca: {  	(xrf2) =	vadd.scan.msk.f32 $0xffff, v4;
	_ =	sdelay $0x3  }
0x1cb: {  	s25 =	sadd.s32 $0x1, s21  }
0x1cc: {  	s28 =	sand.u32 $0xF, s25  }
0x1cd: {  	v4 =	vmov s28  }
0x1ce: {  	vm15 =	veq.s32 v4, v0  }
0x1cf: {  	v4 =	vmov s25;
	_ =	sdelay $0x1  }
0x1d0: {  	v5, _, _ =	vpop (xrf2)  }
0x1d1: {  	v5 =	vbroadcast v5, $0xF;
	_ =	sdelay $0x1  }
0x1d2: {  	[tilespmem:v4+s29+$0x0] =	vst.idx.msk vm15, v5  }
0x1d3: {  	_ =	swait.ge [sflag:s24], $0x8000  }
0x1d4: {  	[sflag:s24] =	ssyncset.done $0x0  }
0x1d5: {  	s30 =	simm.s32 $0x19400;
	s25 =	simm.s32 $0x80;
	[sflag:s24] =	ssyncadd.s32 $0xFFFF8000  }
0x1d6: {  	[tilespmem:s19], [sflag:$0x1] =	stream.indirect.gather [hbm4b:s3+s17], $0x80, s30, s17, $0xb8;
	[tilespmem:$0x1CD00] =	vst v63  }
0x1d7: {  	s4 =	simm.s32 $0x10080;
	v4 =	vld [tilespmem:s25+$0xFFFFFF80]  }
0x1d8: {  	s6 =	simm.s32 $0x10080;
	v5 =	vld [tilespmem:s4+$0xFFFFFF80]  }
0x1d9: {  	s5 =	simm.s32 $0x2;
	s21 =	simm.s32 $0x0;
	s22 =	simm.s32 $0x80;
	v6 =	vld [tilespmem:s25+$0xFFFFFF90]  }
.LBB2_10:
0x1da: {  	p0 =	sne.s32 s5, $0xFE;
	v7 =	vld [tilespmem:s4+$0xFFFFFF90];
	s25 =	sadd.s32 $0x100, s25;
	s6 =	sadd.s32 $0x100, s6  }
0x1db: {  	s28 =	smov.u32 s5;
	s5 =	sadd.s32 $0x2, s5;
	v8 =	vld [tilespmem:s4+$0xFFFFFFA0]  }
0x1dc: {  	v9 =	vld [tilespmem:s22+$0xFFFFFFA0]  }
0x1dd: {  	v10 =	vld [tilespmem:s4+$0xFFFFFFB0]  }
0x1de: {  	v4 =	vmul.f32 v5, v4;
	v5 =	vld [tilespmem:s22+$0xFFFFFFB0]  }
0x1df: {  	v6 =	vmul.f32 v7, v6;
	v7 =	vld [tilespmem:s4+$0xFFFFFFC0]  }
0x1e0: {  	v11 =	vld [tilespmem:s22+$0xFFFFFFC0]  }
0x1e1: {  	v4 =	vadd.f32 v6, v4;
	v6 =	vmul.f32 v8, v9;
	v8 =	vld [tilespmem:s4+$0xFFFFFFD0]  }
0x1e2: {  	v9 =	vld [tilespmem:s22+$0xFFFFFFD0]  }
0x1e3: {  	v4 =	vadd.f32 v6, v4;
	v5 =	vmul.f32 v10, v5;
	v6 =	vld [tilespmem:s4+$0xFFFFFFE0]  }
0x1e4: {  	v10 =	vld [tilespmem:s22+$0xFFFFFFE0]  }
0x1e5: {  	v4 =	vadd.f32 v5, v4;
	v5 =	vmul.f32 v7, v11;
	v7 =	vld [tilespmem:s4+$0xFFFFFFF0]  }
0x1e6: {  	v11 =	vld [tilespmem:s22+$0xFFFFFFF0]  }
0x1e7: {  	v4 =	vadd.f32 v5, v4;
	v5 =	vmul.f32 v8, v9;
	_ =	sdelay $0x1  }
0x1e8: {  	v4 =	vadd.f32 v5, v4;
	v5 =	vmul.f32 v6, v10;
	_ =	sdelay $0x1  }
0x1e9: {  	v4 =	vadd.f32 v5, v4;
	v5 =	vmul.f32 v7, v11;
	_ =	sdelay $0x1  }
0x1ea: {  	v4 =	vadd.f32 v5, v4;
	_ =	sdelay $0x1  }
0x1eb: {  	(xrf2) =	vadd.scan.msk.f32 $0xffff, v4;
	_ =	sdelay $0x4  }
0x1ec: {  	s30 =	sand.u32 $0xE, s21;
	v4 =	vmov s21  }
0x1ed: {  	v5 =	vmov s30;
	v4 =	vand.u32 $0xFFFFFFFE, v4  }
0x1ee: {  	vm0 =	veq.s32 v5, v0;
	v4 =	vbroadcast v4, $0x0;
	_ =	sdelay $0x2  }
0x1ef: {  	v5, _, _ =	vpop (xrf2)  }
0x1f0: {  	v5 =	vbroadcast v5, $0xF;
	_ =	sdelay $0x1  }
0x1f1: {  	[tilespmem:v4+s31+$0x0] =	vst.idx.msk vm0, v5  }
0x1f2: {  	v4 =	vld [tilespmem:s22+$0x0]  }
0x1f3: {  	v5 =	vld [tilespmem:s4+$0x0]  }
0x1f4: {  	v6 =	vld [tilespmem:s4+$0x10]  }
0x1f5: {  	v7 =	vld [tilespmem:s22+$0x10]  }
0x1f6: {  	v8 =	vld [tilespmem:s4+$0x20]  }
0x1f7: {  	v9 =	vld [tilespmem:s22+$0x20]  }
0x1f8: {  	v4 =	vmul.f32 v5, v4;
	v5 =	vld [tilespmem:s4+$0x30]  }
0x1f9: {  	v10 =	vld [tilespmem:s22+$0x30]  }
0x1fa: {  	v6 =	vmul.f32 v6, v7;
	v7 =	vld [tilespmem:s4+$0x40]  }
0x1fb: {  	v11 =	vld [tilespmem:s22+$0x40]  }
0x1fc: {  	v4 =	vadd.f32 v6, v4;
	v6 =	vmul.f32 v8, v9;
	v8 =	vld [tilespmem:s4+$0x50]  }
0x1fd: {  	v9 =	vld [tilespmem:s22+$0x50]  }
0x1fe: {  	v4 =	vadd.f32 v6, v4;
	v5 =	vmul.f32 v5, v10;
	v6 =	vld [tilespmem:s4+$0x60]  }
0x1ff: {  	v10 =	vld [tilespmem:s22+$0x60]  }
0x200: {  	v4 =	vadd.f32 v5, v4;
	v5 =	vmul.f32 v7, v11;
	v7 =	vld [tilespmem:s4+$0x70];
	s4 =	smov.u32 s6  }
0x201: {  	v11 =	vld [tilespmem:s22+$0x70];
	s22 =	smov.u32 s25  }
0x202: {  	v4 =	vadd.f32 v5, v4;
	v5 =	vmul.f32 v8, v9;
	_ =	sdelay $0x1  }
0x203: {  	v4 =	vadd.f32 v5, v4;
	v5 =	vmul.f32 v6, v10;
	_ =	sdelay $0x1  }
0x204: {  	v4 =	vadd.f32 v5, v4;
	v5 =	vmul.f32 v7, v11;
	_ =	sdelay $0x1  }
0x205: {  	v4 =	vadd.f32 v5, v4;
	_ =	sdelay $0x1  }
0x206: {  	(xrf2) =	vadd.scan.msk.f32 $0xffff, v4;
	_ =	sdelay $0x3  }
0x207: {  	s30 =	sadd.s32 $0x1, s21;
	s21 =	smov.u32 s28  }
0x208: {  	s28 =	sand.u32 $0xF, s30  }
0x209: {  	v4 =	vmov s28  }
0x20a: {  	vm0 =	veq.s32 v4, v0  }
0x20b: {  	v4 =	vmov s30;
	_ =	sdelay $0x1  }
0x20c: {  	v5, _, _ =	vpop (xrf2)  }
0x20d: {  	v5 =	vbroadcast v5, $0xF  }
.Ltmp4:
0x20e: {  	(pc) =	sbr.rel @p0 .LBB2_10-.Ltmp4, $4  }
0x20f: {  	[tilespmem:v4+s31+$0x0] =	vst.idx.msk vm0, v5  }
0x210: {  	v4 =	vld [tilespmem:s25+$0xFFFFFF80]  }
0x211: {  	v5 =	vld [tilespmem:s6+$0xFFFFFF80]  }
0x212: {  	v6 =	vld [tilespmem:s25+$0xFFFFFF90]  }
0x213: {  	v7 =	vld [tilespmem:s4+$0xFFFFFF90]  }
0x214: {  	v8 =	vld [tilespmem:s4+$0xFFFFFFA0]  }
0x215: {  	v9 =	vld [tilespmem:s22+$0xFFFFFFA0]  }
0x216: {  	v10 =	vld [tilespmem:s4+$0xFFFFFFB0]  }
0x217: {  	v11 =	vld [tilespmem:s22+$0xFFFFFFB0]  }
0x218: {  	v4 =	vmul.f32 v5, v4;
	v5 =	vmul.f32 v7, v6;
	v6 =	vld [tilespmem:s4+$0xFFFFFFC0]  }
0x219: {  	v7 =	vld [tilespmem:s22+$0xFFFFFFC0]  }
0x21a: {  	v55 =	vld [tilespmem:s22+$0xFFFFFFD0];
	v4 =	vadd.f32 v5, v4;
	v5 =	vmul.f32 v8, v9  }
0x21b: {  	v8 =	vld [tilespmem:s4+$0xFFFFFFD0]  }
0x21c: {  	v56 =	vld [tilespmem:s4+$0xFFFFFFE0];
	v4 =	vadd.f32 v5, v4;
	v5 =	vmul.f32 v10, v11  }
0x21d: {  	v57 =	vld [tilespmem:s22+$0xFFFFFFE0]  }
0x21e: {  	v4 =	vadd.f32 v5, v4;
	v5 =	vmul.f32 v6, v7;
	v6 =	vld [tilespmem:s4+$0xFFFFFFF0]  }
0x21f: {  	v7 =	vld [tilespmem:s22+$0xFFFFFFF0]  }
0x220: {  	v4 =	vadd.f32 v5, v4;
	v5 =	vmul.f32 v8, v55;
	_ =	sdelay $0x1  }
0x221: {  	v4 =	vadd.f32 v5, v4;
	v5 =	vmul.f32 v56, v57;
	_ =	sdelay $0x1  }
0x222: {  	v4 =	vadd.f32 v5, v4;
	v5 =	vmul.f32 v6, v7;
	_ =	sdelay $0x1  }
0x223: {  	v4 =	vadd.f32 v5, v4;
	_ =	sdelay $0x1  }
0x224: {  	(xrf2) =	vadd.scan.msk.f32 $0xffff, v4;
	_ =	sdelay $0x4  }
0x225: {  	s5 =	sand.u32 $0xE, s21;
	v4 =	vmov s21  }
0x226: {  	v5 =	vmov s5;
	v4 =	vand.u32 $0xFFFFFFFE, v4  }
0x227: {  	vm0 =	veq.s32 v5, v0;
	v4 =	vbroadcast v4, $0x0;
	_ =	sdelay $0x2  }
0x228: {  	v5, _, _ =	vpop (xrf2)  }
0x229: {  	v5 =	vbroadcast v5, $0xF;
	_ =	sdelay $0x1  }
0x22a: {  	[tilespmem:v4+s31+$0x0] =	vst.idx.msk vm0, v5  }
0x22b: {  	v4 =	vld [tilespmem:s22+$0x0]  }
0x22c: {  	v5 =	vld [tilespmem:s4+$0x0]  }
0x22d: {  	v6 =	vld [tilespmem:s4+$0x10]  }
0x22e: {  	v7 =	vld [tilespmem:s22+$0x10]  }
0x22f: {  	v8 =	vld [tilespmem:s4+$0x20]  }
0x230: {  	v58 =	vld [tilespmem:s22+$0x20]  }
0x231: {  	v59 =	vld [tilespmem:s4+$0x30]  }
0x232: {  	v60 =	vld [tilespmem:s22+$0x30]  }
0x233: {  	v4 =	vmul.f32 v5, v4;
	v5 =	vmul.f32 v6, v7;
	v6 =	vld [tilespmem:s4+$0x40]  }
0x234: {  	v7 =	vld [tilespmem:s22+$0x40]  }
0x235: {  	v61 =	vld [tilespmem:s22+$0x50];
	v4 =	vadd.f32 v5, v4;
	v5 =	vmul.f32 v8, v58  }
0x236: {  	v8 =	vld [tilespmem:s4+$0x50]  }
0x237: {  	v62 =	vld [tilespmem:s4+$0x60];
	v4 =	vadd.f32 v5, v4;
	v5 =	vmul.f32 v59, v60  }
0x238: {  	v63 =	vld [tilespmem:s22+$0x60]  }
0x239: {  	v4 =	vadd.f32 v5, v4;
	v5 =	vmul.f32 v6, v7;
	v6 =	vld [tilespmem:s4+$0x70]  }
0x23a: {  	v7 =	vld [tilespmem:s22+$0x70]  }
0x23b: {  	v4 =	vadd.f32 v5, v4;
	v5 =	vmul.f32 v8, v61;
	_ =	sdelay $0x1  }
0x23c: {  	v4 =	vadd.f32 v5, v4;
	v5 =	vmul.f32 v62, v63;
	_ =	sdelay $0x1  }
0x23d: {  	v4 =	vadd.f32 v5, v4;
	v5 =	vmul.f32 v6, v7;
	_ =	sdelay $0x1  }
0x23e: {  	v4 =	vadd.f32 v5, v4;
	_ =	sdelay $0x1  }
0x23f: {  	(xrf2) =	vadd.scan.msk.f32 $0xffff, v4;
	_ =	sdelay $0x3  }
0x240: {  	s25 =	sadd.s32 $0x1, s21  }
0x241: {  	s30 =	sand.u32 $0xF, s25  }
0x242: {  	v4 =	vmov s30  }
0x243: {  	vm15 =	veq.s32 v4, v0  }
0x244: {  	v4 =	vmov s25;
	_ =	sdelay $0x1  }
0x245: {  	v5, _, _ =	vpop (xrf2)  }
0x246: {  	v5 =	vbroadcast v5, $0xF;
	_ =	sdelay $0x1  }
0x247: {  	[tilespmem:v4+s31+$0x0] =	vst.idx.msk vm15, v5  }
0x248: {  	_ =	swait.ge [sflag:s20], $0x8000  }
0x249: {  	[sflag:s20] =	ssyncset.done $0x0  }
0x24a: {  	s28 =	simm.s32 $0x80;
	[sflag:s20] =	ssyncadd.s32 $0xFFFF8000  }
0x24b: {  	s4 =	simm.s32 $0x8080;
	v4 =	vld [tilespmem:s28+$0xFFFFFF80]  }
0x24c: {  	s6 =	simm.s32 $0x8080;
	s5 =	simm.s32 $0x2;
	v6 =	vld [tilespmem:s4+$0xFFFFFF80]  }
0x24d: {  	s21 =	simm.s32 $0x0;
	s22 =	simm.s32 $0x0;
	s25 =	simm.s32 $0x80;
	v5 =	vld [tilespmem:s28+$0xFFFFFF90]  }
.LBB2_12:
0x24e: {  	p0 =	sne.s32 s5, $0xFE;
	v7 =	vld [tilespmem:s4+$0xFFFFFF90];
	s28 =	sadd.s32 $0x100, s28;
	s6 =	sadd.s32 $0x100, s6  }
0x24f: {  	s30 =	smov.u32 s5;
	s5 =	sadd.s32 $0x2, s5;
	v8 =	vld [tilespmem:s4+$0xFFFFFFA0]  }
0x250: {  	v9 =	vld [tilespmem:s25+$0xFFFFFFA0]  }
0x251: {  	v10 =	vld [tilespmem:s4+$0xFFFFFFB0]  }
0x252: {  	v4 =	vmul.f32 v6, v4;
	v6 =	vld [tilespmem:s25+$0xFFFFFFB0]  }
0x253: {  	v5 =	vmul.f32 v7, v5;
	v7 =	vld [tilespmem:s4+$0xFFFFFFC0]  }
0x254: {  	v11 =	vld [tilespmem:s25+$0xFFFFFFC0]  }
0x255: {  	v4 =	vadd.f32 v5, v4;
	v5 =	vmul.f32 v8, v9;
	v8 =	vld [tilespmem:s4+$0xFFFFFFD0]  }
0x256: {  	v9 =	vld [tilespmem:s25+$0xFFFFFFD0]  }
0x257: {  	v4 =	vadd.f32 v5, v4;
	v5 =	vmul.f32 v10, v6;
	v6 =	vld [tilespmem:s4+$0xFFFFFFE0]  }
0x258: {  	v10 =	vld [tilespmem:s25+$0xFFFFFFE0]  }
0x259: {  	v4 =	vadd.f32 v5, v4;
	v5 =	vmul.f32 v7, v11;
	v7 =	vld [tilespmem:s4+$0xFFFFFFF0]  }
0x25a: {  	v11 =	vld [tilespmem:s25+$0xFFFFFFF0]  }
0x25b: {  	v4 =	vadd.f32 v5, v4;
	v5 =	vmul.f32 v8, v9;
	_ =	sdelay $0x1  }
0x25c: {  	v4 =	vadd.f32 v5, v4;
	v5 =	vmul.f32 v6, v10;
	_ =	sdelay $0x1  }
0x25d: {  	v4 =	vadd.f32 v5, v4;
	v5 =	vmul.f32 v7, v11;
	_ =	sdelay $0x1  }
0x25e: {  	v4 =	vadd.f32 v5, v4;
	_ =	sdelay $0x1  }
0x25f: {  	(xrf2) =	vadd.scan.msk.f32 $0xffff, v4;
	_ =	sdelay $0x4  }
0x260: {  	s7 =	sand.u32 $0xE, s22;
	v4 =	vmov s22  }
0x261: {  	v5 =	vmov s7;
	v4 =	vand.u32 $0xFFFFFFFE, v4  }
0x262: {  	vm0 =	veq.s32 v5, v0;
	v4 =	vbroadcast v4, $0x0;
	_ =	sdelay $0x2  }
0x263: {  	v5, _, _ =	vpop (xrf2)  }
0x264: {  	v5 =	vbroadcast v5, $0xF;
	_ =	sdelay $0x1  }
0x265: {  	[tilespmem:v4+s0+$0x0] =	vst.idx.msk vm0, v5  }
0x266: {  	v4 =	vld [tilespmem:s25+$0x0]  }
0x267: {  	v5 =	vld [tilespmem:s4+$0x0]  }
0x268: {  	v6 =	vld [tilespmem:s4+$0x10]  }
0x269: {  	v7 =	vld [tilespmem:s25+$0x10]  }
0x26a: {  	v8 =	vld [tilespmem:s4+$0x20]  }
0x26b: {  	v9 =	vld [tilespmem:s25+$0x20]  }
0x26c: {  	v4 =	vmul.f32 v5, v4;
	v5 =	vld [tilespmem:s4+$0x30]  }
0x26d: {  	v10 =	vld [tilespmem:s25+$0x30]  }
0x26e: {  	v6 =	vmul.f32 v6, v7;
	v7 =	vld [tilespmem:s4+$0x40]  }
0x26f: {  	v11 =	vld [tilespmem:s25+$0x40]  }
0x270: {  	v4 =	vadd.f32 v6, v4;
	v6 =	vmul.f32 v8, v9;
	v8 =	vld [tilespmem:s4+$0x50]  }
0x271: {  	v9 =	vld [tilespmem:s25+$0x50]  }
0x272: {  	v4 =	vadd.f32 v6, v4;
	v5 =	vmul.f32 v5, v10;
	v6 =	vld [tilespmem:s4+$0x60]  }
0x273: {  	v10 =	vld [tilespmem:s25+$0x60]  }
0x274: {  	v4 =	vadd.f32 v5, v4;
	v5 =	vmul.f32 v7, v11;
	v7 =	vld [tilespmem:s4+$0x70];
	s4 =	smov.u32 s6  }
0x275: {  	v11 =	vld [tilespmem:s25+$0x70];
	s25 =	smov.u32 s28  }
0x276: {  	v4 =	vadd.f32 v5, v4;
	v5 =	vmul.f32 v8, v9;
	_ =	sdelay $0x1  }
0x277: {  	v4 =	vadd.f32 v5, v4;
	v5 =	vmul.f32 v6, v10;
	_ =	sdelay $0x1  }
0x278: {  	v4 =	vadd.f32 v5, v4;
	v5 =	vmul.f32 v7, v11;
	_ =	sdelay $0x1  }
0x279: {  	v4 =	vadd.f32 v5, v4;
	_ =	sdelay $0x1  }
0x27a: {  	(xrf2) =	vadd.scan.msk.f32 $0xffff, v4;
	_ =	sdelay $0x3  }
0x27b: {  	s7 =	sadd.s32 $0x1, s22;
	s22 =	smov.u32 s30  }
0x27c: {  	s30 =	sand.u32 $0xF, s7  }
0x27d: {  	v4 =	vmov s30  }
0x27e: {  	vm0 =	veq.s32 v4, v0  }
0x27f: {  	v4 =	vmov s7;
	_ =	sdelay $0x1  }
0x280: {  	v5, _, _ =	vpop (xrf2)  }
0x281: {  	v5 =	vbroadcast v5, $0xF  }
.Ltmp5:
0x282: {  	(pc) =	sbr.rel @p0 .LBB2_12-.Ltmp5, $4  }
0x283: {  	[tilespmem:v4+s0+$0x0] =	vst.idx.msk vm0, v5  }
0x284: {  	v4 =	vld [tilespmem:s28+$0xFFFFFF80]  }
0x285: {  	v6 =	vld [tilespmem:s6+$0xFFFFFF80]  }
0x286: {  	v5 =	vld [tilespmem:s28+$0xFFFFFF90]  }
0x287: {  	v7 =	vld [tilespmem:s4+$0xFFFFFF90]  }
0x288: {  	v8 =	vld [tilespmem:s4+$0xFFFFFFA0]  }
0x289: {  	v9 =	vld [tilespmem:s25+$0xFFFFFFA0]  }
0x28a: {  	v10 =	vld [tilespmem:s4+$0xFFFFFFB0]  }
0x28b: {  	v11 =	vld [tilespmem:s25+$0xFFFFFFB0]  }
0x28c: {  	v4 =	vmul.f32 v6, v4;
	v6 =	vld [tilespmem:s4+$0xFFFFFFC0];
	v5 =	vmul.f32 v7, v5  }
0x28d: {  	v7 =	vld [tilespmem:s25+$0xFFFFFFC0]  }
0x28e: {  	v4 =	vadd.f32 v5, v4;
	v5 =	vmul.f32 v8, v9;
	v8 =	vld [tilespmem:s4+$0xFFFFFFD0]  }
0x28f: {  	v9 =	vld [tilespmem:s25+$0xFFFFFFD0]  }
0x290: {  	v4 =	vadd.f32 v5, v4;
	v5 =	vmul.f32 v10, v11;
	v10 =	vld [tilespmem:s4+$0xFFFFFFE0]  }
0x291: {  	v11 =	vld [tilespmem:s25+$0xFFFFFFE0]  }
0x292: {  	v4 =	vadd.f32 v5, v4;
	v5 =	vmul.f32 v6, v7;
	v6 =	vld [tilespmem:s4+$0xFFFFFFF0]  }
0x293: {  	v7 =	vld [tilespmem:s25+$0xFFFFFFF0]  }
0x294: {  	v4 =	vadd.f32 v5, v4;
	v5 =	vmul.f32 v8, v9;
	_ =	sdelay $0x1  }
0x295: {  	v4 =	vadd.f32 v5, v4;
	v5 =	vmul.f32 v10, v11;
	_ =	sdelay $0x1  }
0x296: {  	v4 =	vadd.f32 v5, v4;
	v5 =	vmul.f32 v6, v7;
	_ =	sdelay $0x1  }
0x297: {  	v4 =	vadd.f32 v5, v4;
	_ =	sdelay $0x1  }
0x298: {  	(xrf2) =	vadd.scan.msk.f32 $0xffff, v4;
	_ =	sdelay $0x4  }
0x299: {  	s5 =	sand.u32 $0xE, s22;
	v4 =	vmov s22  }
0x29a: {  	v5 =	vmov s5;
	v4 =	vand.u32 $0xFFFFFFFE, v4  }
0x29b: {  	vm0 =	veq.s32 v5, v0;
	v4 =	vbroadcast v4, $0x0;
	_ =	sdelay $0x2  }
0x29c: {  	v5, _, _ =	vpop (xrf2)  }
0x29d: {  	v5 =	vbroadcast v5, $0xF;
	_ =	sdelay $0x1  }
0x29e: {  	[tilespmem:v4+s0+$0x0] =	vst.idx.msk vm0, v5  }
0x29f: {  	v4 =	vld [tilespmem:s25+$0x0]  }
0x2a0: {  	v5 =	vld [tilespmem:s4+$0x0]  }
0x2a1: {  	v6 =	vld [tilespmem:s4+$0x10]  }
0x2a2: {  	v7 =	vld [tilespmem:s25+$0x10]  }
0x2a3: {  	v8 =	vld [tilespmem:s4+$0x20]  }
0x2a4: {  	v9 =	vld [tilespmem:s25+$0x20]  }
0x2a5: {  	v10 =	vld [tilespmem:s4+$0x30]  }
0x2a6: {  	v11 =	vld [tilespmem:s25+$0x30]  }
0x2a7: {  	v4 =	vmul.f32 v5, v4;
	v5 =	vmul.f32 v6, v7;
	v6 =	vld [tilespmem:s4+$0x40]  }
0x2a8: {  	v7 =	vld [tilespmem:s25+$0x40]  }
0x2a9: {  	v4 =	vadd.f32 v5, v4;
	v5 =	vmul.f32 v8, v9;
	v8 =	vld [tilespmem:s4+$0x50]  }
0x2aa: {  	v9 =	vld [tilespmem:s25+$0x50]  }
0x2ab: {  	v4 =	vadd.f32 v5, v4;
	v5 =	vmul.f32 v10, v11;
	v10 =	vld [tilespmem:s4+$0x60]  }
0x2ac: {  	v11 =	vld [tilespmem:s25+$0x60]  }
0x2ad: {  	v4 =	vadd.f32 v5, v4;
	v5 =	vmul.f32 v6, v7;
	v6 =	vld [tilespmem:s4+$0x70]  }
0x2ae: {  	v7 =	vld [tilespmem:s25+$0x70]  }
0x2af: {  	v4 =	vadd.f32 v5, v4;
	v5 =	vmul.f32 v8, v9;
	_ =	sdelay $0x1  }
0x2b0: {  	v4 =	vadd.f32 v5, v4;
	v5 =	vmul.f32 v10, v11;
	_ =	sdelay $0x1  }
0x2b1: {  	v4 =	vadd.f32 v5, v4;
	v5 =	vmul.f32 v6, v7;
	_ =	sdelay $0x1  }
0x2b2: {  	v4 =	vadd.f32 v5, v4;
	_ =	sdelay $0x1  }
0x2b3: {  	(xrf2) =	vadd.scan.msk.f32 $0xffff, v4;
	_ =	sdelay $0x3  }
0x2b4: {  	s28 =	sadd.s32 $0x1, s22  }
0x2b5: {  	s30 =	sand.u32 $0xF, s28  }
0x2b6: {  	v4 =	vmov s30  }
0x2b7: {  	vm9 =	veq.s32 v4, v0  }
0x2b8: {  	v4 =	vmov s28;
	_ =	sdelay $0x1  }
0x2b9: {  	v5, _, _ =	vpop (xrf2)  }
0x2ba: {  	v5 =	vbroadcast v5, $0xF;
	_ =	sdelay $0x1  }
0x2bb: {  	s4 =	simm.s32 $0x0;
	[tilespmem:v4+s0+$0x0] =	vst.idx.msk vm9, v5  }
0x2bc: {  	v4 =	vld [tilespmem:s4+$0x19600]  }
0x2bd: {  	v5 =	vld [tilespmem:s4+$0x19700];
	_ =	sdelay $0x1  }
0x2be: {  	v6 =	vld [tilespmem:s4+$0x19800];
	_ =	sdelay $0x1  }
0x2bf: {  	v7 =	vld [tilespmem:s4+$0x19900]  }
0x2c0: {  	vm10 =	vgt.f32 v5, v4  }
0x2c1: {  	v8 =	vld [tilespmem:s4+$0x19A00];
	v4 =	vsel vm10, v5, v4  }
0x2c2: {  	vm1 =	vgt.f32 v6, v4  }
0x2c3: {  	v4 =	vsel vm1, v6, v4  }
0x2c4: {  	v5 =	vsel vm10, $0x1, v3;
	vm11 =	vgt.f32 v7, v4  }
0x2c5: {  	v5 =	vsel vm1, $0x2, v5;
	v6 =	vmov s21;
	v4 =	vsel vm11, v7, v4  }
0x2c6: {  	v6 =	vshll.u32 v6, $0x3;
	v5 =	vsel vm11, $0x3, v5;
	vm12 =	vgt.f32 v8, v4  }
0x2c7: {  	v6 =	vor.u32 v2, v6;
	v5 =	vsel vm12, $0x4, v5  }
0x2c8: {  	v5 =	vor.u32 v6, v5;
	_ =	sdelay $0x4  }
0x2c9: {  	v6 =	vld.idx.msk [tilespmem:v5+s16+$0x0], $0xffff;
	_ =	sdelay $0x2  }
0x2ca: {  	s5 =	simm.s32 $0x10  }
0x2cb: {  	v9 =	vld [tilespmem:s5+$0x19700]  }
0x2cc: {  	v7 =	vld [tilespmem:s5+$0x19600];
	v6 =	vsub.f32 $0.0e+00, v6;
	_ =	sdelay $0x1  }
0x2cd: {  	v10 =	vld [tilespmem:s5+$0x19800];
	v6 =	vmul.f32 v6, v1;
	_ =	sdelay $0x1  }
0x2ce: {  	v11 =	vld [tilespmem:s5+$0x19900];
	v6 =	vmul.f32 $1.442695020e+00, v6  }
0x2cf: {  	vm13 =	vgt.f32 v9, v7  }
0x2d0: {  	v7 =	vsel vm13, v9, v7;
	(erf) = vpow2.f32 v6;
	v6 =	vld [tilespmem:s5+$0x19A00]  }
0x2d1: {  	vm2 =	vgt.f32 v10, v7  }
0x2d2: {  	v7 =	vsel vm2, v10, v7  }
0x2d3: {  	vm14 =	vgt.f32 v11, v7  }
0x2d4: {  	v4 =	vsel vm12, v8, v4;
	v7 =	vsel vm14, v11, v7  }
0x2d5: {  	s6 =	simm.s32 $0x10;
	v8 =	vmul.f32 $5.000000000e-01, v4;
	v4 =	vsel vm13, $0x1, v3;
	vm15 =	vgt.f32 v6, v7  }
0x2d6: {  	v9 =	vmov s6;
	v4 =	vsel vm2, $0x2, v4;
	v7 =	vsel vm15, v6, v7;
	v6 =	vld.idx.msk [tilespmem:v5+s14+$0x0], $0xffff  }
0x2d7: {  	v9 =	vshll.u32 v9, $0x3;
	v4 =	vsel vm14, $0x3, v4  }
0x2d8: {  	v9 =	vor.u32 v2, v9;
	v4 =	vsel vm15, $0x4, v4  }
0x2d9: {  	v5 =	vor.u32 v9, v4;
	v4 =	vmul.f32 $5.000000000e-01, v7;
	v7 =	vadd.f32 $5.000000000e-01, v8  }
0x2da: {  	s21 =	simm.s32 $0x80;
	v8 =	vpop (erf)  }
.LBB2_14:
0x2db: {  	p0 =	sne.s32 s21, $0x3C0;
	v7 =	vmul.f32 v7, v8;
	[tilespmem:s4+$0x19B00] =	vst v6;
	s7 =	smov.u32 s21;
	s21 =	sadd.s32 $0x40, s21  }
0x2dc: {  	[tilespmem:s4+$0x19500] =	vst v6  }
0x2dd: {  	[tilespmem:s4+$0x19C00] =	vst v7;
	s4 =	smov.u32 s5  }
0x2de: {  	v6 =	vld.idx.msk [tilespmem:v5+s16+$0x0], $0xffff;
	_ =	sdelay $0x3  }
0x2df: {  	s5 =	sshra.s32 s7, $0x2  }
0x2e0: {  	v7 =	vld [tilespmem:s5+$0x19600]  }
0x2e1: {  	v6 =	vsub.f32 $0.0e+00, v6;
	v8 =	vld [tilespmem:s5+$0x19700]  }
0x2e2: {  	v9 =	vld [tilespmem:s5+$0x19800]  }
0x2e3: {  	v6 =	vmul.f32 v6, v1  }
0x2e4: {  	v10 =	vld [tilespmem:s5+$0x19900]  }
0x2e5: {  	v6 =	vmul.f32 $1.442695020e+00, v6  }
0x2e6: {  	vm0 =	vgt.f32 v8, v7;
	v11 =	vld [tilespmem:s5+$0x19A00]  }
0x2e7: {  	v7 =	vsel vm0, v8, v7;
	(erf) = vpow2.f32 v6  }
0x2e8: {  	vm1 =	vgt.f32 v9, v7  }
0x2e9: {  	s6 =	sadd.s32 $0x10, s6;
	v6 =	vsel vm0, $0x1, v3;
	v7 =	vsel vm1, v9, v7  }
0x2ea: {  	v8 =	vmov s6;
	v6 =	vsel vm1, $0x2, v6;
	vm0 =	vgt.f32 v10, v7  }
0x2eb: {  	v8 =	vshll.u32 v8, $0x3;
	v7 =	vsel vm0, v10, v7;
	v9 =	vsel vm0, $0x3, v6;
	v6 =	vld.idx.msk [tilespmem:v5+s14+$0x0], $0xffff  }
.Ltmp6:
0x2ec: {  	v5 =	vor.u32 v2, v8;
	vm0 =	vgt.f32 v11, v7;
	(pc) =	sbr.rel @p0 .LBB2_14-.Ltmp6, $4  }
0x2ed: {  	v7 =	vsel vm0, v11, v7;
	v8 =	vsel vm0, $0x4, v9  }
0x2ee: {  	v5 =	vor.u32 v5, v8;
	v9 =	vmul.f32 $5.000000000e-01, v7  }
0x2ef: {  	v7 =	vadd.f32 $5.000000000e-01, v4  }
0x2f0: {  	v8 =	vpop (erf);
	v4 =	vmov v9  }
0x2f1: {  	_ = 	snop  }
0x2f2: {  	v7 =	vmul.f32 v7, v8;
	[tilespmem:s4+$0x19B00] =	vst v6  }
0x2f3: {  	[tilespmem:s4+$0x19500] =	vst v6  }
0x2f4: {  	[tilespmem:s4+$0x19C00] =	vst v7  }
0x2f5: {  	v6 =	vld.idx.msk [tilespmem:v5+s16+$0x0], $0xffff;
	_ =	sdelay $0x4  }
0x2f6: {  	v6 =	vsub.f32 $0.0e+00, v6;
	_ =	sdelay $0x1  }
0x2f7: {  	v6 =	vmul.f32 v6, v1;
	_ =	sdelay $0x1  }
0x2f8: {  	v6 =	vmul.f32 $1.442695020e+00, v6;
	_ =	sdelay $0x1  }
0x2f9: {  	(erf) = vpow2.f32 v6;
	_ =	sdelay $0x4  }
0x2fa: {  	v5 =	vld.idx.msk [tilespmem:v5+s14+$0x0], $0xffff;
	_ =	sdelay $0x2  }
0x2fb: {  	v4 =	vadd.f32 $5.000000000e-01, v4  }
0x2fc: {  	v6 =	vpop (erf)  }
0x2fd: {  	[tilespmem:s5+$0x19B00] =	vst v5;
	v4 =	vmul.f32 v4, v6  }
0x2fe: {  	[tilespmem:s5+$0x19500] =	vst v5  }
0x2ff: {  	s21 =	rddreg [dreg:$0x5];
	s22 =	simm.s32 $0x19500;
	[tilespmem:s5+$0x19C00] =	vst v4  }
0x300: {  	[tilespmem:s1], [sflag:$0x1] =	stream.indirect.gather [hbm4b:s21+s17], $0x10, s22, s17, $0xb8;
	[tilespmem:$0x1CD00] =	vst v63  }
0x301: {  	_ =	swait.ge [sflag:s20], $0x1000  }
0x302: {  	[sflag:s20] =	ssyncset.done $0x0  }
0x303: {  	s25 =	simm.s32 $0x0;
	s30 =	simm.s32 $0x19D00;
	[sflag:s20] =	ssyncadd.s32 $0xFFFFF000  }
0x304: {  	[tilespmem:s30], [sflag:$0x3] =	stream.linear.gather [hbm4b:s8+s25], $0x1000, $0x38;
	[tilespmem:$0x1CD00] =	vst v63  }
0x305: {  	_ =	swait.ge [sflag:s15], $0x1000  }
0x306: {  	[sflag:s15] =	ssyncset.done $0x0  }
0x307: {  	s4 =	simm.s32 $0x0;
	[sflag:s15] =	ssyncadd.s32 $0xFFFFF000  }
0x308: {  	v4 =	vld [tilespmem:s4+$0x1AD00]  }
0x309: {  	s28 =	simm.s32 $0x19100;
	s5 =	simm.s32 $0x40;
	v5 =	vld [tilespmem:s4+$0x19D00]  }
.LBB2_16:
0x30a: {  	_ = 	snop  }
0x30b: {  	p0 =	sne.s32 s5, $0x3FC0  }
.Ltmp7:
0x30c: {  	_ = 	snop;
	(pc) =	sbr.rel @p0 .LBB2_16-.Ltmp7, $4  }
0x30d: {  	_ = 	snop  }
0x30e: {  	s6 =	sshra.s32 s5, $0x2;
	v6 =	vsub.f32 v4, v5  }
0x30f: {  	v4 =	vld [tilespmem:s6+$0x1AD00]  }
0x310: {  	s5 =	sadd.s32 $0x40, s5;
	v5 =	vld [tilespmem:s6+$0x19D00];
	[tilespmem:s4+$0x1BD00] =	vst v6;
	s4 =	smov.u32 s6  }
0x311: {  	_ =	sdelay $0x3  }
0x312: {  	v4 =	vsub.f32 v4, v5;
	_ =	sdelay $0x1  }
0x313: {  	s22 =	simm.s32 $0x19B00;
	[tilespmem:s4+$0x1BD00] =	vst v4  }
0x314: {  	[hbm4b:s9+s2] =	stream.linear.scatter [tilespmem:s22], [sflag:$0x3], $0x100, $0x38;
	[tilespmem:$0x1CD00] =	vst v63  }
0x315: {  	_ =	swait.ge [sflag:s15], $0x100  }
0x316: {  	[sflag:s15] =	ssyncset.done $0x0  }
0x317: {  	s25 =	simm.s32 $0x19C00;
	[sflag:s15] =	ssyncadd.s32 $0xFFFFFF00  }
0x318: {  	[hbm4b:s10+s2] =	stream.linear.scatter [tilespmem:s25], [sflag:$0x3], $0x100, $0x38;
	[tilespmem:$0x1CD00] =	vst v63  }
0x319: {  	_ =	swait.ge [sflag:s15], $0x100  }
0x31a: {  	[sflag:s15] =	ssyncset.done $0x0  }
0x31b: {  	[sflag:s15] =	ssyncadd.s32 $0xFFFFFF00  }
0x31c: {  	[hbm4b:s11+s2] =	stream.linear.scatter [tilespmem:s1], [sflag:$0x3], $0x1000, $0x38;
	[tilespmem:$0x1CD00] =	vst v63  }
0x31d: {  	s18 =	sadd.s32 $0x1, s18;
	_ =	swait.ge [sflag:s15], $0x1000  }
0x31e: {  	p0 =	sne.s32 s18, s13;
	[sflag:s15] =	ssyncset.done $0x0  }
.Ltmp8:
0x31f: {  	s30 =	simm.s32 $0x1BD00;
	[sflag:s15] =	ssyncadd.s32 $0xFFFFF000;
	(pc) =	sbr.rel @p0 .LBB2_1-.Ltmp8, $4  }
0x320: {  	[hbm4b:s12+s2] =	stream.linear.scatter [tilespmem:s30], [sflag:$0x3], $0x1000, $0x38;
	[tilespmem:$0x1CD00] =	vst v63  }
0x321: {  	_ =	swait.ge [sflag:s15], $0x1000  }
0x322: {  	[sflag:s15] =	ssyncset.done $0x0  }
0x323: {  	s7 =	simm.s32 $0x19000;
	[sflag:s15] =	ssyncadd.s32 $0xFFFFF000  }
0x324: {  	_ =	sfence.sel $0x180000  }
0x325: {  	[bflag:$0x0] =	sbarrier.arrive $0xFFFF  }
0x326: {  	_ =	strace $0x9000004A  }
0x327: {  	s0 =	stileid.u32;
	[bflag:$0x2] =	sbarrier.arrive $0xFFFF  }
0x328: {  	p0 =	sne.s32 s0, $0x0;
	s0 =	rddreg [dreg:$0x4]  }
0x329: {  	s0 =	sadd.s32 @!p0 $0x100000, s0  }
0x32a: {  	[sflag:s0] =	ssyncadd.tile.s32 @!p0 $0x1;
	_ =	shalt  }
.Lfunc_end2:
_tile_overlayer_lowered:
.L_overlay_start_2:
0x32b: {  	(tag) =	ssettag $0x2  }
0x32c: {  	s0 =	rddreg [dreg:$0x0];
	s2 =	stileid.u32  }
0x32d: {  	s1 =	rddreg [dreg:$0x1];
	p0 =	sne.s32 s2, $0x0  }
0x32e: {  	s3 =	rddreg [dreg:$0x2];
	[bflag:$0x3] =	sbarrier.arrive $0xFFFF;
	s2 =	simm.s32 @!p0 $0x1C03  }
0x32f: {  	[timem:s3], [sflag:s2] =	dma.local @!p0 [hbm:s0], s1  }
0x330: {  	s0 =	simm.s32 @!p0 $0x3  }
0x331: {  	_ =	swait.ge @!p0 [sflag:s0], s1  }
0x332: {  	s1 =	ssub.s32 @!p0 $0x0, s1;
	[sflag:s0] =	ssyncset.done @!p0 $0x0  }
0x333: {  	[sflag:s0] =	ssyncadd.s32 @!p0 s1  }
0x334: {  	[bflag:$0x3] =	sbarrier.arrive $0xFFFF  }
0x335: {  	_ =	shalt  }

// kernel: kernel.8.cloned.1.call-start
scs
__scs_entry_jumppad:
0x0: {  	(pc) =	sbr.rel $0x88, $3  }
0x1: {  	(tag) =	ssettag $0x0;
	lr =	simm.s32 $0x1  }
0x2: {  	[smem:$0x3F99] =	sst lr;
	_ =	strace $0xD0000000  }
0x3: {  	_ = 	snop  }
0x4: {  	_ = 	snop  }
0x5: {  	_ = 	snop  }
0x6: {  	_ = 	snop  }
0x7: {  	_ = 	snop  }
__scs_overlays_trampoline_lowered:
0x8: {  	[smem:$0x3FA8] =	sst s0  }
0x9: {  	[smem:$0x3FA9] =	sst s1  }
0xa: {  	[smem:$0x3FAA] =	sst s2  }
0xb: {  	[smem:$0x3FAB] =	sst s3  }
0xc: {  	[smem:$0x3FAC] =	sst s4  }
0xd: {  	[smem:$0x3FAD] =	sst s5  }
0xe: {  	[smem:$0x3FAE] =	sst s6  }
0xf: {  	[smem:$0x3FAF] =	sst s7  }
0x10: {  	[smem:$0x3FB0] =	sst s8  }
0x11: {  	[smem:$0x3FB1] =	sst s9;
	s0 =	simm.s32 @!p0 $0x0  }
0x12: {  	s1 =	sld [smem:$0x3F97];
	s0 =	simm.s32 @p0 $0x1  }
0x13: {  	[smem:$0x3FB2] =	sst s0;
	s0 =	simm.s32 @!p1 $0x0  }
0x14: {  	s2 =	sld [smem:$0x3F96];
	s0 =	simm.s32 @p1 $0x1  }
0x15: {  	[smem:$0x3FB3] =	sst s0;
	s0 =	simm.s32 @!p2 $0x0  }
0x16: {  	s3 =	sld [smem:$0x3FDB];
	s0 =	simm.s32 @p2 $0x1  }
0x17: {  	s4 =	simm.s32 $0x1BF5;
	[smem:$0x3FB5] =	sst s0  }
0x18: {  	s0 =	sld [smem:$0x3F98];
	_ =	swait.ge [sflag:s4], $0x0  }
0x19: {  	s7 =	sld [smem:$0x3F99]  }
0x1a: {  	s8 =	sadd.s32 $0xFFFFE003, lr  }
0x1b: {  	s9 =	sadd.s32 $0xFFFFFEF7, lr;
	s5 =	simm.s32 $0xFFFFFFFF;
	p2 =	slt.u32 s8, $0xFFFFF086  }
0x1c: {  	p1 =	slt.u32 s9, $0xF7A;
	s5 =	simm.s32 @!p2 $0x0  }
0x1d: {  	s5 =	simm.s32 @p1 $0x1;
	p0 =	seq.s32 s7, s2  }
0x1e: {  	s7 =	smul.u32 @!p0 $0xF7A, s2;
	p2 =	seq.s32 @!p0 s5, $0x0  }
0x1f: {  	s9 =	smul.u32 $0xF7A, s1;
	s8 =	simm.s32 @!p0 $0x1BF5;
	p2 =	por !p2, p0  }
0x20: {  	[sflag:s8] =	ssyncset.s32 @!p0 $0xFFFFF086;
	s6 =	sadd.s32 @!p0 s3, s7;
	s7 =	simm.s32 @!p0 $0x108  }
0x21: {  	s3 =	sadd.s32 s3, s9;
	s6 =	sadd.s32 @!p0 $0x88, s6;
	s7 =	simm.s32 @p2 $0x1082  }
0x22: {  	[simem:s7], [sflag:s8] =	dma.local @!p0 [hbm:s6], $0xF7A  }
0x23: {  	s9 =	sor.u32 $0xD0000000, s2;
	s6 =	simm.s32 $0x108;
	_ =	swait.ge @!p0 [sflag:s8], $0x0  }
0x24: {  	s3 =	sadd.s32 $0x88, s3;
	s6 =	simm.s32 @!p1 $0x1082;
	[sflag:s4] =	ssyncset.s32 $0xFFFFF086  }
0x25: {  	[simem:s6], [sflag:s4] =	dma.local [hbm:s3], $0xF7A  }
0x26: {  	[smem:$0x3F99] =	sst s1;
	(tag) =	ssettag s2;
	_ =	strace s9  }
0x27: {  	s1 =	sld [smem:$0x3FA9]  }
0x28: {  	s2 =	sld [smem:$0x3FAA]  }
0x29: {  	s4 =	sld [smem:$0x3FAC]  }
0x2a: {  	p0 =	seq.s32 s5, $0x0;
	s5 =	sld [smem:$0x3FAD]  }
0x2b: {  	s6 =	sld [smem:$0x3FAE]  }
0x2c: {  	s7 =	sld [smem:$0x3FAF]  }
0x2d: {  	s3 =	simm.s32 $0x108;
	s8 =	sld [smem:$0x3FB0]  }
0x2e: {  	s3 =	simm.s32 @!p0 $0x1082;
	s9 =	sld [smem:$0x3FB1]  }
0x2f: {  	lr =	sadd.s32 s0, s3;
	s0 =	sld [smem:$0x3FA8]  }
0x30: {  	s3 =	sld [smem:$0x3FAB]  }
0x31: {  	[smem:$0x3FB4] =	sst s10  }
0x32: {  	s10 =	sld [smem:$0x3FB2];
	_ =	sdelay $0x3  }
0x33: {  	p0 =	seq.s32 s10, $0x1;
	s10 =	sld [smem:$0x3FB4];
	_ =	sdelay $0x3  }
0x34: {  	[smem:$0x3FB4] =	sst s10  }
0x35: {  	s10 =	sld [smem:$0x3FB3];
	_ =	sdelay $0x3  }
0x36: {  	p1 =	seq.s32 s10, $0x1;
	s10 =	sld [smem:$0x3FB4];
	_ =	sdelay $0x3  }
0x37: {  	[smem:$0x3FB4] =	sst s10  }
0x38: {  	s10 =	sld [smem:$0x3FB5]  }
0x39: {  	_ = 	snop;
	(pc) =	sbr.ind lr, $3  }
0x3a: {  	_ = 	snop  }
0x3b: {  	_ = 	snop  }
0x3c: {  	p2 =	seq.s32 s10, $0x1;
	s10 =	sld [smem:$0x3FB4]  }
0x3d: {  	_ =	shalt  }
0x3e: {  	_ =	shalt  }
0x3f: {  	_ =	shalt  }
0x40: {  	_ =	shalt  }
0x41: {  	_ =	shalt  }
0x42: {  	_ =	shalt  }
0x43: {  	_ =	shalt  }
0x44: {  	_ =	shalt  }
0x45: {  	_ =	shalt  }
0x46: {  	_ =	shalt  }
0x47: {  	_ =	shalt  }
0x48: {  	_ =	shalt  }
0x49: {  	_ =	shalt  }
0x4a: {  	_ =	shalt  }
0x4b: {  	_ =	shalt  }
0x4c: {  	_ =	shalt  }
0x4d: {  	_ =	shalt  }
0x4e: {  	_ =	shalt  }
0x4f: {  	_ =	shalt  }
0x50: {  	_ =	shalt  }
0x51: {  	_ =	shalt  }
0x52: {  	_ =	shalt  }
0x53: {  	_ =	shalt  }
0x54: {  	_ =	shalt  }
0x55: {  	_ =	shalt  }
0x56: {  	_ =	shalt  }
0x57: {  	_ =	shalt  }
0x58: {  	_ =	shalt  }
0x59: {  	_ =	shalt  }
0x5a: {  	_ =	shalt  }
0x5b: {  	_ =	shalt  }
0x5c: {  	_ =	shalt  }
0x5d: {  	_ =	shalt  }
0x5e: {  	_ =	shalt  }
0x5f: {  	_ =	shalt  }
0x60: {  	_ =	shalt  }
0x61: {  	_ =	shalt  }
0x62: {  	_ =	shalt  }
0x63: {  	_ =	shalt  }
0x64: {  	_ =	shalt  }
0x65: {  	_ =	shalt  }
0x66: {  	_ =	shalt  }
0x67: {  	_ =	shalt  }
0x68: {  	_ =	shalt  }
0x69: {  	_ =	shalt  }
0x6a: {  	_ =	shalt  }
0x6b: {  	_ =	shalt  }
0x6c: {  	_ =	shalt  }
0x6d: {  	_ =	shalt  }
0x6e: {  	_ =	shalt  }
0x6f: {  	_ =	shalt  }
0x70: {  	_ =	shalt  }
0x71: {  	_ =	shalt  }
0x72: {  	_ =	shalt  }
0x73: {  	_ =	shalt  }
0x74: {  	_ =	shalt  }
0x75: {  	_ =	shalt  }
0x76: {  	_ =	shalt  }
0x77: {  	_ =	shalt  }
0x78: {  	_ =	shalt  }
0x79: {  	_ =	shalt  }
0x7a: {  	_ =	shalt  }
0x7b: {  	_ =	shalt  }
0x7c: {  	_ =	shalt  }
0x7d: {  	_ =	shalt  }
0x7e: {  	_ =	shalt  }
0x7f: {  	_ =	shalt  }
0x80: {  	_ =	shalt  }
0x81: {  	_ =	shalt  }
0x82: {  	_ =	shalt  }
0x83: {  	_ =	shalt  }
0x84: {  	_ =	shalt  }
0x85: {  	_ =	shalt  }
0x86: {  	_ =	shalt  }
0x87: {  	_ =	shalt  }
.Lfunc_end0:
.L_simem_size_0:
called_computation_lowered:
.L_overlay_start_0:
0x88: {  	s2 =	sld [smem:$0x3FD9]  }
0x89: {  	s3 =	sld [smem:$0x3FFE];
	_ =	sdelay $0x1  }
0x8a: {  	s1 =	srdreg.scid  }
0x8b: {  	s0 =	sand.u32 $0x1, s1  }
0x8c: {  	s14 =	sshll.u32 s0, $0xA;
	s2 =	sadd.s32 s3, s2  }
0x8d: {  	s2 =	sadd.s32 s2, s14  }
0x8e: {  	[smem:$0x3FC0] =	sst s2  }
0x8f: {  	_ = 	snop  }
0x90: {  	s2 =	sld [smem:$0x3FD0];
	_ =	sdelay $0x2  }
0x91: {  	s15 =	simm.s32 $0xB;
	s4 =	simm.s32 $0x10  }
0x92: {  	[smem:s4], [sflag:s15] =	dma.local [hbm:s2], $0x1  }
0x93: {  	_ =	swait.eq [sflag:s15], $0x1  }
0x94: {  	[sflag:s15] =	ssyncset.done $0x0  }
0x95: {  	[sflag:s15] =	ssyncadd.s32 $0xFFFFFFFF  }
0x96: {  	s16 =	sld [smem:$0x11];
	(tm) =	ssettm $0x1  }
0x97: {  	s17 =	sld [smem:$0x3FFB];
	_ =	sdelay $0x3  }
0x98: {  	_ =	strace s17  }
0x99: {  	s3 =	sld [smem:$0x3FFC];
	_ =	sdelay $0x3  }
0x9a: {  	_ =	strace s3  }
0x9b: {  	s3 =	sld [smem:$0x3FFD];
	_ =	sdelay $0x3  }
0x9c: {  	_ =	strace s3  }
0x9d: {  	_ =	strace $0x8FFFFFFF  }
0x9e: {  	s18 =	sld [smem:$0x3FDB];
	_ =	sdelay $0x1  }
0x9f: {  	s19 =	simm.s32 $_scs_section_size  }
0xa0: {  	s5 =	simm.s32 $_size__tile_overlayer_lowered;
	s6 =	simm.s32 $_tile_overlayer_lowered  }
0xa1: {  	s22 =	simm.s32 $0x1BFF;
	s21 =	sshll.u32 s6, $0x1;
	s3 =	sadd.s32 s19, s18  }
0xa2: {  	s7 =	simm.s32 $0x0;
	s20 =	sshll.u32 s5, $0x1;
	s5 =	sadd.s32 s21, s3  }
0xa3: {  	[timem:s7], [sflag:s22] =	dma.local [hbm:s5], s20  }
0xa4: {  	_ =	swait.ge [sflag:s22], s20  }
0xa5: {  	s4 =	ssub.s32 $0x0, s20;
	[sflag:s22] =	ssyncset.done $0x0  }
0xa6: {  	[sflag:s22] =	ssyncadd.s32 s4;
	_ =	sdelay $0x1  }
0xa7: {  	s23 =	simm.s32 $0x1B8B  }
0xa8: {  	_ =	swait.ge [sflag:s23], $0x1  }
0xa9: {  	[sflag:s23] =	ssyncset.done $0x0  }
0xaa: {  	s25 =	simm.s32 $0x1B8E;
	s24 =	sld [smem:$0x3FFE];
	[sflag:s23] =	ssyncadd.s32 $0xFFFFFFFF  }
0xab: {  	s26 =	simm.s32 $execute0_lowered;
	[smem:$0x3FD2] =	sst s25  }
0xac: {  	s5 =	sshll.u32 s26, $0x1;
	_ =	strace $0x80000046;
	[dreg:$0x1] =	wrdreg $0xFFFFFFFF  }
0xad: {  	s28 =	simm.s32 $_size_execute0_lowered;
	s3 =	sadd.s32 s3, s5;
	[dreg:$0x0] =	wrdreg $0x0  }
0xae: {  	s5 =	sshll.u32 s28, $0x1;
	[dreg:$0x2] =	wrdreg s3  }
0xaf: {  	[dreg:$0x3] =	wrdreg s5  }
0xb0: {  	[dreg:$0x4] =	wrdreg $0xC0  }
0xb1: {  	_ =	task [dreg:s7], $0x5FFFF  }
0xb2: {  	[dreg:$0x1] =	wrdreg $0xFFFFFFFF  }
0xb3: {  	[dreg:$0x0] =	wrdreg $0x60  }
0xb4: {  	[dreg:$0x2] =	wrdreg s24  }
0xb5: {  	[dreg:$0x3] =	wrdreg s16  }
0xb6: {  	[dreg:$0x4] =	wrdreg $0x9  }
0xb7: {  	_ =	task.clear_ibuf [dreg:s7], $0x5FFFF;
	_ =	strace $0x90000046  }
0xb8: {  	s29 =	simm.s32 $0x9;
	_ =	strace $0x80000048  }
0xb9: {  	_ =	swait.ge [sflag:s29], $0x1  }
0xba: {  	[sflag:s29] =	ssyncadd.s32 $0xFFFFFFFF  }
0xbb: {  	_ =	strace $0x90000048  }
0xbc: {  	_ =	sfence  }
0xbd: {  	s30 =	sld [smem:$0x0];
	_ =	sdelay $0x2  }
0xbe: {  	s31 =	sshll.u32 s1, $0xD;
	s1 =	sshrl.u32 s1, $0x2  }
0xbf: {  	s3 =	sand.u32 $0x4000, s31;
	s1 =	sadd.s32 s1, s30  }
0xc0: {  	s0 =	sor.u32 s3, s0;
	s1 =	sshll.u32 s1, $0x11  }
0xc1: {  	s0 =	sor.u32 s1, s0  }
0xc2: {  	s0 =	sadd.s32 $0x8F2B, s0  }
0xc3: {  	[sflag:s0] =	ssyncadd.remote.s32 $0x1  }
0xc4: {  	_ =	sfence.sel $0xFFFF  }
0xc5: {  	[dreg:$0x0] =	wrdreg $0xFFFFFFFF;
	(pc) =	sbr.abs _section_cstart, $3  }
0xc6: {  	[dreg:$0x1] =	wrdreg $0xFFFFFFFF  }
0xc7: {  	_ =	task.clear_ibuf [dreg:s7], $0x2FFFF;
	_ =	strace $0x9FFFFFFF  }
0xc8: {  	(tm) =	ssettm $0x7FFFFFFF  }
0xc9: {  	_ =	shalt  }
tec
execute0_lowered:
.L_overlay_start_1:
0x0: {  	(tag) =	ssettag $0x1  }
0x1: {  	s0 =	rddreg [dreg:$0x0]  }
0x2: {  	s1 =	rddreg [dreg:$0x1]  }
0x3: {  	s3 =	srdreg.scid;
	s5 =	stileid.u32  }
0x4: {  	s2 =	simm.s32 $0x0;
	s14 =	simm.s32 $0x18000;
	s15 =	simm.s32 $0x3  }
0x5: {  	s16 =	simm.s32 $0x18800;
	s17 =	simm.s32 $0x100;
	s19 =	simm.s32 $0x8000  }
0x6: {  	s20 =	simm.s32 $0x1;
	s28 =	simm.s32 $0x19100;
	s29 =	simm.s32 $0x19800  }
0x7: {  	s31 =	simm.s32 $0x19900;
	s18 =	simm.s32 $0x0;
	s4 =	sand.u32 $0x1, s3  }
0x8: {  	s23 =	sshll.u32 s5, $0x1;
	[smem:$0x7FF] =	sst s2;
	s8 =	sadd.s32 $0xE3C00, s0  }
0x9: {  	v0 =	vimm.f32 $1.000000010e-01;
	s5 =	sor.u32 s4, s23;
	_ =	strace $0x80000047;
	[dreg:$0x3] =	wrdreg s8  }
0xa: {  	s4 =	ssub.s32 $0x2, s4;
	s23 =	simm.s32 $0x19600;
	s3 =	sshll.u32 s5, $0xC;
	(erf) = vrcp.f32 v0  }
0xb: {  	s6 =	sshll.u32 s5, $0x8;
	s9 =	sshll.u32 s5, $0x5;
	s5 =	sshll.u32 s5, $0x9  }
0xc: {  	s24 =	sshrl.u32 s4, $0x1;
	s7 =	sadd.s32 s3, s0;
	s3 =	sadd.s32 $0x83C00, s0  }
0xd: {  	s6 =	sadd.s32 s6, s0;
	s10 =	sadd.s32 s9, s0;
	s0 =	sadd.s32 s5, s0  }
0xe: {  	s4 =	ssub.s32 s4, s24;
	s9 =	sadd.s32 s1, s9;
	s24 =	simm.s32 $0x2  }
0xf: {  	s1 =	simm.s32 $0x1AD00;
	s25 =	sadd.s32 $0x7C00, s6;
	s26 =	sadd.s32 $0x9C00, s6  }
0x10: {  	s30 =	sadd.s32 $0x43C00, s7;
	s8 =	sadd.s32 $0x3C00, s0;
	s10 =	sadd.s32 $0x13C00, s10  }
0x11: {  	s11 =	sadd.s32 $0xBC00, s0;
	s12 =	sadd.s32 $0xFC00, s0;
	[dreg:$0x4] =	wrdreg s25  }
0x12: {  	v0 =	vlaneseq.u32;
	s13 =	smax.u32 s4, $0x1;
	s7 =	simm.s32 $0x19000;
	[dreg:$0x5] =	wrdreg s26  }
0x13: {  	v3 =	vimm.s32 $0x0;
	v2 =	vmul.u32 $0x8, v0;
	s0 =	simm.s32 $0x19A00;
	[dreg:$0x6] =	wrdreg s30;
	s26 =	simm.s32 $0x19700;
	v1 =	vpop (erf)  }
.LBB2_1:
0x14: {  	s4 =	rddreg [dreg:$0x4]  }
0x15: {  	[tilespmem:s14], [sflag:$0x3] =	stream.linear.gather [hbm4b:s4+s2], $0x800, $0x38;
	[tilespmem:$0x1CD00] =	vst v63  }
0x16: {  	_ =	swait.ge [sflag:s15], $0x800  }
0x17: {  	[sflag:s15] =	ssyncset.done $0x0  }
0x18: {  	s6 =	rddreg [dreg:$0x5];
	[sflag:s15] =	ssyncadd.s32 $0xFFFFF800  }
0x19: {  	[tilespmem:s16], [sflag:$0x3] =	stream.linear.gather [hbm4b:s6+s2], $0x800, $0x38;
	[tilespmem:$0x1CD00] =	vst v63  }
0x1a: {  	v4 =	vmov s2;
	_ =	swait.ge [sflag:s15], $0x800  }
0x1b: {  	v4 =	vshll.u32 v4, $0x3;
	[sflag:s15] =	ssyncset.done $0x0  }
0x1c: {  	v4 =	vor.u32 v2, v4;
	s21 =	rddreg [dreg:$0x6];
	[sflag:s15] =	ssyncadd.s32 $0xFFFFF800  }
0x1d: {  	[tilespmem:s2], [sflag:$0x3] =	stream.linear.gather [hbm4b:s21+s2], $0x8000, $0x38;
	[tilespmem:$0x1CD00] =	vst v63  }
0x1e: {  	_ =	swait.ge [sflag:s15], $0x8000  }
0x1f: {  	[sflag:s15] =	ssyncset.done $0x0  }
0x20: {  	[sflag:s15] =	ssyncadd.s32 $0xFFFF8000  }
0x21: {  	v5 =	vld.idx.msk [tilespmem:v4+s14+$0x0], $0xffff  }
0x22: {  	v6 =	vor.u32 $0x1, v4;
	_ =	sdelay $0x3  }
0x23: {  	[tilespmem:s7+$0x0] =	vst v5  }
0x24: {  	v5 =	vld.idx.msk [tilespmem:v6+s14+$0x0], $0xffff  }
0x25: {  	v6 =	vor.u32 $0x2, v4;
	_ =	sdelay $0x3  }
0x26: {  	[tilespmem:s28+$0x0] =	vst v5  }
0x27: {  	v5 =	vld.idx.msk [tilespmem:v6+s14+$0x0], $0xffff  }
0x28: {  	v6 =	vor.u32 $0x3, v4;
	_ =	sdelay $0x2  }
0x29: {  	s22 =	simm.s32 $0x19200  }
0x2a: {  	[tilespmem:s22+$0x0] =	vst v5  }
0x2b: {  	v5 =	vld.idx.msk [tilespmem:v6+s14+$0x0], $0xffff  }
0x2c: {  	v4 =	vor.u32 $0x4, v4;
	_ =	sdelay $0x2  }
0x2d: {  	s25 =	simm.s32 $0x10;
	s5 =	simm.s32 $0x19300  }
0x2e: {  	[tilespmem:s5+$0x0] =	vst v5;
	v5 =	vmov s25  }
0x2f: {  	v4 =	vld.idx.msk [tilespmem:v4+s14+$0x0], $0xffff;
	v5 =	vshll.u32 v5, $0x3  }
0x30: {  	v5 =	vor.u32 v2, v5;
	_ =	sdelay $0x2  }
0x31: {  	s30 =	simm.s32 $0x19400  }
0x32: {  	[tilespmem:s30+$0x0] =	vst v4  }
0x33: {  	v4 =	vld.idx.msk [tilespmem:v5+s14+$0x0], $0xffff  }
0x34: {  	v6 =	vor.u32 $0x1, v5;
	_ =	sdelay $0x2  }
0x35: {  	s4 =	simm.s32 $0x19010  }
0x36: {  	[tilespmem:s4+$0x0] =	vst v4  }
0x37: {  	v4 =	vld.idx.msk [tilespmem:v6+s14+$0x0], $0xffff  }
0x38: {  	v6 =	vor.u32 $0x2, v5;
	_ =	sdelay $0x2  }
0x39: {  	s5 =	simm.s32 $0x19110  }
0x3a: {  	[tilespmem:s5+$0x0] =	vst v4  }
0x3b: {  	v4 =	vld.idx.msk [tilespmem:v6+s14+$0x0], $0xffff  }
0x3c: {  	v6 =	vor.u32 $0x3, v5;
	_ =	sdelay $0x2  }
0x3d: {  	s6 =	simm.s32 $0x19210  }
0x3e: {  	[tilespmem:s6+$0x0] =	vst v4  }
0x3f: {  	v4 =	vld.idx.msk [tilespmem:v6+s14+$0x0], $0xffff  }
0x40: {  	v6 =	vor.u32 $0x4, v5;
	_ =	sdelay $0x2  }
0x41: {  	s21 =	simm.s32 $0x19310  }
0x42: {  	s22 =	simm.s32 $0x20;
	[tilespmem:s21+$0x0] =	vst v4  }
0x43: {  	s25 =	simm.s32 $0x30;
	v5 =	vmov s22;
	s22 =	simm.s32 $0x19400;
	v4 =	vld.idx.msk [tilespmem:v6+s14+$0x0], $0xffff  }
.LBB2_2:
0x44: {  	p0 =	sne.s32 s25, $0xF0;
	v5 =	vshll.u32 v5, $0x3  }
0x45: {  	v5 =	vor.u32 v2, v5;
	_ =	sdelay $0x2  }
0x46: {  	s22 =	sadd.s32 $0x10, s22  }
0x47: {  	[tilespmem:s22+$0x0] =	vst v4  }
0x48: {  	v4 =	vld.idx.msk [tilespmem:v5+s14+$0x0], $0xffff;
	_ =	sdelay $0x1  }
0x49: {  	v6 =	vor.u32 $0x1, v5;
	_ =	sdelay $0x2  }
0x4a: {  	s4 =	sadd.s32 $0x10, s4  }
0x4b: {  	[tilespmem:s4+$0x0] =	vst v4  }
0x4c: {  	v4 =	vld.idx.msk [tilespmem:v6+s14+$0x0], $0xffff;
	_ =	sdelay $0x1  }
0x4d: {  	v6 =	vor.u32 $0x2, v5;
	_ =	sdelay $0x2  }
0x4e: {  	s5 =	sadd.s32 $0x10, s5  }
0x4f: {  	[tilespmem:s5+$0x0] =	vst v4  }
0x50: {  	v4 =	vld.idx.msk [tilespmem:v6+s14+$0x0], $0xffff;
	_ =	sdelay $0x1  }
0x51: {  	v6 =	vor.u32 $0x3, v5;
	_ =	sdelay $0x2  }
0x52: {  	s6 =	sadd.s32 $0x10, s6  }
0x53: {  	[tilespmem:s6+$0x0] =	vst v4  }
0x54: {  	v4 =	vld.idx.msk [tilespmem:v6+s14+$0x0], $0xffff;
	_ =	sdelay $0x1  }
0x55: {  	v6 =	vor.u32 $0x4, v5  }
.Ltmp0:
0x56: {  	(pc) =	sbr.rel @p0 .LBB2_2-.Ltmp0, $4  }
0x57: {  	_ = 	snop  }
0x58: {  	s21 =	sadd.s32 $0x10, s21  }
0x59: {  	[tilespmem:s21+$0x0] =	vst v4  }
0x5a: {  	v5 =	vmov s25;
	s25 =	sadd.s32 $0x10, s25;
	v4 =	vld.idx.msk [tilespmem:v6+s14+$0x0], $0xffff  }
0x5b: {  	v5 =	vshll.u32 v5, $0x3  }
0x5c: {  	v5 =	vor.u32 v2, v5;
	_ =	sdelay $0x2  }
0x5d: {  	s22 =	sadd.s32 $0x10, s22  }
0x5e: {  	[tilespmem:s22+$0x0] =	vst v4  }
0x5f: {  	v4 =	vld.idx.msk [tilespmem:v5+s14+$0x0], $0xffff  }
0x60: {  	v6 =	vor.u32 $0x1, v5;
	_ =	sdelay $0x2  }
0x61: {  	s4 =	sadd.s32 $0x10, s4  }
0x62: {  	[tilespmem:s4+$0x0] =	vst v4  }
0x63: {  	v4 =	vld.idx.msk [tilespmem:v6+s14+$0x0], $0xffff  }
0x64: {  	v6 =	vor.u32 $0x2, v5;
	_ =	sdelay $0x2  }
0x65: {  	s5 =	sadd.s32 $0x10, s5  }
0x66: {  	[tilespmem:s5+$0x0] =	vst v4  }
0x67: {  	v4 =	vld.idx.msk [tilespmem:v6+s14+$0x0], $0xffff  }
0x68: {  	v6 =	vor.u32 $0x3, v5;
	_ =	sdelay $0x2  }
0x69: {  	s6 =	sadd.s32 $0x10, s6  }
0x6a: {  	[tilespmem:s6+$0x0] =	vst v4  }
0x6b: {  	v4 =	vld.idx.msk [tilespmem:v6+s14+$0x0], $0xffff  }
0x6c: {  	v5 =	vor.u32 $0x4, v5;
	_ =	sdelay $0x2  }
0x6d: {  	s21 =	sadd.s32 $0x10, s21  }
0x6e: {  	[tilespmem:s21+$0x0] =	vst v4  }
0x6f: {  	v4 =	vld.idx.msk [tilespmem:v5+s14+$0x0], $0xffff;
	_ =	sdelay $0x3  }
0x70: {  	s25 =	sadd.s32 $0x10, s22  }
0x71: {  	[tilespmem:s25+$0x0] =	vst v4  }
0x72: {  	[tilespmem:s19], [sflag:$0x1] =	stream.indirect.gather [hbm4b:s3+s17], $0x80, s7, s17, $0xb8;
	[tilespmem:$0x1CD00] =	vst v63  }
0x73: {  	_ =	swait.ge [sflag:s20], $0x8000  }
0x74: {  	[sflag:s20] =	ssyncset.done $0x0  }
0x75: {  	s30 =	simm.s32 $0x10000;
	s25 =	simm.s32 $0x80;
	[sflag:s20] =	ssyncadd.s32 $0xFFFF8000  }
0x76: {  	[tilespmem:s30], [sflag:$0x2] =	stream.indirect.gather [hbm4b:s3+s17], $0x80, s28, s17, $0xb8;
	[tilespmem:$0x1CD00] =	vst v63  }
0x77: {  	s21 =	simm.s32 $0x8080;
	v4 =	vld [tilespmem:s25+$0xFFFFFF80]  }
0x78: {  	s22 =	simm.s32 $0x80;
	v5 =	vld [tilespmem:s21+$0xFFFFFF80]  }
0x79: {  	s4 =	simm.s32 $0x0;
	s5 =	simm.s32 $0x2;
	s28 =	simm.s32 $0x8080;
	v6 =	vld [tilespmem:s25+$0xFFFFFF90]  }
.LBB2_4:
0x7a: {  	p0 =	sne.s32 s5, $0xFE;
	v7 =	vld [tilespmem:s21+$0xFFFFFF90];
	s25 =	sadd.s32 $0x100, s25;
	s28 =	sadd.s32 $0x100, s28  }
0x7b: {  	s30 =	smov.u32 s5;
	s5 =	sadd.s32 $0x2, s5;
	v8 =	vld [tilespmem:s21+$0xFFFFFFA0]  }
0x7c: {  	v9 =	vld [tilespmem:s22+$0xFFFFFFA0]  }
0x7d: {  	v10 =	vld [tilespmem:s21+$0xFFFFFFB0]  }
0x7e: {  	v4 =	vmul.f32 v5, v4;
	v5 =	vld [tilespmem:s22+$0xFFFFFFB0]  }
0x7f: {  	v6 =	vmul.f32 v7, v6;
	v7 =	vld [tilespmem:s21+$0xFFFFFFC0]  }
0x80: {  	v11 =	vld [tilespmem:s22+$0xFFFFFFC0]  }
0x81: {  	v4 =	vadd.f32 v6, v4;
	v6 =	vmul.f32 v8, v9;
	v8 =	vld [tilespmem:s21+$0xFFFFFFD0]  }
0x82: {  	v9 =	vld [tilespmem:s22+$0xFFFFFFD0]  }
0x83: {  	v4 =	vadd.f32 v6, v4;
	v5 =	vmul.f32 v10, v5;
	v6 =	vld [tilespmem:s21+$0xFFFFFFE0]  }
0x84: {  	v10 =	vld [tilespmem:s22+$0xFFFFFFE0]  }
0x85: {  	v4 =	vadd.f32 v5, v4;
	v5 =	vmul.f32 v7, v11;
	v7 =	vld [tilespmem:s21+$0xFFFFFFF0]  }
0x86: {  	v11 =	vld [tilespmem:s22+$0xFFFFFFF0]  }
0x87: {  	v4 =	vadd.f32 v5, v4;
	v5 =	vmul.f32 v8, v9;
	_ =	sdelay $0x1  }
0x88: {  	v4 =	vadd.f32 v5, v4;
	v5 =	vmul.f32 v6, v10;
	_ =	sdelay $0x1  }
0x89: {  	v4 =	vadd.f32 v5, v4;
	v5 =	vmul.f32 v7, v11;
	_ =	sdelay $0x1  }
0x8a: {  	v4 =	vadd.f32 v5, v4;
	_ =	sdelay $0x1  }
0x8b: {  	(xrf2) =	vadd.scan.msk.f32 $0xffff, v4;
	_ =	sdelay $0x4  }
0x8c: {  	s6 =	sand.u32 $0xE, s4;
	v4 =	vmov s4  }
0x8d: {  	v5 =	vmov s6;
	v4 =	vand.u32 $0xFFFFFFFE, v4  }
0x8e: {  	vm0 =	veq.s32 v5, v0;
	v4 =	vbroadcast v4, $0x0;
	_ =	sdelay $0x2  }
0x8f: {  	v5, _, _ =	vpop (xrf2)  }
0x90: {  	v5 =	vbroadcast v5, $0xF;
	_ =	sdelay $0x1  }
0x91: {  	[tilespmem:v4+s23+$0x0] =	vst.idx.msk vm0, v5  }
0x92: {  	v4 =	vld [tilespmem:s22+$0x0]  }
0x93: {  	v5 =	vld [tilespmem:s21+$0x0]  }
0x94: {  	v6 =	vld [tilespmem:s21+$0x10]  }
0x95: {  	v7 =	vld [tilespmem:s22+$0x10]  }
0x96: {  	v8 =	vld [tilespmem:s21+$0x20]  }
0x97: {  	v9 =	vld [tilespmem:s22+$0x20]  }
0x98: {  	v4 =	vmul.f32 v5, v4;
	v5 =	vld [tilespmem:s21+$0x30]  }
0x99: {  	v10 =	vld [tilespmem:s22+$0x30]  }
0x9a: {  	v6 =	vmul.f32 v6, v7;
	v7 =	vld [tilespmem:s21+$0x40]  }
0x9b: {  	v11 =	vld [tilespmem:s22+$0x40]  }
0x9c: {  	v4 =	vadd.f32 v6, v4;
	v6 =	vmul.f32 v8, v9;
	v8 =	vld [tilespmem:s21+$0x50]  }
0x9d: {  	v9 =	vld [tilespmem:s22+$0x50]  }
0x9e: {  	v4 =	vadd.f32 v6, v4;
	v5 =	vmul.f32 v5, v10;
	v6 =	vld [tilespmem:s21+$0x60]  }
0x9f: {  	v10 =	vld [tilespmem:s22+$0x60]  }
0xa0: {  	v4 =	vadd.f32 v5, v4;
	v5 =	vmul.f32 v7, v11;
	v7 =	vld [tilespmem:s21+$0x70];
	s21 =	smov.u32 s28  }
0xa1: {  	v11 =	vld [tilespmem:s22+$0x70];
	s22 =	smov.u32 s25  }
0xa2: {  	v4 =	vadd.f32 v5, v4;
	v5 =	vmul.f32 v8, v9;
	_ =	sdelay $0x1  }
0xa3: {  	v4 =	vadd.f32 v5, v4;
	v5 =	vmul.f32 v6, v10;
	_ =	sdelay $0x1  }
0xa4: {  	v4 =	vadd.f32 v5, v4;
	v5 =	vmul.f32 v7, v11;
	_ =	sdelay $0x1  }
0xa5: {  	v4 =	vadd.f32 v5, v4;
	_ =	sdelay $0x1  }
0xa6: {  	(xrf2) =	vadd.scan.msk.f32 $0xffff, v4;
	_ =	sdelay $0x3  }
0xa7: {  	s6 =	sadd.s32 $0x1, s4;
	s4 =	smov.u32 s30  }
0xa8: {  	s30 =	sand.u32 $0xF, s6  }
0xa9: {  	v4 =	vmov s30  }
0xaa: {  	vm0 =	veq.s32 v4, v0  }
0xab: {  	v4 =	vmov s6;
	_ =	sdelay $0x1  }
0xac: {  	v5, _, _ =	vpop (xrf2)  }
0xad: {  	v5 =	vbroadcast v5, $0xF  }
.Ltmp1:
0xae: {  	(pc) =	sbr.rel @p0 .LBB2_4-.Ltmp1, $4  }
0xaf: {  	[tilespmem:v4+s23+$0x0] =	vst.idx.msk vm0, v5  }
0xb0: {  	v4 =	vld [tilespmem:s25+$0xFFFFFF80]  }
0xb1: {  	v5 =	vld [tilespmem:s28+$0xFFFFFF80]  }
0xb2: {  	v6 =	vld [tilespmem:s25+$0xFFFFFF90]  }
0xb3: {  	v7 =	vld [tilespmem:s21+$0xFFFFFF90]  }
0xb4: {  	v8 =	vld [tilespmem:s21+$0xFFFFFFA0]  }
0xb5: {  	v9 =	vld [tilespmem:s22+$0xFFFFFFA0]  }
0xb6: {  	v10 =	vld [tilespmem:s21+$0xFFFFFFB0]  }
0xb7: {  	v11 =	vld [tilespmem:s22+$0xFFFFFFB0]  }
0xb8: {  	v4 =	vmul.f32 v5, v4;
	v5 =	vmul.f32 v7, v6;
	v6 =	vld [tilespmem:s21+$0xFFFFFFC0]  }
0xb9: {  	v7 =	vld [tilespmem:s22+$0xFFFFFFC0]  }
0xba: {  	v55 =	vld [tilespmem:s22+$0xFFFFFFD0];
	v4 =	vadd.f32 v5, v4;
	v5 =	vmul.f32 v8, v9  }
0xbb: {  	v8 =	vld [tilespmem:s21+$0xFFFFFFD0]  }
0xbc: {  	v56 =	vld [tilespmem:s21+$0xFFFFFFE0];
	v4 =	vadd.f32 v5, v4;
	v5 =	vmul.f32 v10, v11  }
0xbd: {  	v57 =	vld [tilespmem:s22+$0xFFFFFFE0]  }
0xbe: {  	v4 =	vadd.f32 v5, v4;
	v5 =	vmul.f32 v6, v7;
	v6 =	vld [tilespmem:s21+$0xFFFFFFF0]  }
0xbf: {  	v7 =	vld [tilespmem:s22+$0xFFFFFFF0]  }
0xc0: {  	v4 =	vadd.f32 v5, v4;
	v5 =	vmul.f32 v8, v55;
	_ =	sdelay $0x1  }
0xc1: {  	v4 =	vadd.f32 v5, v4;
	v5 =	vmul.f32 v56, v57;
	_ =	sdelay $0x1  }
0xc2: {  	v4 =	vadd.f32 v5, v4;
	v5 =	vmul.f32 v6, v7;
	_ =	sdelay $0x1  }
0xc3: {  	v4 =	vadd.f32 v5, v4;
	_ =	sdelay $0x1  }
0xc4: {  	(xrf2) =	vadd.scan.msk.f32 $0xffff, v4;
	_ =	sdelay $0x4  }
0xc5: {  	s5 =	sand.u32 $0xE, s4;
	v4 =	vmov s4  }
0xc6: {  	v5 =	vmov s5;
	v4 =	vand.u32 $0xFFFFFFFE, v4  }
0xc7: {  	vm0 =	veq.s32 v5, v0;
	v4 =	vbroadcast v4, $0x0;
	_ =	sdelay $0x2  }
0xc8: {  	v5, _, _ =	vpop (xrf2)  }
0xc9: {  	v5 =	vbroadcast v5, $0xF;
	_ =	sdelay $0x1  }
0xca: {  	[tilespmem:v4+s23+$0x0] =	vst.idx.msk vm0, v5  }
0xcb: {  	v4 =	vld [tilespmem:s22+$0x0]  }
0xcc: {  	v5 =	vld [tilespmem:s21+$0x0]  }
0xcd: {  	v6 =	vld [tilespmem:s21+$0x10]  }
0xce: {  	v7 =	vld [tilespmem:s22+$0x10]  }
0xcf: {  	v8 =	vld [tilespmem:s21+$0x20]  }
0xd0: {  	v58 =	vld [tilespmem:s22+$0x20]  }
0xd1: {  	v59 =	vld [tilespmem:s21+$0x30]  }
0xd2: {  	v60 =	vld [tilespmem:s22+$0x30]  }
0xd3: {  	v4 =	vmul.f32 v5, v4;
	v5 =	vmul.f32 v6, v7;
	v6 =	vld [tilespmem:s21+$0x40]  }
0xd4: {  	v7 =	vld [tilespmem:s22+$0x40]  }
0xd5: {  	v61 =	vld [tilespmem:s22+$0x50];
	v4 =	vadd.f32 v5, v4;
	v5 =	vmul.f32 v8, v58  }
0xd6: {  	v8 =	vld [tilespmem:s21+$0x50]  }
0xd7: {  	v62 =	vld [tilespmem:s21+$0x60];
	v4 =	vadd.f32 v5, v4;
	v5 =	vmul.f32 v59, v60  }
0xd8: {  	v63 =	vld [tilespmem:s22+$0x60]  }
0xd9: {  	v4 =	vadd.f32 v5, v4;
	v5 =	vmul.f32 v6, v7;
	v6 =	vld [tilespmem:s21+$0x70]  }
0xda: {  	v7 =	vld [tilespmem:s22+$0x70]  }
0xdb: {  	v4 =	vadd.f32 v5, v4;
	v5 =	vmul.f32 v8, v61;
	_ =	sdelay $0x1  }
0xdc: {  	v4 =	vadd.f32 v5, v4;
	v5 =	vmul.f32 v62, v63;
	_ =	sdelay $0x1  }
0xdd: {  	v4 =	vadd.f32 v5, v4;
	v5 =	vmul.f32 v6, v7;
	_ =	sdelay $0x1  }
0xde: {  	v4 =	vadd.f32 v5, v4;
	_ =	sdelay $0x1  }
0xdf: {  	(xrf2) =	vadd.scan.msk.f32 $0xffff, v4;
	_ =	sdelay $0x3  }
0xe0: {  	s22 =	sadd.s32 $0x1, s4  }
0xe1: {  	s25 =	sand.u32 $0xF, s22  }
0xe2: {  	v4 =	vmov s25  }
0xe3: {  	vm15 =	veq.s32 v4, v0  }
0xe4: {  	v4 =	vmov s22;
	_ =	sdelay $0x1  }
0xe5: {  	v5, _, _ =	vpop (xrf2)  }
0xe6: {  	v5 =	vbroadcast v5, $0xF;
	_ =	sdelay $0x1  }
0xe7: {  	[tilespmem:v4+s23+$0x0] =	vst.idx.msk vm15, v5  }
0xe8: {  	_ =	swait.ge [sflag:s24], $0x8000  }
0xe9: {  	[sflag:s24] =	ssyncset.done $0x0  }
0xea: {  	s30 =	simm.s32 $0x19200;
	s25 =	simm.s32 $0x80;
	[sflag:s24] =	ssyncadd.s32 $0xFFFF8000  }
0xeb: {  	[tilespmem:s19], [sflag:$0x1] =	stream.indirect.gather [hbm4b:s3+s17], $0x80, s30, s17, $0xb8;
	[tilespmem:$0x1CD00] =	vst v63  }
0xec: {  	s21 =	simm.s32 $0x10080;
	v4 =	vld [tilespmem:s25+$0xFFFFFF80]  }
0xed: {  	s28 =	simm.s32 $0x10080;
	v5 =	vld [tilespmem:s21+$0xFFFFFF80]  }
0xee: {  	s5 =	simm.s32 $0x2;
	s4 =	simm.s32 $0x0;
	s22 =	simm.s32 $0x80;
	v6 =	vld [tilespmem:s25+$0xFFFFFF90]  }
.LBB2_6:
0xef: {  	p0 =	sne.s32 s5, $0xFE;
	v7 =	vld [tilespmem:s21+$0xFFFFFF90];
	s25 =	sadd.s32 $0x100, s25;
	s28 =	sadd.s32 $0x100, s28  }
0xf0: {  	s30 =	smov.u32 s5;
	s5 =	sadd.s32 $0x2, s5;
	v8 =	vld [tilespmem:s21+$0xFFFFFFA0]  }
0xf1: {  	v9 =	vld [tilespmem:s22+$0xFFFFFFA0]  }
0xf2: {  	v10 =	vld [tilespmem:s21+$0xFFFFFFB0]  }
0xf3: {  	v4 =	vmul.f32 v5, v4;
	v5 =	vld [tilespmem:s22+$0xFFFFFFB0]  }
0xf4: {  	v6 =	vmul.f32 v7, v6;
	v7 =	vld [tilespmem:s21+$0xFFFFFFC0]  }
0xf5: {  	v11 =	vld [tilespmem:s22+$0xFFFFFFC0]  }
0xf6: {  	v4 =	vadd.f32 v6, v4;
	v6 =	vmul.f32 v8, v9;
	v8 =	vld [tilespmem:s21+$0xFFFFFFD0]  }
0xf7: {  	v9 =	vld [tilespmem:s22+$0xFFFFFFD0]  }
0xf8: {  	v4 =	vadd.f32 v6, v4;
	v5 =	vmul.f32 v10, v5;
	v6 =	vld [tilespmem:s21+$0xFFFFFFE0]  }
0xf9: {  	v10 =	vld [tilespmem:s22+$0xFFFFFFE0]  }
0xfa: {  	v4 =	vadd.f32 v5, v4;
	v5 =	vmul.f32 v7, v11;
	v7 =	vld [tilespmem:s21+$0xFFFFFFF0]  }
0xfb: {  	v11 =	vld [tilespmem:s22+$0xFFFFFFF0]  }
0xfc: {  	v4 =	vadd.f32 v5, v4;
	v5 =	vmul.f32 v8, v9;
	_ =	sdelay $0x1  }
0xfd: {  	v4 =	vadd.f32 v5, v4;
	v5 =	vmul.f32 v6, v10;
	_ =	sdelay $0x1  }
0xfe: {  	v4 =	vadd.f32 v5, v4;
	v5 =	vmul.f32 v7, v11;
	_ =	sdelay $0x1  }
0xff: {  	v4 =	vadd.f32 v5, v4;
	_ =	sdelay $0x1  }
0x100: {  	(xrf2) =	vadd.scan.msk.f32 $0xffff, v4;
	_ =	sdelay $0x4  }
0x101: {  	s6 =	sand.u32 $0xE, s4;
	v4 =	vmov s4  }
0x102: {  	v5 =	vmov s6;
	v4 =	vand.u32 $0xFFFFFFFE, v4  }
0x103: {  	vm0 =	veq.s32 v5, v0;
	v4 =	vbroadcast v4, $0x0;
	_ =	sdelay $0x2  }
0x104: {  	v5, _, _ =	vpop (xrf2)  }
0x105: {  	v5 =	vbroadcast v5, $0xF;
	_ =	sdelay $0x1  }
0x106: {  	[tilespmem:v4+s26+$0x0] =	vst.idx.msk vm0, v5  }
0x107: {  	v4 =	vld [tilespmem:s22+$0x0]  }
0x108: {  	v5 =	vld [tilespmem:s21+$0x0]  }
0x109: {  	v6 =	vld [tilespmem:s21+$0x10]  }
0x10a: {  	v7 =	vld [tilespmem:s22+$0x10]  }
0x10b: {  	v8 =	vld [tilespmem:s21+$0x20]  }
0x10c: {  	v9 =	vld [tilespmem:s22+$0x20]  }
0x10d: {  	v4 =	vmul.f32 v5, v4;
	v5 =	vld [tilespmem:s21+$0x30]  }
0x10e: {  	v10 =	vld [tilespmem:s22+$0x30]  }
0x10f: {  	v6 =	vmul.f32 v6, v7;
	v7 =	vld [tilespmem:s21+$0x40]  }
0x110: {  	v11 =	vld [tilespmem:s22+$0x40]  }
0x111: {  	v4 =	vadd.f32 v6, v4;
	v6 =	vmul.f32 v8, v9;
	v8 =	vld [tilespmem:s21+$0x50]  }
0x112: {  	v9 =	vld [tilespmem:s22+$0x50]  }
0x113: {  	v4 =	vadd.f32 v6, v4;
	v5 =	vmul.f32 v5, v10;
	v6 =	vld [tilespmem:s21+$0x60]  }
0x114: {  	v10 =	vld [tilespmem:s22+$0x60]  }
0x115: {  	v4 =	vadd.f32 v5, v4;
	v5 =	vmul.f32 v7, v11;
	v7 =	vld [tilespmem:s21+$0x70];
	s21 =	smov.u32 s28  }
0x116: {  	v11 =	vld [tilespmem:s22+$0x70];
	s22 =	smov.u32 s25  }
0x117: {  	v4 =	vadd.f32 v5, v4;
	v5 =	vmul.f32 v8, v9;
	_ =	sdelay $0x1  }
0x118: {  	v4 =	vadd.f32 v5, v4;
	v5 =	vmul.f32 v6, v10;
	_ =	sdelay $0x1  }
0x119: {  	v4 =	vadd.f32 v5, v4;
	v5 =	vmul.f32 v7, v11;
	_ =	sdelay $0x1  }
0x11a: {  	v4 =	vadd.f32 v5, v4;
	_ =	sdelay $0x1  }
0x11b: {  	(xrf2) =	vadd.scan.msk.f32 $0xffff, v4;
	_ =	sdelay $0x3  }
0x11c: {  	s6 =	sadd.s32 $0x1, s4;
	s4 =	smov.u32 s30  }
0x11d: {  	s30 =	sand.u32 $0xF, s6  }
0x11e: {  	v4 =	vmov s30  }
0x11f: {  	vm0 =	veq.s32 v4, v0  }
0x120: {  	v4 =	vmov s6;
	_ =	sdelay $0x1  }
0x121: {  	v5, _, _ =	vpop (xrf2)  }
0x122: {  	v5 =	vbroadcast v5, $0xF  }
.Ltmp2:
0x123: {  	(pc) =	sbr.rel @p0 .LBB2_6-.Ltmp2, $4  }
0x124: {  	[tilespmem:v4+s26+$0x0] =	vst.idx.msk vm0, v5  }
0x125: {  	v4 =	vld [tilespmem:s25+$0xFFFFFF80]  }
0x126: {  	v5 =	vld [tilespmem:s28+$0xFFFFFF80]  }
0x127: {  	v6 =	vld [tilespmem:s25+$0xFFFFFF90]  }
0x128: {  	v7 =	vld [tilespmem:s21+$0xFFFFFF90]  }
0x129: {  	v8 =	vld [tilespmem:s21+$0xFFFFFFA0]  }
0x12a: {  	v9 =	vld [tilespmem:s22+$0xFFFFFFA0]  }
0x12b: {  	v10 =	vld [tilespmem:s21+$0xFFFFFFB0]  }
0x12c: {  	v11 =	vld [tilespmem:s22+$0xFFFFFFB0]  }
0x12d: {  	v4 =	vmul.f32 v5, v4;
	v5 =	vmul.f32 v7, v6;
	v6 =	vld [tilespmem:s21+$0xFFFFFFC0]  }
0x12e: {  	v7 =	vld [tilespmem:s22+$0xFFFFFFC0]  }
0x12f: {  	v55 =	vld [tilespmem:s22+$0xFFFFFFD0];
	v4 =	vadd.f32 v5, v4;
	v5 =	vmul.f32 v8, v9  }
0x130: {  	v8 =	vld [tilespmem:s21+$0xFFFFFFD0]  }
0x131: {  	v56 =	vld [tilespmem:s21+$0xFFFFFFE0];
	v4 =	vadd.f32 v5, v4;
	v5 =	vmul.f32 v10, v11  }
0x132: {  	v57 =	vld [tilespmem:s22+$0xFFFFFFE0]  }
0x133: {  	v4 =	vadd.f32 v5, v4;
	v5 =	vmul.f32 v6, v7;
	v6 =	vld [tilespmem:s21+$0xFFFFFFF0]  }
0x134: {  	v7 =	vld [tilespmem:s22+$0xFFFFFFF0]  }
0x135: {  	v4 =	vadd.f32 v5, v4;
	v5 =	vmul.f32 v8, v55;
	_ =	sdelay $0x1  }
0x136: {  	v4 =	vadd.f32 v5, v4;
	v5 =	vmul.f32 v56, v57;
	_ =	sdelay $0x1  }
0x137: {  	v4 =	vadd.f32 v5, v4;
	v5 =	vmul.f32 v6, v7;
	_ =	sdelay $0x1  }
0x138: {  	v4 =	vadd.f32 v5, v4;
	_ =	sdelay $0x1  }
0x139: {  	(xrf2) =	vadd.scan.msk.f32 $0xffff, v4;
	_ =	sdelay $0x4  }
0x13a: {  	s5 =	sand.u32 $0xE, s4;
	v4 =	vmov s4  }
0x13b: {  	v5 =	vmov s5;
	v4 =	vand.u32 $0xFFFFFFFE, v4  }
0x13c: {  	vm0 =	veq.s32 v5, v0;
	v4 =	vbroadcast v4, $0x0;
	_ =	sdelay $0x2  }
0x13d: {  	v5, _, _ =	vpop (xrf2)  }
0x13e: {  	v5 =	vbroadcast v5, $0xF;
	_ =	sdelay $0x1  }
0x13f: {  	[tilespmem:v4+s26+$0x0] =	vst.idx.msk vm0, v5  }
0x140: {  	v4 =	vld [tilespmem:s22+$0x0]  }
0x141: {  	v5 =	vld [tilespmem:s21+$0x0]  }
0x142: {  	v6 =	vld [tilespmem:s21+$0x10]  }
0x143: {  	v7 =	vld [tilespmem:s22+$0x10]  }
0x144: {  	v8 =	vld [tilespmem:s21+$0x20]  }
0x145: {  	v58 =	vld [tilespmem:s22+$0x20]  }
0x146: {  	v59 =	vld [tilespmem:s21+$0x30]  }
0x147: {  	v60 =	vld [tilespmem:s22+$0x30]  }
0x148: {  	v4 =	vmul.f32 v5, v4;
	v5 =	vmul.f32 v6, v7;
	v6 =	vld [tilespmem:s21+$0x40]  }
0x149: {  	v7 =	vld [tilespmem:s22+$0x40]  }
0x14a: {  	v61 =	vld [tilespmem:s22+$0x50];
	v4 =	vadd.f32 v5, v4;
	v5 =	vmul.f32 v8, v58  }
0x14b: {  	v8 =	vld [tilespmem:s21+$0x50]  }
0x14c: {  	v62 =	vld [tilespmem:s21+$0x60];
	v4 =	vadd.f32 v5, v4;
	v5 =	vmul.f32 v59, v60  }
0x14d: {  	v63 =	vld [tilespmem:s22+$0x60]  }
0x14e: {  	v4 =	vadd.f32 v5, v4;
	v5 =	vmul.f32 v6, v7;
	v6 =	vld [tilespmem:s21+$0x70]  }
0x14f: {  	v7 =	vld [tilespmem:s22+$0x70]  }
0x150: {  	v4 =	vadd.f32 v5, v4;
	v5 =	vmul.f32 v8, v61;
	_ =	sdelay $0x1  }
0x151: {  	v4 =	vadd.f32 v5, v4;
	v5 =	vmul.f32 v62, v63;
	_ =	sdelay $0x1  }
0x152: {  	v4 =	vadd.f32 v5, v4;
	v5 =	vmul.f32 v6, v7;
	_ =	sdelay $0x1  }
0x153: {  	v4 =	vadd.f32 v5, v4;
	_ =	sdelay $0x1  }
0x154: {  	(xrf2) =	vadd.scan.msk.f32 $0xffff, v4;
	_ =	sdelay $0x3  }
0x155: {  	s21 =	sadd.s32 $0x1, s4  }
0x156: {  	s22 =	sand.u32 $0xF, s21  }
0x157: {  	v4 =	vmov s22  }
0x158: {  	vm15 =	veq.s32 v4, v0  }
0x159: {  	v4 =	vmov s21;
	_ =	sdelay $0x1  }
0x15a: {  	v5, _, _ =	vpop (xrf2)  }
0x15b: {  	v5 =	vbroadcast v5, $0xF;
	_ =	sdelay $0x1  }
0x15c: {  	[tilespmem:v4+s26+$0x0] =	vst.idx.msk vm15, v5  }
0x15d: {  	_ =	swait.ge [sflag:s20], $0x8000  }
0x15e: {  	[sflag:s20] =	ssyncset.done $0x0  }
0x15f: {  	s25 =	simm.s32 $0x10000;
	s30 =	simm.s32 $0x19300;
	[sflag:s20] =	ssyncadd.s32 $0xFFFF8000  }
0x160: {  	[tilespmem:s25], [sflag:$0x2] =	stream.indirect.gather [hbm4b:s3+s17], $0x80, s30, s17, $0xb8;
	[tilespmem:$0x1CD00] =	vst v63  }
0x161: {  	s25 =	simm.s32 $0x80  }
0x162: {  	s21 =	simm.s32 $0x8080;
	v4 =	vld [tilespmem:s25+$0xFFFFFF80]  }
0x163: {  	s28 =	simm.s32 $0x8080;
	v5 =	vld [tilespmem:s21+$0xFFFFFF80]  }
0x164: {  	s5 =	simm.s32 $0x2;
	s4 =	simm.s32 $0x0;
	s22 =	simm.s32 $0x80;
	v6 =	vld [tilespmem:s25+$0xFFFFFF90]  }
.LBB2_8:
0x165: {  	p0 =	sne.s32 s5, $0xFE;
	v7 =	vld [tilespmem:s21+$0xFFFFFF90];
	s25 =	sadd.s32 $0x100, s25;
	s28 =	sadd.s32 $0x100, s28  }
0x166: {  	s30 =	smov.u32 s5;
	s5 =	sadd.s32 $0x2, s5;
	v8 =	vld [tilespmem:s21+$0xFFFFFFA0]  }
0x167: {  	v9 =	vld [tilespmem:s22+$0xFFFFFFA0]  }
0x168: {  	v10 =	vld [tilespmem:s21+$0xFFFFFFB0]  }
0x169: {  	v4 =	vmul.f32 v5, v4;
	v5 =	vld [tilespmem:s22+$0xFFFFFFB0]  }
0x16a: {  	v6 =	vmul.f32 v7, v6;
	v7 =	vld [tilespmem:s21+$0xFFFFFFC0]  }
0x16b: {  	v11 =	vld [tilespmem:s22+$0xFFFFFFC0]  }
0x16c: {  	v4 =	vadd.f32 v6, v4;
	v6 =	vmul.f32 v8, v9;
	v8 =	vld [tilespmem:s21+$0xFFFFFFD0]  }
0x16d: {  	v9 =	vld [tilespmem:s22+$0xFFFFFFD0]  }
0x16e: {  	v4 =	vadd.f32 v6, v4;
	v5 =	vmul.f32 v10, v5;
	v6 =	vld [tilespmem:s21+$0xFFFFFFE0]  }
0x16f: {  	v10 =	vld [tilespmem:s22+$0xFFFFFFE0]  }
0x170: {  	v4 =	vadd.f32 v5, v4;
	v5 =	vmul.f32 v7, v11;
	v7 =	vld [tilespmem:s21+$0xFFFFFFF0]  }
0x171: {  	v11 =	vld [tilespmem:s22+$0xFFFFFFF0]  }
0x172: {  	v4 =	vadd.f32 v5, v4;
	v5 =	vmul.f32 v8, v9;
	_ =	sdelay $0x1  }
0x173: {  	v4 =	vadd.f32 v5, v4;
	v5 =	vmul.f32 v6, v10;
	_ =	sdelay $0x1  }
0x174: {  	v4 =	vadd.f32 v5, v4;
	v5 =	vmul.f32 v7, v11;
	_ =	sdelay $0x1  }
0x175: {  	v4 =	vadd.f32 v5, v4;
	_ =	sdelay $0x1  }
0x176: {  	(xrf2) =	vadd.scan.msk.f32 $0xffff, v4;
	_ =	sdelay $0x4  }
0x177: {  	s6 =	sand.u32 $0xE, s4;
	v4 =	vmov s4  }
0x178: {  	v5 =	vmov s6;
	v4 =	vand.u32 $0xFFFFFFFE, v4  }
0x179: {  	vm0 =	veq.s32 v5, v0;
	v4 =	vbroadcast v4, $0x0;
	_ =	sdelay $0x2  }
0x17a: {  	v5, _, _ =	vpop (xrf2)  }
0x17b: {  	v5 =	vbroadcast v5, $0xF;
	_ =	sdelay $0x1  }
0x17c: {  	[tilespmem:v4+s29+$0x0] =	vst.idx.msk vm0, v5  }
0x17d: {  	v4 =	vld [tilespmem:s22+$0x0]  }
0x17e: {  	v5 =	vld [tilespmem:s21+$0x0]  }
0x17f: {  	v6 =	vld [tilespmem:s21+$0x10]  }
0x180: {  	v7 =	vld [tilespmem:s22+$0x10]  }
0x181: {  	v8 =	vld [tilespmem:s21+$0x20]  }
0x182: {  	v9 =	vld [tilespmem:s22+$0x20]  }
0x183: {  	v4 =	vmul.f32 v5, v4;
	v5 =	vld [tilespmem:s21+$0x30]  }
0x184: {  	v10 =	vld [tilespmem:s22+$0x30]  }
0x185: {  	v6 =	vmul.f32 v6, v7;
	v7 =	vld [tilespmem:s21+$0x40]  }
0x186: {  	v11 =	vld [tilespmem:s22+$0x40]  }
0x187: {  	v4 =	vadd.f32 v6, v4;
	v6 =	vmul.f32 v8, v9;
	v8 =	vld [tilespmem:s21+$0x50]  }
0x188: {  	v9 =	vld [tilespmem:s22+$0x50]  }
0x189: {  	v4 =	vadd.f32 v6, v4;
	v5 =	vmul.f32 v5, v10;
	v6 =	vld [tilespmem:s21+$0x60]  }
0x18a: {  	v10 =	vld [tilespmem:s22+$0x60]  }
0x18b: {  	v4 =	vadd.f32 v5, v4;
	v5 =	vmul.f32 v7, v11;
	v7 =	vld [tilespmem:s21+$0x70];
	s21 =	smov.u32 s28  }
0x18c: {  	v11 =	vld [tilespmem:s22+$0x70];
	s22 =	smov.u32 s25  }
0x18d: {  	v4 =	vadd.f32 v5, v4;
	v5 =	vmul.f32 v8, v9;
	_ =	sdelay $0x1  }
0x18e: {  	v4 =	vadd.f32 v5, v4;
	v5 =	vmul.f32 v6, v10;
	_ =	sdelay $0x1  }
0x18f: {  	v4 =	vadd.f32 v5, v4;
	v5 =	vmul.f32 v7, v11;
	_ =	sdelay $0x1  }
0x190: {  	v4 =	vadd.f32 v5, v4;
	_ =	sdelay $0x1  }
0x191: {  	(xrf2) =	vadd.scan.msk.f32 $0xffff, v4;
	_ =	sdelay $0x3  }
0x192: {  	s6 =	sadd.s32 $0x1, s4;
	s4 =	smov.u32 s30  }
0x193: {  	s30 =	sand.u32 $0xF, s6  }
0x194: {  	v4 =	vmov s30  }
0x195: {  	vm0 =	veq.s32 v4, v0  }
0x196: {  	v4 =	vmov s6;
	_ =	sdelay $0x1  }
0x197: {  	v5, _, _ =	vpop (xrf2)  }
0x198: {  	v5 =	vbroadcast v5, $0xF  }
.Ltmp3:
0x199: {  	(pc) =	sbr.rel @p0 .LBB2_8-.Ltmp3, $4  }
0x19a: {  	[tilespmem:v4+s29+$0x0] =	vst.idx.msk vm0, v5  }
0x19b: {  	v4 =	vld [tilespmem:s25+$0xFFFFFF80]  }
0x19c: {  	v5 =	vld [tilespmem:s28+$0xFFFFFF80]  }
0x19d: {  	v6 =	vld [tilespmem:s25+$0xFFFFFF90]  }
0x19e: {  	v7 =	vld [tilespmem:s21+$0xFFFFFF90]  }
0x19f: {  	v8 =	vld [tilespmem:s21+$0xFFFFFFA0]  }
0x1a0: {  	v9 =	vld [tilespmem:s22+$0xFFFFFFA0]  }
0x1a1: {  	v10 =	vld [tilespmem:s21+$0xFFFFFFB0]  }
0x1a2: {  	v11 =	vld [tilespmem:s22+$0xFFFFFFB0]  }
0x1a3: {  	v4 =	vmul.f32 v5, v4;
	v5 =	vmul.f32 v7, v6;
	v6 =	vld [tilespmem:s21+$0xFFFFFFC0]  }
0x1a4: {  	v7 =	vld [tilespmem:s22+$0xFFFFFFC0]  }
0x1a5: {  	v55 =	vld [tilespmem:s22+$0xFFFFFFD0];
	v4 =	vadd.f32 v5, v4;
	v5 =	vmul.f32 v8, v9  }
0x1a6: {  	v8 =	vld [tilespmem:s21+$0xFFFFFFD0]  }
0x1a7: {  	v56 =	vld [tilespmem:s21+$0xFFFFFFE0];
	v4 =	vadd.f32 v5, v4;
	v5 =	vmul.f32 v10, v11  }
0x1a8: {  	v57 =	vld [tilespmem:s22+$0xFFFFFFE0]  }
0x1a9: {  	v4 =	vadd.f32 v5, v4;
	v5 =	vmul.f32 v6, v7;
	v6 =	vld [tilespmem:s21+$0xFFFFFFF0]  }
0x1aa: {  	v7 =	vld [tilespmem:s22+$0xFFFFFFF0]  }
0x1ab: {  	v4 =	vadd.f32 v5, v4;
	v5 =	vmul.f32 v8, v55;
	_ =	sdelay $0x1  }
0x1ac: {  	v4 =	vadd.f32 v5, v4;
	v5 =	vmul.f32 v56, v57;
	_ =	sdelay $0x1  }
0x1ad: {  	v4 =	vadd.f32 v5, v4;
	v5 =	vmul.f32 v6, v7;
	_ =	sdelay $0x1  }
0x1ae: {  	v4 =	vadd.f32 v5, v4;
	_ =	sdelay $0x1  }
0x1af: {  	(xrf2) =	vadd.scan.msk.f32 $0xffff, v4;
	_ =	sdelay $0x4  }
0x1b0: {  	s5 =	sand.u32 $0xE, s4;
	v4 =	vmov s4  }
0x1b1: {  	v5 =	vmov s5;
	v4 =	vand.u32 $0xFFFFFFFE, v4  }
0x1b2: {  	vm0 =	veq.s32 v5, v0;
	v4 =	vbroadcast v4, $0x0;
	_ =	sdelay $0x2  }
0x1b3: {  	v5, _, _ =	vpop (xrf2)  }
0x1b4: {  	v5 =	vbroadcast v5, $0xF;
	_ =	sdelay $0x1  }
0x1b5: {  	[tilespmem:v4+s29+$0x0] =	vst.idx.msk vm0, v5  }
0x1b6: {  	v4 =	vld [tilespmem:s22+$0x0]  }
0x1b7: {  	v5 =	vld [tilespmem:s21+$0x0]  }
0x1b8: {  	v6 =	vld [tilespmem:s21+$0x10]  }
0x1b9: {  	v7 =	vld [tilespmem:s22+$0x10]  }
0x1ba: {  	v8 =	vld [tilespmem:s21+$0x20]  }
0x1bb: {  	v58 =	vld [tilespmem:s22+$0x20]  }
0x1bc: {  	v59 =	vld [tilespmem:s21+$0x30]  }
0x1bd: {  	v60 =	vld [tilespmem:s22+$0x30]  }
0x1be: {  	v4 =	vmul.f32 v5, v4;
	v5 =	vmul.f32 v6, v7;
	v6 =	vld [tilespmem:s21+$0x40]  }
0x1bf: {  	v7 =	vld [tilespmem:s22+$0x40]  }
0x1c0: {  	v61 =	vld [tilespmem:s22+$0x50];
	v4 =	vadd.f32 v5, v4;
	v5 =	vmul.f32 v8, v58  }
0x1c1: {  	v8 =	vld [tilespmem:s21+$0x50]  }
0x1c2: {  	v62 =	vld [tilespmem:s21+$0x60];
	v4 =	vadd.f32 v5, v4;
	v5 =	vmul.f32 v59, v60  }
0x1c3: {  	v63 =	vld [tilespmem:s22+$0x60]  }
0x1c4: {  	v4 =	vadd.f32 v5, v4;
	v5 =	vmul.f32 v6, v7;
	v6 =	vld [tilespmem:s21+$0x70]  }
0x1c5: {  	v7 =	vld [tilespmem:s22+$0x70]  }
0x1c6: {  	v4 =	vadd.f32 v5, v4;
	v5 =	vmul.f32 v8, v61;
	_ =	sdelay $0x1  }
0x1c7: {  	v4 =	vadd.f32 v5, v4;
	v5 =	vmul.f32 v62, v63;
	_ =	sdelay $0x1  }
0x1c8: {  	v4 =	vadd.f32 v5, v4;
	v5 =	vmul.f32 v6, v7;
	_ =	sdelay $0x1  }
0x1c9: {  	v4 =	vadd.f32 v5, v4;
	_ =	sdelay $0x1  }
0x1ca: {  	(xrf2) =	vadd.scan.msk.f32 $0xffff, v4;
	_ =	sdelay $0x3  }
0x1cb: {  	s22 =	sadd.s32 $0x1, s4  }
0x1cc: {  	s25 =	sand.u32 $0xF, s22  }
0x1cd: {  	v4 =	vmov s25  }
0x1ce: {  	vm15 =	veq.s32 v4, v0  }
0x1cf: {  	v4 =	vmov s22;
	_ =	sdelay $0x1  }
0x1d0: {  	v5, _, _ =	vpop (xrf2)  }
0x1d1: {  	v5 =	vbroadcast v5, $0xF;
	_ =	sdelay $0x1  }
0x1d2: {  	[tilespmem:v4+s29+$0x0] =	vst.idx.msk vm15, v5  }
0x1d3: {  	_ =	swait.ge [sflag:s24], $0x8000  }
0x1d4: {  	[sflag:s24] =	ssyncset.done $0x0  }
0x1d5: {  	s30 =	simm.s32 $0x19400;
	s25 =	simm.s32 $0x80;
	[sflag:s24] =	ssyncadd.s32 $0xFFFF8000  }
0x1d6: {  	[tilespmem:s19], [sflag:$0x1] =	stream.indirect.gather [hbm4b:s3+s17], $0x80, s30, s17, $0xb8;
	[tilespmem:$0x1CD00] =	vst v63  }
0x1d7: {  	s21 =	simm.s32 $0x10080;
	v4 =	vld [tilespmem:s25+$0xFFFFFF80]  }
0x1d8: {  	s28 =	simm.s32 $0x10080;
	v5 =	vld [tilespmem:s21+$0xFFFFFF80]  }
0x1d9: {  	s5 =	simm.s32 $0x2;
	s4 =	simm.s32 $0x0;
	s22 =	simm.s32 $0x80;
	v6 =	vld [tilespmem:s25+$0xFFFFFF90]  }
.LBB2_10:
0x1da: {  	p0 =	sne.s32 s5, $0xFE;
	v7 =	vld [tilespmem:s21+$0xFFFFFF90];
	s25 =	sadd.s32 $0x100, s25;
	s28 =	sadd.s32 $0x100, s28  }
0x1db: {  	s30 =	smov.u32 s5;
	s5 =	sadd.s32 $0x2, s5;
	v8 =	vld [tilespmem:s21+$0xFFFFFFA0]  }
0x1dc: {  	v9 =	vld [tilespmem:s22+$0xFFFFFFA0]  }
0x1dd: {  	v10 =	vld [tilespmem:s21+$0xFFFFFFB0]  }
0x1de: {  	v4 =	vmul.f32 v5, v4;
	v5 =	vld [tilespmem:s22+$0xFFFFFFB0]  }
0x1df: {  	v6 =	vmul.f32 v7, v6;
	v7 =	vld [tilespmem:s21+$0xFFFFFFC0]  }
0x1e0: {  	v11 =	vld [tilespmem:s22+$0xFFFFFFC0]  }
0x1e1: {  	v4 =	vadd.f32 v6, v4;
	v6 =	vmul.f32 v8, v9;
	v8 =	vld [tilespmem:s21+$0xFFFFFFD0]  }
0x1e2: {  	v9 =	vld [tilespmem:s22+$0xFFFFFFD0]  }
0x1e3: {  	v4 =	vadd.f32 v6, v4;
	v5 =	vmul.f32 v10, v5;
	v6 =	vld [tilespmem:s21+$0xFFFFFFE0]  }
0x1e4: {  	v10 =	vld [tilespmem:s22+$0xFFFFFFE0]  }
0x1e5: {  	v4 =	vadd.f32 v5, v4;
	v5 =	vmul.f32 v7, v11;
	v7 =	vld [tilespmem:s21+$0xFFFFFFF0]  }
0x1e6: {  	v11 =	vld [tilespmem:s22+$0xFFFFFFF0]  }
0x1e7: {  	v4 =	vadd.f32 v5, v4;
	v5 =	vmul.f32 v8, v9;
	_ =	sdelay $0x1  }
0x1e8: {  	v4 =	vadd.f32 v5, v4;
	v5 =	vmul.f32 v6, v10;
	_ =	sdelay $0x1  }
0x1e9: {  	v4 =	vadd.f32 v5, v4;
	v5 =	vmul.f32 v7, v11;
	_ =	sdelay $0x1  }
0x1ea: {  	v4 =	vadd.f32 v5, v4;
	_ =	sdelay $0x1  }
0x1eb: {  	(xrf2) =	vadd.scan.msk.f32 $0xffff, v4;
	_ =	sdelay $0x4  }
0x1ec: {  	s6 =	sand.u32 $0xE, s4;
	v4 =	vmov s4  }
0x1ed: {  	v5 =	vmov s6;
	v4 =	vand.u32 $0xFFFFFFFE, v4  }
0x1ee: {  	vm0 =	veq.s32 v5, v0;
	v4 =	vbroadcast v4, $0x0;
	_ =	sdelay $0x2  }
0x1ef: {  	v5, _, _ =	vpop (xrf2)  }
0x1f0: {  	v5 =	vbroadcast v5, $0xF;
	_ =	sdelay $0x1  }
0x1f1: {  	[tilespmem:v4+s31+$0x0] =	vst.idx.msk vm0, v5  }
0x1f2: {  	v4 =	vld [tilespmem:s22+$0x0]  }
0x1f3: {  	v5 =	vld [tilespmem:s21+$0x0]  }
0x1f4: {  	v6 =	vld [tilespmem:s21+$0x10]  }
0x1f5: {  	v7 =	vld [tilespmem:s22+$0x10]  }
0x1f6: {  	v8 =	vld [tilespmem:s21+$0x20]  }
0x1f7: {  	v9 =	vld [tilespmem:s22+$0x20]  }
0x1f8: {  	v4 =	vmul.f32 v5, v4;
	v5 =	vld [tilespmem:s21+$0x30]  }
0x1f9: {  	v10 =	vld [tilespmem:s22+$0x30]  }
0x1fa: {  	v6 =	vmul.f32 v6, v7;
	v7 =	vld [tilespmem:s21+$0x40]  }
0x1fb: {  	v11 =	vld [tilespmem:s22+$0x40]  }
0x1fc: {  	v4 =	vadd.f32 v6, v4;
	v6 =	vmul.f32 v8, v9;
	v8 =	vld [tilespmem:s21+$0x50]  }
0x1fd: {  	v9 =	vld [tilespmem:s22+$0x50]  }
0x1fe: {  	v4 =	vadd.f32 v6, v4;
	v5 =	vmul.f32 v5, v10;
	v6 =	vld [tilespmem:s21+$0x60]  }
0x1ff: {  	v10 =	vld [tilespmem:s22+$0x60]  }
0x200: {  	v4 =	vadd.f32 v5, v4;
	v5 =	vmul.f32 v7, v11;
	v7 =	vld [tilespmem:s21+$0x70];
	s21 =	smov.u32 s28  }
0x201: {  	v11 =	vld [tilespmem:s22+$0x70];
	s22 =	smov.u32 s25  }
0x202: {  	v4 =	vadd.f32 v5, v4;
	v5 =	vmul.f32 v8, v9;
	_ =	sdelay $0x1  }
0x203: {  	v4 =	vadd.f32 v5, v4;
	v5 =	vmul.f32 v6, v10;
	_ =	sdelay $0x1  }
0x204: {  	v4 =	vadd.f32 v5, v4;
	v5 =	vmul.f32 v7, v11;
	_ =	sdelay $0x1  }
0x205: {  	v4 =	vadd.f32 v5, v4;
	_ =	sdelay $0x1  }
0x206: {  	(xrf2) =	vadd.scan.msk.f32 $0xffff, v4;
	_ =	sdelay $0x3  }
0x207: {  	s6 =	sadd.s32 $0x1, s4;
	s4 =	smov.u32 s30  }
0x208: {  	s30 =	sand.u32 $0xF, s6  }
0x209: {  	v4 =	vmov s30  }
0x20a: {  	vm0 =	veq.s32 v4, v0  }
0x20b: {  	v4 =	vmov s6;
	_ =	sdelay $0x1  }
0x20c: {  	v5, _, _ =	vpop (xrf2)  }
0x20d: {  	v5 =	vbroadcast v5, $0xF  }
.Ltmp4:
0x20e: {  	(pc) =	sbr.rel @p0 .LBB2_10-.Ltmp4, $4  }
0x20f: {  	[tilespmem:v4+s31+$0x0] =	vst.idx.msk vm0, v5  }
0x210: {  	v4 =	vld [tilespmem:s25+$0xFFFFFF80]  }
0x211: {  	v5 =	vld [tilespmem:s28+$0xFFFFFF80]  }
0x212: {  	v6 =	vld [tilespmem:s25+$0xFFFFFF90]  }
0x213: {  	v7 =	vld [tilespmem:s21+$0xFFFFFF90]  }
0x214: {  	v8 =	vld [tilespmem:s21+$0xFFFFFFA0]  }
0x215: {  	v9 =	vld [tilespmem:s22+$0xFFFFFFA0]  }
0x216: {  	v10 =	vld [tilespmem:s21+$0xFFFFFFB0]  }
0x217: {  	v11 =	vld [tilespmem:s22+$0xFFFFFFB0]  }
0x218: {  	v4 =	vmul.f32 v5, v4;
	v5 =	vmul.f32 v7, v6;
	v6 =	vld [tilespmem:s21+$0xFFFFFFC0]  }
0x219: {  	v7 =	vld [tilespmem:s22+$0xFFFFFFC0]  }
0x21a: {  	v55 =	vld [tilespmem:s22+$0xFFFFFFD0];
	v4 =	vadd.f32 v5, v4;
	v5 =	vmul.f32 v8, v9  }
0x21b: {  	v8 =	vld [tilespmem:s21+$0xFFFFFFD0]  }
0x21c: {  	v56 =	vld [tilespmem:s21+$0xFFFFFFE0];
	v4 =	vadd.f32 v5, v4;
	v5 =	vmul.f32 v10, v11  }
0x21d: {  	v57 =	vld [tilespmem:s22+$0xFFFFFFE0]  }
0x21e: {  	v4 =	vadd.f32 v5, v4;
	v5 =	vmul.f32 v6, v7;
	v6 =	vld [tilespmem:s21+$0xFFFFFFF0]  }
0x21f: {  	v7 =	vld [tilespmem:s22+$0xFFFFFFF0]  }
0x220: {  	v4 =	vadd.f32 v5, v4;
	v5 =	vmul.f32 v8, v55;
	_ =	sdelay $0x1  }
0x221: {  	v4 =	vadd.f32 v5, v4;
	v5 =	vmul.f32 v56, v57;
	_ =	sdelay $0x1  }
0x222: {  	v4 =	vadd.f32 v5, v4;
	v5 =	vmul.f32 v6, v7;
	_ =	sdelay $0x1  }
0x223: {  	v4 =	vadd.f32 v5, v4;
	_ =	sdelay $0x1  }
0x224: {  	(xrf2) =	vadd.scan.msk.f32 $0xffff, v4;
	_ =	sdelay $0x4  }
0x225: {  	s5 =	sand.u32 $0xE, s4;
	v4 =	vmov s4  }
0x226: {  	v5 =	vmov s5;
	v4 =	vand.u32 $0xFFFFFFFE, v4  }
0x227: {  	vm0 =	veq.s32 v5, v0;
	v4 =	vbroadcast v4, $0x0;
	_ =	sdelay $0x2  }
0x228: {  	v5, _, _ =	vpop (xrf2)  }
0x229: {  	v5 =	vbroadcast v5, $0xF;
	_ =	sdelay $0x1  }
0x22a: {  	[tilespmem:v4+s31+$0x0] =	vst.idx.msk vm0, v5  }
0x22b: {  	v4 =	vld [tilespmem:s22+$0x0]  }
0x22c: {  	v5 =	vld [tilespmem:s21+$0x0]  }
0x22d: {  	v6 =	vld [tilespmem:s21+$0x10]  }
0x22e: {  	v7 =	vld [tilespmem:s22+$0x10]  }
0x22f: {  	v8 =	vld [tilespmem:s21+$0x20]  }
0x230: {  	v58 =	vld [tilespmem:s22+$0x20]  }
0x231: {  	v59 =	vld [tilespmem:s21+$0x30]  }
0x232: {  	v60 =	vld [tilespmem:s22+$0x30]  }
0x233: {  	v4 =	vmul.f32 v5, v4;
	v5 =	vmul.f32 v6, v7;
	v6 =	vld [tilespmem:s21+$0x40]  }
0x234: {  	v7 =	vld [tilespmem:s22+$0x40]  }
0x235: {  	v61 =	vld [tilespmem:s22+$0x50];
	v4 =	vadd.f32 v5, v4;
	v5 =	vmul.f32 v8, v58  }
0x236: {  	v8 =	vld [tilespmem:s21+$0x50]  }
0x237: {  	v62 =	vld [tilespmem:s21+$0x60];
	v4 =	vadd.f32 v5, v4;
	v5 =	vmul.f32 v59, v60  }
0x238: {  	v63 =	vld [tilespmem:s22+$0x60]  }
0x239: {  	v4 =	vadd.f32 v5, v4;
	v5 =	vmul.f32 v6, v7;
	v6 =	vld [tilespmem:s21+$0x70]  }
0x23a: {  	v7 =	vld [tilespmem:s22+$0x70]  }
0x23b: {  	v4 =	vadd.f32 v5, v4;
	v5 =	vmul.f32 v8, v61;
	_ =	sdelay $0x1  }
0x23c: {  	v4 =	vadd.f32 v5, v4;
	v5 =	vmul.f32 v62, v63;
	_ =	sdelay $0x1  }
0x23d: {  	v4 =	vadd.f32 v5, v4;
	v5 =	vmul.f32 v6, v7;
	_ =	sdelay $0x1  }
0x23e: {  	v4 =	vadd.f32 v5, v4;
	_ =	sdelay $0x1  }
0x23f: {  	(xrf2) =	vadd.scan.msk.f32 $0xffff, v4;
	_ =	sdelay $0x3  }
0x240: {  	s22 =	sadd.s32 $0x1, s4  }
0x241: {  	s25 =	sand.u32 $0xF, s22  }
0x242: {  	v4 =	vmov s25  }
0x243: {  	vm15 =	veq.s32 v4, v0  }
0x244: {  	v4 =	vmov s22;
	_ =	sdelay $0x1  }
0x245: {  	v5, _, _ =	vpop (xrf2)  }
0x246: {  	v5 =	vbroadcast v5, $0xF;
	_ =	sdelay $0x1  }
0x247: {  	[tilespmem:v4+s31+$0x0] =	vst.idx.msk vm15, v5  }
0x248: {  	_ =	swait.ge [sflag:s20], $0x8000  }
0x249: {  	[sflag:s20] =	ssyncset.done $0x0  }
0x24a: {  	s28 =	simm.s32 $0x80;
	[sflag:s20] =	ssyncadd.s32 $0xFFFF8000  }
0x24b: {  	s22 =	simm.s32 $0x8080;
	v4 =	vld [tilespmem:s28+$0xFFFFFF80]  }
0x24c: {  	s30 =	simm.s32 $0x8080;
	s5 =	simm.s32 $0x2;
	v6 =	vld [tilespmem:s22+$0xFFFFFF80]  }
0x24d: {  	s4 =	simm.s32 $0x0;
	s21 =	simm.s32 $0x0;
	s25 =	simm.s32 $0x80;
	v5 =	vld [tilespmem:s28+$0xFFFFFF90]  }
.LBB2_12:
0x24e: {  	p0 =	sne.s32 s5, $0xFE;
	v7 =	vld [tilespmem:s22+$0xFFFFFF90];
	s28 =	sadd.s32 $0x100, s28;
	s30 =	sadd.s32 $0x100, s30  }
0x24f: {  	s6 =	smov.u32 s5;
	s5 =	sadd.s32 $0x2, s5;
	v8 =	vld [tilespmem:s22+$0xFFFFFFA0]  }
0x250: {  	v9 =	vld [tilespmem:s25+$0xFFFFFFA0]  }
0x251: {  	v10 =	vld [tilespmem:s22+$0xFFFFFFB0]  }
0x252: {  	v4 =	vmul.f32 v6, v4;
	v6 =	vld [tilespmem:s25+$0xFFFFFFB0]  }
0x253: {  	v5 =	vmul.f32 v7, v5;
	v7 =	vld [tilespmem:s22+$0xFFFFFFC0]  }
0x254: {  	v11 =	vld [tilespmem:s25+$0xFFFFFFC0]  }
0x255: {  	v4 =	vadd.f32 v5, v4;
	v5 =	vmul.f32 v8, v9;
	v8 =	vld [tilespmem:s22+$0xFFFFFFD0]  }
0x256: {  	v9 =	vld [tilespmem:s25+$0xFFFFFFD0]  }
0x257: {  	v4 =	vadd.f32 v5, v4;
	v5 =	vmul.f32 v10, v6;
	v6 =	vld [tilespmem:s22+$0xFFFFFFE0]  }
0x258: {  	v10 =	vld [tilespmem:s25+$0xFFFFFFE0]  }
0x259: {  	v4 =	vadd.f32 v5, v4;
	v5 =	vmul.f32 v7, v11;
	v7 =	vld [tilespmem:s22+$0xFFFFFFF0]  }
0x25a: {  	v11 =	vld [tilespmem:s25+$0xFFFFFFF0]  }
0x25b: {  	v4 =	vadd.f32 v5, v4;
	v5 =	vmul.f32 v8, v9;
	_ =	sdelay $0x1  }
0x25c: {  	v4 =	vadd.f32 v5, v4;
	v5 =	vmul.f32 v6, v10;
	_ =	sdelay $0x1  }
0x25d: {  	v4 =	vadd.f32 v5, v4;
	v5 =	vmul.f32 v7, v11;
	_ =	sdelay $0x1  }
0x25e: {  	v4 =	vadd.f32 v5, v4;
	_ =	sdelay $0x1  }
0x25f: {  	(xrf2) =	vadd.scan.msk.f32 $0xffff, v4;
	_ =	sdelay $0x4  }
0x260: {  	s7 =	sand.u32 $0xE, s21;
	v4 =	vmov s21  }
0x261: {  	v5 =	vmov s7;
	v4 =	vand.u32 $0xFFFFFFFE, v4  }
0x262: {  	vm0 =	veq.s32 v5, v0;
	v4 =	vbroadcast v4, $0x0;
	_ =	sdelay $0x2  }
0x263: {  	v5, _, _ =	vpop (xrf2)  }
0x264: {  	v5 =	vbroadcast v5, $0xF;
	_ =	sdelay $0x1  }
0x265: {  	[tilespmem:v4+s0+$0x0] =	vst.idx.msk vm0, v5  }
0x266: {  	v4 =	vld [tilespmem:s25+$0x0]  }
0x267: {  	v5 =	vld [tilespmem:s22+$0x0]  }
0x268: {  	v6 =	vld [tilespmem:s22+$0x10]  }
0x269: {  	v7 =	vld [tilespmem:s25+$0x10]  }
0x26a: {  	v8 =	vld [tilespmem:s22+$0x20]  }
0x26b: {  	v9 =	vld [tilespmem:s25+$0x20]  }
0x26c: {  	v4 =	vmul.f32 v5, v4;
	v5 =	vld [tilespmem:s22+$0x30]  }
0x26d: {  	v10 =	vld [tilespmem:s25+$0x30]  }
0x26e: {  	v6 =	vmul.f32 v6, v7;
	v7 =	vld [tilespmem:s22+$0x40]  }
0x26f: {  	v11 =	vld [tilespmem:s25+$0x40]  }
0x270: {  	v4 =	vadd.f32 v6, v4;
	v6 =	vmul.f32 v8, v9;
	v8 =	vld [tilespmem:s22+$0x50]  }
0x271: {  	v9 =	vld [tilespmem:s25+$0x50]  }
0x272: {  	v4 =	vadd.f32 v6, v4;
	v5 =	vmul.f32 v5, v10;
	v6 =	vld [tilespmem:s22+$0x60]  }
0x273: {  	v10 =	vld [tilespmem:s25+$0x60]  }
0x274: {  	v4 =	vadd.f32 v5, v4;
	v5 =	vmul.f32 v7, v11;
	v7 =	vld [tilespmem:s22+$0x70];
	s22 =	smov.u32 s30  }
0x275: {  	v11 =	vld [tilespmem:s25+$0x70];
	s25 =	smov.u32 s28  }
0x276: {  	v4 =	vadd.f32 v5, v4;
	v5 =	vmul.f32 v8, v9;
	_ =	sdelay $0x1  }
0x277: {  	v4 =	vadd.f32 v5, v4;
	v5 =	vmul.f32 v6, v10;
	_ =	sdelay $0x1  }
0x278: {  	v4 =	vadd.f32 v5, v4;
	v5 =	vmul.f32 v7, v11;
	_ =	sdelay $0x1  }
0x279: {  	v4 =	vadd.f32 v5, v4;
	_ =	sdelay $0x1  }
0x27a: {  	(xrf2) =	vadd.scan.msk.f32 $0xffff, v4;
	_ =	sdelay $0x3  }
0x27b: {  	s7 =	sadd.s32 $0x1, s21;
	s21 =	smov.u32 s6  }
0x27c: {  	s6 =	sand.u32 $0xF, s7  }
0x27d: {  	v4 =	vmov s6  }
0x27e: {  	vm0 =	veq.s32 v4, v0  }
0x27f: {  	v4 =	vmov s7;
	_ =	sdelay $0x1  }
0x280: {  	v5, _, _ =	vpop (xrf2)  }
0x281: {  	v5 =	vbroadcast v5, $0xF  }
.Ltmp5:
0x282: {  	(pc) =	sbr.rel @p0 .LBB2_12-.Ltmp5, $4  }
0x283: {  	[tilespmem:v4+s0+$0x0] =	vst.idx.msk vm0, v5  }
0x284: {  	v4 =	vld [tilespmem:s28+$0xFFFFFF80]  }
0x285: {  	v6 =	vld [tilespmem:s30+$0xFFFFFF80]  }
0x286: {  	v5 =	vld [tilespmem:s28+$0xFFFFFF90]  }
0x287: {  	v7 =	vld [tilespmem:s22+$0xFFFFFF90]  }
0x288: {  	v8 =	vld [tilespmem:s22+$0xFFFFFFA0]  }
0x289: {  	v9 =	vld [tilespmem:s25+$0xFFFFFFA0]  }
0x28a: {  	v10 =	vld [tilespmem:s22+$0xFFFFFFB0]  }
0x28b: {  	v11 =	vld [tilespmem:s25+$0xFFFFFFB0]  }
0x28c: {  	v4 =	vmul.f32 v6, v4;
	v6 =	vld [tilespmem:s22+$0xFFFFFFC0];
	v5 =	vmul.f32 v7, v5  }
0x28d: {  	v7 =	vld [tilespmem:s25+$0xFFFFFFC0]  }
0x28e: {  	v4 =	vadd.f32 v5, v4;
	v5 =	vmul.f32 v8, v9;
	v8 =	vld [tilespmem:s22+$0xFFFFFFD0]  }
0x28f: {  	v9 =	vld [tilespmem:s25+$0xFFFFFFD0]  }
0x290: {  	v4 =	vadd.f32 v5, v4;
	v5 =	vmul.f32 v10, v11;
	v10 =	vld [tilespmem:s22+$0xFFFFFFE0]  }
0x291: {  	v11 =	vld [tilespmem:s25+$0xFFFFFFE0]  }
0x292: {  	v4 =	vadd.f32 v5, v4;
	v5 =	vmul.f32 v6, v7;
	v6 =	vld [tilespmem:s22+$0xFFFFFFF0]  }
0x293: {  	v7 =	vld [tilespmem:s25+$0xFFFFFFF0]  }
0x294: {  	v4 =	vadd.f32 v5, v4;
	v5 =	vmul.f32 v8, v9;
	_ =	sdelay $0x1  }
0x295: {  	v4 =	vadd.f32 v5, v4;
	v5 =	vmul.f32 v10, v11;
	_ =	sdelay $0x1  }
0x296: {  	v4 =	vadd.f32 v5, v4;
	v5 =	vmul.f32 v6, v7;
	_ =	sdelay $0x1  }
0x297: {  	v4 =	vadd.f32 v5, v4;
	_ =	sdelay $0x1  }
0x298: {  	(xrf2) =	vadd.scan.msk.f32 $0xffff, v4;
	_ =	sdelay $0x4  }
0x299: {  	s5 =	sand.u32 $0xE, s21;
	v4 =	vmov s21  }
0x29a: {  	v5 =	vmov s5;
	v4 =	vand.u32 $0xFFFFFFFE, v4  }
0x29b: {  	vm0 =	veq.s32 v5, v0;
	v4 =	vbroadcast v4, $0x0;
	_ =	sdelay $0x2  }
0x29c: {  	v5, _, _ =	vpop (xrf2)  }
0x29d: {  	v5 =	vbroadcast v5, $0xF;
	_ =	sdelay $0x1  }
0x29e: {  	[tilespmem:v4+s0+$0x0] =	vst.idx.msk vm0, v5  }
0x29f: {  	v4 =	vld [tilespmem:s25+$0x0]  }
0x2a0: {  	v5 =	vld [tilespmem:s22+$0x0]  }
0x2a1: {  	v6 =	vld [tilespmem:s22+$0x10]  }
0x2a2: {  	v7 =	vld [tilespmem:s25+$0x10]  }
0x2a3: {  	v8 =	vld [tilespmem:s22+$0x20]  }
0x2a4: {  	v9 =	vld [tilespmem:s25+$0x20]  }
0x2a5: {  	v10 =	vld [tilespmem:s22+$0x30]  }
0x2a6: {  	v11 =	vld [tilespmem:s25+$0x30]  }
0x2a7: {  	v4 =	vmul.f32 v5, v4;
	v5 =	vmul.f32 v6, v7;
	v6 =	vld [tilespmem:s22+$0x40]  }
0x2a8: {  	v7 =	vld [tilespmem:s25+$0x40]  }
0x2a9: {  	v4 =	vadd.f32 v5, v4;
	v5 =	vmul.f32 v8, v9;
	v8 =	vld [tilespmem:s22+$0x50]  }
0x2aa: {  	v9 =	vld [tilespmem:s25+$0x50]  }
0x2ab: {  	v4 =	vadd.f32 v5, v4;
	v5 =	vmul.f32 v10, v11;
	v10 =	vld [tilespmem:s22+$0x60]  }
0x2ac: {  	v11 =	vld [tilespmem:s25+$0x60]  }
0x2ad: {  	v4 =	vadd.f32 v5, v4;
	v5 =	vmul.f32 v6, v7;
	v6 =	vld [tilespmem:s22+$0x70]  }
0x2ae: {  	v7 =	vld [tilespmem:s25+$0x70]  }
0x2af: {  	v4 =	vadd.f32 v5, v4;
	v5 =	vmul.f32 v8, v9;
	_ =	sdelay $0x1  }
0x2b0: {  	v4 =	vadd.f32 v5, v4;
	v5 =	vmul.f32 v10, v11;
	_ =	sdelay $0x1  }
0x2b1: {  	v4 =	vadd.f32 v5, v4;
	v5 =	vmul.f32 v6, v7;
	_ =	sdelay $0x1  }
0x2b2: {  	v4 =	vadd.f32 v5, v4;
	_ =	sdelay $0x1  }
0x2b3: {  	(xrf2) =	vadd.scan.msk.f32 $0xffff, v4;
	_ =	sdelay $0x3  }
0x2b4: {  	s30 =	sadd.s32 $0x1, s21  }
0x2b5: {  	s6 =	sand.u32 $0xF, s30  }
0x2b6: {  	v4 =	vmov s6  }
0x2b7: {  	vm9 =	veq.s32 v4, v0  }
0x2b8: {  	v4 =	vmov s30;
	_ =	sdelay $0x1  }
0x2b9: {  	v5, _, _ =	vpop (xrf2)  }
0x2ba: {  	v5 =	vbroadcast v5, $0xF;
	_ =	sdelay $0x1  }
0x2bb: {  	s5 =	simm.s32 $0x0;
	[tilespmem:v4+s0+$0x0] =	vst.idx.msk vm9, v5  }
0x2bc: {  	v4 =	vld [tilespmem:s5+$0x19600]  }
0x2bd: {  	v5 =	vld [tilespmem:s5+$0x19700];
	_ =	sdelay $0x1  }
0x2be: {  	v6 =	vld [tilespmem:s5+$0x19800];
	_ =	sdelay $0x1  }
0x2bf: {  	v7 =	vld [tilespmem:s5+$0x19900]  }
0x2c0: {  	vm10 =	vgt.f32 v5, v4  }
0x2c1: {  	v8 =	vld [tilespmem:s5+$0x19A00];
	v4 =	vsel vm10, v5, v4  }
0x2c2: {  	vm1 =	vgt.f32 v6, v4  }
0x2c3: {  	v4 =	vsel vm1, v6, v4  }
0x2c4: {  	v5 =	vsel vm10, $0x1, v3;
	vm11 =	vgt.f32 v7, v4  }
0x2c5: {  	v5 =	vsel vm1, $0x2, v5;
	v6 =	vmov s4;
	v4 =	vsel vm11, v7, v4  }
0x2c6: {  	v6 =	vshll.u32 v6, $0x3;
	v5 =	vsel vm11, $0x3, v5;
	vm12 =	vgt.f32 v8, v4  }
0x2c7: {  	v6 =	vor.u32 v2, v6;
	v5 =	vsel vm12, $0x4, v5  }
0x2c8: {  	v5 =	vor.u32 v6, v5;
	_ =	sdelay $0x4  }
0x2c9: {  	v6 =	vld.idx.msk [tilespmem:v5+s16+$0x0], $0xffff;
	_ =	sdelay $0x2  }
0x2ca: {  	s4 =	simm.s32 $0x10  }
0x2cb: {  	v9 =	vld [tilespmem:s4+$0x19700]  }
0x2cc: {  	v7 =	vld [tilespmem:s4+$0x19600];
	v6 =	vsub.f32 $0.0e+00, v6;
	_ =	sdelay $0x1  }
0x2cd: {  	v10 =	vld [tilespmem:s4+$0x19800];
	v6 =	vmul.f32 v6, v1;
	_ =	sdelay $0x1  }
0x2ce: {  	v11 =	vld [tilespmem:s4+$0x19900];
	v6 =	vmul.f32 $1.442695020e+00, v6  }
0x2cf: {  	vm13 =	vgt.f32 v9, v7  }
0x2d0: {  	v7 =	vsel vm13, v9, v7;
	(erf) = vpow2.f32 v6;
	v6 =	vld [tilespmem:s4+$0x19A00]  }
0x2d1: {  	vm2 =	vgt.f32 v10, v7  }
0x2d2: {  	v7 =	vsel vm2, v10, v7  }
0x2d3: {  	vm14 =	vgt.f32 v11, v7  }
0x2d4: {  	v4 =	vsel vm12, v8, v4;
	v7 =	vsel vm14, v11, v7  }
0x2d5: {  	s6 =	simm.s32 $0x10;
	v8 =	vmul.f32 $5.000000000e-01, v4;
	v4 =	vsel vm13, $0x1, v3;
	vm15 =	vgt.f32 v6, v7  }
0x2d6: {  	v9 =	vmov s6;
	v4 =	vsel vm2, $0x2, v4;
	v7 =	vsel vm15, v6, v7;
	v6 =	vld.idx.msk [tilespmem:v5+s14+$0x0], $0xffff  }
0x2d7: {  	v9 =	vshll.u32 v9, $0x3;
	v4 =	vsel vm14, $0x3, v4  }
0x2d8: {  	v9 =	vor.u32 v2, v9;
	v4 =	vsel vm15, $0x4, v4  }
0x2d9: {  	v5 =	vor.u32 v9, v4;
	v4 =	vmul.f32 $5.000000000e-01, v7;
	v7 =	vadd.f32 $5.000000000e-01, v8  }
0x2da: {  	s21 =	simm.s32 $0x80;
	v8 =	vpop (erf)  }
.LBB2_14:
0x2db: {  	p0 =	sne.s32 s21, $0x3C0;
	v7 =	vmul.f32 v7, v8;
	[tilespmem:s5+$0x19B00] =	vst v6;
	s7 =	smov.u32 s21;
	s21 =	sadd.s32 $0x40, s21  }
0x2dc: {  	[tilespmem:s5+$0x19500] =	vst v6  }
0x2dd: {  	[tilespmem:s5+$0x19C00] =	vst v7;
	s5 =	smov.u32 s4  }
0x2de: {  	v6 =	vld.idx.msk [tilespmem:v5+s16+$0x0], $0xffff;
	_ =	sdelay $0x3  }
0x2df: {  	s4 =	sshra.s32 s7, $0x2  }
0x2e0: {  	v7 =	vld [tilespmem:s4+$0x19600]  }
0x2e1: {  	v6 =	vsub.f32 $0.0e+00, v6;
	v8 =	vld [tilespmem:s4+$0x19700]  }
0x2e2: {  	v9 =	vld [tilespmem:s4+$0x19800]  }
0x2e3: {  	v6 =	vmul.f32 v6, v1  }
0x2e4: {  	v10 =	vld [tilespmem:s4+$0x19900]  }
0x2e5: {  	v6 =	vmul.f32 $1.442695020e+00, v6  }
0x2e6: {  	vm0 =	vgt.f32 v8, v7;
	v11 =	vld [tilespmem:s4+$0x19A00]  }
0x2e7: {  	v7 =	vsel vm0, v8, v7;
	(erf) = vpow2.f32 v6  }
0x2e8: {  	vm1 =	vgt.f32 v9, v7  }
0x2e9: {  	s6 =	sadd.s32 $0x10, s6;
	v6 =	vsel vm0, $0x1, v3;
	v7 =	vsel vm1, v9, v7  }
0x2ea: {  	v8 =	vmov s6;
	v6 =	vsel vm1, $0x2, v6;
	vm0 =	vgt.f32 v10, v7  }
0x2eb: {  	v8 =	vshll.u32 v8, $0x3;
	v7 =	vsel vm0, v10, v7;
	v9 =	vsel vm0, $0x3, v6;
	v6 =	vld.idx.msk [tilespmem:v5+s14+$0x0], $0xffff  }
.Ltmp6:
0x2ec: {  	v5 =	vor.u32 v2, v8;
	vm0 =	vgt.f32 v11, v7;
	(pc) =	sbr.rel @p0 .LBB2_14-.Ltmp6, $4  }
0x2ed: {  	v7 =	vsel vm0, v11, v7;
	v8 =	vsel vm0, $0x4, v9  }
0x2ee: {  	v5 =	vor.u32 v5, v8;
	v9 =	vmul.f32 $5.000000000e-01, v7  }
0x2ef: {  	v7 =	vadd.f32 $5.000000000e-01, v4  }
0x2f0: {  	v8 =	vpop (erf);
	v4 =	vmov v9  }
0x2f1: {  	_ = 	snop  }
0x2f2: {  	v7 =	vmul.f32 v7, v8;
	[tilespmem:s5+$0x19B00] =	vst v6  }
0x2f3: {  	[tilespmem:s5+$0x19500] =	vst v6  }
0x2f4: {  	[tilespmem:s5+$0x19C00] =	vst v7  }
0x2f5: {  	v6 =	vld.idx.msk [tilespmem:v5+s16+$0x0], $0xffff;
	_ =	sdelay $0x4  }
0x2f6: {  	v6 =	vsub.f32 $0.0e+00, v6;
	_ =	sdelay $0x1  }
0x2f7: {  	v6 =	vmul.f32 v6, v1;
	_ =	sdelay $0x1  }
0x2f8: {  	v6 =	vmul.f32 $1.442695020e+00, v6;
	_ =	sdelay $0x1  }
0x2f9: {  	(erf) = vpow2.f32 v6;
	_ =	sdelay $0x4  }
0x2fa: {  	v5 =	vld.idx.msk [tilespmem:v5+s14+$0x0], $0xffff;
	_ =	sdelay $0x2  }
0x2fb: {  	v4 =	vadd.f32 $5.000000000e-01, v4  }
0x2fc: {  	v6 =	vpop (erf)  }
0x2fd: {  	[tilespmem:s4+$0x19B00] =	vst v5;
	v4 =	vmul.f32 v4, v6  }
0x2fe: {  	[tilespmem:s4+$0x19500] =	vst v5  }
0x2ff: {  	s21 =	rddreg [dreg:$0x3];
	s22 =	simm.s32 $0x19500;
	[tilespmem:s4+$0x19C00] =	vst v4  }
0x300: {  	[tilespmem:s1], [sflag:$0x1] =	stream.indirect.gather [hbm4b:s21+s17], $0x10, s22, s17, $0xb8;
	[tilespmem:$0x1CD00] =	vst v63  }
0x301: {  	_ =	swait.ge [sflag:s20], $0x1000  }
0x302: {  	[sflag:s20] =	ssyncset.done $0x0  }
0x303: {  	s25 =	simm.s32 $0x0;
	s30 =	simm.s32 $0x19D00;
	[sflag:s20] =	ssyncadd.s32 $0xFFFFF000  }
0x304: {  	[tilespmem:s30], [sflag:$0x3] =	stream.linear.gather [hbm4b:s8+s25], $0x1000, $0x38;
	[tilespmem:$0x1CD00] =	vst v63  }
0x305: {  	_ =	swait.ge [sflag:s15], $0x1000  }
0x306: {  	[sflag:s15] =	ssyncset.done $0x0  }
0x307: {  	s4 =	simm.s32 $0x0;
	[sflag:s15] =	ssyncadd.s32 $0xFFFFF000  }
0x308: {  	v4 =	vld [tilespmem:s4+$0x1AD00]  }
0x309: {  	s28 =	simm.s32 $0x19100;
	s5 =	simm.s32 $0x40;
	v5 =	vld [tilespmem:s4+$0x19D00]  }
.LBB2_16:
0x30a: {  	_ = 	snop  }
0x30b: {  	p0 =	sne.s32 s5, $0x3FC0  }
.Ltmp7:
0x30c: {  	_ = 	snop;
	(pc) =	sbr.rel @p0 .LBB2_16-.Ltmp7, $4  }
0x30d: {  	_ = 	snop  }
0x30e: {  	s6 =	sshra.s32 s5, $0x2;
	v6 =	vsub.f32 v4, v5  }
0x30f: {  	v4 =	vld [tilespmem:s6+$0x1AD00]  }
0x310: {  	s5 =	sadd.s32 $0x40, s5;
	v5 =	vld [tilespmem:s6+$0x19D00];
	[tilespmem:s4+$0x1BD00] =	vst v6;
	s4 =	smov.u32 s6  }
0x311: {  	_ =	sdelay $0x3  }
0x312: {  	v4 =	vsub.f32 v4, v5;
	_ =	sdelay $0x1  }
0x313: {  	s22 =	simm.s32 $0x19B00;
	[tilespmem:s4+$0x1BD00] =	vst v4  }
0x314: {  	[hbm4b:s9+s2] =	stream.linear.scatter [tilespmem:s22], [sflag:$0x3], $0x100, $0x38;
	[tilespmem:$0x1CD00] =	vst v63  }
0x315: {  	_ =	swait.ge [sflag:s15], $0x100  }
0x316: {  	[sflag:s15] =	ssyncset.done $0x0  }
0x317: {  	s25 =	simm.s32 $0x19C00;
	[sflag:s15] =	ssyncadd.s32 $0xFFFFFF00  }
0x318: {  	[hbm4b:s10+s2] =	stream.linear.scatter [tilespmem:s25], [sflag:$0x3], $0x100, $0x38;
	[tilespmem:$0x1CD00] =	vst v63  }
0x319: {  	_ =	swait.ge [sflag:s15], $0x100  }
0x31a: {  	[sflag:s15] =	ssyncset.done $0x0  }
0x31b: {  	[sflag:s15] =	ssyncadd.s32 $0xFFFFFF00  }
0x31c: {  	[hbm4b:s11+s2] =	stream.linear.scatter [tilespmem:s1], [sflag:$0x3], $0x1000, $0x38;
	[tilespmem:$0x1CD00] =	vst v63  }
0x31d: {  	s18 =	sadd.s32 $0x1, s18;
	_ =	swait.ge [sflag:s15], $0x1000  }
0x31e: {  	p0 =	sne.s32 s18, s13;
	[sflag:s15] =	ssyncset.done $0x0  }
.Ltmp8:
0x31f: {  	s30 =	simm.s32 $0x1BD00;
	[sflag:s15] =	ssyncadd.s32 $0xFFFFF000;
	(pc) =	sbr.rel @p0 .LBB2_1-.Ltmp8, $4  }
0x320: {  	[hbm4b:s12+s2] =	stream.linear.scatter [tilespmem:s30], [sflag:$0x3], $0x1000, $0x38;
	[tilespmem:$0x1CD00] =	vst v63  }
0x321: {  	_ =	swait.ge [sflag:s15], $0x1000  }
0x322: {  	[sflag:s15] =	ssyncset.done $0x0  }
0x323: {  	s7 =	simm.s32 $0x19000;
	[sflag:s15] =	ssyncadd.s32 $0xFFFFF000  }
0x324: {  	_ =	sfence.sel $0x180000  }
0x325: {  	[bflag:$0x0] =	sbarrier.arrive $0xFFFF  }
0x326: {  	_ =	strace $0x90000047  }
0x327: {  	s0 =	stileid.u32;
	[bflag:$0x2] =	sbarrier.arrive $0xFFFF  }
0x328: {  	p0 =	sne.s32 s0, $0x0;
	s0 =	rddreg [dreg:$0x2]  }
0x329: {  	s0 =	sadd.s32 @!p0 $0x100000, s0  }
0x32a: {  	[sflag:s0] =	ssyncadd.tile.s32 @!p0 $0x1;
	_ =	shalt  }
.Lfunc_end2:
_tile_overlayer_lowered:
.L_overlay_start_2:
0x32b: {  	(tag) =	ssettag $0x2  }
0x32c: {  	s0 =	rddreg [dreg:$0x0];
	s2 =	stileid.u32  }
0x32d: {  	s1 =	rddreg [dreg:$0x1];
	p0 =	sne.s32 s2, $0x0  }
0x32e: {  	s3 =	rddreg [dreg:$0x2];
	[bflag:$0x3] =	sbarrier.arrive $0xFFFF;
	s2 =	simm.s32 @!p0 $0x1C03  }
0x32f: {  	[timem:s3], [sflag:s2] =	dma.local @!p0 [hbm:s0], s1  }
0x330: {  	s0 =	simm.s32 @!p0 $0x3  }
0x331: {  	_ =	swait.ge @!p0 [sflag:s0], s1  }
0x332: {  	s1 =	ssub.s32 @!p0 $0x0, s1;
	[sflag:s0] =	ssyncset.done @!p0 $0x0  }
0x333: {  	[sflag:s0] =	ssyncadd.s32 @!p0 s1  }
0x334: {  	[bflag:$0x3] =	sbarrier.arrive $0xFFFF  }
0x335: {  	_ =	shalt  }

</sc_bundles>
